<compile_context>
chip_gen: v7x
topology: tpu7x:2x2x1
jax: 0.10.2.dev20260603
libtpu: 0.0.44.dev20260713+nightly
codegen_flags: <defaults>
</compile_context>

<pallas_src>
import functools

import jax
import jax.numpy as jnp
from jax import lax
from jax.experimental import pallas as pl
from jax.experimental.pallas import tpu as pltpu
from jax.experimental.pallas import tpu_sc as plsc

_DIM = 64
_BATCH = 16384
_HIST = 200
_B = _BATCH * _HIST
_NW = 32
_NBT = 2
_CB = 128 * _NBT
_NCH = _B // _CB
_CPW = _NCH // _NW
_BT = _BATCH // 128
_TPH = _BT // _NBT

_mesh = plsc.VectorSubcoreMesh(core_axis_name="c", subcore_axis_name="s")


@functools.partial(
    pl.kernel,
    mesh=_mesh,
    out_type=jax.ShapeDtypeStruct((_HIST, 8, _BT, 8, 128), jnp.float32),
    scratch_types=[
        pltpu.VMEM((3, _CB), jnp.int32),
        pltpu.VMEM((3, _CB, _DIM), jnp.float32),
        pltpu.VMEM((2, 8, _NBT, 8, 129), jnp.float32),
        pltpu.SemaphoreType.DMA,
        pltpu.SemaphoreType.DMA,
        pltpu.SemaphoreType.DMA,
    ],
    compiler_params=pltpu.CompilerParams(use_tc_tiling_on_sc=False,
                                         needs_layout_passes=False),
)
def _emb(x_hbm, tab_hbm, out_hbm, idx_v, rows_v, stage_v, isem, gsem, osem):
    wid = lax.axis_index("s") * 2 + lax.axis_index("c")
    g0 = wid * _CPW

    biota = lax.iota(jnp.int32, 16)

    def idx_load(g, slot, sem):
        return pltpu.async_copy(x_hbm.at[pl.ds(g * _CB, _CB)],
                                idx_v.at[slot], sem)

    def gather_start(slot):
        return pltpu.async_copy(tab_hbm.at[idx_v.at[slot]], rows_v.at[slot],
                                gsem)

    def store_start(g, slot):
        s = g // _TPH
        bt0 = (g % _TPH) * _NBT
        return pltpu.async_copy(stage_v.at[slot, :, :, :, pl.ds(0, 128)],
                                out_hbm.at[s, :, pl.ds(bt0, _NBT)], osem)

    def wait_rows(sem, slot):
        pltpu.make_async_copy(tab_hbm.at[pl.ds(0, _CB)], rows_v.at[slot],
                              sem).wait()

    def wait_idx(slot):
        pltpu.make_async_copy(x_hbm.at[pl.ds(0, _CB)], idx_v.at[slot],
                              isem).wait()

    lhv = [(biota + k * 16) // 8 for k in range(_DIM // 16)]
    llv = [(biota + k * 16) % 8 for k in range(_DIM // 16)]

    def transpose_src(slot, sslot):
        rows2 = rows_v.at[slot]
        stage4 = stage_v.at[sslot]

        @plsc.parallel_loop(0, _CB, unroll=4)
        def _t(b):
            btfull = jnp.full((16,), 0, jnp.int32) + (b // 128)
            bfull = jnp.full((16,), 0, jnp.int32) + (b % 128)
            for k in range(_DIM // 16):
                vals = rows2[b, pl.ds(k * 16, 16)]
                plsc.store_scatter(stage4, [lhv[k], btfull, llv[k], bfull],
                                   vals)

    idx_load(g0, 0, isem)
    wait_idx(0)
    gather_start(0)
    idx_load(g0 + 1, 1, isem)
    wait_idx(1)
    gather_start(1)
    idx_load(g0 + 2, 2, isem)

    for i in range(2):
        slot = i % 3
        wait_rows(gsem, slot)
        wait_idx((i + 2) % 3)
        gather_start((i + 2) % 3)
        idx_load(g0 + i + 3, slot, isem)
        transpose_src(slot, i % 2)
        store_start(g0 + i, i % 2)

    def body(i, carry):
        g = g0 + i
        slot = i % 3
        sslot = i % 2
        wait_rows(gsem, slot)
        wait_idx((i + 2) % 3)
        gather_start((i + 2) % 3)
        idx_load(g + 3, slot, isem)
        wait_rows(osem, sslot)
        transpose_src(slot, sslot)
        store_start(g, sslot)
        return carry

    lax.fori_loop(2, _CPW - 3, body, 0)

    i = _CPW - 3
    wait_rows(gsem, i % 3)
    wait_idx((i + 2) % 3)
    gather_start((i + 2) % 3)
    wait_rows(osem, i % 2)
    transpose_src(i % 3, i % 2)
    store_start(g0 + i, i % 2)

    for i in range(_CPW - 2, _CPW):
        wait_rows(gsem, i % 3)
        wait_rows(osem, i % 2)
        transpose_src(i % 3, i % 2)
        store_start(g0 + i, i % 2)

    wait_rows(osem, 0)
    wait_rows(osem, 1)


def kernel(x, table):
    flat = x.T.reshape(_B)
    out5 = _emb(flat, table)
    return out5.transpose(2, 4, 0, 1, 3).reshape(_BATCH, _HIST, _DIM)

# --- scband reference (transcript-rebuilt; emitter-appended) ---
"""Pipeline reference for scband-single-embedding-76639396430529 (READ-ONLY COPY).

The authoritative reference and input builder live on the scoring server;
editing this copy changes nothing except your own understanding.
"""

import jax, jax.numpy as jnp
import numpy as np

VOCAB = 1000000
DIM = 64
BATCH = 16384
HIST = 200

def setup_inputs(seed: int = 0) -> dict:
    key = jax.random.key(seed)
    k_idx, k_tab = jax.random.split(key)
    x = jax.random.randint(k_idx, (BATCH, HIST), 0, VOCAB, dtype=jnp.int64) if jax.config.jax_enable_x64 else jax.random.randint(k_idx, (BATCH, HIST), 0, VOCAB, dtype=jnp.int32)
    table = jax.random.normal(k_tab, (VOCAB, DIM), dtype=jnp.float32) * 0.02
    return {"x": x, "table": table}

def reference(x, table):
    # nn.Embedding forward: row gather from embedding table
    return jnp.take(table, x, axis=0)

if __name__ == "__main__":
    import jax
    _d = setup_inputs()
    print(jax.jit(kernel)(*tuple(_d.values())))

</pallas_src>

<mosaic_0001>
#map = affine_map<(d0, d1) -> (0)>
#map1 = affine_map<(d0, d1) -> (0, 0)>
#map2 = affine_map<(d0, d1) -> (0, 0, 0, 0, 0)>
module attributes {stable_mosaic.version = 14 : i64} {
  func.func @_emb(%arg0: i32, %arg1: i32, %arg2: memref<3276800xi32, #tpu.memory_space<hbm>>, %arg3: memref<1000000x64xf32, #tpu.memory_space<hbm>>, %arg4: memref<200x8x128x8x128xf32, #tpu.memory_space<hbm>>, %arg5: memref<3x256xi32, #tpu.memory_space<vmem>>, %arg6: memref<3x256x64xf32, #tpu.memory_space<vmem>>, %arg7: memref<2x8x2x8x129xf32, #tpu.memory_space<vmem>>, %arg8: memref<!tpu.dma_semaphore, #tpu.memory_space<semaphore_mem>>, %arg9: memref<!tpu.dma_semaphore, #tpu.memory_space<semaphore_mem>>, %arg10: memref<!tpu.dma_semaphore, #tpu.memory_space<semaphore_mem>>) attributes {dimension_semantics = [#tpu.dimension_semantics<core_parallel>, #tpu.dimension_semantics<subcore_parallel>], iteration_bounds = array<i64: 2, 16>, scalar_prefetch = 0 : i64, scratch_operands = 6 : i64, tpu.core_type = #tpu.core_type<sc_vector_subcore>, window_params = [{transform_indices = #map}, {transform_indices = #map1}, {transform_indices = #map2}]} {
    %mul3A = arith.constant 2 : i32
    %mul3A_0 = arith.muli %arg1, %mul3A : i32
    %add3A = arith.addi %mul3A_0, %arg0 : i32
    %mul3A_1 = arith.constant 400 : i32
    %mul3A_2 = arith.muli %add3A, %mul3A_1 : i32
    %iota3A = tpu.iota {dimensions = array<i32: 0>} : vector<16xi32>
    %add3A_3 = arith.constant 0 : i32
    %add3A_4 = vector.broadcast %add3A_3 : i32 to vector<16xi32>
    %add3A_5 = arith.addi %iota3A, %add3A_4 : vector<16xi32>
    %jit3A = arith.constant 8 : i32
    %div3A = vector.broadcast %jit3A : i32 to vector<16xi32>
    %div3A_6 = arith.divsi %add3A_5, %div3A : vector<16xi32>
    %sign3A = arith.constant 0 : i32
    %sign3A_7 = vector.broadcast %sign3A : i32 to vector<16xi32>
    %sign3A_8 = arith.cmpi sgt, %add3A_5, %sign3A_7 : vector<16xi32>
    %sign3A_9 = arith.extui %sign3A_8 : vector<16xi1> to vector<16xi32>
    %sign3A_10 = arith.constant 0 : i32
    %sign3A_11 = vector.broadcast %sign3A_10 : i32 to vector<16xi32>
    %sign3A_12 = arith.cmpi slt, %add3A_5, %sign3A_11 : vector<16xi32>
    %sign3A_13 = arith.extui %sign3A_12 : vector<16xi1> to vector<16xi32>
    %sign3A_14 = arith.subi %sign3A_9, %sign3A_13 : vector<16xi32>
    %sign3A_15 = arith.constant 0 : i32
    %sign3A_16 = arith.cmpi sgt, %jit3A, %sign3A_15 : i32
    %sign3A_17 = arith.extui %sign3A_16 : i1 to i32
    %sign3A_18 = arith.constant 0 : i32
    %sign3A_19 = arith.cmpi slt, %jit3A, %sign3A_18 : i32
    %sign3A_20 = arith.extui %sign3A_19 : i1 to i32
    %sign3A_21 = arith.subi %sign3A_17, %sign3A_20 : i32
    %ne3A = vector.broadcast %sign3A_21 : i32 to vector<16xi32>
    %ne3A_22 = arith.cmpi ne, %sign3A_14, %ne3A : vector<16xi32>
    %rem3A = vector.broadcast %jit3A : i32 to vector<16xi32>
    %rem3A_23 = arith.remsi %add3A_5, %rem3A : vector<16xi32>
    %ne3A_24 = arith.constant 0 : i32
    %ne3A_25 = vector.broadcast %ne3A_24 : i32 to vector<16xi32>
    %ne3A_26 = arith.cmpi ne, %rem3A_23, %ne3A_25 : vector<16xi32>
    %and3A = arith.andi %ne3A_22, %ne3A_26 : vector<16xi1>
    %sub3A = arith.constant 1 : i32
    %sub3A_27 = vector.broadcast %sub3A : i32 to vector<16xi32>
    %sub3A_28 = arith.subi %div3A_6, %sub3A_27 : vector<16xi32>
    %select_n3A = arith.select %and3A, %sub3A_28, %div3A_6 : vector<16xi1>, vector<16xi32>
    %add3A_29 = arith.constant 16 : i32
    %add3A_30 = vector.broadcast %add3A_29 : i32 to vector<16xi32>
    %add3A_31 = arith.addi %iota3A, %add3A_30 : vector<16xi32>
    %jit3A_32 = arith.constant 8 : i32
    %div3A_33 = vector.broadcast %jit3A_32 : i32 to vector<16xi32>
    %div3A_34 = arith.divsi %add3A_31, %div3A_33 : vector<16xi32>
    %sign3A_35 = arith.constant 0 : i32
    %sign3A_36 = vector.broadcast %sign3A_35 : i32 to vector<16xi32>
    %sign3A_37 = arith.cmpi sgt, %add3A_31, %sign3A_36 : vector<16xi32>
    %sign3A_38 = arith.extui %sign3A_37 : vector<16xi1> to vector<16xi32>
    %sign3A_39 = arith.constant 0 : i32
    %sign3A_40 = vector.broadcast %sign3A_39 : i32 to vector<16xi32>
    %sign3A_41 = arith.cmpi slt, %add3A_31, %sign3A_40 : vector<16xi32>
    %sign3A_42 = arith.extui %sign3A_41 : vector<16xi1> to vector<16xi32>
    %sign3A_43 = arith.subi %sign3A_38, %sign3A_42 : vector<16xi32>
    %sign3A_44 = arith.constant 0 : i32
    %sign3A_45 = arith.cmpi sgt, %jit3A_32, %sign3A_44 : i32
    %sign3A_46 = arith.extui %sign3A_45 : i1 to i32
    %sign3A_47 = arith.constant 0 : i32
    %sign3A_48 = arith.cmpi slt, %jit3A_32, %sign3A_47 : i32
    %sign3A_49 = arith.extui %sign3A_48 : i1 to i32
    %sign3A_50 = arith.subi %sign3A_46, %sign3A_49 : i32
    %ne3A_51 = vector.broadcast %sign3A_50 : i32 to vector<16xi32>
    %ne3A_52 = arith.cmpi ne, %sign3A_43, %ne3A_51 : vector<16xi32>
    %rem3A_53 = vector.broadcast %jit3A_32 : i32 to vector<16xi32>
    %rem3A_54 = arith.remsi %add3A_31, %rem3A_53 : vector<16xi32>
    %ne3A_55 = arith.constant 0 : i32
    %ne3A_56 = vector.broadcast %ne3A_55 : i32 to vector<16xi32>
    %ne3A_57 = arith.cmpi ne, %rem3A_54, %ne3A_56 : vector<16xi32>
    %and3A_58 = arith.andi %ne3A_52, %ne3A_57 : vector<16xi1>
    %sub3A_59 = arith.constant 1 : i32
    %sub3A_60 = vector.broadcast %sub3A_59 : i32 to vector<16xi32>
    %sub3A_61 = arith.subi %div3A_34, %sub3A_60 : vector<16xi32>
    %select_n3A_62 = arith.select %and3A_58, %sub3A_61, %div3A_34 : vector<16xi1>, vector<16xi32>
    %add3A_63 = arith.constant 32 : i32
    %add3A_64 = vector.broadcast %add3A_63 : i32 to vector<16xi32>
    %add3A_65 = arith.addi %iota3A, %add3A_64 : vector<16xi32>
    %jit3A_66 = arith.constant 8 : i32
    %div3A_67 = vector.broadcast %jit3A_66 : i32 to vector<16xi32>
    %div3A_68 = arith.divsi %add3A_65, %div3A_67 : vector<16xi32>
    %sign3A_69 = arith.constant 0 : i32
    %sign3A_70 = vector.broadcast %sign3A_69 : i32 to vector<16xi32>
    %sign3A_71 = arith.cmpi sgt, %add3A_65, %sign3A_70 : vector<16xi32>
    %sign3A_72 = arith.extui %sign3A_71 : vector<16xi1> to vector<16xi32>
    %sign3A_73 = arith.constant 0 : i32
    %sign3A_74 = vector.broadcast %sign3A_73 : i32 to vector<16xi32>
    %sign3A_75 = arith.cmpi slt, %add3A_65, %sign3A_74 : vector<16xi32>
    %sign3A_76 = arith.extui %sign3A_75 : vector<16xi1> to vector<16xi32>
    %sign3A_77 = arith.subi %sign3A_72, %sign3A_76 : vector<16xi32>
    %sign3A_78 = arith.constant 0 : i32
    %sign3A_79 = arith.cmpi sgt, %jit3A_66, %sign3A_78 : i32
    %sign3A_80 = arith.extui %sign3A_79 : i1 to i32
    %sign3A_81 = arith.constant 0 : i32
    %sign3A_82 = arith.cmpi slt, %jit3A_66, %sign3A_81 : i32
    %sign3A_83 = arith.extui %sign3A_82 : i1 to i32
    %sign3A_84 = arith.subi %sign3A_80, %sign3A_83 : i32
    %ne3A_85 = vector.broadcast %sign3A_84 : i32 to vector<16xi32>
    %ne3A_86 = arith.cmpi ne, %sign3A_77, %ne3A_85 : vector<16xi32>
    %rem3A_87 = vector.broadcast %jit3A_66 : i32 to vector<16xi32>
    %rem3A_88 = arith.remsi %add3A_65, %rem3A_87 : vector<16xi32>
    %ne3A_89 = arith.constant 0 : i32
    %ne3A_90 = vector.broadcast %ne3A_89 : i32 to vector<16xi32>
    %ne3A_91 = arith.cmpi ne, %rem3A_88, %ne3A_90 : vector<16xi32>
    %and3A_92 = arith.andi %ne3A_86, %ne3A_91 : vector<16xi1>
    %sub3A_93 = arith.constant 1 : i32
    %sub3A_94 = vector.broadcast %sub3A_93 : i32 to vector<16xi32>
    %sub3A_95 = arith.subi %div3A_68, %sub3A_94 : vector<16xi32>
    %select_n3A_96 = arith.select %and3A_92, %sub3A_95, %div3A_68 : vector<16xi1>, vector<16xi32>
    %add3A_97 = arith.constant 48 : i32
    %add3A_98 = vector.broadcast %add3A_97 : i32 to vector<16xi32>
    %add3A_99 = arith.addi %iota3A, %add3A_98 : vector<16xi32>
    %jit3A_100 = arith.constant 8 : i32
    %div3A_101 = vector.broadcast %jit3A_100 : i32 to vector<16xi32>
    %div3A_102 = arith.divsi %add3A_99, %div3A_101 : vector<16xi32>
    %sign3A_103 = arith.constant 0 : i32
    %sign3A_104 = vector.broadcast %sign3A_103 : i32 to vector<16xi32>
    %sign3A_105 = arith.cmpi sgt, %add3A_99, %sign3A_104 : vector<16xi32>
    %sign3A_106 = arith.extui %sign3A_105 : vector<16xi1> to vector<16xi32>
    %sign3A_107 = arith.constant 0 : i32
    %sign3A_108 = vector.broadcast %sign3A_107 : i32 to vector<16xi32>
    %sign3A_109 = arith.cmpi slt, %add3A_99, %sign3A_108 : vector<16xi32>
    %sign3A_110 = arith.extui %sign3A_109 : vector<16xi1> to vector<16xi32>
    %sign3A_111 = arith.subi %sign3A_106, %sign3A_110 : vector<16xi32>
    %sign3A_112 = arith.constant 0 : i32
    %sign3A_113 = arith.cmpi sgt, %jit3A_100, %sign3A_112 : i32
    %sign3A_114 = arith.extui %sign3A_113 : i1 to i32
    %sign3A_115 = arith.constant 0 : i32
    %sign3A_116 = arith.cmpi slt, %jit3A_100, %sign3A_115 : i32
    %sign3A_117 = arith.extui %sign3A_116 : i1 to i32
    %sign3A_118 = arith.subi %sign3A_114, %sign3A_117 : i32
    %ne3A_119 = vector.broadcast %sign3A_118 : i32 to vector<16xi32>
    %ne3A_120 = arith.cmpi ne, %sign3A_111, %ne3A_119 : vector<16xi32>
    %rem3A_121 = vector.broadcast %jit3A_100 : i32 to vector<16xi32>
    %rem3A_122 = arith.remsi %add3A_99, %rem3A_121 : vector<16xi32>
    %ne3A_123 = arith.constant 0 : i32
    %ne3A_124 = vector.broadcast %ne3A_123 : i32 to vector<16xi32>
    %ne3A_125 = arith.cmpi ne, %rem3A_122, %ne3A_124 : vector<16xi32>
    %and3A_126 = arith.andi %ne3A_120, %ne3A_125 : vector<16xi1>
    %sub3A_127 = arith.constant 1 : i32
    %sub3A_128 = vector.broadcast %sub3A_127 : i32 to vector<16xi32>
    %sub3A_129 = arith.subi %div3A_102, %sub3A_128 : vector<16xi32>
    %select_n3A_130 = arith.select %and3A_126, %sub3A_129, %div3A_102 : vector<16xi1>, vector<16xi32>
    %add3A_131 = arith.constant 0 : i32
    %add3A_132 = vector.broadcast %add3A_131 : i32 to vector<16xi32>
    %add3A_133 = arith.addi %iota3A, %add3A_132 : vector<16xi32>
    %jit3A_134 = arith.constant 8 : i32
    %eq3A = arith.constant 0 : i32
    %eq3A_135 = arith.cmpi eq, %jit3A_134, %eq3A : i32
    %jit3A_136 = arith.constant 1 : i32
    %select_n3A_137 = arith.select %eq3A_135, %jit3A_136, %jit3A_134 : i32
    %rem3A_138 = vector.broadcast %select_n3A_137 : i32 to vector<16xi32>
    %rem3A_139 = arith.remsi %add3A_133, %rem3A_138 : vector<16xi32>
    %ne3A_140 = arith.constant 0 : i32
    %ne3A_141 = vector.broadcast %ne3A_140 : i32 to vector<16xi32>
    %ne3A_142 = arith.cmpi ne, %rem3A_139, %ne3A_141 : vector<16xi32>
    %lt3A = arith.constant 0 : i32
    %lt3A_143 = vector.broadcast %lt3A : i32 to vector<16xi32>
    %lt3A_144 = arith.cmpi slt, %rem3A_139, %lt3A_143 : vector<16xi32>
    %lt3A_145 = arith.constant 0 : i32
    %lt3A_146 = arith.cmpi slt, %select_n3A_137, %lt3A_145 : i32
    %ne3A_147 = vector.broadcast %lt3A_146 : i1 to vector<16xi1>
    %ne3A_148 = vector.broadcast %ne3A_147 : vector<16xi1> to vector<16xi1>
    %ne3A_149 = arith.xori %lt3A_144, %ne3A_148 : vector<16xi1>
    %and3A_150 = arith.andi %ne3A_149, %ne3A_142 : vector<16xi1>
    %add3A_151 = vector.broadcast %select_n3A_137 : i32 to vector<16xi32>
    %add3A_152 = arith.addi %rem3A_139, %add3A_151 : vector<16xi32>
    %select_n3A_153 = arith.select %and3A_150, %add3A_152, %rem3A_139 : vector<16xi1>, vector<16xi32>
    %add3A_154 = arith.constant 16 : i32
    %add3A_155 = vector.broadcast %add3A_154 : i32 to vector<16xi32>
    %add3A_156 = arith.addi %iota3A, %add3A_155 : vector<16xi32>
    %jit3A_157 = arith.constant 8 : i32
    %eq3A_158 = arith.constant 0 : i32
    %eq3A_159 = arith.cmpi eq, %jit3A_157, %eq3A_158 : i32
    %jit3A_160 = arith.constant 1 : i32
    %select_n3A_161 = arith.select %eq3A_159, %jit3A_160, %jit3A_157 : i32
    %rem3A_162 = vector.broadcast %select_n3A_161 : i32 to vector<16xi32>
    %rem3A_163 = arith.remsi %add3A_156, %rem3A_162 : vector<16xi32>
    %ne3A_164 = arith.constant 0 : i32
    %ne3A_165 = vector.broadcast %ne3A_164 : i32 to vector<16xi32>
    %ne3A_166 = arith.cmpi ne, %rem3A_163, %ne3A_165 : vector<16xi32>
    %lt3A_167 = arith.constant 0 : i32
    %lt3A_168 = vector.broadcast %lt3A_167 : i32 to vector<16xi32>
    %lt3A_169 = arith.cmpi slt, %rem3A_163, %lt3A_168 : vector<16xi32>
    %lt3A_170 = arith.constant 0 : i32
    %lt3A_171 = arith.cmpi slt, %select_n3A_161, %lt3A_170 : i32
    %ne3A_172 = vector.broadcast %lt3A_171 : i1 to vector<16xi1>
    %ne3A_173 = vector.broadcast %ne3A_172 : vector<16xi1> to vector<16xi1>
    %ne3A_174 = arith.xori %lt3A_169, %ne3A_173 : vector<16xi1>
    %and3A_175 = arith.andi %ne3A_174, %ne3A_166 : vector<16xi1>
    %add3A_176 = vector.broadcast %select_n3A_161 : i32 to vector<16xi32>
    %add3A_177 = arith.addi %rem3A_163, %add3A_176 : vector<16xi32>
    %select_n3A_178 = arith.select %and3A_175, %add3A_177, %rem3A_163 : vector<16xi1>, vector<16xi32>
    %add3A_179 = arith.constant 32 : i32
    %add3A_180 = vector.broadcast %add3A_179 : i32 to vector<16xi32>
    %add3A_181 = arith.addi %iota3A, %add3A_180 : vector<16xi32>
    %jit3A_182 = arith.constant 8 : i32
    %eq3A_183 = arith.constant 0 : i32
    %eq3A_184 = arith.cmpi eq, %jit3A_182, %eq3A_183 : i32
    %jit3A_185 = arith.constant 1 : i32
    %select_n3A_186 = arith.select %eq3A_184, %jit3A_185, %jit3A_182 : i32
    %rem3A_187 = vector.broadcast %select_n3A_186 : i32 to vector<16xi32>
    %rem3A_188 = arith.remsi %add3A_181, %rem3A_187 : vector<16xi32>
    %ne3A_189 = arith.constant 0 : i32
    %ne3A_190 = vector.broadcast %ne3A_189 : i32 to vector<16xi32>
    %ne3A_191 = arith.cmpi ne, %rem3A_188, %ne3A_190 : vector<16xi32>
    %lt3A_192 = arith.constant 0 : i32
    %lt3A_193 = vector.broadcast %lt3A_192 : i32 to vector<16xi32>
    %lt3A_194 = arith.cmpi slt, %rem3A_188, %lt3A_193 : vector<16xi32>
    %lt3A_195 = arith.constant 0 : i32
    %lt3A_196 = arith.cmpi slt, %select_n3A_186, %lt3A_195 : i32
    %ne3A_197 = vector.broadcast %lt3A_196 : i1 to vector<16xi1>
    %ne3A_198 = vector.broadcast %ne3A_197 : vector<16xi1> to vector<16xi1>
    %ne3A_199 = arith.xori %lt3A_194, %ne3A_198 : vector<16xi1>
    %and3A_200 = arith.andi %ne3A_199, %ne3A_191 : vector<16xi1>
    %add3A_201 = vector.broadcast %select_n3A_186 : i32 to vector<16xi32>
    %add3A_202 = arith.addi %rem3A_188, %add3A_201 : vector<16xi32>
    %select_n3A_203 = arith.select %and3A_200, %add3A_202, %rem3A_188 : vector<16xi1>, vector<16xi32>
    %add3A_204 = arith.constant 48 : i32
    %add3A_205 = vector.broadcast %add3A_204 : i32 to vector<16xi32>
    %add3A_206 = arith.addi %iota3A, %add3A_205 : vector<16xi32>
    %jit3A_207 = arith.constant 8 : i32
    %eq3A_208 = arith.constant 0 : i32
    %eq3A_209 = arith.cmpi eq, %jit3A_207, %eq3A_208 : i32
    %jit3A_210 = arith.constant 1 : i32
    %select_n3A_211 = arith.select %eq3A_209, %jit3A_210, %jit3A_207 : i32
    %rem3A_212 = vector.broadcast %select_n3A_211 : i32 to vector<16xi32>
    %rem3A_213 = arith.remsi %add3A_206, %rem3A_212 : vector<16xi32>
    %ne3A_214 = arith.constant 0 : i32
    %ne3A_215 = vector.broadcast %ne3A_214 : i32 to vector<16xi32>
    %ne3A_216 = arith.cmpi ne, %rem3A_213, %ne3A_215 : vector<16xi32>
    %lt3A_217 = arith.constant 0 : i32
    %lt3A_218 = vector.broadcast %lt3A_217 : i32 to vector<16xi32>
    %lt3A_219 = arith.cmpi slt, %rem3A_213, %lt3A_218 : vector<16xi32>
    %lt3A_220 = arith.constant 0 : i32
    %lt3A_221 = arith.cmpi slt, %select_n3A_211, %lt3A_220 : i32
    %ne3A_222 = vector.broadcast %lt3A_221 : i1 to vector<16xi1>
    %ne3A_223 = vector.broadcast %ne3A_222 : vector<16xi1> to vector<16xi1>
    %ne3A_224 = arith.xori %lt3A_219, %ne3A_223 : vector<16xi1>
    %and3A_225 = arith.andi %ne3A_224, %ne3A_216 : vector<16xi1>
    %add3A_226 = vector.broadcast %select_n3A_211 : i32 to vector<16xi32>
    %add3A_227 = arith.addi %rem3A_213, %add3A_226 : vector<16xi32>
    %select_n3A_228 = arith.select %and3A_225, %add3A_227, %rem3A_213 : vector<16xi1>, vector<16xi32>
    %mul3A_229 = arith.constant 256 : i32
    %mul3A_230 = arith.muli %mul3A_2, %mul3A_229 : i32
    %dma_start3A = arith.constant 0 : i32
    %dma_start3A_231 = arith.constant 0 : i32
    %dma_start3A_232 = tpu.memref_slice %arg5[%dma_start3A, %dma_start3A_231] : memref<3x256xi32, #tpu.memory_space<vmem>> -> memref<1x256xi32, #tpu.memory_space<vmem>>
    %dma_start3A_233 = tpu.memref_squeeze %dma_start3A_232 : memref<1x256xi32, #tpu.memory_space<vmem>> -> memref<256xi32, #tpu.memory_space<vmem>>
    %dma_start3A_234 = tpu.memref_slice %arg2[%mul3A_230] : memref<3276800xi32, #tpu.memory_space<hbm>> -> memref<256xi32, #tpu.memory_space<hbm>>
    %dma_start3A_235 = arith.constant 0 : i32
    %dma_start3A_236 = tpu.memref_slice %arg5[%dma_start3A, %dma_start3A_235] : memref<3x256xi32, #tpu.memory_space<vmem>> -> memref<1x256xi32, #tpu.memory_space<vmem>>
    %dma_start3A_237 = tpu.memref_squeeze %dma_start3A_236 : memref<1x256xi32, #tpu.memory_space<vmem>> -> memref<256xi32, #tpu.memory_space<vmem>>
    %dma_start3A_238 = tpu.memref_slice %arg2[%mul3A_230] : memref<3276800xi32, #tpu.memory_space<hbm>> -> memref<256xi32, #tpu.memory_space<hbm>>
    tpu.enqueue_dma source(%dma_start3A_238 : memref<256xi32, #tpu.memory_space<hbm>>) target(%dma_start3A_237 : memref<256xi32, #tpu.memory_space<vmem>>) target_semaphore(%arg8 : memref<!tpu.dma_semaphore, #tpu.memory_space<semaphore_mem>>)
    %dma_wait3A = arith.constant 0 : i32
    %dma_wait3A_239 = arith.constant 0 : i32
    %dma_wait3A_240 = tpu.memref_slice %arg5[%dma_wait3A, %dma_wait3A_239] : memref<3x256xi32, #tpu.memory_space<vmem>> -> memref<1x256xi32, #tpu.memory_space<vmem>>
    %dma_wait3A_241 = tpu.memref_squeeze %dma_wait3A_240 : memref<1x256xi32, #tpu.memory_space<vmem>> -> memref<256xi32, #tpu.memory_space<vmem>>
    %dma_wait3A_242 = arith.constant 0 : i32
    %dma_wait3A_243 = tpu.memref_slice %arg2[%dma_wait3A_242] : memref<3276800xi32, #tpu.memory_space<hbm>> -> memref<256xi32, #tpu.memory_space<hbm>>
    %dma_wait3A_244 = arith.constant 0 : i32
    %dma_wait3A_245 = tpu.memref_slice %arg5[%dma_wait3A, %dma_wait3A_244] : memref<3x256xi32, #tpu.memory_space<vmem>> -> memref<1x256xi32, #tpu.memory_space<vmem>>
    %dma_wait3A_246 = tpu.memref_squeeze %dma_wait3A_245 : memref<1x256xi32, #tpu.memory_space<vmem>> -> memref<256xi32, #tpu.memory_space<vmem>>
    %dma_wait3A_247 = arith.constant 0 : i32
    %dma_wait3A_248 = tpu.memref_slice %arg2[%dma_wait3A_247] : memref<3276800xi32, #tpu.memory_space<hbm>> -> memref<256xi32, #tpu.memory_space<hbm>>
    tpu.wait_dma2 semaphore(%arg8 : memref<!tpu.dma_semaphore, #tpu.memory_space<semaphore_mem>>) src(%dma_wait3A_248 : memref<256xi32, #tpu.memory_space<hbm>>) dst(%dma_wait3A_246 : memref<256xi32, #tpu.memory_space<vmem>>)
    %dma_start3A_249 = arith.constant 0 : i32
    %dma_start3A_250 = arith.constant 0 : i32
    %dma_start3A_251 = arith.constant 0 : i32
    %dma_start3A_252 = arith.constant 0 : i32
    %dma_start3A_253 = tpu.memref_slice %arg6[%dma_start3A_250, %dma_start3A_251, %dma_start3A_252] : memref<3x256x64xf32, #tpu.memory_space<vmem>> -> memref<1x256x64xf32, #tpu.memory_space<vmem>>
    %dma_start3A_254 = tpu.memref_squeeze %dma_start3A_253 : memref<1x256x64xf32, #tpu.memory_space<vmem>> -> memref<256x64xf32, #tpu.memory_space<vmem>>
    %dma_start3A_255 = arith.constant 0 : i32
    %dma_start3A_256 = tpu.memref_slice %arg5[%dma_start3A_249, %dma_start3A_255] : memref<3x256xi32, #tpu.memory_space<vmem>> -> memref<1x256xi32, #tpu.memory_space<vmem>>
    %dma_start3A_257 = tpu.memref_squeeze %dma_start3A_256 : memref<1x256xi32, #tpu.memory_space<vmem>> -> memref<256xi32, #tpu.memory_space<vmem>>
    %dma_start3A_258 = arith.constant 0 : i32
    %dma_start3A_259 = arith.constant 0 : i32
    %dma_start3A_260 = tpu.memref_slice %arg3[%dma_start3A_258, %dma_start3A_259] : memref<1000000x64xf32, #tpu.memory_space<hbm>> -> memref<1000000x64xf32, #tpu.memory_space<hbm>>
    tpu.enqueue_indirect_dma source(%dma_start3A_260 : memref<1000000x64xf32, #tpu.memory_space<hbm>>) target(%dma_start3A_254 : memref<256x64xf32, #tpu.memory_space<vmem>>) offsets(%dma_start3A_257 : memref<256xi32, #tpu.memory_space<vmem>>) semaphore(%arg9 : memref<!tpu.dma_semaphore, #tpu.memory_space<semaphore_mem>>)
    %add3A_261 = arith.constant 1 : i32
    %add3A_262 = arith.addi %mul3A_2, %add3A_261 : i32
    %mul3A_263 = arith.constant 256 : i32
    %mul3A_264 = arith.muli %add3A_262, %mul3A_263 : i32
    %dma_start3A_265 = arith.constant 1 : i32
    %dma_start3A_266 = arith.constant 0 : i32
    %dma_start3A_267 = tpu.memref_slice %arg5[%dma_start3A_265, %dma_start3A_266] : memref<3x256xi32, #tpu.memory_space<vmem>> -> memref<1x256xi32, #tpu.memory_space<vmem>>
    %dma_start3A_268 = tpu.memref_squeeze %dma_start3A_267 : memref<1x256xi32, #tpu.memory_space<vmem>> -> memref<256xi32, #tpu.memory_space<vmem>>
    %dma_start3A_269 = tpu.memref_slice %arg2[%mul3A_264] : memref<3276800xi32, #tpu.memory_space<hbm>> -> memref<256xi32, #tpu.memory_space<hbm>>
    %dma_start3A_270 = arith.constant 0 : i32
    %dma_start3A_271 = tpu.memref_slice %arg5[%dma_start3A_265, %dma_start3A_270] : memref<3x256xi32, #tpu.memory_space<vmem>> -> memref<1x256xi32, #tpu.memory_space<vmem>>
    %dma_start3A_272 = tpu.memref_squeeze %dma_start3A_271 : memref<1x256xi32, #tpu.memory_space<vmem>> -> memref<256xi32, #tpu.memory_space<vmem>>
    %dma_start3A_273 = tpu.memref_slice %arg2[%mul3A_264] : memref<3276800xi32, #tpu.memory_space<hbm>> -> memref<256xi32, #tpu.memory_space<hbm>>
    tpu.enqueue_dma source(%dma_start3A_273 : memref<256xi32, #tpu.memory_space<hbm>>) target(%dma_start3A_272 : memref<256xi32, #tpu.memory_space<vmem>>) target_semaphore(%arg8 : memref<!tpu.dma_semaphore, #tpu.memory_space<semaphore_mem>>)
    %dma_wait3A_274 = arith.constant 1 : i32
    %dma_wait3A_275 = arith.constant 0 : i32
    %dma_wait3A_276 = tpu.memref_slice %arg5[%dma_wait3A_274, %dma_wait3A_275] : memref<3x256xi32, #tpu.memory_space<vmem>> -> memref<1x256xi32, #tpu.memory_space<vmem>>
    %dma_wait3A_277 = tpu.memref_squeeze %dma_wait3A_276 : memref<1x256xi32, #tpu.memory_space<vmem>> -> memref<256xi32, #tpu.memory_space<vmem>>
    %dma_wait3A_278 = arith.constant 0 : i32
    %dma_wait3A_279 = tpu.memref_slice %arg2[%dma_wait3A_278] : memref<3276800xi32, #tpu.memory_space<hbm>> -> memref<256xi32, #tpu.memory_space<hbm>>
    %dma_wait3A_280 = arith.constant 0 : i32
    %dma_wait3A_281 = tpu.memref_slice %arg5[%dma_wait3A_274, %dma_wait3A_280] : memref<3x256xi32, #tpu.memory_space<vmem>> -> memref<1x256xi32, #tpu.memory_space<vmem>>
    %dma_wait3A_282 = tpu.memref_squeeze %dma_wait3A_281 : memref<1x256xi32, #tpu.memory_space<vmem>> -> memref<256xi32, #tpu.memory_space<vmem>>
    %dma_wait3A_283 = arith.constant 0 : i32
    %dma_wait3A_284 = tpu.memref_slice %arg2[%dma_wait3A_283] : memref<3276800xi32, #tpu.memory_space<hbm>> -> memref<256xi32, #tpu.memory_space<hbm>>
    tpu.wait_dma2 semaphore(%arg8 : memref<!tpu.dma_semaphore, #tpu.memory_space<semaphore_mem>>) src(%dma_wait3A_284 : memref<256xi32, #tpu.memory_space<hbm>>) dst(%dma_wait3A_282 : memref<256xi32, #tpu.memory_space<vmem>>)
    %dma_start3A_285 = arith.constant 1 : i32
    %dma_start3A_286 = arith.constant 1 : i32
    %dma_start3A_287 = arith.constant 0 : i32
    %dma_start3A_288 = arith.constant 0 : i32
    %dma_start3A_289 = tpu.memref_slice %arg6[%dma_start3A_286, %dma_start3A_287, %dma_start3A_288] : memref<3x256x64xf32, #tpu.memory_space<vmem>> -> memref<1x256x64xf32, #tpu.memory_space<vmem>>
    %dma_start3A_290 = tpu.memref_squeeze %dma_start3A_289 : memref<1x256x64xf32, #tpu.memory_space<vmem>> -> memref<256x64xf32, #tpu.memory_space<vmem>>
    %dma_start3A_291 = arith.constant 0 : i32
    %dma_start3A_292 = tpu.memref_slice %arg5[%dma_start3A_285, %dma_start3A_291] : memref<3x256xi32, #tpu.memory_space<vmem>> -> memref<1x256xi32, #tpu.memory_space<vmem>>
    %dma_start3A_293 = tpu.memref_squeeze %dma_start3A_292 : memref<1x256xi32, #tpu.memory_space<vmem>> -> memref<256xi32, #tpu.memory_space<vmem>>
    %dma_start3A_294 = arith.constant 0 : i32
    %dma_start3A_295 = arith.constant 0 : i32
    %dma_start3A_296 = tpu.memref_slice %arg3[%dma_start3A_294, %dma_start3A_295] : memref<1000000x64xf32, #tpu.memory_space<hbm>> -> memref<1000000x64xf32, #tpu.memory_space<hbm>>
    tpu.enqueue_indirect_dma source(%dma_start3A_296 : memref<1000000x64xf32, #tpu.memory_space<hbm>>) target(%dma_start3A_290 : memref<256x64xf32, #tpu.memory_space<vmem>>) offsets(%dma_start3A_293 : memref<256xi32, #tpu.memory_space<vmem>>) semaphore(%arg9 : memref<!tpu.dma_semaphore, #tpu.memory_space<semaphore_mem>>)
    %add3A_297 = arith.constant 2 : i32
    %add3A_298 = arith.addi %mul3A_2, %add3A_297 : i32
    %mul3A_299 = arith.constant 256 : i32
    %mul3A_300 = arith.muli %add3A_298, %mul3A_299 : i32
    %dma_start3A_301 = arith.constant 2 : i32
    %dma_start3A_302 = arith.constant 0 : i32
    %dma_start3A_303 = tpu.memref_slice %arg5[%dma_start3A_301, %dma_start3A_302] : memref<3x256xi32, #tpu.memory_space<vmem>> -> memref<1x256xi32, #tpu.memory_space<vmem>>
    %dma_start3A_304 = tpu.memref_squeeze %dma_start3A_303 : memref<1x256xi32, #tpu.memory_space<vmem>> -> memref<256xi32, #tpu.memory_space<vmem>>
    %dma_start3A_305 = tpu.memref_slice %arg2[%mul3A_300] : memref<3276800xi32, #tpu.memory_space<hbm>> -> memref<256xi32, #tpu.memory_space<hbm>>
    %dma_start3A_306 = arith.constant 0 : i32
    %dma_start3A_307 = tpu.memref_slice %arg5[%dma_start3A_301, %dma_start3A_306] : memref<3x256xi32, #tpu.memory_space<vmem>> -> memref<1x256xi32, #tpu.memory_space<vmem>>
    %dma_start3A_308 = tpu.memref_squeeze %dma_start3A_307 : memref<1x256xi32, #tpu.memory_space<vmem>> -> memref<256xi32, #tpu.memory_space<vmem>>
    %dma_start3A_309 = tpu.memref_slice %arg2[%mul3A_300] : memref<3276800xi32, #tpu.memory_space<hbm>> -> memref<256xi32, #tpu.memory_space<hbm>>
    tpu.enqueue_dma source(%dma_start3A_309 : memref<256xi32, #tpu.memory_space<hbm>>) target(%dma_start3A_308 : memref<256xi32, #tpu.memory_space<vmem>>) target_semaphore(%arg8 : memref<!tpu.dma_semaphore, #tpu.memory_space<semaphore_mem>>)
    %dma_wait3A_310 = arith.constant 0 : i32
    %dma_wait3A_311 = arith.constant 0 : i32
    %dma_wait3A_312 = arith.constant 0 : i32
    %dma_wait3A_313 = tpu.memref_slice %arg6[%dma_wait3A_310, %dma_wait3A_311, %dma_wait3A_312] : memref<3x256x64xf32, #tpu.memory_space<vmem>> -> memref<1x256x64xf32, #tpu.memory_space<vmem>>
    %dma_wait3A_314 = tpu.memref_squeeze %dma_wait3A_313 : memref<1x256x64xf32, #tpu.memory_space<vmem>> -> memref<256x64xf32, #tpu.memory_space<vmem>>
    %dma_wait3A_315 = arith.constant 0 : i32
    %dma_wait3A_316 = arith.constant 0 : i32
    %dma_wait3A_317 = tpu.memref_slice %arg3[%dma_wait3A_315, %dma_wait3A_316] : memref<1000000x64xf32, #tpu.memory_space<hbm>> -> memref<256x64xf32, #tpu.memory_space<hbm>>
    %dma_wait3A_318 = arith.constant 0 : i32
    %dma_wait3A_319 = arith.constant 0 : i32
    %dma_wait3A_320 = tpu.memref_slice %arg6[%dma_wait3A_310, %dma_wait3A_318, %dma_wait3A_319] : memref<3x256x64xf32, #tpu.memory_space<vmem>> -> memref<1x256x64xf32, #tpu.memory_space<vmem>>
    %dma_wait3A_321 = tpu.memref_squeeze %dma_wait3A_320 : memref<1x256x64xf32, #tpu.memory_space<vmem>> -> memref<256x64xf32, #tpu.memory_space<vmem>>
    %dma_wait3A_322 = arith.constant 0 : i32
    %dma_wait3A_323 = arith.constant 0 : i32
    %dma_wait3A_324 = tpu.memref_slice %arg3[%dma_wait3A_322, %dma_wait3A_323] : memref<1000000x64xf32, #tpu.memory_space<hbm>> -> memref<256x64xf32, #tpu.memory_space<hbm>>
    tpu.wait_dma2 semaphore(%arg9 : memref<!tpu.dma_semaphore, #tpu.memory_space<semaphore_mem>>) src(%dma_wait3A_324 : memref<256x64xf32, #tpu.memory_space<hbm>>) dst(%dma_wait3A_321 : memref<256x64xf32, #tpu.memory_space<vmem>>)
    %dma_wait3A_325 = arith.constant 2 : i32
    %dma_wait3A_326 = arith.constant 0 : i32
    %dma_wait3A_327 = tpu.memref_slice %arg5[%dma_wait3A_325, %dma_wait3A_326] : memref<3x256xi32, #tpu.memory_space<vmem>> -> memref<1x256xi32, #tpu.memory_space<vmem>>
    %dma_wait3A_328 = tpu.memref_squeeze %dma_wait3A_327 : memref<1x256xi32, #tpu.memory_space<vmem>> -> memref<256xi32, #tpu.memory_space<vmem>>
    %dma_wait3A_329 = arith.constant 0 : i32
    %dma_wait3A_330 = tpu.memref_slice %arg2[%dma_wait3A_329] : memref<3276800xi32, #tpu.memory_space<hbm>> -> memref<256xi32, #tpu.memory_space<hbm>>
    %dma_wait3A_331 = arith.constant 0 : i32
    %dma_wait3A_332 = tpu.memref_slice %arg5[%dma_wait3A_325, %dma_wait3A_331] : memref<3x256xi32, #tpu.memory_space<vmem>> -> memref<1x256xi32, #tpu.memory_space<vmem>>
    %dma_wait3A_333 = tpu.memref_squeeze %dma_wait3A_332 : memref<1x256xi32, #tpu.memory_space<vmem>> -> memref<256xi32, #tpu.memory_space<vmem>>
    %dma_wait3A_334 = arith.constant 0 : i32
    %dma_wait3A_335 = tpu.memref_slice %arg2[%dma_wait3A_334] : memref<3276800xi32, #tpu.memory_space<hbm>> -> memref<256xi32, #tpu.memory_space<hbm>>
    tpu.wait_dma2 semaphore(%arg8 : memref<!tpu.dma_semaphore, #tpu.memory_space<semaphore_mem>>) src(%dma_wait3A_335 : memref<256xi32, #tpu.memory_space<hbm>>) dst(%dma_wait3A_333 : memref<256xi32, #tpu.memory_space<vmem>>)
    %dma_start3A_336 = arith.constant 2 : i32
    %dma_start3A_337 = arith.constant 2 : i32
    %dma_start3A_338 = arith.constant 0 : i32
    %dma_start3A_339 = arith.constant 0 : i32
    %dma_start3A_340 = tpu.memref_slice %arg6[%dma_start3A_337, %dma_start3A_338, %dma_start3A_339] : memref<3x256x64xf32, #tpu.memory_space<vmem>> -> memref<1x256x64xf32, #tpu.memory_space<vmem>>
    %dma_start3A_341 = tpu.memref_squeeze %dma_start3A_340 : memref<1x256x64xf32, #tpu.memory_space<vmem>> -> memref<256x64xf32, #tpu.memory_space<vmem>>
    %dma_start3A_342 = arith.constant 0 : i32
    %dma_start3A_343 = tpu.memref_slice %arg5[%dma_start3A_336, %dma_start3A_342] : memref<3x256xi32, #tpu.memory_space<vmem>> -> memref<1x256xi32, #tpu.memory_space<vmem>>
    %dma_start3A_344 = tpu.memref_squeeze %dma_start3A_343 : memref<1x256xi32, #tpu.memory_space<vmem>> -> memref<256xi32, #tpu.memory_space<vmem>>
    %dma_start3A_345 = arith.constant 0 : i32
    %dma_start3A_346 = arith.constant 0 : i32
    %dma_start3A_347 = tpu.memref_slice %arg3[%dma_start3A_345, %dma_start3A_346] : memref<1000000x64xf32, #tpu.memory_space<hbm>> -> memref<1000000x64xf32, #tpu.memory_space<hbm>>
    tpu.enqueue_indirect_dma source(%dma_start3A_347 : memref<1000000x64xf32, #tpu.memory_space<hbm>>) target(%dma_start3A_341 : memref<256x64xf32, #tpu.memory_space<vmem>>) offsets(%dma_start3A_344 : memref<256xi32, #tpu.memory_space<vmem>>) semaphore(%arg9 : memref<!tpu.dma_semaphore, #tpu.memory_space<semaphore_mem>>)
    %add3A_348 = arith.constant 0 : i32
    %add3A_349 = arith.addi %mul3A_2, %add3A_348 : i32
    %add3A_350 = arith.constant 3 : i32
    %add3A_351 = arith.addi %add3A_349, %add3A_350 : i32
    %mul3A_352 = arith.constant 256 : i32
    %mul3A_353 = arith.muli %add3A_351, %mul3A_352 : i32
    %dma_start3A_354 = arith.constant 0 : i32
    %dma_start3A_355 = arith.constant 0 : i32
    %dma_start3A_356 = tpu.memref_slice %arg5[%dma_start3A_354, %dma_start3A_355] : memref<3x256xi32, #tpu.memory_space<vmem>> -> memref<1x256xi32, #tpu.memory_space<vmem>>
    %dma_start3A_357 = tpu.memref_squeeze %dma_start3A_356 : memref<1x256xi32, #tpu.memory_space<vmem>> -> memref<256xi32, #tpu.memory_space<vmem>>
    %dma_start3A_358 = tpu.memref_slice %arg2[%mul3A_353] : memref<3276800xi32, #tpu.memory_space<hbm>> -> memref<256xi32, #tpu.memory_space<hbm>>
    %dma_start3A_359 = arith.constant 0 : i32
    %dma_start3A_360 = tpu.memref_slice %arg5[%dma_start3A_354, %dma_start3A_359] : memref<3x256xi32, #tpu.memory_space<vmem>> -> memref<1x256xi32, #tpu.memory_space<vmem>>
    %dma_start3A_361 = tpu.memref_squeeze %dma_start3A_360 : memref<1x256xi32, #tpu.memory_space<vmem>> -> memref<256xi32, #tpu.memory_space<vmem>>
    %dma_start3A_362 = tpu.memref_slice %arg2[%mul3A_353] : memref<3276800xi32, #tpu.memory_space<hbm>> -> memref<256xi32, #tpu.memory_space<hbm>>
    tpu.enqueue_dma source(%dma_start3A_362 : memref<256xi32, #tpu.memory_space<hbm>>) target(%dma_start3A_361 : memref<256xi32, #tpu.memory_space<vmem>>) target_semaphore(%arg8 : memref<!tpu.dma_semaphore, #tpu.memory_space<semaphore_mem>>)
    %parallel_loop3A = arith.constant 0 : i32
    %parallel_loop3A_363 = arith.constant 256 : i32
    %parallel_loop3A_364 = arith.constant 1 : i32
    %parallel_loop3A_365 = arith.constant 0 : i32
    %parallel_loop3A_366 = arith.constant 0 : i32
    scf.for %parallel_loop3A_923 = %parallel_loop3A to %parallel_loop3A_363 step %parallel_loop3A_364  : i32 {
      %parallel_loop3A_924 = arith.constant 0 : i32
      %parallel_loop3A_925 = vector.broadcast %parallel_loop3A_924 : i32 to vector<16xi32>
      %parallel_loop3A_926 = arith.constant 128 : i32
      %parallel_loop3A_927 = arith.divsi %parallel_loop3A_923, %parallel_loop3A_926 : i32
      %parallel_loop3A_928 = arith.constant 0 : i32
      %parallel_loop3A_929 = arith.cmpi sgt, %parallel_loop3A_923, %parallel_loop3A_928 : i32
      %parallel_loop3A_930 = arith.extui %parallel_loop3A_929 : i1 to i32
      %parallel_loop3A_931 = arith.constant 0 : i32
      %parallel_loop3A_932 = arith.cmpi slt, %parallel_loop3A_923, %parallel_loop3A_931 : i32
      %parallel_loop3A_933 = arith.extui %parallel_loop3A_932 : i1 to i32
      %parallel_loop3A_934 = arith.subi %parallel_loop3A_930, %parallel_loop3A_933 : i32
      %parallel_loop3A_935 = arith.constant 0 : i32
      %parallel_loop3A_936 = arith.cmpi sgt, %parallel_loop3A_926, %parallel_loop3A_935 : i32
      %parallel_loop3A_937 = arith.extui %parallel_loop3A_936 : i1 to i32
      %parallel_loop3A_938 = arith.constant 0 : i32
      %parallel_loop3A_939 = arith.cmpi slt, %parallel_loop3A_926, %parallel_loop3A_938 : i32
      %parallel_loop3A_940 = arith.extui %parallel_loop3A_939 : i1 to i32
      %parallel_loop3A_941 = arith.subi %parallel_loop3A_937, %parallel_loop3A_940 : i32
      %parallel_loop3A_942 = arith.cmpi ne, %parallel_loop3A_934, %parallel_loop3A_941 : i32
      %parallel_loop3A_943 = arith.remsi %parallel_loop3A_923, %parallel_loop3A_926 : i32
      %parallel_loop3A_944 = arith.constant 0 : i32
      %parallel_loop3A_945 = arith.cmpi ne, %parallel_loop3A_943, %parallel_loop3A_944 : i32
      %parallel_loop3A_946 = arith.andi %parallel_loop3A_942, %parallel_loop3A_945 : i1
      %parallel_loop3A_947 = arith.constant 1 : i32
      %parallel_loop3A_948 = arith.subi %parallel_loop3A_927, %parallel_loop3A_947 : i32
      %parallel_loop3A_949 = arith.select %parallel_loop3A_946, %parallel_loop3A_948, %parallel_loop3A_927 : i32
      %parallel_loop3A_950 = vector.broadcast %parallel_loop3A_949 : i32 to vector<16xi32>
      %parallel_loop3A_951 = arith.addi %parallel_loop3A_925, %parallel_loop3A_950 : vector<16xi32>
      %parallel_loop3A_952 = arith.constant 0 : i32
      %parallel_loop3A_953 = vector.broadcast %parallel_loop3A_952 : i32 to vector<16xi32>
      %parallel_loop3A_954 = arith.constant 128 : i32
      %parallel_loop3A_955 = arith.constant 0 : i32
      %parallel_loop3A_956 = arith.cmpi eq, %parallel_loop3A_954, %parallel_loop3A_955 : i32
      %parallel_loop3A_957 = arith.constant 1 : i32
      %parallel_loop3A_958 = arith.select %parallel_loop3A_956, %parallel_loop3A_957, %parallel_loop3A_954 : i32
      %parallel_loop3A_959 = arith.remsi %parallel_loop3A_923, %parallel_loop3A_958 : i32
      %parallel_loop3A_960 = arith.constant 0 : i32
      %parallel_loop3A_961 = arith.cmpi ne, %parallel_loop3A_959, %parallel_loop3A_960 : i32
      %parallel_loop3A_962 = arith.constant 0 : i32
      %parallel_loop3A_963 = arith.cmpi slt, %parallel_loop3A_959, %parallel_loop3A_962 : i32
      %parallel_loop3A_964 = arith.constant 0 : i32
      %parallel_loop3A_965 = arith.cmpi slt, %parallel_loop3A_958, %parallel_loop3A_964 : i32
      %parallel_loop3A_966 = arith.xori %parallel_loop3A_963, %parallel_loop3A_965 : i1
      %parallel_loop3A_967 = arith.andi %parallel_loop3A_966, %parallel_loop3A_961 : i1
      %parallel_loop3A_968 = arith.addi %parallel_loop3A_959, %parallel_loop3A_958 : i32
      %parallel_loop3A_969 = arith.select %parallel_loop3A_967, %parallel_loop3A_968, %parallel_loop3A_959 : i32
      %parallel_loop3A_970 = vector.broadcast %parallel_loop3A_969 : i32 to vector<16xi32>
      %parallel_loop3A_971 = arith.addi %parallel_loop3A_953, %parallel_loop3A_970 : vector<16xi32>
      %parallel_loop3A_972 = arith.constant 0 : i32
      %parallel_loop3A_973 = arith.constant 0 : i32
      %parallel_loop3A_974 = tpu.memref_slice %arg6[%parallel_loop3A_365, %parallel_loop3A_972, %parallel_loop3A_973] : memref<3x256x64xf32, #tpu.memory_space<vmem>> -> memref<1x256x64xf32, #tpu.memory_space<vmem>>
      %parallel_loop3A_975 = tpu.memref_squeeze %parallel_loop3A_974 : memref<1x256x64xf32, #tpu.memory_space<vmem>> -> memref<256x64xf32, #tpu.memory_space<vmem>>
      %parallel_loop3A_976 = arith.index_cast %parallel_loop3A_923 : i32 to index
      %parallel_loop3A_977 = arith.constant 0 : index
      %parallel_loop3A_978 = tpu.vector_load %parallel_loop3A_975[%parallel_loop3A_976, %parallel_loop3A_977] {strides = array<i32>} : memref<256x64xf32, #tpu.memory_space<vmem>>, vector<16xf32>,
      %parallel_loop3A_979 = arith.constant 0 : i32
      %parallel_loop3A_980 = arith.constant 0 : i32
      %parallel_loop3A_981 = arith.constant 0 : i32
      %parallel_loop3A_982 = arith.constant 0 : i32
      %parallel_loop3A_983 = tpu.memref_slice %arg7[%parallel_loop3A_366, %parallel_loop3A_979, %parallel_loop3A_980, %parallel_loop3A_981, %parallel_loop3A_982] : memref<2x8x2x8x129xf32, #tpu.memory_space<vmem>> -> memref<1x8x2x8x129xf32, #tpu.memory_space<vmem>>
      %parallel_loop3A_984 = tpu.memref_squeeze %parallel_loop3A_983 : memref<1x8x2x8x129xf32, #tpu.memory_space<vmem>> -> memref<8x2x8x129xf32, #tpu.memory_space<vmem>>
      tpu.vector_store_idx %parallel_loop3A_984[%select_n3A, %parallel_loop3A_951, %select_n3A_153, %parallel_loop3A_971], %parallel_loop3A_978 : memref<8x2x8x129xf32, #tpu.memory_space<vmem>>[vector<16xi32>, vector<16xi32>, vector<16xi32>, vector<16xi32>], vector<16xf32>,
      %parallel_loop3A_985 = arith.constant 0 : i32
      %parallel_loop3A_986 = arith.constant 0 : i32
      %parallel_loop3A_987 = tpu.memref_slice %arg6[%parallel_loop3A_365, %parallel_loop3A_985, %parallel_loop3A_986] : memref<3x256x64xf32, #tpu.memory_space<vmem>> -> memref<1x256x64xf32, #tpu.memory_space<vmem>>
      %parallel_loop3A_988 = tpu.memref_squeeze %parallel_loop3A_987 : memref<1x256x64xf32, #tpu.memory_space<vmem>> -> memref<256x64xf32, #tpu.memory_space<vmem>>
      %parallel_loop3A_989 = arith.index_cast %parallel_loop3A_923 : i32 to index
      %parallel_loop3A_990 = arith.constant 16 : index
      %parallel_loop3A_991 = tpu.vector_load %parallel_loop3A_988[%parallel_loop3A_989, %parallel_loop3A_990] {strides = array<i32>} : memref<256x64xf32, #tpu.memory_space<vmem>>, vector<16xf32>,
      %parallel_loop3A_992 = arith.constant 0 : i32
      %parallel_loop3A_993 = arith.constant 0 : i32
      %parallel_loop3A_994 = arith.constant 0 : i32
      %parallel_loop3A_995 = arith.constant 0 : i32
      %parallel_loop3A_996 = tpu.memref_slice %arg7[%parallel_loop3A_366, %parallel_loop3A_992, %parallel_loop3A_993, %parallel_loop3A_994, %parallel_loop3A_995] : memref<2x8x2x8x129xf32, #tpu.memory_space<vmem>> -> memref<1x8x2x8x129xf32, #tpu.memory_space<vmem>>
      %parallel_loop3A_997 = tpu.memref_squeeze %parallel_loop3A_996 : memref<1x8x2x8x129xf32, #tpu.memory_space<vmem>> -> memref<8x2x8x129xf32, #tpu.memory_space<vmem>>
      tpu.vector_store_idx %parallel_loop3A_997[%select_n3A_62, %parallel_loop3A_951, %select_n3A_178, %parallel_loop3A_971], %parallel_loop3A_991 : memref<8x2x8x129xf32, #tpu.memory_space<vmem>>[vector<16xi32>, vector<16xi32>, vector<16xi32>, vector<16xi32>], vector<16xf32>,
      %parallel_loop3A_998 = arith.constant 0 : i32
      %parallel_loop3A_999 = arith.constant 0 : i32
      %parallel_loop3A_1000 = tpu.memref_slice %arg6[%parallel_loop3A_365, %parallel_loop3A_998, %parallel_loop3A_999] : memref<3x256x64xf32, #tpu.memory_space<vmem>> -> memref<1x256x64xf32, #tpu.memory_space<vmem>>
      %parallel_loop3A_1001 = tpu.memref_squeeze %parallel_loop3A_1000 : memref<1x256x64xf32, #tpu.memory_space<vmem>> -> memref<256x64xf32, #tpu.memory_space<vmem>>
      %parallel_loop3A_1002 = arith.index_cast %parallel_loop3A_923 : i32 to index
      %parallel_loop3A_1003 = arith.constant 32 : index
      %parallel_loop3A_1004 = tpu.vector_load %parallel_loop3A_1001[%parallel_loop3A_1002, %parallel_loop3A_1003] {strides = array<i32>} : memref<256x64xf32, #tpu.memory_space<vmem>>, vector<16xf32>,
      %parallel_loop3A_1005 = arith.constant 0 : i32
      %parallel_loop3A_1006 = arith.constant 0 : i32
      %parallel_loop3A_1007 = arith.constant 0 : i32
      %parallel_loop3A_1008 = arith.constant 0 : i32
      %parallel_loop3A_1009 = tpu.memref_slice %arg7[%parallel_loop3A_366, %parallel_loop3A_1005, %parallel_loop3A_1006, %parallel_loop3A_1007, %parallel_loop3A_1008] : memref<2x8x2x8x129xf32, #tpu.memory_space<vmem>> -> memref<1x8x2x8x129xf32, #tpu.memory_space<vmem>>
      %parallel_loop3A_1010 = tpu.memref_squeeze %parallel_loop3A_1009 : memref<1x8x2x8x129xf32, #tpu.memory_space<vmem>> -> memref<8x2x8x129xf32, #tpu.memory_space<vmem>>
      tpu.vector_store_idx %parallel_loop3A_1010[%select_n3A_96, %parallel_loop3A_951, %select_n3A_203, %parallel_loop3A_971], %parallel_loop3A_1004 : memref<8x2x8x129xf32, #tpu.memory_space<vmem>>[vector<16xi32>, vector<16xi32>, vector<16xi32>, vector<16xi32>], vector<16xf32>,
      %parallel_loop3A_1011 = arith.constant 0 : i32
      %parallel_loop3A_1012 = arith.constant 0 : i32
      %parallel_loop3A_1013 = tpu.memref_slice %arg6[%parallel_loop3A_365, %parallel_loop3A_1011, %parallel_loop3A_1012] : memref<3x256x64xf32, #tpu.memory_space<vmem>> -> memref<1x256x64xf32, #tpu.memory_space<vmem>>
      %parallel_loop3A_1014 = tpu.memref_squeeze %parallel_loop3A_1013 : memref<1x256x64xf32, #tpu.memory_space<vmem>> -> memref<256x64xf32, #tpu.memory_space<vmem>>
      %parallel_loop3A_1015 = arith.index_cast %parallel_loop3A_923 : i32 to index
      %parallel_loop3A_1016 = arith.constant 48 : index
      %parallel_loop3A_1017 = tpu.vector_load %parallel_loop3A_1014[%parallel_loop3A_1015, %parallel_loop3A_1016] {strides = array<i32>} : memref<256x64xf32, #tpu.memory_space<vmem>>, vector<16xf32>,
      %parallel_loop3A_1018 = arith.constant 0 : i32
      %parallel_loop3A_1019 = arith.constant 0 : i32
      %parallel_loop3A_1020 = arith.constant 0 : i32
      %parallel_loop3A_1021 = arith.constant 0 : i32
      %parallel_loop3A_1022 = tpu.memref_slice %arg7[%parallel_loop3A_366, %parallel_loop3A_1018, %parallel_loop3A_1019, %parallel_loop3A_1020, %parallel_loop3A_1021] : memref<2x8x2x8x129xf32, #tpu.memory_space<vmem>> -> memref<1x8x2x8x129xf32, #tpu.memory_space<vmem>>
      %parallel_loop3A_1023 = tpu.memref_squeeze %parallel_loop3A_1022 : memref<1x8x2x8x129xf32, #tpu.memory_space<vmem>> -> memref<8x2x8x129xf32, #tpu.memory_space<vmem>>
      tpu.vector_store_idx %parallel_loop3A_1023[%select_n3A_130, %parallel_loop3A_951, %select_n3A_228, %parallel_loop3A_971], %parallel_loop3A_1017 : memref<8x2x8x129xf32, #tpu.memory_space<vmem>>[vector<16xi32>, vector<16xi32>, vector<16xi32>, vector<16xi32>], vector<16xf32>,
    } {sc.loop_unroll_factor = 4 : i64, sc.parallel_access}
    %add3A_367 = arith.constant 0 : i32
    %add3A_368 = arith.addi %mul3A_2, %add3A_367 : i32
    %jit3A_369 = arith.constant 64 : i32
    %div3A_370 = arith.divsi %add3A_368, %jit3A_369 : i32
    %sign3A_371 = arith.constant 0 : i32
    %sign3A_372 = arith.cmpi sgt, %add3A_368, %sign3A_371 : i32
    %sign3A_373 = arith.extui %sign3A_372 : i1 to i32
    %sign3A_374 = arith.constant 0 : i32
    %sign3A_375 = arith.cmpi slt, %add3A_368, %sign3A_374 : i32
    %sign3A_376 = arith.extui %sign3A_375 : i1 to i32
    %sign3A_377 = arith.subi %sign3A_373, %sign3A_376 : i32
    %sign3A_378 = arith.constant 0 : i32
    %sign3A_379 = arith.cmpi sgt, %jit3A_369, %sign3A_378 : i32
    %sign3A_380 = arith.extui %sign3A_379 : i1 to i32
    %sign3A_381 = arith.constant 0 : i32
    %sign3A_382 = arith.cmpi slt, %jit3A_369, %sign3A_381 : i32
    %sign3A_383 = arith.extui %sign3A_382 : i1 to i32
    %sign3A_384 = arith.subi %sign3A_380, %sign3A_383 : i32
    %ne3A_385 = arith.cmpi ne, %sign3A_377, %sign3A_384 : i32
    %rem3A_386 = arith.remsi %add3A_368, %jit3A_369 : i32
    %ne3A_387 = arith.constant 0 : i32
    %ne3A_388 = arith.cmpi ne, %rem3A_386, %ne3A_387 : i32
    %and3A_389 = arith.andi %ne3A_385, %ne3A_388 : i1
    %sub3A_390 = arith.constant 1 : i32
    %sub3A_391 = arith.subi %div3A_370, %sub3A_390 : i32
    %select_n3A_392 = arith.select %and3A_389, %sub3A_391, %div3A_370 : i32
    %jit3A_393 = arith.constant 64 : i32
    %eq3A_394 = arith.constant 0 : i32
    %eq3A_395 = arith.cmpi eq, %jit3A_393, %eq3A_394 : i32
    %jit3A_396 = arith.constant 1 : i32
    %select_n3A_397 = arith.select %eq3A_395, %jit3A_396, %jit3A_393 : i32
    %rem3A_398 = arith.remsi %add3A_368, %select_n3A_397 : i32
    %ne3A_399 = arith.constant 0 : i32
    %ne3A_400 = arith.cmpi ne, %rem3A_398, %ne3A_399 : i32
    %lt3A_401 = arith.constant 0 : i32
    %lt3A_402 = arith.cmpi slt, %rem3A_398, %lt3A_401 : i32
    %lt3A_403 = arith.constant 0 : i32
    %lt3A_404 = arith.cmpi slt, %select_n3A_397, %lt3A_403 : i32
    %ne3A_405 = arith.xori %lt3A_402, %lt3A_404 : i1
    %and3A_406 = arith.andi %ne3A_405, %ne3A_400 : i1
    %add3A_407 = arith.addi %rem3A_398, %select_n3A_397 : i32
    %select_n3A_408 = arith.select %and3A_406, %add3A_407, %rem3A_398 : i32
    %mul3A_409 = arith.constant 2 : i32
    %mul3A_410 = arith.muli %select_n3A_408, %mul3A_409 : i32
    %dma_start3A_411 = arith.constant 0 : i32
    %dma_start3A_412 = arith.constant 0 : i32
    %dma_start3A_413 = arith.constant 0 : i32
    %dma_start3A_414 = arith.constant 0 : i32
    %dma_start3A_415 = arith.constant 0 : i32
    %dma_start3A_416 = tpu.memref_slice %arg7[%dma_start3A_411, %dma_start3A_412, %dma_start3A_413, %dma_start3A_414, %dma_start3A_415] : memref<2x8x2x8x129xf32, #tpu.memory_space<vmem>> -> memref<1x8x2x8x128xf32, #tpu.memory_space<vmem>>
    %dma_start3A_417 = tpu.memref_squeeze %dma_start3A_416 : memref<1x8x2x8x128xf32, #tpu.memory_space<vmem>> -> memref<8x2x8x128xf32, #tpu.memory_space<vmem>>
    %dma_start3A_418 = arith.constant 0 : i32
    %dma_start3A_419 = arith.constant 0 : i32
    %dma_start3A_420 = arith.constant 0 : i32
    %dma_start3A_421 = tpu.memref_slice %arg4[%select_n3A_392, %dma_start3A_418, %mul3A_410, %dma_start3A_419, %dma_start3A_420] : memref<200x8x128x8x128xf32, #tpu.memory_space<hbm>> -> memref<1x8x2x8x128xf32, #tpu.memory_space<hbm>>
    %dma_start3A_422 = tpu.memref_squeeze %dma_start3A_421 : memref<1x8x2x8x128xf32, #tpu.memory_space<hbm>> -> memref<8x2x8x128xf32, #tpu.memory_space<hbm>>
    %dma_start3A_423 = arith.constant 0 : i32
    %dma_start3A_424 = arith.constant 0 : i32
    %dma_start3A_425 = arith.constant 0 : i32
    %dma_start3A_426 = tpu.memref_slice %arg4[%select_n3A_392, %dma_start3A_423, %mul3A_410, %dma_start3A_424, %dma_start3A_425] : memref<200x8x128x8x128xf32, #tpu.memory_space<hbm>> -> memref<1x8x2x8x128xf32, #tpu.memory_space<hbm>>
    %dma_start3A_427 = tpu.memref_squeeze %dma_start3A_426 : memref<1x8x2x8x128xf32, #tpu.memory_space<hbm>> -> memref<8x2x8x128xf32, #tpu.memory_space<hbm>>
    %dma_start3A_428 = arith.constant 0 : i32
    %dma_start3A_429 = arith.constant 0 : i32
    %dma_start3A_430 = arith.constant 0 : i32
    %dma_start3A_431 = arith.constant 0 : i32
    %dma_start3A_432 = tpu.memref_slice %arg7[%dma_start3A_411, %dma_start3A_428, %dma_start3A_429, %dma_start3A_430, %dma_start3A_431] : memref<2x8x2x8x129xf32, #tpu.memory_space<vmem>> -> memref<1x8x2x8x128xf32, #tpu.memory_space<vmem>>
    %dma_start3A_433 = tpu.memref_squeeze %dma_start3A_432 : memref<1x8x2x8x128xf32, #tpu.memory_space<vmem>> -> memref<8x2x8x128xf32, #tpu.memory_space<vmem>>
    tpu.enqueue_dma source(%dma_start3A_433 : memref<8x2x8x128xf32, #tpu.memory_space<vmem>>) target(%dma_start3A_427 : memref<8x2x8x128xf32, #tpu.memory_space<hbm>>) target_semaphore(%arg10 : memref<!tpu.dma_semaphore, #tpu.memory_space<semaphore_mem>>)
    %dma_wait3A_434 = arith.constant 1 : i32
    %dma_wait3A_435 = arith.constant 0 : i32
    %dma_wait3A_436 = arith.constant 0 : i32
    %dma_wait3A_437 = tpu.memref_slice %arg6[%dma_wait3A_434, %dma_wait3A_435, %dma_wait3A_436] : memref<3x256x64xf32, #tpu.memory_space<vmem>> -> memref<1x256x64xf32, #tpu.memory_space<vmem>>
    %dma_wait3A_438 = tpu.memref_squeeze %dma_wait3A_437 : memref<1x256x64xf32, #tpu.memory_space<vmem>> -> memref<256x64xf32, #tpu.memory_space<vmem>>
    %dma_wait3A_439 = arith.constant 0 : i32
    %dma_wait3A_440 = arith.constant 0 : i32
    %dma_wait3A_441 = tpu.memref_slice %arg3[%dma_wait3A_439, %dma_wait3A_440] : memref<1000000x64xf32, #tpu.memory_space<hbm>> -> memref<256x64xf32, #tpu.memory_space<hbm>>
    %dma_wait3A_442 = arith.constant 0 : i32
    %dma_wait3A_443 = arith.constant 0 : i32
    %dma_wait3A_444 = tpu.memref_slice %arg6[%dma_wait3A_434, %dma_wait3A_442, %dma_wait3A_443] : memref<3x256x64xf32, #tpu.memory_space<vmem>> -> memref<1x256x64xf32, #tpu.memory_space<vmem>>
    %dma_wait3A_445 = tpu.memref_squeeze %dma_wait3A_444 : memref<1x256x64xf32, #tpu.memory_space<vmem>> -> memref<256x64xf32, #tpu.memory_space<vmem>>
    %dma_wait3A_446 = arith.constant 0 : i32
    %dma_wait3A_447 = arith.constant 0 : i32
    %dma_wait3A_448 = tpu.memref_slice %arg3[%dma_wait3A_446, %dma_wait3A_447] : memref<1000000x64xf32, #tpu.memory_space<hbm>> -> memref<256x64xf32, #tpu.memory_space<hbm>>
    tpu.wait_dma2 semaphore(%arg9 : memref<!tpu.dma_semaphore, #tpu.memory_space<semaphore_mem>>) src(%dma_wait3A_448 : memref<256x64xf32, #tpu.memory_space<hbm>>) dst(%dma_wait3A_445 : memref<256x64xf32, #tpu.memory_space<vmem>>)
    %dma_wait3A_449 = arith.constant 0 : i32
    %dma_wait3A_450 = arith.constant 0 : i32
    %dma_wait3A_451 = tpu.memref_slice %arg5[%dma_wait3A_449, %dma_wait3A_450] : memref<3x256xi32, #tpu.memory_space<vmem>> -> memref<1x256xi32, #tpu.memory_space<vmem>>
    %dma_wait3A_452 = tpu.memref_squeeze %dma_wait3A_451 : memref<1x256xi32, #tpu.memory_space<vmem>> -> memref<256xi32, #tpu.memory_space<vmem>>
    %dma_wait3A_453 = arith.constant 0 : i32
    %dma_wait3A_454 = tpu.memref_slice %arg2[%dma_wait3A_453] : memref<3276800xi32, #tpu.memory_space<hbm>> -> memref<256xi32, #tpu.memory_space<hbm>>
    %dma_wait3A_455 = arith.constant 0 : i32
    %dma_wait3A_456 = tpu.memref_slice %arg5[%dma_wait3A_449, %dma_wait3A_455] : memref<3x256xi32, #tpu.memory_space<vmem>> -> memref<1x256xi32, #tpu.memory_space<vmem>>
    %dma_wait3A_457 = tpu.memref_squeeze %dma_wait3A_456 : memref<1x256xi32, #tpu.memory_space<vmem>> -> memref<256xi32, #tpu.memory_space<vmem>>
    %dma_wait3A_458 = arith.constant 0 : i32
    %dma_wait3A_459 = tpu.memref_slice %arg2[%dma_wait3A_458] : memref<3276800xi32, #tpu.memory_space<hbm>> -> memref<256xi32, #tpu.memory_space<hbm>>
    tpu.wait_dma2 semaphore(%arg8 : memref<!tpu.dma_semaphore, #tpu.memory_space<semaphore_mem>>) src(%dma_wait3A_459 : memref<256xi32, #tpu.memory_space<hbm>>) dst(%dma_wait3A_457 : memref<256xi32, #tpu.memory_space<vmem>>)
    %dma_start3A_460 = arith.constant 0 : i32
    %dma_start3A_461 = arith.constant 0 : i32
    %dma_start3A_462 = arith.constant 0 : i32
    %dma_start3A_463 = arith.constant 0 : i32
    %dma_start3A_464 = tpu.memref_slice %arg6[%dma_start3A_461, %dma_start3A_462, %dma_start3A_463] : memref<3x256x64xf32, #tpu.memory_space<vmem>> -> memref<1x256x64xf32, #tpu.memory_space<vmem>>
    %dma_start3A_465 = tpu.memref_squeeze %dma_start3A_464 : memref<1x256x64xf32, #tpu.memory_space<vmem>> -> memref<256x64xf32, #tpu.memory_space<vmem>>
    %dma_start3A_466 = arith.constant 0 : i32
    %dma_start3A_467 = tpu.memref_slice %arg5[%dma_start3A_460, %dma_start3A_466] : memref<3x256xi32, #tpu.memory_space<vmem>> -> memref<1x256xi32, #tpu.memory_space<vmem>>
    %dma_start3A_468 = tpu.memref_squeeze %dma_start3A_467 : memref<1x256xi32, #tpu.memory_space<vmem>> -> memref<256xi32, #tpu.memory_space<vmem>>
    %dma_start3A_469 = arith.constant 0 : i32
    %dma_start3A_470 = arith.constant 0 : i32
    %dma_start3A_471 = tpu.memref_slice %arg3[%dma_start3A_469, %dma_start3A_470] : memref<1000000x64xf32, #tpu.memory_space<hbm>> -> memref<1000000x64xf32, #tpu.memory_space<hbm>>
    tpu.enqueue_indirect_dma source(%dma_start3A_471 : memref<1000000x64xf32, #tpu.memory_space<hbm>>) target(%dma_start3A_465 : memref<256x64xf32, #tpu.memory_space<vmem>>) offsets(%dma_start3A_468 : memref<256xi32, #tpu.memory_space<vmem>>) semaphore(%arg9 : memref<!tpu.dma_semaphore, #tpu.memory_space<semaphore_mem>>)
    %add3A_472 = arith.constant 1 : i32
    %add3A_473 = arith.addi %mul3A_2, %add3A_472 : i32
    %add3A_474 = arith.constant 3 : i32
    %add3A_475 = arith.addi %add3A_473, %add3A_474 : i32
    %mul3A_476 = arith.constant 256 : i32
    %mul3A_477 = arith.muli %add3A_475, %mul3A_476 : i32
    %dma_start3A_478 = arith.constant 1 : i32
    %dma_start3A_479 = arith.constant 0 : i32
    %dma_start3A_480 = tpu.memref_slice %arg5[%dma_start3A_478, %dma_start3A_479] : memref<3x256xi32, #tpu.memory_space<vmem>> -> memref<1x256xi32, #tpu.memory_space<vmem>>
    %dma_start3A_481 = tpu.memref_squeeze %dma_start3A_480 : memref<1x256xi32, #tpu.memory_space<vmem>> -> memref<256xi32, #tpu.memory_space<vmem>>
    %dma_start3A_482 = tpu.memref_slice %arg2[%mul3A_477] : memref<3276800xi32, #tpu.memory_space<hbm>> -> memref<256xi32, #tpu.memory_space<hbm>>
    %dma_start3A_483 = arith.constant 0 : i32
    %dma_start3A_484 = tpu.memref_slice %arg5[%dma_start3A_478, %dma_start3A_483] : memref<3x256xi32, #tpu.memory_space<vmem>> -> memref<1x256xi32, #tpu.memory_space<vmem>>
    %dma_start3A_485 = tpu.memref_squeeze %dma_start3A_484 : memref<1x256xi32, #tpu.memory_space<vmem>> -> memref<256xi32, #tpu.memory_space<vmem>>
    %dma_start3A_486 = tpu.memref_slice %arg2[%mul3A_477] : memref<3276800xi32, #tpu.memory_space<hbm>> -> memref<256xi32, #tpu.memory_space<hbm>>
    tpu.enqueue_dma source(%dma_start3A_486 : memref<256xi32, #tpu.memory_space<hbm>>) target(%dma_start3A_485 : memref<256xi32, #tpu.memory_space<vmem>>) target_semaphore(%arg8 : memref<!tpu.dma_semaphore, #tpu.memory_space<semaphore_mem>>)
    %parallel_loop3A_487 = arith.constant 0 : i32
    %parallel_loop3A_488 = arith.constant 256 : i32
    %parallel_loop3A_489 = arith.constant 1 : i32
    %parallel_loop3A_490 = arith.constant 1 : i32
    %parallel_loop3A_491 = arith.constant 1 : i32
    scf.for %parallel_loop3A_923 = %parallel_loop3A_487 to %parallel_loop3A_488 step %parallel_loop3A_489  : i32 {
      %parallel_loop3A_924 = arith.constant 0 : i32
      %parallel_loop3A_925 = vector.broadcast %parallel_loop3A_924 : i32 to vector<16xi32>
      %parallel_loop3A_926 = arith.constant 128 : i32
      %parallel_loop3A_927 = arith.divsi %parallel_loop3A_923, %parallel_loop3A_926 : i32
      %parallel_loop3A_928 = arith.constant 0 : i32
      %parallel_loop3A_929 = arith.cmpi sgt, %parallel_loop3A_923, %parallel_loop3A_928 : i32
      %parallel_loop3A_930 = arith.extui %parallel_loop3A_929 : i1 to i32
      %parallel_loop3A_931 = arith.constant 0 : i32
      %parallel_loop3A_932 = arith.cmpi slt, %parallel_loop3A_923, %parallel_loop3A_931 : i32
      %parallel_loop3A_933 = arith.extui %parallel_loop3A_932 : i1 to i32
      %parallel_loop3A_934 = arith.subi %parallel_loop3A_930, %parallel_loop3A_933 : i32
      %parallel_loop3A_935 = arith.constant 0 : i32
      %parallel_loop3A_936 = arith.cmpi sgt, %parallel_loop3A_926, %parallel_loop3A_935 : i32
      %parallel_loop3A_937 = arith.extui %parallel_loop3A_936 : i1 to i32
      %parallel_loop3A_938 = arith.constant 0 : i32
      %parallel_loop3A_939 = arith.cmpi slt, %parallel_loop3A_926, %parallel_loop3A_938 : i32
      %parallel_loop3A_940 = arith.extui %parallel_loop3A_939 : i1 to i32
      %parallel_loop3A_941 = arith.subi %parallel_loop3A_937, %parallel_loop3A_940 : i32
      %parallel_loop3A_942 = arith.cmpi ne, %parallel_loop3A_934, %parallel_loop3A_941 : i32
      %parallel_loop3A_943 = arith.remsi %parallel_loop3A_923, %parallel_loop3A_926 : i32
      %parallel_loop3A_944 = arith.constant 0 : i32
      %parallel_loop3A_945 = arith.cmpi ne, %parallel_loop3A_943, %parallel_loop3A_944 : i32
      %parallel_loop3A_946 = arith.andi %parallel_loop3A_942, %parallel_loop3A_945 : i1
      %parallel_loop3A_947 = arith.constant 1 : i32
      %parallel_loop3A_948 = arith.subi %parallel_loop3A_927, %parallel_loop3A_947 : i32
      %parallel_loop3A_949 = arith.select %parallel_loop3A_946, %parallel_loop3A_948, %parallel_loop3A_927 : i32
      %parallel_loop3A_950 = vector.broadcast %parallel_loop3A_949 : i32 to vector<16xi32>
      %parallel_loop3A_951 = arith.addi %parallel_loop3A_925, %parallel_loop3A_950 : vector<16xi32>
      %parallel_loop3A_952 = arith.constant 0 : i32
      %parallel_loop3A_953 = vector.broadcast %parallel_loop3A_952 : i32 to vector<16xi32>
      %parallel_loop3A_954 = arith.constant 128 : i32
      %parallel_loop3A_955 = arith.constant 0 : i32
      %parallel_loop3A_956 = arith.cmpi eq, %parallel_loop3A_954, %parallel_loop3A_955 : i32
      %parallel_loop3A_957 = arith.constant 1 : i32
      %parallel_loop3A_958 = arith.select %parallel_loop3A_956, %parallel_loop3A_957, %parallel_loop3A_954 : i32
      %parallel_loop3A_959 = arith.remsi %parallel_loop3A_923, %parallel_loop3A_958 : i32
      %parallel_loop3A_960 = arith.constant 0 : i32
      %parallel_loop3A_961 = arith.cmpi ne, %parallel_loop3A_959, %parallel_loop3A_960 : i32
      %parallel_loop3A_962 = arith.constant 0 : i32
      %parallel_loop3A_963 = arith.cmpi slt, %parallel_loop3A_959, %parallel_loop3A_962 : i32
      %parallel_loop3A_964 = arith.constant 0 : i32
      %parallel_loop3A_965 = arith.cmpi slt, %parallel_loop3A_958, %parallel_loop3A_964 : i32
      %parallel_loop3A_966 = arith.xori %parallel_loop3A_963, %parallel_loop3A_965 : i1
      %parallel_loop3A_967 = arith.andi %parallel_loop3A_966, %parallel_loop3A_961 : i1
      %parallel_loop3A_968 = arith.addi %parallel_loop3A_959, %parallel_loop3A_958 : i32
      %parallel_loop3A_969 = arith.select %parallel_loop3A_967, %parallel_loop3A_968, %parallel_loop3A_959 : i32
      %parallel_loop3A_970 = vector.broadcast %parallel_loop3A_969 : i32 to vector<16xi32>
      %parallel_loop3A_971 = arith.addi %parallel_loop3A_953, %parallel_loop3A_970 : vector<16xi32>
      %parallel_loop3A_972 = arith.constant 0 : i32
      %parallel_loop3A_973 = arith.constant 0 : i32
      %parallel_loop3A_974 = tpu.memref_slice %arg6[%parallel_loop3A_490, %parallel_loop3A_972, %parallel_loop3A_973] : memref<3x256x64xf32, #tpu.memory_space<vmem>> -> memref<1x256x64xf32, #tpu.memory_space<vmem>>
      %parallel_loop3A_975 = tpu.memref_squeeze %parallel_loop3A_974 : memref<1x256x64xf32, #tpu.memory_space<vmem>> -> memref<256x64xf32, #tpu.memory_space<vmem>>
      %parallel_loop3A_976 = arith.index_cast %parallel_loop3A_923 : i32 to index
      %parallel_loop3A_977 = arith.constant 0 : index
      %parallel_loop3A_978 = tpu.vector_load %parallel_loop3A_975[%parallel_loop3A_976, %parallel_loop3A_977] {strides = array<i32>} : memref<256x64xf32, #tpu.memory_space<vmem>>, vector<16xf32>,
      %parallel_loop3A_979 = arith.constant 0 : i32
      %parallel_loop3A_980 = arith.constant 0 : i32
      %parallel_loop3A_981 = arith.constant 0 : i32
      %parallel_loop3A_982 = arith.constant 0 : i32
      %parallel_loop3A_983 = tpu.memref_slice %arg7[%parallel_loop3A_491, %parallel_loop3A_979, %parallel_loop3A_980, %parallel_loop3A_981, %parallel_loop3A_982] : memref<2x8x2x8x129xf32, #tpu.memory_space<vmem>> -> memref<1x8x2x8x129xf32, #tpu.memory_space<vmem>>
      %parallel_loop3A_984 = tpu.memref_squeeze %parallel_loop3A_983 : memref<1x8x2x8x129xf32, #tpu.memory_space<vmem>> -> memref<8x2x8x129xf32, #tpu.memory_space<vmem>>
      tpu.vector_store_idx %parallel_loop3A_984[%select_n3A, %parallel_loop3A_951, %select_n3A_153, %parallel_loop3A_971], %parallel_loop3A_978 : memref<8x2x8x129xf32, #tpu.memory_space<vmem>>[vector<16xi32>, vector<16xi32>, vector<16xi32>, vector<16xi32>], vector<16xf32>,
      %parallel_loop3A_985 = arith.constant 0 : i32
      %parallel_loop3A_986 = arith.constant 0 : i32
      %parallel_loop3A_987 = tpu.memref_slice %arg6[%parallel_loop3A_490, %parallel_loop3A_985, %parallel_loop3A_986] : memref<3x256x64xf32, #tpu.memory_space<vmem>> -> memref<1x256x64xf32, #tpu.memory_space<vmem>>
      %parallel_loop3A_988 = tpu.memref_squeeze %parallel_loop3A_987 : memref<1x256x64xf32, #tpu.memory_space<vmem>> -> memref<256x64xf32, #tpu.memory_space<vmem>>
      %parallel_loop3A_989 = arith.index_cast %parallel_loop3A_923 : i32 to index
      %parallel_loop3A_990 = arith.constant 16 : index
      %parallel_loop3A_991 = tpu.vector_load %parallel_loop3A_988[%parallel_loop3A_989, %parallel_loop3A_990] {strides = array<i32>} : memref<256x64xf32, #tpu.memory_space<vmem>>, vector<16xf32>,
      %parallel_loop3A_992 = arith.constant 0 : i32
      %parallel_loop3A_993 = arith.constant 0 : i32
      %parallel_loop3A_994 = arith.constant 0 : i32
      %parallel_loop3A_995 = arith.constant 0 : i32
      %parallel_loop3A_996 = tpu.memref_slice %arg7[%parallel_loop3A_491, %parallel_loop3A_992, %parallel_loop3A_993, %parallel_loop3A_994, %parallel_loop3A_995] : memref<2x8x2x8x129xf32, #tpu.memory_space<vmem>> -> memref<1x8x2x8x129xf32, #tpu.memory_space<vmem>>
      %parallel_loop3A_997 = tpu.memref_squeeze %parallel_loop3A_996 : memref<1x8x2x8x129xf32, #tpu.memory_space<vmem>> -> memref<8x2x8x129xf32, #tpu.memory_space<vmem>>
      tpu.vector_store_idx %parallel_loop3A_997[%select_n3A_62, %parallel_loop3A_951, %select_n3A_178, %parallel_loop3A_971], %parallel_loop3A_991 : memref<8x2x8x129xf32, #tpu.memory_space<vmem>>[vector<16xi32>, vector<16xi32>, vector<16xi32>, vector<16xi32>], vector<16xf32>,
      %parallel_loop3A_998 = arith.constant 0 : i32
      %parallel_loop3A_999 = arith.constant 0 : i32
      %parallel_loop3A_1000 = tpu.memref_slice %arg6[%parallel_loop3A_490, %parallel_loop3A_998, %parallel_loop3A_999] : memref<3x256x64xf32, #tpu.memory_space<vmem>> -> memref<1x256x64xf32, #tpu.memory_space<vmem>>
      %parallel_loop3A_1001 = tpu.memref_squeeze %parallel_loop3A_1000 : memref<1x256x64xf32, #tpu.memory_space<vmem>> -> memref<256x64xf32, #tpu.memory_space<vmem>>
      %parallel_loop3A_1002 = arith.index_cast %parallel_loop3A_923 : i32 to index
      %parallel_loop3A_1003 = arith.constant 32 : index
      %parallel_loop3A_1004 = tpu.vector_load %parallel_loop3A_1001[%parallel_loop3A_1002, %parallel_loop3A_1003] {strides = array<i32>} : memref<256x64xf32, #tpu.memory_space<vmem>>, vector<16xf32>,
      %parallel_loop3A_1005 = arith.constant 0 : i32
      %parallel_loop3A_1006 = arith.constant 0 : i32
      %parallel_loop3A_1007 = arith.constant 0 : i32
      %parallel_loop3A_1008 = arith.constant 0 : i32
      %parallel_loop3A_1009 = tpu.memref_slice %arg7[%parallel_loop3A_491, %parallel_loop3A_1005, %parallel_loop3A_1006, %parallel_loop3A_1007, %parallel_loop3A_1008] : memref<2x8x2x8x129xf32, #tpu.memory_space<vmem>> -> memref<1x8x2x8x129xf32, #tpu.memory_space<vmem>>
      %parallel_loop3A_1010 = tpu.memref_squeeze %parallel_loop3A_1009 : memref<1x8x2x8x129xf32, #tpu.memory_space<vmem>> -> memref<8x2x8x129xf32, #tpu.memory_space<vmem>>
      tpu.vector_store_idx %parallel_loop3A_1010[%select_n3A_96, %parallel_loop3A_951, %select_n3A_203, %parallel_loop3A_971], %parallel_loop3A_1004 : memref<8x2x8x129xf32, #tpu.memory_space<vmem>>[vector<16xi32>, vector<16xi32>, vector<16xi32>, vector<16xi32>], vector<16xf32>,
      %parallel_loop3A_1011 = arith.constant 0 : i32
      %parallel_loop3A_1012 = arith.constant 0 : i32
      %parallel_loop3A_1013 = tpu.memref_slice %arg6[%parallel_loop3A_490, %parallel_loop3A_1011, %parallel_loop3A_1012] : memref<3x256x64xf32, #tpu.memory_space<vmem>> -> memref<1x256x64xf32, #tpu.memory_space<vmem>>
      %parallel_loop3A_1014 = tpu.memref_squeeze %parallel_loop3A_1013 : memref<1x256x64xf32, #tpu.memory_space<vmem>> -> memref<256x64xf32, #tpu.memory_space<vmem>>
      %parallel_loop3A_1015 = arith.index_cast %parallel_loop3A_923 : i32 to index
      %parallel_loop3A_1016 = arith.constant 48 : index
      %parallel_loop3A_1017 = tpu.vector_load %parallel_loop3A_1014[%parallel_loop3A_1015, %parallel_loop3A_1016] {strides = array<i32>} : memref<256x64xf32, #tpu.memory_space<vmem>>, vector<16xf32>,
      %parallel_loop3A_1018 = arith.constant 0 : i32
      %parallel_loop3A_1019 = arith.constant 0 : i32
      %parallel_loop3A_1020 = arith.constant 0 : i32
      %parallel_loop3A_1021 = arith.constant 0 : i32
      %parallel_loop3A_1022 = tpu.memref_slice %arg7[%parallel_loop3A_491, %parallel_loop3A_1018, %parallel_loop3A_1019, %parallel_loop3A_1020, %parallel_loop3A_1021] : memref<2x8x2x8x129xf32, #tpu.memory_space<vmem>> -> memref<1x8x2x8x129xf32, #tpu.memory_space<vmem>>
      %parallel_loop3A_1023 = tpu.memref_squeeze %parallel_loop3A_1022 : memref<1x8x2x8x129xf32, #tpu.memory_space<vmem>> -> memref<8x2x8x129xf32, #tpu.memory_space<vmem>>
      tpu.vector_store_idx %parallel_loop3A_1023[%select_n3A_130, %parallel_loop3A_951, %select_n3A_228, %parallel_loop3A_971], %parallel_loop3A_1017 : memref<8x2x8x129xf32, #tpu.memory_space<vmem>>[vector<16xi32>, vector<16xi32>, vector<16xi32>, vector<16xi32>], vector<16xf32>,
    } {sc.loop_unroll_factor = 4 : i64, sc.parallel_access}
    %add3A_492 = arith.constant 1 : i32
    %add3A_493 = arith.addi %mul3A_2, %add3A_492 : i32
    %jit3A_494 = arith.constant 64 : i32
    %div3A_495 = arith.divsi %add3A_493, %jit3A_494 : i32
    %sign3A_496 = arith.constant 0 : i32
    %sign3A_497 = arith.cmpi sgt, %add3A_493, %sign3A_496 : i32
    %sign3A_498 = arith.extui %sign3A_497 : i1 to i32
    %sign3A_499 = arith.constant 0 : i32
    %sign3A_500 = arith.cmpi slt, %add3A_493, %sign3A_499 : i32
    %sign3A_501 = arith.extui %sign3A_500 : i1 to i32
    %sign3A_502 = arith.subi %sign3A_498, %sign3A_501 : i32
    %sign3A_503 = arith.constant 0 : i32
    %sign3A_504 = arith.cmpi sgt, %jit3A_494, %sign3A_503 : i32
    %sign3A_505 = arith.extui %sign3A_504 : i1 to i32
    %sign3A_506 = arith.constant 0 : i32
    %sign3A_507 = arith.cmpi slt, %jit3A_494, %sign3A_506 : i32
    %sign3A_508 = arith.extui %sign3A_507 : i1 to i32
    %sign3A_509 = arith.subi %sign3A_505, %sign3A_508 : i32
    %ne3A_510 = arith.cmpi ne, %sign3A_502, %sign3A_509 : i32
    %rem3A_511 = arith.remsi %add3A_493, %jit3A_494 : i32
    %ne3A_512 = arith.constant 0 : i32
    %ne3A_513 = arith.cmpi ne, %rem3A_511, %ne3A_512 : i32
    %and3A_514 = arith.andi %ne3A_510, %ne3A_513 : i1
    %sub3A_515 = arith.constant 1 : i32
    %sub3A_516 = arith.subi %div3A_495, %sub3A_515 : i32
    %select_n3A_517 = arith.select %and3A_514, %sub3A_516, %div3A_495 : i32
    %jit3A_518 = arith.constant 64 : i32
    %eq3A_519 = arith.constant 0 : i32
    %eq3A_520 = arith.cmpi eq, %jit3A_518, %eq3A_519 : i32
    %jit3A_521 = arith.constant 1 : i32
    %select_n3A_522 = arith.select %eq3A_520, %jit3A_521, %jit3A_518 : i32
    %rem3A_523 = arith.remsi %add3A_493, %select_n3A_522 : i32
    %ne3A_524 = arith.constant 0 : i32
    %ne3A_525 = arith.cmpi ne, %rem3A_523, %ne3A_524 : i32
    %lt3A_526 = arith.constant 0 : i32
    %lt3A_527 = arith.cmpi slt, %rem3A_523, %lt3A_526 : i32
    %lt3A_528 = arith.constant 0 : i32
    %lt3A_529 = arith.cmpi slt, %select_n3A_522, %lt3A_528 : i32
    %ne3A_530 = arith.xori %lt3A_527, %lt3A_529 : i1
    %and3A_531 = arith.andi %ne3A_530, %ne3A_525 : i1
    %add3A_532 = arith.addi %rem3A_523, %select_n3A_522 : i32
    %select_n3A_533 = arith.select %and3A_531, %add3A_532, %rem3A_523 : i32
    %mul3A_534 = arith.constant 2 : i32
    %mul3A_535 = arith.muli %select_n3A_533, %mul3A_534 : i32
    %dma_start3A_536 = arith.constant 1 : i32
    %dma_start3A_537 = arith.constant 0 : i32
    %dma_start3A_538 = arith.constant 0 : i32
    %dma_start3A_539 = arith.constant 0 : i32
    %dma_start3A_540 = arith.constant 0 : i32
    %dma_start3A_541 = tpu.memref_slice %arg7[%dma_start3A_536, %dma_start3A_537, %dma_start3A_538, %dma_start3A_539, %dma_start3A_540] : memref<2x8x2x8x129xf32, #tpu.memory_space<vmem>> -> memref<1x8x2x8x128xf32, #tpu.memory_space<vmem>>
    %dma_start3A_542 = tpu.memref_squeeze %dma_start3A_541 : memref<1x8x2x8x128xf32, #tpu.memory_space<vmem>> -> memref<8x2x8x128xf32, #tpu.memory_space<vmem>>
    %dma_start3A_543 = arith.constant 0 : i32
    %dma_start3A_544 = arith.constant 0 : i32
    %dma_start3A_545 = arith.constant 0 : i32
    %dma_start3A_546 = tpu.memref_slice %arg4[%select_n3A_517, %dma_start3A_543, %mul3A_535, %dma_start3A_544, %dma_start3A_545] : memref<200x8x128x8x128xf32, #tpu.memory_space<hbm>> -> memref<1x8x2x8x128xf32, #tpu.memory_space<hbm>>
    %dma_start3A_547 = tpu.memref_squeeze %dma_start3A_546 : memref<1x8x2x8x128xf32, #tpu.memory_space<hbm>> -> memref<8x2x8x128xf32, #tpu.memory_space<hbm>>
    %dma_start3A_548 = arith.constant 0 : i32
    %dma_start3A_549 = arith.constant 0 : i32
    %dma_start3A_550 = arith.constant 0 : i32
    %dma_start3A_551 = tpu.memref_slice %arg4[%select_n3A_517, %dma_start3A_548, %mul3A_535, %dma_start3A_549, %dma_start3A_550] : memref<200x8x128x8x128xf32, #tpu.memory_space<hbm>> -> memref<1x8x2x8x128xf32, #tpu.memory_space<hbm>>
    %dma_start3A_552 = tpu.memref_squeeze %dma_start3A_551 : memref<1x8x2x8x128xf32, #tpu.memory_space<hbm>> -> memref<8x2x8x128xf32, #tpu.memory_space<hbm>>
    %dma_start3A_553 = arith.constant 0 : i32
    %dma_start3A_554 = arith.constant 0 : i32
    %dma_start3A_555 = arith.constant 0 : i32
    %dma_start3A_556 = arith.constant 0 : i32
    %dma_start3A_557 = tpu.memref_slice %arg7[%dma_start3A_536, %dma_start3A_553, %dma_start3A_554, %dma_start3A_555, %dma_start3A_556] : memref<2x8x2x8x129xf32, #tpu.memory_space<vmem>> -> memref<1x8x2x8x128xf32, #tpu.memory_space<vmem>>
    %dma_start3A_558 = tpu.memref_squeeze %dma_start3A_557 : memref<1x8x2x8x128xf32, #tpu.memory_space<vmem>> -> memref<8x2x8x128xf32, #tpu.memory_space<vmem>>
    tpu.enqueue_dma source(%dma_start3A_558 : memref<8x2x8x128xf32, #tpu.memory_space<vmem>>) target(%dma_start3A_552 : memref<8x2x8x128xf32, #tpu.memory_space<hbm>>) target_semaphore(%arg10 : memref<!tpu.dma_semaphore, #tpu.memory_space<semaphore_mem>>)
    %scan3A = arith.constant 0 : i32
    %scan3A_559 = arith.constant 2 : i32
    %scan3A_560 = arith.constant 395 : i32
    %scan3A_561 = arith.addi %scan3A_559, %scan3A_560 : i32
    %scan3A_562 = arith.constant 1 : i32
    scf.for %scan3A_923 = %scan3A_559 to %scan3A_561 step %scan3A_562  : i32 {
      %add3A_924 = arith.addi %mul3A_2, %scan3A_923 : i32
      %jit3A_925 = arith.constant 3 : i32
      %eq3A_926 = arith.constant 0 : i32
      %eq3A_927 = arith.cmpi eq, %jit3A_925, %eq3A_926 : i32
      %jit3A_928 = arith.constant 1 : i32
      %select_n3A_929 = arith.select %eq3A_927, %jit3A_928, %jit3A_925 : i32
      %rem3A_930 = arith.remsi %scan3A_923, %select_n3A_929 : i32
      %ne3A_931 = arith.constant 0 : i32
      %ne3A_932 = arith.cmpi ne, %rem3A_930, %ne3A_931 : i32
      %lt3A_933 = arith.constant 0 : i32
      %lt3A_934 = arith.cmpi slt, %rem3A_930, %lt3A_933 : i32
      %lt3A_935 = arith.constant 0 : i32
      %lt3A_936 = arith.cmpi slt, %select_n3A_929, %lt3A_935 : i32
      %ne3A_937 = arith.xori %lt3A_934, %lt3A_936 : i1
      %and3A_938 = arith.andi %ne3A_937, %ne3A_932 : i1
      %add3A_939 = arith.addi %rem3A_930, %select_n3A_929 : i32
      %select_n3A_940 = arith.select %and3A_938, %add3A_939, %rem3A_930 : i32
      %jit3A_941 = arith.constant 2 : i32
      %eq3A_942 = arith.constant 0 : i32
      %eq3A_943 = arith.cmpi eq, %jit3A_941, %eq3A_942 : i32
      %jit3A_944 = arith.constant 1 : i32
      %select_n3A_945 = arith.select %eq3A_943, %jit3A_944, %jit3A_941 : i32
      %rem3A_946 = arith.remsi %scan3A_923, %select_n3A_945 : i32
      %ne3A_947 = arith.constant 0 : i32
      %ne3A_948 = arith.cmpi ne, %rem3A_946, %ne3A_947 : i32
      %lt3A_949 = arith.constant 0 : i32
      %lt3A_950 = arith.cmpi slt, %rem3A_946, %lt3A_949 : i32
      %lt3A_951 = arith.constant 0 : i32
      %lt3A_952 = arith.cmpi slt, %select_n3A_945, %lt3A_951 : i32
      %ne3A_953 = arith.xori %lt3A_950, %lt3A_952 : i1
      %and3A_954 = arith.andi %ne3A_953, %ne3A_948 : i1
      %add3A_955 = arith.addi %rem3A_946, %select_n3A_945 : i32
      %select_n3A_956 = arith.select %and3A_954, %add3A_955, %rem3A_946 : i32
      %dma_wait3A_957 = arith.constant 0 : i32
      %dma_wait3A_958 = arith.constant 0 : i32
      %dma_wait3A_959 = tpu.memref_slice %arg6[%select_n3A_940, %dma_wait3A_957, %dma_wait3A_958] : memref<3x256x64xf32, #tpu.memory_space<vmem>> -> memref<1x256x64xf32, #tpu.memory_space<vmem>>
      %dma_wait3A_960 = tpu.memref_squeeze %dma_wait3A_959 : memref<1x256x64xf32, #tpu.memory_space<vmem>> -> memref<256x64xf32, #tpu.memory_space<vmem>>
      %dma_wait3A_961 = arith.constant 0 : i32
      %dma_wait3A_962 = arith.constant 0 : i32
      %dma_wait3A_963 = tpu.memref_slice %arg3[%dma_wait3A_961, %dma_wait3A_962] : memref<1000000x64xf32, #tpu.memory_space<hbm>> -> memref<256x64xf32, #tpu.memory_space<hbm>>
      %dma_wait3A_964 = arith.constant 0 : i32
      %dma_wait3A_965 = arith.constant 0 : i32
      %dma_wait3A_966 = tpu.memref_slice %arg6[%select_n3A_940, %dma_wait3A_964, %dma_wait3A_965] : memref<3x256x64xf32, #tpu.memory_space<vmem>> -> memref<1x256x64xf32, #tpu.memory_space<vmem>>
      %dma_wait3A_967 = tpu.memref_squeeze %dma_wait3A_966 : memref<1x256x64xf32, #tpu.memory_space<vmem>> -> memref<256x64xf32, #tpu.memory_space<vmem>>
      %dma_wait3A_968 = arith.constant 0 : i32
      %dma_wait3A_969 = arith.constant 0 : i32
      %dma_wait3A_970 = tpu.memref_slice %arg3[%dma_wait3A_968, %dma_wait3A_969] : memref<1000000x64xf32, #tpu.memory_space<hbm>> -> memref<256x64xf32, #tpu.memory_space<hbm>>
      tpu.wait_dma2 semaphore(%arg9 : memref<!tpu.dma_semaphore, #tpu.memory_space<semaphore_mem>>) src(%dma_wait3A_970 : memref<256x64xf32, #tpu.memory_space<hbm>>) dst(%dma_wait3A_967 : memref<256x64xf32, #tpu.memory_space<vmem>>)
      %add3A_971 = arith.constant 2 : i32
      %add3A_972 = arith.addi %scan3A_923, %add3A_971 : i32
      %jit3A_973 = arith.constant 3 : i32
      %eq3A_974 = arith.constant 0 : i32
      %eq3A_975 = arith.cmpi eq, %jit3A_973, %eq3A_974 : i32
      %jit3A_976 = arith.constant 1 : i32
      %select_n3A_977 = arith.select %eq3A_975, %jit3A_976, %jit3A_973 : i32
      %rem3A_978 = arith.remsi %add3A_972, %select_n3A_977 : i32
      %ne3A_979 = arith.constant 0 : i32
      %ne3A_980 = arith.cmpi ne, %rem3A_978, %ne3A_979 : i32
      %lt3A_981 = arith.constant 0 : i32
      %lt3A_982 = arith.cmpi slt, %rem3A_978, %lt3A_981 : i32
      %lt3A_983 = arith.constant 0 : i32
      %lt3A_984 = arith.cmpi slt, %select_n3A_977, %lt3A_983 : i32
      %ne3A_985 = arith.xori %lt3A_982, %lt3A_984 : i1
      %and3A_986 = arith.andi %ne3A_985, %ne3A_980 : i1
      %add3A_987 = arith.addi %rem3A_978, %select_n3A_977 : i32
      %select_n3A_988 = arith.select %and3A_986, %add3A_987, %rem3A_978 : i32
      %dma_wait3A_989 = arith.constant 0 : i32
      %dma_wait3A_990 = tpu.memref_slice %arg5[%select_n3A_988, %dma_wait3A_989] : memref<3x256xi32, #tpu.memory_space<vmem>> -> memref<1x256xi32, #tpu.memory_space<vmem>>
      %dma_wait3A_991 = tpu.memref_squeeze %dma_wait3A_990 : memref<1x256xi32, #tpu.memory_space<vmem>> -> memref<256xi32, #tpu.memory_space<vmem>>
      %dma_wait3A_992 = arith.constant 0 : i32
      %dma_wait3A_993 = tpu.memref_slice %arg2[%dma_wait3A_992] : memref<3276800xi32, #tpu.memory_space<hbm>> -> memref<256xi32, #tpu.memory_space<hbm>>
      %dma_wait3A_994 = arith.constant 0 : i32
      %dma_wait3A_995 = tpu.memref_slice %arg5[%select_n3A_988, %dma_wait3A_994] : memref<3x256xi32, #tpu.memory_space<vmem>> -> memref<1x256xi32, #tpu.memory_space<vmem>>
      %dma_wait3A_996 = tpu.memref_squeeze %dma_wait3A_995 : memref<1x256xi32, #tpu.memory_space<vmem>> -> memref<256xi32, #tpu.memory_space<vmem>>
      %dma_wait3A_997 = arith.constant 0 : i32
      %dma_wait3A_998 = tpu.memref_slice %arg2[%dma_wait3A_997] : memref<3276800xi32, #tpu.memory_space<hbm>> -> memref<256xi32, #tpu.memory_space<hbm>>
      tpu.wait_dma2 semaphore(%arg8 : memref<!tpu.dma_semaphore, #tpu.memory_space<semaphore_mem>>) src(%dma_wait3A_998 : memref<256xi32, #tpu.memory_space<hbm>>) dst(%dma_wait3A_996 : memref<256xi32, #tpu.memory_space<vmem>>)
      %add3A_999 = arith.constant 2 : i32
      %add3A_1000 = arith.addi %scan3A_923, %add3A_999 : i32
      %jit3A_1001 = arith.constant 3 : i32
      %eq3A_1002 = arith.constant 0 : i32
      %eq3A_1003 = arith.cmpi eq, %jit3A_1001, %eq3A_1002 : i32
      %jit3A_1004 = arith.constant 1 : i32
      %select_n3A_1005 = arith.select %eq3A_1003, %jit3A_1004, %jit3A_1001 : i32
      %rem3A_1006 = arith.remsi %add3A_1000, %select_n3A_1005 : i32
      %ne3A_1007 = arith.constant 0 : i32
      %ne3A_1008 = arith.cmpi ne, %rem3A_1006, %ne3A_1007 : i32
      %lt3A_1009 = arith.constant 0 : i32
      %lt3A_1010 = arith.cmpi slt, %rem3A_1006, %lt3A_1009 : i32
      %lt3A_1011 = arith.constant 0 : i32
      %lt3A_1012 = arith.cmpi slt, %select_n3A_1005, %lt3A_1011 : i32
      %ne3A_1013 = arith.xori %lt3A_1010, %lt3A_1012 : i1
      %and3A_1014 = arith.andi %ne3A_1013, %ne3A_1008 : i1
      %add3A_1015 = arith.addi %rem3A_1006, %select_n3A_1005 : i32
      %select_n3A_1016 = arith.select %and3A_1014, %add3A_1015, %rem3A_1006 : i32
      %dma_start3A_1017 = arith.constant 0 : i32
      %dma_start3A_1018 = arith.constant 0 : i32
      %dma_start3A_1019 = tpu.memref_slice %arg6[%select_n3A_1016, %dma_start3A_1017, %dma_start3A_1018] : memref<3x256x64xf32, #tpu.memory_space<vmem>> -> memref<1x256x64xf32, #tpu.memory_space<vmem>>
      %dma_start3A_1020 = tpu.memref_squeeze %dma_start3A_1019 : memref<1x256x64xf32, #tpu.memory_space<vmem>> -> memref<256x64xf32, #tpu.memory_space<vmem>>
      %dma_start3A_1021 = arith.constant 0 : i32
      %dma_start3A_1022 = tpu.memref_slice %arg5[%select_n3A_1016, %dma_start3A_1021] : memref<3x256xi32, #tpu.memory_space<vmem>> -> memref<1x256xi32, #tpu.memory_space<vmem>>
      %dma_start3A_1023 = tpu.memref_squeeze %dma_start3A_1022 : memref<1x256xi32, #tpu.memory_space<vmem>> -> memref<256xi32, #tpu.memory_space<vmem>>
      %dma_start3A_1024 = arith.constant 0 : i32
      %dma_start3A_1025 = arith.constant 0 : i32
      %dma_start3A_1026 = tpu.memref_slice %arg3[%dma_start3A_1024, %dma_start3A_1025] : memref<1000000x64xf32, #tpu.memory_space<hbm>> -> memref<1000000x64xf32, #tpu.memory_space<hbm>>
      tpu.enqueue_indirect_dma source(%dma_start3A_1026 : memref<1000000x64xf32, #tpu.memory_space<hbm>>) target(%dma_start3A_1020 : memref<256x64xf32, #tpu.memory_space<vmem>>) offsets(%dma_start3A_1023 : memref<256xi32, #tpu.memory_space<vmem>>) semaphore(%arg9 : memref<!tpu.dma_semaphore, #tpu.memory_space<semaphore_mem>>)
      %add3A_1027 = arith.constant 3 : i32
      %add3A_1028 = arith.addi %add3A_924, %add3A_1027 : i32
      %mul3A_1029 = arith.constant 256 : i32
      %mul3A_1030 = arith.muli %add3A_1028, %mul3A_1029 : i32
      %dma_start3A_1031 = arith.constant 0 : i32
      %dma_start3A_1032 = tpu.memref_slice %arg5[%select_n3A_940, %dma_start3A_1031] : memref<3x256xi32, #tpu.memory_space<vmem>> -> memref<1x256xi32, #tpu.memory_space<vmem>>
      %dma_start3A_1033 = tpu.memref_squeeze %dma_start3A_1032 : memref<1x256xi32, #tpu.memory_space<vmem>> -> memref<256xi32, #tpu.memory_space<vmem>>
      %dma_start3A_1034 = tpu.memref_slice %arg2[%mul3A_1030] : memref<3276800xi32, #tpu.memory_space<hbm>> -> memref<256xi32, #tpu.memory_space<hbm>>
      %dma_start3A_1035 = arith.constant 0 : i32
      %dma_start3A_1036 = tpu.memref_slice %arg5[%select_n3A_940, %dma_start3A_1035] : memref<3x256xi32, #tpu.memory_space<vmem>> -> memref<1x256xi32, #tpu.memory_space<vmem>>
      %dma_start3A_1037 = tpu.memref_squeeze %dma_start3A_1036 : memref<1x256xi32, #tpu.memory_space<vmem>> -> memref<256xi32, #tpu.memory_space<vmem>>
      %dma_start3A_1038 = tpu.memref_slice %arg2[%mul3A_1030] : memref<3276800xi32, #tpu.memory_space<hbm>> -> memref<256xi32, #tpu.memory_space<hbm>>
      tpu.enqueue_dma source(%dma_start3A_1038 : memref<256xi32, #tpu.memory_space<hbm>>) target(%dma_start3A_1037 : memref<256xi32, #tpu.memory_space<vmem>>) target_semaphore(%arg8 : memref<!tpu.dma_semaphore, #tpu.memory_space<semaphore_mem>>)
      %dma_wait3A_1039 = arith.constant 0 : i32
      %dma_wait3A_1040 = arith.constant 0 : i32
      %dma_wait3A_1041 = tpu.memref_slice %arg6[%select_n3A_956, %dma_wait3A_1039, %dma_wait3A_1040] : memref<3x256x64xf32, #tpu.memory_space<vmem>> -> memref<1x256x64xf32, #tpu.memory_space<vmem>>
      %dma_wait3A_1042 = tpu.memref_squeeze %dma_wait3A_1041 : memref<1x256x64xf32, #tpu.memory_space<vmem>> -> memref<256x64xf32, #tpu.memory_space<vmem>>
      %dma_wait3A_1043 = arith.constant 0 : i32
      %dma_wait3A_1044 = arith.constant 0 : i32
      %dma_wait3A_1045 = tpu.memref_slice %arg3[%dma_wait3A_1043, %dma_wait3A_1044] : memref<1000000x64xf32, #tpu.memory_space<hbm>> -> memref<256x64xf32, #tpu.memory_space<hbm>>
      %dma_wait3A_1046 = arith.constant 0 : i32
      %dma_wait3A_1047 = arith.constant 0 : i32
      %dma_wait3A_1048 = tpu.memref_slice %arg6[%select_n3A_956, %dma_wait3A_1046, %dma_wait3A_1047] : memref<3x256x64xf32, #tpu.memory_space<vmem>> -> memref<1x256x64xf32, #tpu.memory_space<vmem>>
      %dma_wait3A_1049 = tpu.memref_squeeze %dma_wait3A_1048 : memref<1x256x64xf32, #tpu.memory_space<vmem>> -> memref<256x64xf32, #tpu.memory_space<vmem>>
      %dma_wait3A_1050 = arith.constant 0 : i32
      %dma_wait3A_1051 = arith.constant 0 : i32
      %dma_wait3A_1052 = tpu.memref_slice %arg3[%dma_wait3A_1050, %dma_wait3A_1051] : memref<1000000x64xf32, #tpu.memory_space<hbm>> -> memref<256x64xf32, #tpu.memory_space<hbm>>
      tpu.wait_dma2 semaphore(%arg10 : memref<!tpu.dma_semaphore, #tpu.memory_space<semaphore_mem>>) src(%dma_wait3A_1052 : memref<256x64xf32, #tpu.memory_space<hbm>>) dst(%dma_wait3A_1049 : memref<256x64xf32, #tpu.memory_space<vmem>>)
      %parallel_loop3A_1053 = arith.constant 0 : i32
      %parallel_loop3A_1054 = arith.constant 256 : i32
      %parallel_loop3A_1055 = arith.constant 1 : i32
      scf.for %parallel_loop3A_1120 = %parallel_loop3A_1053 to %parallel_loop3A_1054 step %parallel_loop3A_1055  : i32 {
        %parallel_loop3A_1121 = arith.constant 0 : i32
        %parallel_loop3A_1122 = vector.broadcast %parallel_loop3A_1121 : i32 to vector<16xi32>
        %parallel_loop3A_1123 = arith.constant 128 : i32
        %parallel_loop3A_1124 = arith.divsi %parallel_loop3A_1120, %parallel_loop3A_1123 : i32
        %parallel_loop3A_1125 = arith.constant 0 : i32
        %parallel_loop3A_1126 = arith.cmpi sgt, %parallel_loop3A_1120, %parallel_loop3A_1125 : i32
        %parallel_loop3A_1127 = arith.extui %parallel_loop3A_1126 : i1 to i32
        %parallel_loop3A_1128 = arith.constant 0 : i32
        %parallel_loop3A_1129 = arith.cmpi slt, %parallel_loop3A_1120, %parallel_loop3A_1128 : i32
        %parallel_loop3A_1130 = arith.extui %parallel_loop3A_1129 : i1 to i32
        %parallel_loop3A_1131 = arith.subi %parallel_loop3A_1127, %parallel_loop3A_1130 : i32
        %parallel_loop3A_1132 = arith.constant 0 : i32
        %parallel_loop3A_1133 = arith.cmpi sgt, %parallel_loop3A_1123, %parallel_loop3A_1132 : i32
        %parallel_loop3A_1134 = arith.extui %parallel_loop3A_1133 : i1 to i32
        %parallel_loop3A_1135 = arith.constant 0 : i32
        %parallel_loop3A_1136 = arith.cmpi slt, %parallel_loop3A_1123, %parallel_loop3A_1135 : i32
        %parallel_loop3A_1137 = arith.extui %parallel_loop3A_1136 : i1 to i32
        %parallel_loop3A_1138 = arith.subi %parallel_loop3A_1134, %parallel_loop3A_1137 : i32
        %parallel_loop3A_1139 = arith.cmpi ne, %parallel_loop3A_1131, %parallel_loop3A_1138 : i32
        %parallel_loop3A_1140 = arith.remsi %parallel_loop3A_1120, %parallel_loop3A_1123 : i32
        %parallel_loop3A_1141 = arith.constant 0 : i32
        %parallel_loop3A_1142 = arith.cmpi ne, %parallel_loop3A_1140, %parallel_loop3A_1141 : i32
        %parallel_loop3A_1143 = arith.andi %parallel_loop3A_1139, %parallel_loop3A_1142 : i1
        %parallel_loop3A_1144 = arith.constant 1 : i32
        %parallel_loop3A_1145 = arith.subi %parallel_loop3A_1124, %parallel_loop3A_1144 : i32
        %parallel_loop3A_1146 = arith.select %parallel_loop3A_1143, %parallel_loop3A_1145, %parallel_loop3A_1124 : i32
        %parallel_loop3A_1147 = vector.broadcast %parallel_loop3A_1146 : i32 to vector<16xi32>
        %parallel_loop3A_1148 = arith.addi %parallel_loop3A_1122, %parallel_loop3A_1147 : vector<16xi32>
        %parallel_loop3A_1149 = arith.constant 0 : i32
        %parallel_loop3A_1150 = vector.broadcast %parallel_loop3A_1149 : i32 to vector<16xi32>
        %parallel_loop3A_1151 = arith.constant 128 : i32
        %parallel_loop3A_1152 = arith.constant 0 : i32
        %parallel_loop3A_1153 = arith.cmpi eq, %parallel_loop3A_1151, %parallel_loop3A_1152 : i32
        %parallel_loop3A_1154 = arith.constant 1 : i32
        %parallel_loop3A_1155 = arith.select %parallel_loop3A_1153, %parallel_loop3A_1154, %parallel_loop3A_1151 : i32
        %parallel_loop3A_1156 = arith.remsi %parallel_loop3A_1120, %parallel_loop3A_1155 : i32
        %parallel_loop3A_1157 = arith.constant 0 : i32
        %parallel_loop3A_1158 = arith.cmpi ne, %parallel_loop3A_1156, %parallel_loop3A_1157 : i32
        %parallel_loop3A_1159 = arith.constant 0 : i32
        %parallel_loop3A_1160 = arith.cmpi slt, %parallel_loop3A_1156, %parallel_loop3A_1159 : i32
        %parallel_loop3A_1161 = arith.constant 0 : i32
        %parallel_loop3A_1162 = arith.cmpi slt, %parallel_loop3A_1155, %parallel_loop3A_1161 : i32
        %parallel_loop3A_1163 = arith.xori %parallel_loop3A_1160, %parallel_loop3A_1162 : i1
        %parallel_loop3A_1164 = arith.andi %parallel_loop3A_1163, %parallel_loop3A_1158 : i1
        %parallel_loop3A_1165 = arith.addi %parallel_loop3A_1156, %parallel_loop3A_1155 : i32
        %parallel_loop3A_1166 = arith.select %parallel_loop3A_1164, %parallel_loop3A_1165, %parallel_loop3A_1156 : i32
        %parallel_loop3A_1167 = vector.broadcast %parallel_loop3A_1166 : i32 to vector<16xi32>
        %parallel_loop3A_1168 = arith.addi %parallel_loop3A_1150, %parallel_loop3A_1167 : vector<16xi32>
        %parallel_loop3A_1169 = arith.constant 0 : i32
        %parallel_loop3A_1170 = arith.constant 0 : i32
        %parallel_loop3A_1171 = tpu.memref_slice %arg6[%select_n3A_940, %parallel_loop3A_1169, %parallel_loop3A_1170] : memref<3x256x64xf32, #tpu.memory_space<vmem>> -> memref<1x256x64xf32, #tpu.memory_space<vmem>>
        %parallel_loop3A_1172 = tpu.memref_squeeze %parallel_loop3A_1171 : memref<1x256x64xf32, #tpu.memory_space<vmem>> -> memref<256x64xf32, #tpu.memory_space<vmem>>
        %parallel_loop3A_1173 = arith.index_cast %parallel_loop3A_1120 : i32 to index
        %parallel_loop3A_1174 = arith.constant 0 : index
        %parallel_loop3A_1175 = tpu.vector_load %parallel_loop3A_1172[%parallel_loop3A_1173, %parallel_loop3A_1174] {strides = array<i32>} : memref<256x64xf32, #tpu.memory_space<vmem>>, vector<16xf32>,
        %parallel_loop3A_1176 = arith.constant 0 : i32
        %parallel_loop3A_1177 = arith.constant 0 : i32
        %parallel_loop3A_1178 = arith.constant 0 : i32
        %parallel_loop3A_1179 = arith.constant 0 : i32
        %parallel_loop3A_1180 = tpu.memref_slice %arg7[%select_n3A_956, %parallel_loop3A_1176, %parallel_loop3A_1177, %parallel_loop3A_1178, %parallel_loop3A_1179] : memref<2x8x2x8x129xf32, #tpu.memory_space<vmem>> -> memref<1x8x2x8x129xf32, #tpu.memory_space<vmem>>
        %parallel_loop3A_1181 = tpu.memref_squeeze %parallel_loop3A_1180 : memref<1x8x2x8x129xf32, #tpu.memory_space<vmem>> -> memref<8x2x8x129xf32, #tpu.memory_space<vmem>>
        tpu.vector_store_idx %parallel_loop3A_1181[%select_n3A, %parallel_loop3A_1148, %select_n3A_153, %parallel_loop3A_1168], %parallel_loop3A_1175 : memref<8x2x8x129xf32, #tpu.memory_space<vmem>>[vector<16xi32>, vector<16xi32>, vector<16xi32>, vector<16xi32>], vector<16xf32>,
        %parallel_loop3A_1182 = arith.constant 0 : i32
        %parallel_loop3A_1183 = arith.constant 0 : i32
        %parallel_loop3A_1184 = tpu.memref_slice %arg6[%select_n3A_940, %parallel_loop3A_1182, %parallel_loop3A_1183] : memref<3x256x64xf32, #tpu.memory_space<vmem>> -> memref<1x256x64xf32, #tpu.memory_space<vmem>>
        %parallel_loop3A_1185 = tpu.memref_squeeze %parallel_loop3A_1184 : memref<1x256x64xf32, #tpu.memory_space<vmem>> -> memref<256x64xf32, #tpu.memory_space<vmem>>
        %parallel_loop3A_1186 = arith.index_cast %parallel_loop3A_1120 : i32 to index
        %parallel_loop3A_1187 = arith.constant 16 : index
        %parallel_loop3A_1188 = tpu.vector_load %parallel_loop3A_1185[%parallel_loop3A_1186, %parallel_loop3A_1187] {strides = array<i32>} : memref<256x64xf32, #tpu.memory_space<vmem>>, vector<16xf32>,
        %parallel_loop3A_1189 = arith.constant 0 : i32
        %parallel_loop3A_1190 = arith.constant 0 : i32
        %parallel_loop3A_1191 = arith.constant 0 : i32
        %parallel_loop3A_1192 = arith.constant 0 : i32
        %parallel_loop3A_1193 = tpu.memref_slice %arg7[%select_n3A_956, %parallel_loop3A_1189, %parallel_loop3A_1190, %parallel_loop3A_1191, %parallel_loop3A_1192] : memref<2x8x2x8x129xf32, #tpu.memory_space<vmem>> -> memref<1x8x2x8x129xf32, #tpu.memory_space<vmem>>
        %parallel_loop3A_1194 = tpu.memref_squeeze %parallel_loop3A_1193 : memref<1x8x2x8x129xf32, #tpu.memory_space<vmem>> -> memref<8x2x8x129xf32, #tpu.memory_space<vmem>>
        tpu.vector_store_idx %parallel_loop3A_1194[%select_n3A_62, %parallel_loop3A_1148, %select_n3A_178, %parallel_loop3A_1168], %parallel_loop3A_1188 : memref<8x2x8x129xf32, #tpu.memory_space<vmem>>[vector<16xi32>, vector<16xi32>, vector<16xi32>, vector<16xi32>], vector<16xf32>,
        %parallel_loop3A_1195 = arith.constant 0 : i32
        %parallel_loop3A_1196 = arith.constant 0 : i32
        %parallel_loop3A_1197 = tpu.memref_slice %arg6[%select_n3A_940, %parallel_loop3A_1195, %parallel_loop3A_1196] : memref<3x256x64xf32, #tpu.memory_space<vmem>> -> memref<1x256x64xf32, #tpu.memory_space<vmem>>
        %parallel_loop3A_1198 = tpu.memref_squeeze %parallel_loop3A_1197 : memref<1x256x64xf32, #tpu.memory_space<vmem>> -> memref<256x64xf32, #tpu.memory_space<vmem>>
        %parallel_loop3A_1199 = arith.index_cast %parallel_loop3A_1120 : i32 to index
        %parallel_loop3A_1200 = arith.constant 32 : index
        %parallel_loop3A_1201 = tpu.vector_load %parallel_loop3A_1198[%parallel_loop3A_1199, %parallel_loop3A_1200] {strides = array<i32>} : memref<256x64xf32, #tpu.memory_space<vmem>>, vector<16xf32>,
        %parallel_loop3A_1202 = arith.constant 0 : i32
        %parallel_loop3A_1203 = arith.constant 0 : i32
        %parallel_loop3A_1204 = arith.constant 0 : i32
        %parallel_loop3A_1205 = arith.constant 0 : i32
        %parallel_loop3A_1206 = tpu.memref_slice %arg7[%select_n3A_956, %parallel_loop3A_1202, %parallel_loop3A_1203, %parallel_loop3A_1204, %parallel_loop3A_1205] : memref<2x8x2x8x129xf32, #tpu.memory_space<vmem>> -> memref<1x8x2x8x129xf32, #tpu.memory_space<vmem>>
        %parallel_loop3A_1207 = tpu.memref_squeeze %parallel_loop3A_1206 : memref<1x8x2x8x129xf32, #tpu.memory_space<vmem>> -> memref<8x2x8x129xf32, #tpu.memory_space<vmem>>
        tpu.vector_store_idx %parallel_loop3A_1207[%select_n3A_96, %parallel_loop3A_1148, %select_n3A_203, %parallel_loop3A_1168], %parallel_loop3A_1201 : memref<8x2x8x129xf32, #tpu.memory_space<vmem>>[vector<16xi32>, vector<16xi32>, vector<16xi32>, vector<16xi32>], vector<16xf32>,
        %parallel_loop3A_1208 = arith.constant 0 : i32
        %parallel_loop3A_1209 = arith.constant 0 : i32
        %parallel_loop3A_1210 = tpu.memref_slice %arg6[%select_n3A_940, %parallel_loop3A_1208, %parallel_loop3A_1209] : memref<3x256x64xf32, #tpu.memory_space<vmem>> -> memref<1x256x64xf32, #tpu.memory_space<vmem>>
        %parallel_loop3A_1211 = tpu.memref_squeeze %parallel_loop3A_1210 : memref<1x256x64xf32, #tpu.memory_space<vmem>> -> memref<256x64xf32, #tpu.memory_space<vmem>>
        %parallel_loop3A_1212 = arith.index_cast %parallel_loop3A_1120 : i32 to index
        %parallel_loop3A_1213 = arith.constant 48 : index
        %parallel_loop3A_1214 = tpu.vector_load %parallel_loop3A_1211[%parallel_loop3A_1212, %parallel_loop3A_1213] {strides = array<i32>} : memref<256x64xf32, #tpu.memory_space<vmem>>, vector<16xf32>,
        %parallel_loop3A_1215 = arith.constant 0 : i32
        %parallel_loop3A_1216 = arith.constant 0 : i32
        %parallel_loop3A_1217 = arith.constant 0 : i32
        %parallel_loop3A_1218 = arith.constant 0 : i32
        %parallel_loop3A_1219 = tpu.memref_slice %arg7[%select_n3A_956, %parallel_loop3A_1215, %parallel_loop3A_1216, %parallel_loop3A_1217, %parallel_loop3A_1218] : memref<2x8x2x8x129xf32, #tpu.memory_space<vmem>> -> memref<1x8x2x8x129xf32, #tpu.memory_space<vmem>>
        %parallel_loop3A_1220 = tpu.memref_squeeze %parallel_loop3A_1219 : memref<1x8x2x8x129xf32, #tpu.memory_space<vmem>> -> memref<8x2x8x129xf32, #tpu.memory_space<vmem>>
        tpu.vector_store_idx %parallel_loop3A_1220[%select_n3A_130, %parallel_loop3A_1148, %select_n3A_228, %parallel_loop3A_1168], %parallel_loop3A_1214 : memref<8x2x8x129xf32, #tpu.memory_space<vmem>>[vector<16xi32>, vector<16xi32>, vector<16xi32>, vector<16xi32>], vector<16xf32>,
      } {sc.loop_unroll_factor = 4 : i64, sc.parallel_access}
      %jit3A_1056 = arith.constant 64 : i32
      %div3A_1057 = arith.divsi %add3A_924, %jit3A_1056 : i32
      %sign3A_1058 = arith.constant 0 : i32
      %sign3A_1059 = arith.cmpi sgt, %add3A_924, %sign3A_1058 : i32
      %sign3A_1060 = arith.extui %sign3A_1059 : i1 to i32
      %sign3A_1061 = arith.constant 0 : i32
      %sign3A_1062 = arith.cmpi slt, %add3A_924, %sign3A_1061 : i32
      %sign3A_1063 = arith.extui %sign3A_1062 : i1 to i32
      %sign3A_1064 = arith.subi %sign3A_1060, %sign3A_1063 : i32
      %sign3A_1065 = arith.constant 0 : i32
      %sign3A_1066 = arith.cmpi sgt, %jit3A_1056, %sign3A_1065 : i32
      %sign3A_1067 = arith.extui %sign3A_1066 : i1 to i32
      %sign3A_1068 = arith.constant 0 : i32
      %sign3A_1069 = arith.cmpi slt, %jit3A_1056, %sign3A_1068 : i32
      %sign3A_1070 = arith.extui %sign3A_1069 : i1 to i32
      %sign3A_1071 = arith.subi %sign3A_1067, %sign3A_1070 : i32
      %ne3A_1072 = arith.cmpi ne, %sign3A_1064, %sign3A_1071 : i32
      %rem3A_1073 = arith.remsi %add3A_924, %jit3A_1056 : i32
      %ne3A_1074 = arith.constant 0 : i32
      %ne3A_1075 = arith.cmpi ne, %rem3A_1073, %ne3A_1074 : i32
      %and3A_1076 = arith.andi %ne3A_1072, %ne3A_1075 : i1
      %sub3A_1077 = arith.constant 1 : i32
      %sub3A_1078 = arith.subi %div3A_1057, %sub3A_1077 : i32
      %select_n3A_1079 = arith.select %and3A_1076, %sub3A_1078, %div3A_1057 : i32
      %jit3A_1080 = arith.constant 64 : i32
      %eq3A_1081 = arith.constant 0 : i32
      %eq3A_1082 = arith.cmpi eq, %jit3A_1080, %eq3A_1081 : i32
      %jit3A_1083 = arith.constant 1 : i32
      %select_n3A_1084 = arith.select %eq3A_1082, %jit3A_1083, %jit3A_1080 : i32
      %rem3A_1085 = arith.remsi %add3A_924, %select_n3A_1084 : i32
      %ne3A_1086 = arith.constant 0 : i32
      %ne3A_1087 = arith.cmpi ne, %rem3A_1085, %ne3A_1086 : i32
      %lt3A_1088 = arith.constant 0 : i32
      %lt3A_1089 = arith.cmpi slt, %rem3A_1085, %lt3A_1088 : i32
      %lt3A_1090 = arith.constant 0 : i32
      %lt3A_1091 = arith.cmpi slt, %select_n3A_1084, %lt3A_1090 : i32
      %ne3A_1092 = arith.xori %lt3A_1089, %lt3A_1091 : i1
      %and3A_1093 = arith.andi %ne3A_1092, %ne3A_1087 : i1
      %add3A_1094 = arith.addi %rem3A_1085, %select_n3A_1084 : i32
      %select_n3A_1095 = arith.select %and3A_1093, %add3A_1094, %rem3A_1085 : i32
      %mul3A_1096 = arith.constant 2 : i32
      %mul3A_1097 = arith.muli %select_n3A_1095, %mul3A_1096 : i32
      %dma_start3A_1098 = arith.constant 0 : i32
      %dma_start3A_1099 = arith.constant 0 : i32
      %dma_start3A_1100 = arith.constant 0 : i32
      %dma_start3A_1101 = arith.constant 0 : i32
      %dma_start3A_1102 = tpu.memref_slice %arg7[%select_n3A_956, %dma_start3A_1098, %dma_start3A_1099, %dma_start3A_1100, %dma_start3A_1101] : memref<2x8x2x8x129xf32, #tpu.memory_space<vmem>> -> memref<1x8x2x8x128xf32, #tpu.memory_space<vmem>>
      %dma_start3A_1103 = tpu.memref_squeeze %dma_start3A_1102 : memref<1x8x2x8x128xf32, #tpu.memory_space<vmem>> -> memref<8x2x8x128xf32, #tpu.memory_space<vmem>>
      %dma_start3A_1104 = arith.constant 0 : i32
      %dma_start3A_1105 = arith.constant 0 : i32
      %dma_start3A_1106 = arith.constant 0 : i32
      %dma_start3A_1107 = tpu.memref_slice %arg4[%select_n3A_1079, %dma_start3A_1104, %mul3A_1097, %dma_start3A_1105, %dma_start3A_1106] : memref<200x8x128x8x128xf32, #tpu.memory_space<hbm>> -> memref<1x8x2x8x128xf32, #tpu.memory_space<hbm>>
      %dma_start3A_1108 = tpu.memref_squeeze %dma_start3A_1107 : memref<1x8x2x8x128xf32, #tpu.memory_space<hbm>> -> memref<8x2x8x128xf32, #tpu.memory_space<hbm>>
      %dma_start3A_1109 = arith.constant 0 : i32
      %dma_start3A_1110 = arith.constant 0 : i32
      %dma_start3A_1111 = arith.constant 0 : i32
      %dma_start3A_1112 = tpu.memref_slice %arg4[%select_n3A_1079, %dma_start3A_1109, %mul3A_1097, %dma_start3A_1110, %dma_start3A_1111] : memref<200x8x128x8x128xf32, #tpu.memory_space<hbm>> -> memref<1x8x2x8x128xf32, #tpu.memory_space<hbm>>
      %dma_start3A_1113 = tpu.memref_squeeze %dma_start3A_1112 : memref<1x8x2x8x128xf32, #tpu.memory_space<hbm>> -> memref<8x2x8x128xf32, #tpu.memory_space<hbm>>
      %dma_start3A_1114 = arith.constant 0 : i32
      %dma_start3A_1115 = arith.constant 0 : i32
      %dma_start3A_1116 = arith.constant 0 : i32
      %dma_start3A_1117 = arith.constant 0 : i32
      %dma_start3A_1118 = tpu.memref_slice %arg7[%select_n3A_956, %dma_start3A_1114, %dma_start3A_1115, %dma_start3A_1116, %dma_start3A_1117] : memref<2x8x2x8x129xf32, #tpu.memory_space<vmem>> -> memref<1x8x2x8x128xf32, #tpu.memory_space<vmem>>
      %dma_start3A_1119 = tpu.memref_squeeze %dma_start3A_1118 : memref<1x8x2x8x128xf32, #tpu.memory_space<vmem>> -> memref<8x2x8x128xf32, #tpu.memory_space<vmem>>
      tpu.enqueue_dma source(%dma_start3A_1119 : memref<8x2x8x128xf32, #tpu.memory_space<vmem>>) target(%dma_start3A_1113 : memref<8x2x8x128xf32, #tpu.memory_space<hbm>>) target_semaphore(%arg10 : memref<!tpu.dma_semaphore, #tpu.memory_space<semaphore_mem>>)
    }
    %scan3A_563 = arith.constant 395 : i32
    %dma_wait3A_564 = arith.constant 1 : i32
    %dma_wait3A_565 = arith.constant 0 : i32
    %dma_wait3A_566 = arith.constant 0 : i32
    %dma_wait3A_567 = tpu.memref_slice %arg6[%dma_wait3A_564, %dma_wait3A_565, %dma_wait3A_566] : memref<3x256x64xf32, #tpu.memory_space<vmem>> -> memref<1x256x64xf32, #tpu.memory_space<vmem>>
    %dma_wait3A_568 = tpu.memref_squeeze %dma_wait3A_567 : memref<1x256x64xf32, #tpu.memory_space<vmem>> -> memref<256x64xf32, #tpu.memory_space<vmem>>
    %dma_wait3A_569 = arith.constant 0 : i32
    %dma_wait3A_570 = arith.constant 0 : i32
    %dma_wait3A_571 = tpu.memref_slice %arg3[%dma_wait3A_569, %dma_wait3A_570] : memref<1000000x64xf32, #tpu.memory_space<hbm>> -> memref<256x64xf32, #tpu.memory_space<hbm>>
    %dma_wait3A_572 = arith.constant 0 : i32
    %dma_wait3A_573 = arith.constant 0 : i32
    %dma_wait3A_574 = tpu.memref_slice %arg6[%dma_wait3A_564, %dma_wait3A_572, %dma_wait3A_573] : memref<3x256x64xf32, #tpu.memory_space<vmem>> -> memref<1x256x64xf32, #tpu.memory_space<vmem>>
    %dma_wait3A_575 = tpu.memref_squeeze %dma_wait3A_574 : memref<1x256x64xf32, #tpu.memory_space<vmem>> -> memref<256x64xf32, #tpu.memory_space<vmem>>
    %dma_wait3A_576 = arith.constant 0 : i32
    %dma_wait3A_577 = arith.constant 0 : i32
    %dma_wait3A_578 = tpu.memref_slice %arg3[%dma_wait3A_576, %dma_wait3A_577] : memref<1000000x64xf32, #tpu.memory_space<hbm>> -> memref<256x64xf32, #tpu.memory_space<hbm>>
    tpu.wait_dma2 semaphore(%arg9 : memref<!tpu.dma_semaphore, #tpu.memory_space<semaphore_mem>>) src(%dma_wait3A_578 : memref<256x64xf32, #tpu.memory_space<hbm>>) dst(%dma_wait3A_575 : memref<256x64xf32, #tpu.memory_space<vmem>>)
    %dma_wait3A_579 = arith.constant 0 : i32
    %dma_wait3A_580 = arith.constant 0 : i32
    %dma_wait3A_581 = tpu.memref_slice %arg5[%dma_wait3A_579, %dma_wait3A_580] : memref<3x256xi32, #tpu.memory_space<vmem>> -> memref<1x256xi32, #tpu.memory_space<vmem>>
    %dma_wait3A_582 = tpu.memref_squeeze %dma_wait3A_581 : memref<1x256xi32, #tpu.memory_space<vmem>> -> memref<256xi32, #tpu.memory_space<vmem>>
    %dma_wait3A_583 = arith.constant 0 : i32
    %dma_wait3A_584 = tpu.memref_slice %arg2[%dma_wait3A_583] : memref<3276800xi32, #tpu.memory_space<hbm>> -> memref<256xi32, #tpu.memory_space<hbm>>
    %dma_wait3A_585 = arith.constant 0 : i32
    %dma_wait3A_586 = tpu.memref_slice %arg5[%dma_wait3A_579, %dma_wait3A_585] : memref<3x256xi32, #tpu.memory_space<vmem>> -> memref<1x256xi32, #tpu.memory_space<vmem>>
    %dma_wait3A_587 = tpu.memref_squeeze %dma_wait3A_586 : memref<1x256xi32, #tpu.memory_space<vmem>> -> memref<256xi32, #tpu.memory_space<vmem>>
    %dma_wait3A_588 = arith.constant 0 : i32
    %dma_wait3A_589 = tpu.memref_slice %arg2[%dma_wait3A_588] : memref<3276800xi32, #tpu.memory_space<hbm>> -> memref<256xi32, #tpu.memory_space<hbm>>
    tpu.wait_dma2 semaphore(%arg8 : memref<!tpu.dma_semaphore, #tpu.memory_space<semaphore_mem>>) src(%dma_wait3A_589 : memref<256xi32, #tpu.memory_space<hbm>>) dst(%dma_wait3A_587 : memref<256xi32, #tpu.memory_space<vmem>>)
    %dma_start3A_590 = arith.constant 0 : i32
    %dma_start3A_591 = arith.constant 0 : i32
    %dma_start3A_592 = arith.constant 0 : i32
    %dma_start3A_593 = arith.constant 0 : i32
    %dma_start3A_594 = tpu.memref_slice %arg6[%dma_start3A_591, %dma_start3A_592, %dma_start3A_593] : memref<3x256x64xf32, #tpu.memory_space<vmem>> -> memref<1x256x64xf32, #tpu.memory_space<vmem>>
    %dma_start3A_595 = tpu.memref_squeeze %dma_start3A_594 : memref<1x256x64xf32, #tpu.memory_space<vmem>> -> memref<256x64xf32, #tpu.memory_space<vmem>>
    %dma_start3A_596 = arith.constant 0 : i32
    %dma_start3A_597 = tpu.memref_slice %arg5[%dma_start3A_590, %dma_start3A_596] : memref<3x256xi32, #tpu.memory_space<vmem>> -> memref<1x256xi32, #tpu.memory_space<vmem>>
    %dma_start3A_598 = tpu.memref_squeeze %dma_start3A_597 : memref<1x256xi32, #tpu.memory_space<vmem>> -> memref<256xi32, #tpu.memory_space<vmem>>
    %dma_start3A_599 = arith.constant 0 : i32
    %dma_start3A_600 = arith.constant 0 : i32
    %dma_start3A_601 = tpu.memref_slice %arg3[%dma_start3A_599, %dma_start3A_600] : memref<1000000x64xf32, #tpu.memory_space<hbm>> -> memref<1000000x64xf32, #tpu.memory_space<hbm>>
    tpu.enqueue_indirect_dma source(%dma_start3A_601 : memref<1000000x64xf32, #tpu.memory_space<hbm>>) target(%dma_start3A_595 : memref<256x64xf32, #tpu.memory_space<vmem>>) offsets(%dma_start3A_598 : memref<256xi32, #tpu.memory_space<vmem>>) semaphore(%arg9 : memref<!tpu.dma_semaphore, #tpu.memory_space<semaphore_mem>>)
    %dma_wait3A_602 = arith.constant 1 : i32
    %dma_wait3A_603 = arith.constant 0 : i32
    %dma_wait3A_604 = arith.constant 0 : i32
    %dma_wait3A_605 = tpu.memref_slice %arg6[%dma_wait3A_602, %dma_wait3A_603, %dma_wait3A_604] : memref<3x256x64xf32, #tpu.memory_space<vmem>> -> memref<1x256x64xf32, #tpu.memory_space<vmem>>
    %dma_wait3A_606 = tpu.memref_squeeze %dma_wait3A_605 : memref<1x256x64xf32, #tpu.memory_space<vmem>> -> memref<256x64xf32, #tpu.memory_space<vmem>>
    %dma_wait3A_607 = arith.constant 0 : i32
    %dma_wait3A_608 = arith.constant 0 : i32
    %dma_wait3A_609 = tpu.memref_slice %arg3[%dma_wait3A_607, %dma_wait3A_608] : memref<1000000x64xf32, #tpu.memory_space<hbm>> -> memref<256x64xf32, #tpu.memory_space<hbm>>
    %dma_wait3A_610 = arith.constant 0 : i32
    %dma_wait3A_611 = arith.constant 0 : i32
    %dma_wait3A_612 = tpu.memref_slice %arg6[%dma_wait3A_602, %dma_wait3A_610, %dma_wait3A_611] : memref<3x256x64xf32, #tpu.memory_space<vmem>> -> memref<1x256x64xf32, #tpu.memory_space<vmem>>
    %dma_wait3A_613 = tpu.memref_squeeze %dma_wait3A_612 : memref<1x256x64xf32, #tpu.memory_space<vmem>> -> memref<256x64xf32, #tpu.memory_space<vmem>>
    %dma_wait3A_614 = arith.constant 0 : i32
    %dma_wait3A_615 = arith.constant 0 : i32
    %dma_wait3A_616 = tpu.memref_slice %arg3[%dma_wait3A_614, %dma_wait3A_615] : memref<1000000x64xf32, #tpu.memory_space<hbm>> -> memref<256x64xf32, #tpu.memory_space<hbm>>
    tpu.wait_dma2 semaphore(%arg10 : memref<!tpu.dma_semaphore, #tpu.memory_space<semaphore_mem>>) src(%dma_wait3A_616 : memref<256x64xf32, #tpu.memory_space<hbm>>) dst(%dma_wait3A_613 : memref<256x64xf32, #tpu.memory_space<vmem>>)
    %parallel_loop3A_617 = arith.constant 0 : i32
    %parallel_loop3A_618 = arith.constant 256 : i32
    %parallel_loop3A_619 = arith.constant 1 : i32
    %parallel_loop3A_620 = arith.constant 1 : i32
    %parallel_loop3A_621 = arith.constant 1 : i32
    scf.for %parallel_loop3A_923 = %parallel_loop3A_617 to %parallel_loop3A_618 step %parallel_loop3A_619  : i32 {
      %parallel_loop3A_924 = arith.constant 0 : i32
      %parallel_loop3A_925 = vector.broadcast %parallel_loop3A_924 : i32 to vector<16xi32>
      %parallel_loop3A_926 = arith.constant 128 : i32
      %parallel_loop3A_927 = arith.divsi %parallel_loop3A_923, %parallel_loop3A_926 : i32
      %parallel_loop3A_928 = arith.constant 0 : i32
      %parallel_loop3A_929 = arith.cmpi sgt, %parallel_loop3A_923, %parallel_loop3A_928 : i32
      %parallel_loop3A_930 = arith.extui %parallel_loop3A_929 : i1 to i32
      %parallel_loop3A_931 = arith.constant 0 : i32
      %parallel_loop3A_932 = arith.cmpi slt, %parallel_loop3A_923, %parallel_loop3A_931 : i32
      %parallel_loop3A_933 = arith.extui %parallel_loop3A_932 : i1 to i32
      %parallel_loop3A_934 = arith.subi %parallel_loop3A_930, %parallel_loop3A_933 : i32
      %parallel_loop3A_935 = arith.constant 0 : i32
      %parallel_loop3A_936 = arith.cmpi sgt, %parallel_loop3A_926, %parallel_loop3A_935 : i32
      %parallel_loop3A_937 = arith.extui %parallel_loop3A_936 : i1 to i32
      %parallel_loop3A_938 = arith.constant 0 : i32
      %parallel_loop3A_939 = arith.cmpi slt, %parallel_loop3A_926, %parallel_loop3A_938 : i32
      %parallel_loop3A_940 = arith.extui %parallel_loop3A_939 : i1 to i32
      %parallel_loop3A_941 = arith.subi %parallel_loop3A_937, %parallel_loop3A_940 : i32
      %parallel_loop3A_942 = arith.cmpi ne, %parallel_loop3A_934, %parallel_loop3A_941 : i32
      %parallel_loop3A_943 = arith.remsi %parallel_loop3A_923, %parallel_loop3A_926 : i32
      %parallel_loop3A_944 = arith.constant 0 : i32
      %parallel_loop3A_945 = arith.cmpi ne, %parallel_loop3A_943, %parallel_loop3A_944 : i32
      %parallel_loop3A_946 = arith.andi %parallel_loop3A_942, %parallel_loop3A_945 : i1
      %parallel_loop3A_947 = arith.constant 1 : i32
      %parallel_loop3A_948 = arith.subi %parallel_loop3A_927, %parallel_loop3A_947 : i32
      %parallel_loop3A_949 = arith.select %parallel_loop3A_946, %parallel_loop3A_948, %parallel_loop3A_927 : i32
      %parallel_loop3A_950 = vector.broadcast %parallel_loop3A_949 : i32 to vector<16xi32>
      %parallel_loop3A_951 = arith.addi %parallel_loop3A_925, %parallel_loop3A_950 : vector<16xi32>
      %parallel_loop3A_952 = arith.constant 0 : i32
      %parallel_loop3A_953 = vector.broadcast %parallel_loop3A_952 : i32 to vector<16xi32>
      %parallel_loop3A_954 = arith.constant 128 : i32
      %parallel_loop3A_955 = arith.constant 0 : i32
      %parallel_loop3A_956 = arith.cmpi eq, %parallel_loop3A_954, %parallel_loop3A_955 : i32
      %parallel_loop3A_957 = arith.constant 1 : i32
      %parallel_loop3A_958 = arith.select %parallel_loop3A_956, %parallel_loop3A_957, %parallel_loop3A_954 : i32
      %parallel_loop3A_959 = arith.remsi %parallel_loop3A_923, %parallel_loop3A_958 : i32
      %parallel_loop3A_960 = arith.constant 0 : i32
      %parallel_loop3A_961 = arith.cmpi ne, %parallel_loop3A_959, %parallel_loop3A_960 : i32
      %parallel_loop3A_962 = arith.constant 0 : i32
      %parallel_loop3A_963 = arith.cmpi slt, %parallel_loop3A_959, %parallel_loop3A_962 : i32
      %parallel_loop3A_964 = arith.constant 0 : i32
      %parallel_loop3A_965 = arith.cmpi slt, %parallel_loop3A_958, %parallel_loop3A_964 : i32
      %parallel_loop3A_966 = arith.xori %parallel_loop3A_963, %parallel_loop3A_965 : i1
      %parallel_loop3A_967 = arith.andi %parallel_loop3A_966, %parallel_loop3A_961 : i1
      %parallel_loop3A_968 = arith.addi %parallel_loop3A_959, %parallel_loop3A_958 : i32
      %parallel_loop3A_969 = arith.select %parallel_loop3A_967, %parallel_loop3A_968, %parallel_loop3A_959 : i32
      %parallel_loop3A_970 = vector.broadcast %parallel_loop3A_969 : i32 to vector<16xi32>
      %parallel_loop3A_971 = arith.addi %parallel_loop3A_953, %parallel_loop3A_970 : vector<16xi32>
      %parallel_loop3A_972 = arith.constant 0 : i32
      %parallel_loop3A_973 = arith.constant 0 : i32
      %parallel_loop3A_974 = tpu.memref_slice %arg6[%parallel_loop3A_620, %parallel_loop3A_972, %parallel_loop3A_973] : memref<3x256x64xf32, #tpu.memory_space<vmem>> -> memref<1x256x64xf32, #tpu.memory_space<vmem>>
      %parallel_loop3A_975 = tpu.memref_squeeze %parallel_loop3A_974 : memref<1x256x64xf32, #tpu.memory_space<vmem>> -> memref<256x64xf32, #tpu.memory_space<vmem>>
      %parallel_loop3A_976 = arith.index_cast %parallel_loop3A_923 : i32 to index
      %parallel_loop3A_977 = arith.constant 0 : index
      %parallel_loop3A_978 = tpu.vector_load %parallel_loop3A_975[%parallel_loop3A_976, %parallel_loop3A_977] {strides = array<i32>} : memref<256x64xf32, #tpu.memory_space<vmem>>, vector<16xf32>,
      %parallel_loop3A_979 = arith.constant 0 : i32
      %parallel_loop3A_980 = arith.constant 0 : i32
      %parallel_loop3A_981 = arith.constant 0 : i32
      %parallel_loop3A_982 = arith.constant 0 : i32
      %parallel_loop3A_983 = tpu.memref_slice %arg7[%parallel_loop3A_621, %parallel_loop3A_979, %parallel_loop3A_980, %parallel_loop3A_981, %parallel_loop3A_982] : memref<2x8x2x8x129xf32, #tpu.memory_space<vmem>> -> memref<1x8x2x8x129xf32, #tpu.memory_space<vmem>>
      %parallel_loop3A_984 = tpu.memref_squeeze %parallel_loop3A_983 : memref<1x8x2x8x129xf32, #tpu.memory_space<vmem>> -> memref<8x2x8x129xf32, #tpu.memory_space<vmem>>
      tpu.vector_store_idx %parallel_loop3A_984[%select_n3A, %parallel_loop3A_951, %select_n3A_153, %parallel_loop3A_971], %parallel_loop3A_978 : memref<8x2x8x129xf32, #tpu.memory_space<vmem>>[vector<16xi32>, vector<16xi32>, vector<16xi32>, vector<16xi32>], vector<16xf32>,
      %parallel_loop3A_985 = arith.constant 0 : i32
      %parallel_loop3A_986 = arith.constant 0 : i32
      %parallel_loop3A_987 = tpu.memref_slice %arg6[%parallel_loop3A_620, %parallel_loop3A_985, %parallel_loop3A_986] : memref<3x256x64xf32, #tpu.memory_space<vmem>> -> memref<1x256x64xf32, #tpu.memory_space<vmem>>
      %parallel_loop3A_988 = tpu.memref_squeeze %parallel_loop3A_987 : memref<1x256x64xf32, #tpu.memory_space<vmem>> -> memref<256x64xf32, #tpu.memory_space<vmem>>
      %parallel_loop3A_989 = arith.index_cast %parallel_loop3A_923 : i32 to index
      %parallel_loop3A_990 = arith.constant 16 : index
      %parallel_loop3A_991 = tpu.vector_load %parallel_loop3A_988[%parallel_loop3A_989, %parallel_loop3A_990] {strides = array<i32>} : memref<256x64xf32, #tpu.memory_space<vmem>>, vector<16xf32>,
      %parallel_loop3A_992 = arith.constant 0 : i32
      %parallel_loop3A_993 = arith.constant 0 : i32
      %parallel_loop3A_994 = arith.constant 0 : i32
      %parallel_loop3A_995 = arith.constant 0 : i32
      %parallel_loop3A_996 = tpu.memref_slice %arg7[%parallel_loop3A_621, %parallel_loop3A_992, %parallel_loop3A_993, %parallel_loop3A_994, %parallel_loop3A_995] : memref<2x8x2x8x129xf32, #tpu.memory_space<vmem>> -> memref<1x8x2x8x129xf32, #tpu.memory_space<vmem>>
      %parallel_loop3A_997 = tpu.memref_squeeze %parallel_loop3A_996 : memref<1x8x2x8x129xf32, #tpu.memory_space<vmem>> -> memref<8x2x8x129xf32, #tpu.memory_space<vmem>>
      tpu.vector_store_idx %parallel_loop3A_997[%select_n3A_62, %parallel_loop3A_951, %select_n3A_178, %parallel_loop3A_971], %parallel_loop3A_991 : memref<8x2x8x129xf32, #tpu.memory_space<vmem>>[vector<16xi32>, vector<16xi32>, vector<16xi32>, vector<16xi32>], vector<16xf32>,
      %parallel_loop3A_998 = arith.constant 0 : i32
      %parallel_loop3A_999 = arith.constant 0 : i32
      %parallel_loop3A_1000 = tpu.memref_slice %arg6[%parallel_loop3A_620, %parallel_loop3A_998, %parallel_loop3A_999] : memref<3x256x64xf32, #tpu.memory_space<vmem>> -> memref<1x256x64xf32, #tpu.memory_space<vmem>>
      %parallel_loop3A_1001 = tpu.memref_squeeze %parallel_loop3A_1000 : memref<1x256x64xf32, #tpu.memory_space<vmem>> -> memref<256x64xf32, #tpu.memory_space<vmem>>
      %parallel_loop3A_1002 = arith.index_cast %parallel_loop3A_923 : i32 to index
      %parallel_loop3A_1003 = arith.constant 32 : index
      %parallel_loop3A_1004 = tpu.vector_load %parallel_loop3A_1001[%parallel_loop3A_1002, %parallel_loop3A_1003] {strides = array<i32>} : memref<256x64xf32, #tpu.memory_space<vmem>>, vector<16xf32>,
      %parallel_loop3A_1005 = arith.constant 0 : i32
      %parallel_loop3A_1006 = arith.constant 0 : i32
      %parallel_loop3A_1007 = arith.constant 0 : i32
      %parallel_loop3A_1008 = arith.constant 0 : i32
      %parallel_loop3A_1009 = tpu.memref_slice %arg7[%parallel_loop3A_621, %parallel_loop3A_1005, %parallel_loop3A_1006, %parallel_loop3A_1007, %parallel_loop3A_1008] : memref<2x8x2x8x129xf32, #tpu.memory_space<vmem>> -> memref<1x8x2x8x129xf32, #tpu.memory_space<vmem>>
      %parallel_loop3A_1010 = tpu.memref_squeeze %parallel_loop3A_1009 : memref<1x8x2x8x129xf32, #tpu.memory_space<vmem>> -> memref<8x2x8x129xf32, #tpu.memory_space<vmem>>
      tpu.vector_store_idx %parallel_loop3A_1010[%select_n3A_96, %parallel_loop3A_951, %select_n3A_203, %parallel_loop3A_971], %parallel_loop3A_1004 : memref<8x2x8x129xf32, #tpu.memory_space<vmem>>[vector<16xi32>, vector<16xi32>, vector<16xi32>, vector<16xi32>], vector<16xf32>,
      %parallel_loop3A_1011 = arith.constant 0 : i32
      %parallel_loop3A_1012 = arith.constant 0 : i32
      %parallel_loop3A_1013 = tpu.memref_slice %arg6[%parallel_loop3A_620, %parallel_loop3A_1011, %parallel_loop3A_1012] : memref<3x256x64xf32, #tpu.memory_space<vmem>> -> memref<1x256x64xf32, #tpu.memory_space<vmem>>
      %parallel_loop3A_1014 = tpu.memref_squeeze %parallel_loop3A_1013 : memref<1x256x64xf32, #tpu.memory_space<vmem>> -> memref<256x64xf32, #tpu.memory_space<vmem>>
      %parallel_loop3A_1015 = arith.index_cast %parallel_loop3A_923 : i32 to index
      %parallel_loop3A_1016 = arith.constant 48 : index
      %parallel_loop3A_1017 = tpu.vector_load %parallel_loop3A_1014[%parallel_loop3A_1015, %parallel_loop3A_1016] {strides = array<i32>} : memref<256x64xf32, #tpu.memory_space<vmem>>, vector<16xf32>,
      %parallel_loop3A_1018 = arith.constant 0 : i32
      %parallel_loop3A_1019 = arith.constant 0 : i32
      %parallel_loop3A_1020 = arith.constant 0 : i32
      %parallel_loop3A_1021 = arith.constant 0 : i32
      %parallel_loop3A_1022 = tpu.memref_slice %arg7[%parallel_loop3A_621, %parallel_loop3A_1018, %parallel_loop3A_1019, %parallel_loop3A_1020, %parallel_loop3A_1021] : memref<2x8x2x8x129xf32, #tpu.memory_space<vmem>> -> memref<1x8x2x8x129xf32, #tpu.memory_space<vmem>>
      %parallel_loop3A_1023 = tpu.memref_squeeze %parallel_loop3A_1022 : memref<1x8x2x8x129xf32, #tpu.memory_space<vmem>> -> memref<8x2x8x129xf32, #tpu.memory_space<vmem>>
      tpu.vector_store_idx %parallel_loop3A_1023[%select_n3A_130, %parallel_loop3A_951, %select_n3A_228, %parallel_loop3A_971], %parallel_loop3A_1017 : memref<8x2x8x129xf32, #tpu.memory_space<vmem>>[vector<16xi32>, vector<16xi32>, vector<16xi32>, vector<16xi32>], vector<16xf32>,
    } {sc.loop_unroll_factor = 4 : i64, sc.parallel_access}
    %add3A_622 = arith.constant 397 : i32
    %add3A_623 = arith.addi %mul3A_2, %add3A_622 : i32
    %jit3A_624 = arith.constant 64 : i32
    %div3A_625 = arith.divsi %add3A_623, %jit3A_624 : i32
    %sign3A_626 = arith.constant 0 : i32
    %sign3A_627 = arith.cmpi sgt, %add3A_623, %sign3A_626 : i32
    %sign3A_628 = arith.extui %sign3A_627 : i1 to i32
    %sign3A_629 = arith.constant 0 : i32
    %sign3A_630 = arith.cmpi slt, %add3A_623, %sign3A_629 : i32
    %sign3A_631 = arith.extui %sign3A_630 : i1 to i32
    %sign3A_632 = arith.subi %sign3A_628, %sign3A_631 : i32
    %sign3A_633 = arith.constant 0 : i32
    %sign3A_634 = arith.cmpi sgt, %jit3A_624, %sign3A_633 : i32
    %sign3A_635 = arith.extui %sign3A_634 : i1 to i32
    %sign3A_636 = arith.constant 0 : i32
    %sign3A_637 = arith.cmpi slt, %jit3A_624, %sign3A_636 : i32
    %sign3A_638 = arith.extui %sign3A_637 : i1 to i32
    %sign3A_639 = arith.subi %sign3A_635, %sign3A_638 : i32
    %ne3A_640 = arith.cmpi ne, %sign3A_632, %sign3A_639 : i32
    %rem3A_641 = arith.remsi %add3A_623, %jit3A_624 : i32
    %ne3A_642 = arith.constant 0 : i32
    %ne3A_643 = arith.cmpi ne, %rem3A_641, %ne3A_642 : i32
    %and3A_644 = arith.andi %ne3A_640, %ne3A_643 : i1
    %sub3A_645 = arith.constant 1 : i32
    %sub3A_646 = arith.subi %div3A_625, %sub3A_645 : i32
    %select_n3A_647 = arith.select %and3A_644, %sub3A_646, %div3A_625 : i32
    %jit3A_648 = arith.constant 64 : i32
    %eq3A_649 = arith.constant 0 : i32
    %eq3A_650 = arith.cmpi eq, %jit3A_648, %eq3A_649 : i32
    %jit3A_651 = arith.constant 1 : i32
    %select_n3A_652 = arith.select %eq3A_650, %jit3A_651, %jit3A_648 : i32
    %rem3A_653 = arith.remsi %add3A_623, %select_n3A_652 : i32
    %ne3A_654 = arith.constant 0 : i32
    %ne3A_655 = arith.cmpi ne, %rem3A_653, %ne3A_654 : i32
    %lt3A_656 = arith.constant 0 : i32
    %lt3A_657 = arith.cmpi slt, %rem3A_653, %lt3A_656 : i32
    %lt3A_658 = arith.constant 0 : i32
    %lt3A_659 = arith.cmpi slt, %select_n3A_652, %lt3A_658 : i32
    %ne3A_660 = arith.xori %lt3A_657, %lt3A_659 : i1
    %and3A_661 = arith.andi %ne3A_660, %ne3A_655 : i1
    %add3A_662 = arith.addi %rem3A_653, %select_n3A_652 : i32
    %select_n3A_663 = arith.select %and3A_661, %add3A_662, %rem3A_653 : i32
    %mul3A_664 = arith.constant 2 : i32
    %mul3A_665 = arith.muli %select_n3A_663, %mul3A_664 : i32
    %dma_start3A_666 = arith.constant 1 : i32
    %dma_start3A_667 = arith.constant 0 : i32
    %dma_start3A_668 = arith.constant 0 : i32
    %dma_start3A_669 = arith.constant 0 : i32
    %dma_start3A_670 = arith.constant 0 : i32
    %dma_start3A_671 = tpu.memref_slice %arg7[%dma_start3A_666, %dma_start3A_667, %dma_start3A_668, %dma_start3A_669, %dma_start3A_670] : memref<2x8x2x8x129xf32, #tpu.memory_space<vmem>> -> memref<1x8x2x8x128xf32, #tpu.memory_space<vmem>>
    %dma_start3A_672 = tpu.memref_squeeze %dma_start3A_671 : memref<1x8x2x8x128xf32, #tpu.memory_space<vmem>> -> memref<8x2x8x128xf32, #tpu.memory_space<vmem>>
    %dma_start3A_673 = arith.constant 0 : i32
    %dma_start3A_674 = arith.constant 0 : i32
    %dma_start3A_675 = arith.constant 0 : i32
    %dma_start3A_676 = tpu.memref_slice %arg4[%select_n3A_647, %dma_start3A_673, %mul3A_665, %dma_start3A_674, %dma_start3A_675] : memref<200x8x128x8x128xf32, #tpu.memory_space<hbm>> -> memref<1x8x2x8x128xf32, #tpu.memory_space<hbm>>
    %dma_start3A_677 = tpu.memref_squeeze %dma_start3A_676 : memref<1x8x2x8x128xf32, #tpu.memory_space<hbm>> -> memref<8x2x8x128xf32, #tpu.memory_space<hbm>>
    %dma_start3A_678 = arith.constant 0 : i32
    %dma_start3A_679 = arith.constant 0 : i32
    %dma_start3A_680 = arith.constant 0 : i32
    %dma_start3A_681 = tpu.memref_slice %arg4[%select_n3A_647, %dma_start3A_678, %mul3A_665, %dma_start3A_679, %dma_start3A_680] : memref<200x8x128x8x128xf32, #tpu.memory_space<hbm>> -> memref<1x8x2x8x128xf32, #tpu.memory_space<hbm>>
    %dma_start3A_682 = tpu.memref_squeeze %dma_start3A_681 : memref<1x8x2x8x128xf32, #tpu.memory_space<hbm>> -> memref<8x2x8x128xf32, #tpu.memory_space<hbm>>
    %dma_start3A_683 = arith.constant 0 : i32
    %dma_start3A_684 = arith.constant 0 : i32
    %dma_start3A_685 = arith.constant 0 : i32
    %dma_start3A_686 = arith.constant 0 : i32
    %dma_start3A_687 = tpu.memref_slice %arg7[%dma_start3A_666, %dma_start3A_683, %dma_start3A_684, %dma_start3A_685, %dma_start3A_686] : memref<2x8x2x8x129xf32, #tpu.memory_space<vmem>> -> memref<1x8x2x8x128xf32, #tpu.memory_space<vmem>>
    %dma_start3A_688 = tpu.memref_squeeze %dma_start3A_687 : memref<1x8x2x8x128xf32, #tpu.memory_space<vmem>> -> memref<8x2x8x128xf32, #tpu.memory_space<vmem>>
    tpu.enqueue_dma source(%dma_start3A_688 : memref<8x2x8x128xf32, #tpu.memory_space<vmem>>) target(%dma_start3A_682 : memref<8x2x8x128xf32, #tpu.memory_space<hbm>>) target_semaphore(%arg10 : memref<!tpu.dma_semaphore, #tpu.memory_space<semaphore_mem>>)
    %dma_wait3A_689 = arith.constant 2 : i32
    %dma_wait3A_690 = arith.constant 0 : i32
    %dma_wait3A_691 = arith.constant 0 : i32
    %dma_wait3A_692 = tpu.memref_slice %arg6[%dma_wait3A_689, %dma_wait3A_690, %dma_wait3A_691] : memref<3x256x64xf32, #tpu.memory_space<vmem>> -> memref<1x256x64xf32, #tpu.memory_space<vmem>>
    %dma_wait3A_693 = tpu.memref_squeeze %dma_wait3A_692 : memref<1x256x64xf32, #tpu.memory_space<vmem>> -> memref<256x64xf32, #tpu.memory_space<vmem>>
    %dma_wait3A_694 = arith.constant 0 : i32
    %dma_wait3A_695 = arith.constant 0 : i32
    %dma_wait3A_696 = tpu.memref_slice %arg3[%dma_wait3A_694, %dma_wait3A_695] : memref<1000000x64xf32, #tpu.memory_space<hbm>> -> memref<256x64xf32, #tpu.memory_space<hbm>>
    %dma_wait3A_697 = arith.constant 0 : i32
    %dma_wait3A_698 = arith.constant 0 : i32
    %dma_wait3A_699 = tpu.memref_slice %arg6[%dma_wait3A_689, %dma_wait3A_697, %dma_wait3A_698] : memref<3x256x64xf32, #tpu.memory_space<vmem>> -> memref<1x256x64xf32, #tpu.memory_space<vmem>>
    %dma_wait3A_700 = tpu.memref_squeeze %dma_wait3A_699 : memref<1x256x64xf32, #tpu.memory_space<vmem>> -> memref<256x64xf32, #tpu.memory_space<vmem>>
    %dma_wait3A_701 = arith.constant 0 : i32
    %dma_wait3A_702 = arith.constant 0 : i32
    %dma_wait3A_703 = tpu.memref_slice %arg3[%dma_wait3A_701, %dma_wait3A_702] : memref<1000000x64xf32, #tpu.memory_space<hbm>> -> memref<256x64xf32, #tpu.memory_space<hbm>>
    tpu.wait_dma2 semaphore(%arg9 : memref<!tpu.dma_semaphore, #tpu.memory_space<semaphore_mem>>) src(%dma_wait3A_703 : memref<256x64xf32, #tpu.memory_space<hbm>>) dst(%dma_wait3A_700 : memref<256x64xf32, #tpu.memory_space<vmem>>)
    %dma_wait3A_704 = arith.constant 0 : i32
    %dma_wait3A_705 = arith.constant 0 : i32
    %dma_wait3A_706 = arith.constant 0 : i32
    %dma_wait3A_707 = tpu.memref_slice %arg6[%dma_wait3A_704, %dma_wait3A_705, %dma_wait3A_706] : memref<3x256x64xf32, #tpu.memory_space<vmem>> -> memref<1x256x64xf32, #tpu.memory_space<vmem>>
    %dma_wait3A_708 = tpu.memref_squeeze %dma_wait3A_707 : memref<1x256x64xf32, #tpu.memory_space<vmem>> -> memref<256x64xf32, #tpu.memory_space<vmem>>
    %dma_wait3A_709 = arith.constant 0 : i32
    %dma_wait3A_710 = arith.constant 0 : i32
    %dma_wait3A_711 = tpu.memref_slice %arg3[%dma_wait3A_709, %dma_wait3A_710] : memref<1000000x64xf32, #tpu.memory_space<hbm>> -> memref<256x64xf32, #tpu.memory_space<hbm>>
    %dma_wait3A_712 = arith.constant 0 : i32
    %dma_wait3A_713 = arith.constant 0 : i32
    %dma_wait3A_714 = tpu.memref_slice %arg6[%dma_wait3A_704, %dma_wait3A_712, %dma_wait3A_713] : memref<3x256x64xf32, #tpu.memory_space<vmem>> -> memref<1x256x64xf32, #tpu.memory_space<vmem>>
    %dma_wait3A_715 = tpu.memref_squeeze %dma_wait3A_714 : memref<1x256x64xf32, #tpu.memory_space<vmem>> -> memref<256x64xf32, #tpu.memory_space<vmem>>
    %dma_wait3A_716 = arith.constant 0 : i32
    %dma_wait3A_717 = arith.constant 0 : i32
    %dma_wait3A_718 = tpu.memref_slice %arg3[%dma_wait3A_716, %dma_wait3A_717] : memref<1000000x64xf32, #tpu.memory_space<hbm>> -> memref<256x64xf32, #tpu.memory_space<hbm>>
    tpu.wait_dma2 semaphore(%arg10 : memref<!tpu.dma_semaphore, #tpu.memory_space<semaphore_mem>>) src(%dma_wait3A_718 : memref<256x64xf32, #tpu.memory_space<hbm>>) dst(%dma_wait3A_715 : memref<256x64xf32, #tpu.memory_space<vmem>>)
    %parallel_loop3A_719 = arith.constant 0 : i32
    %parallel_loop3A_720 = arith.constant 256 : i32
    %parallel_loop3A_721 = arith.constant 1 : i32
    %parallel_loop3A_722 = arith.constant 2 : i32
    %parallel_loop3A_723 = arith.constant 0 : i32
    scf.for %parallel_loop3A_923 = %parallel_loop3A_719 to %parallel_loop3A_720 step %parallel_loop3A_721  : i32 {
      %parallel_loop3A_924 = arith.constant 0 : i32
      %parallel_loop3A_925 = vector.broadcast %parallel_loop3A_924 : i32 to vector<16xi32>
      %parallel_loop3A_926 = arith.constant 128 : i32
      %parallel_loop3A_927 = arith.divsi %parallel_loop3A_923, %parallel_loop3A_926 : i32
      %parallel_loop3A_928 = arith.constant 0 : i32
      %parallel_loop3A_929 = arith.cmpi sgt, %parallel_loop3A_923, %parallel_loop3A_928 : i32
      %parallel_loop3A_930 = arith.extui %parallel_loop3A_929 : i1 to i32
      %parallel_loop3A_931 = arith.constant 0 : i32
      %parallel_loop3A_932 = arith.cmpi slt, %parallel_loop3A_923, %parallel_loop3A_931 : i32
      %parallel_loop3A_933 = arith.extui %parallel_loop3A_932 : i1 to i32
      %parallel_loop3A_934 = arith.subi %parallel_loop3A_930, %parallel_loop3A_933 : i32
      %parallel_loop3A_935 = arith.constant 0 : i32
      %parallel_loop3A_936 = arith.cmpi sgt, %parallel_loop3A_926, %parallel_loop3A_935 : i32
      %parallel_loop3A_937 = arith.extui %parallel_loop3A_936 : i1 to i32
      %parallel_loop3A_938 = arith.constant 0 : i32
      %parallel_loop3A_939 = arith.cmpi slt, %parallel_loop3A_926, %parallel_loop3A_938 : i32
      %parallel_loop3A_940 = arith.extui %parallel_loop3A_939 : i1 to i32
      %parallel_loop3A_941 = arith.subi %parallel_loop3A_937, %parallel_loop3A_940 : i32
      %parallel_loop3A_942 = arith.cmpi ne, %parallel_loop3A_934, %parallel_loop3A_941 : i32
      %parallel_loop3A_943 = arith.remsi %parallel_loop3A_923, %parallel_loop3A_926 : i32
      %parallel_loop3A_944 = arith.constant 0 : i32
      %parallel_loop3A_945 = arith.cmpi ne, %parallel_loop3A_943, %parallel_loop3A_944 : i32
      %parallel_loop3A_946 = arith.andi %parallel_loop3A_942, %parallel_loop3A_945 : i1
      %parallel_loop3A_947 = arith.constant 1 : i32
      %parallel_loop3A_948 = arith.subi %parallel_loop3A_927, %parallel_loop3A_947 : i32
      %parallel_loop3A_949 = arith.select %parallel_loop3A_946, %parallel_loop3A_948, %parallel_loop3A_927 : i32
      %parallel_loop3A_950 = vector.broadcast %parallel_loop3A_949 : i32 to vector<16xi32>
      %parallel_loop3A_951 = arith.addi %parallel_loop3A_925, %parallel_loop3A_950 : vector<16xi32>
      %parallel_loop3A_952 = arith.constant 0 : i32
      %parallel_loop3A_953 = vector.broadcast %parallel_loop3A_952 : i32 to vector<16xi32>
      %parallel_loop3A_954 = arith.constant 128 : i32
      %parallel_loop3A_955 = arith.constant 0 : i32
      %parallel_loop3A_956 = arith.cmpi eq, %parallel_loop3A_954, %parallel_loop3A_955 : i32
      %parallel_loop3A_957 = arith.constant 1 : i32
      %parallel_loop3A_958 = arith.select %parallel_loop3A_956, %parallel_loop3A_957, %parallel_loop3A_954 : i32
      %parallel_loop3A_959 = arith.remsi %parallel_loop3A_923, %parallel_loop3A_958 : i32
      %parallel_loop3A_960 = arith.constant 0 : i32
      %parallel_loop3A_961 = arith.cmpi ne, %parallel_loop3A_959, %parallel_loop3A_960 : i32
      %parallel_loop3A_962 = arith.constant 0 : i32
      %parallel_loop3A_963 = arith.cmpi slt, %parallel_loop3A_959, %parallel_loop3A_962 : i32
      %parallel_loop3A_964 = arith.constant 0 : i32
      %parallel_loop3A_965 = arith.cmpi slt, %parallel_loop3A_958, %parallel_loop3A_964 : i32
      %parallel_loop3A_966 = arith.xori %parallel_loop3A_963, %parallel_loop3A_965 : i1
      %parallel_loop3A_967 = arith.andi %parallel_loop3A_966, %parallel_loop3A_961 : i1
      %parallel_loop3A_968 = arith.addi %parallel_loop3A_959, %parallel_loop3A_958 : i32
      %parallel_loop3A_969 = arith.select %parallel_loop3A_967, %parallel_loop3A_968, %parallel_loop3A_959 : i32
      %parallel_loop3A_970 = vector.broadcast %parallel_loop3A_969 : i32 to vector<16xi32>
      %parallel_loop3A_971 = arith.addi %parallel_loop3A_953, %parallel_loop3A_970 : vector<16xi32>
      %parallel_loop3A_972 = arith.constant 0 : i32
      %parallel_loop3A_973 = arith.constant 0 : i32
      %parallel_loop3A_974 = tpu.memref_slice %arg6[%parallel_loop3A_722, %parallel_loop3A_972, %parallel_loop3A_973] : memref<3x256x64xf32, #tpu.memory_space<vmem>> -> memref<1x256x64xf32, #tpu.memory_space<vmem>>
      %parallel_loop3A_975 = tpu.memref_squeeze %parallel_loop3A_974 : memref<1x256x64xf32, #tpu.memory_space<vmem>> -> memref<256x64xf32, #tpu.memory_space<vmem>>
      %parallel_loop3A_976 = arith.index_cast %parallel_loop3A_923 : i32 to index
      %parallel_loop3A_977 = arith.constant 0 : index
      %parallel_loop3A_978 = tpu.vector_load %parallel_loop3A_975[%parallel_loop3A_976, %parallel_loop3A_977] {strides = array<i32>} : memref<256x64xf32, #tpu.memory_space<vmem>>, vector<16xf32>,
      %parallel_loop3A_979 = arith.constant 0 : i32
      %parallel_loop3A_980 = arith.constant 0 : i32
      %parallel_loop3A_981 = arith.constant 0 : i32
      %parallel_loop3A_982 = arith.constant 0 : i32
      %parallel_loop3A_983 = tpu.memref_slice %arg7[%parallel_loop3A_723, %parallel_loop3A_979, %parallel_loop3A_980, %parallel_loop3A_981, %parallel_loop3A_982] : memref<2x8x2x8x129xf32, #tpu.memory_space<vmem>> -> memref<1x8x2x8x129xf32, #tpu.memory_space<vmem>>
      %parallel_loop3A_984 = tpu.memref_squeeze %parallel_loop3A_983 : memref<1x8x2x8x129xf32, #tpu.memory_space<vmem>> -> memref<8x2x8x129xf32, #tpu.memory_space<vmem>>
      tpu.vector_store_idx %parallel_loop3A_984[%select_n3A, %parallel_loop3A_951, %select_n3A_153, %parallel_loop3A_971], %parallel_loop3A_978 : memref<8x2x8x129xf32, #tpu.memory_space<vmem>>[vector<16xi32>, vector<16xi32>, vector<16xi32>, vector<16xi32>], vector<16xf32>,
      %parallel_loop3A_985 = arith.constant 0 : i32
      %parallel_loop3A_986 = arith.constant 0 : i32
      %parallel_loop3A_987 = tpu.memref_slice %arg6[%parallel_loop3A_722, %parallel_loop3A_985, %parallel_loop3A_986] : memref<3x256x64xf32, #tpu.memory_space<vmem>> -> memref<1x256x64xf32, #tpu.memory_space<vmem>>
      %parallel_loop3A_988 = tpu.memref_squeeze %parallel_loop3A_987 : memref<1x256x64xf32, #tpu.memory_space<vmem>> -> memref<256x64xf32, #tpu.memory_space<vmem>>
      %parallel_loop3A_989 = arith.index_cast %parallel_loop3A_923 : i32 to index
      %parallel_loop3A_990 = arith.constant 16 : index
      %parallel_loop3A_991 = tpu.vector_load %parallel_loop3A_988[%parallel_loop3A_989, %parallel_loop3A_990] {strides = array<i32>} : memref<256x64xf32, #tpu.memory_space<vmem>>, vector<16xf32>,
      %parallel_loop3A_992 = arith.constant 0 : i32
      %parallel_loop3A_993 = arith.constant 0 : i32
      %parallel_loop3A_994 = arith.constant 0 : i32
      %parallel_loop3A_995 = arith.constant 0 : i32
      %parallel_loop3A_996 = tpu.memref_slice %arg7[%parallel_loop3A_723, %parallel_loop3A_992, %parallel_loop3A_993, %parallel_loop3A_994, %parallel_loop3A_995] : memref<2x8x2x8x129xf32, #tpu.memory_space<vmem>> -> memref<1x8x2x8x129xf32, #tpu.memory_space<vmem>>
      %parallel_loop3A_997 = tpu.memref_squeeze %parallel_loop3A_996 : memref<1x8x2x8x129xf32, #tpu.memory_space<vmem>> -> memref<8x2x8x129xf32, #tpu.memory_space<vmem>>
      tpu.vector_store_idx %parallel_loop3A_997[%select_n3A_62, %parallel_loop3A_951, %select_n3A_178, %parallel_loop3A_971], %parallel_loop3A_991 : memref<8x2x8x129xf32, #tpu.memory_space<vmem>>[vector<16xi32>, vector<16xi32>, vector<16xi32>, vector<16xi32>], vector<16xf32>,
      %parallel_loop3A_998 = arith.constant 0 : i32
      %parallel_loop3A_999 = arith.constant 0 : i32
      %parallel_loop3A_1000 = tpu.memref_slice %arg6[%parallel_loop3A_722, %parallel_loop3A_998, %parallel_loop3A_999] : memref<3x256x64xf32, #tpu.memory_space<vmem>> -> memref<1x256x64xf32, #tpu.memory_space<vmem>>
      %parallel_loop3A_1001 = tpu.memref_squeeze %parallel_loop3A_1000 : memref<1x256x64xf32, #tpu.memory_space<vmem>> -> memref<256x64xf32, #tpu.memory_space<vmem>>
      %parallel_loop3A_1002 = arith.index_cast %parallel_loop3A_923 : i32 to index
      %parallel_loop3A_1003 = arith.constant 32 : index
      %parallel_loop3A_1004 = tpu.vector_load %parallel_loop3A_1001[%parallel_loop3A_1002, %parallel_loop3A_1003] {strides = array<i32>} : memref<256x64xf32, #tpu.memory_space<vmem>>, vector<16xf32>,
      %parallel_loop3A_1005 = arith.constant 0 : i32
      %parallel_loop3A_1006 = arith.constant 0 : i32
      %parallel_loop3A_1007 = arith.constant 0 : i32
      %parallel_loop3A_1008 = arith.constant 0 : i32
      %parallel_loop3A_1009 = tpu.memref_slice %arg7[%parallel_loop3A_723, %parallel_loop3A_1005, %parallel_loop3A_1006, %parallel_loop3A_1007, %parallel_loop3A_1008] : memref<2x8x2x8x129xf32, #tpu.memory_space<vmem>> -> memref<1x8x2x8x129xf32, #tpu.memory_space<vmem>>
      %parallel_loop3A_1010 = tpu.memref_squeeze %parallel_loop3A_1009 : memref<1x8x2x8x129xf32, #tpu.memory_space<vmem>> -> memref<8x2x8x129xf32, #tpu.memory_space<vmem>>
      tpu.vector_store_idx %parallel_loop3A_1010[%select_n3A_96, %parallel_loop3A_951, %select_n3A_203, %parallel_loop3A_971], %parallel_loop3A_1004 : memref<8x2x8x129xf32, #tpu.memory_space<vmem>>[vector<16xi32>, vector<16xi32>, vector<16xi32>, vector<16xi32>], vector<16xf32>,
      %parallel_loop3A_1011 = arith.constant 0 : i32
      %parallel_loop3A_1012 = arith.constant 0 : i32
      %parallel_loop3A_1013 = tpu.memref_slice %arg6[%parallel_loop3A_722, %parallel_loop3A_1011, %parallel_loop3A_1012] : memref<3x256x64xf32, #tpu.memory_space<vmem>> -> memref<1x256x64xf32, #tpu.memory_space<vmem>>
      %parallel_loop3A_1014 = tpu.memref_squeeze %parallel_loop3A_1013 : memref<1x256x64xf32, #tpu.memory_space<vmem>> -> memref<256x64xf32, #tpu.memory_space<vmem>>
      %parallel_loop3A_1015 = arith.index_cast %parallel_loop3A_923 : i32 to index
      %parallel_loop3A_1016 = arith.constant 48 : index
      %parallel_loop3A_1017 = tpu.vector_load %parallel_loop3A_1014[%parallel_loop3A_1015, %parallel_loop3A_1016] {strides = array<i32>} : memref<256x64xf32, #tpu.memory_space<vmem>>, vector<16xf32>,
      %parallel_loop3A_1018 = arith.constant 0 : i32
      %parallel_loop3A_1019 = arith.constant 0 : i32
      %parallel_loop3A_1020 = arith.constant 0 : i32
      %parallel_loop3A_1021 = arith.constant 0 : i32
      %parallel_loop3A_1022 = tpu.memref_slice %arg7[%parallel_loop3A_723, %parallel_loop3A_1018, %parallel_loop3A_1019, %parallel_loop3A_1020, %parallel_loop3A_1021] : memref<2x8x2x8x129xf32, #tpu.memory_space<vmem>> -> memref<1x8x2x8x129xf32, #tpu.memory_space<vmem>>
      %parallel_loop3A_1023 = tpu.memref_squeeze %parallel_loop3A_1022 : memref<1x8x2x8x129xf32, #tpu.memory_space<vmem>> -> memref<8x2x8x129xf32, #tpu.memory_space<vmem>>
      tpu.vector_store_idx %parallel_loop3A_1023[%select_n3A_130, %parallel_loop3A_951, %select_n3A_228, %parallel_loop3A_971], %parallel_loop3A_1017 : memref<8x2x8x129xf32, #tpu.memory_space<vmem>>[vector<16xi32>, vector<16xi32>, vector<16xi32>, vector<16xi32>], vector<16xf32>,
    } {sc.loop_unroll_factor = 4 : i64, sc.parallel_access}
    %add3A_724 = arith.constant 398 : i32
    %add3A_725 = arith.addi %mul3A_2, %add3A_724 : i32
    %jit3A_726 = arith.constant 64 : i32
    %div3A_727 = arith.divsi %add3A_725, %jit3A_726 : i32
    %sign3A_728 = arith.constant 0 : i32
    %sign3A_729 = arith.cmpi sgt, %add3A_725, %sign3A_728 : i32
    %sign3A_730 = arith.extui %sign3A_729 : i1 to i32
    %sign3A_731 = arith.constant 0 : i32
    %sign3A_732 = arith.cmpi slt, %add3A_725, %sign3A_731 : i32
    %sign3A_733 = arith.extui %sign3A_732 : i1 to i32
    %sign3A_734 = arith.subi %sign3A_730, %sign3A_733 : i32
    %sign3A_735 = arith.constant 0 : i32
    %sign3A_736 = arith.cmpi sgt, %jit3A_726, %sign3A_735 : i32
    %sign3A_737 = arith.extui %sign3A_736 : i1 to i32
    %sign3A_738 = arith.constant 0 : i32
    %sign3A_739 = arith.cmpi slt, %jit3A_726, %sign3A_738 : i32
    %sign3A_740 = arith.extui %sign3A_739 : i1 to i32
    %sign3A_741 = arith.subi %sign3A_737, %sign3A_740 : i32
    %ne3A_742 = arith.cmpi ne, %sign3A_734, %sign3A_741 : i32
    %rem3A_743 = arith.remsi %add3A_725, %jit3A_726 : i32
    %ne3A_744 = arith.constant 0 : i32
    %ne3A_745 = arith.cmpi ne, %rem3A_743, %ne3A_744 : i32
    %and3A_746 = arith.andi %ne3A_742, %ne3A_745 : i1
    %sub3A_747 = arith.constant 1 : i32
    %sub3A_748 = arith.subi %div3A_727, %sub3A_747 : i32
    %select_n3A_749 = arith.select %and3A_746, %sub3A_748, %div3A_727 : i32
    %jit3A_750 = arith.constant 64 : i32
    %eq3A_751 = arith.constant 0 : i32
    %eq3A_752 = arith.cmpi eq, %jit3A_750, %eq3A_751 : i32
    %jit3A_753 = arith.constant 1 : i32
    %select_n3A_754 = arith.select %eq3A_752, %jit3A_753, %jit3A_750 : i32
    %rem3A_755 = arith.remsi %add3A_725, %select_n3A_754 : i32
    %ne3A_756 = arith.constant 0 : i32
    %ne3A_757 = arith.cmpi ne, %rem3A_755, %ne3A_756 : i32
    %lt3A_758 = arith.constant 0 : i32
    %lt3A_759 = arith.cmpi slt, %rem3A_755, %lt3A_758 : i32
    %lt3A_760 = arith.constant 0 : i32
    %lt3A_761 = arith.cmpi slt, %select_n3A_754, %lt3A_760 : i32
    %ne3A_762 = arith.xori %lt3A_759, %lt3A_761 : i1
    %and3A_763 = arith.andi %ne3A_762, %ne3A_757 : i1
    %add3A_764 = arith.addi %rem3A_755, %select_n3A_754 : i32
    %select_n3A_765 = arith.select %and3A_763, %add3A_764, %rem3A_755 : i32
    %mul3A_766 = arith.constant 2 : i32
    %mul3A_767 = arith.muli %select_n3A_765, %mul3A_766 : i32
    %dma_start3A_768 = arith.constant 0 : i32
    %dma_start3A_769 = arith.constant 0 : i32
    %dma_start3A_770 = arith.constant 0 : i32
    %dma_start3A_771 = arith.constant 0 : i32
    %dma_start3A_772 = arith.constant 0 : i32
    %dma_start3A_773 = tpu.memref_slice %arg7[%dma_start3A_768, %dma_start3A_769, %dma_start3A_770, %dma_start3A_771, %dma_start3A_772] : memref<2x8x2x8x129xf32, #tpu.memory_space<vmem>> -> memref<1x8x2x8x128xf32, #tpu.memory_space<vmem>>
    %dma_start3A_774 = tpu.memref_squeeze %dma_start3A_773 : memref<1x8x2x8x128xf32, #tpu.memory_space<vmem>> -> memref<8x2x8x128xf32, #tpu.memory_space<vmem>>
    %dma_start3A_775 = arith.constant 0 : i32
    %dma_start3A_776 = arith.constant 0 : i32
    %dma_start3A_777 = arith.constant 0 : i32
    %dma_start3A_778 = tpu.memref_slice %arg4[%select_n3A_749, %dma_start3A_775, %mul3A_767, %dma_start3A_776, %dma_start3A_777] : memref<200x8x128x8x128xf32, #tpu.memory_space<hbm>> -> memref<1x8x2x8x128xf32, #tpu.memory_space<hbm>>
    %dma_start3A_779 = tpu.memref_squeeze %dma_start3A_778 : memref<1x8x2x8x128xf32, #tpu.memory_space<hbm>> -> memref<8x2x8x128xf32, #tpu.memory_space<hbm>>
    %dma_start3A_780 = arith.constant 0 : i32
    %dma_start3A_781 = arith.constant 0 : i32
    %dma_start3A_782 = arith.constant 0 : i32
    %dma_start3A_783 = tpu.memref_slice %arg4[%select_n3A_749, %dma_start3A_780, %mul3A_767, %dma_start3A_781, %dma_start3A_782] : memref<200x8x128x8x128xf32, #tpu.memory_space<hbm>> -> memref<1x8x2x8x128xf32, #tpu.memory_space<hbm>>
    %dma_start3A_784 = tpu.memref_squeeze %dma_start3A_783 : memref<1x8x2x8x128xf32, #tpu.memory_space<hbm>> -> memref<8x2x8x128xf32, #tpu.memory_space<hbm>>
    %dma_start3A_785 = arith.constant 0 : i32
    %dma_start3A_786 = arith.constant 0 : i32
    %dma_start3A_787 = arith.constant 0 : i32
    %dma_start3A_788 = arith.constant 0 : i32
    %dma_start3A_789 = tpu.memref_slice %arg7[%dma_start3A_768, %dma_start3A_785, %dma_start3A_786, %dma_start3A_787, %dma_start3A_788] : memref<2x8x2x8x129xf32, #tpu.memory_space<vmem>> -> memref<1x8x2x8x128xf32, #tpu.memory_space<vmem>>
    %dma_start3A_790 = tpu.memref_squeeze %dma_start3A_789 : memref<1x8x2x8x128xf32, #tpu.memory_space<vmem>> -> memref<8x2x8x128xf32, #tpu.memory_space<vmem>>
    tpu.enqueue_dma source(%dma_start3A_790 : memref<8x2x8x128xf32, #tpu.memory_space<vmem>>) target(%dma_start3A_784 : memref<8x2x8x128xf32, #tpu.memory_space<hbm>>) target_semaphore(%arg10 : memref<!tpu.dma_semaphore, #tpu.memory_space<semaphore_mem>>)
    %dma_wait3A_791 = arith.constant 0 : i32
    %dma_wait3A_792 = arith.constant 0 : i32
    %dma_wait3A_793 = arith.constant 0 : i32
    %dma_wait3A_794 = tpu.memref_slice %arg6[%dma_wait3A_791, %dma_wait3A_792, %dma_wait3A_793] : memref<3x256x64xf32, #tpu.memory_space<vmem>> -> memref<1x256x64xf32, #tpu.memory_space<vmem>>
    %dma_wait3A_795 = tpu.memref_squeeze %dma_wait3A_794 : memref<1x256x64xf32, #tpu.memory_space<vmem>> -> memref<256x64xf32, #tpu.memory_space<vmem>>
    %dma_wait3A_796 = arith.constant 0 : i32
    %dma_wait3A_797 = arith.constant 0 : i32
    %dma_wait3A_798 = tpu.memref_slice %arg3[%dma_wait3A_796, %dma_wait3A_797] : memref<1000000x64xf32, #tpu.memory_space<hbm>> -> memref<256x64xf32, #tpu.memory_space<hbm>>
    %dma_wait3A_799 = arith.constant 0 : i32
    %dma_wait3A_800 = arith.constant 0 : i32
    %dma_wait3A_801 = tpu.memref_slice %arg6[%dma_wait3A_791, %dma_wait3A_799, %dma_wait3A_800] : memref<3x256x64xf32, #tpu.memory_space<vmem>> -> memref<1x256x64xf32, #tpu.memory_space<vmem>>
    %dma_wait3A_802 = tpu.memref_squeeze %dma_wait3A_801 : memref<1x256x64xf32, #tpu.memory_space<vmem>> -> memref<256x64xf32, #tpu.memory_space<vmem>>
    %dma_wait3A_803 = arith.constant 0 : i32
    %dma_wait3A_804 = arith.constant 0 : i32
    %dma_wait3A_805 = tpu.memref_slice %arg3[%dma_wait3A_803, %dma_wait3A_804] : memref<1000000x64xf32, #tpu.memory_space<hbm>> -> memref<256x64xf32, #tpu.memory_space<hbm>>
    tpu.wait_dma2 semaphore(%arg9 : memref<!tpu.dma_semaphore, #tpu.memory_space<semaphore_mem>>) src(%dma_wait3A_805 : memref<256x64xf32, #tpu.memory_space<hbm>>) dst(%dma_wait3A_802 : memref<256x64xf32, #tpu.memory_space<vmem>>)
    %dma_wait3A_806 = arith.constant 1 : i32
    %dma_wait3A_807 = arith.constant 0 : i32
    %dma_wait3A_808 = arith.constant 0 : i32
    %dma_wait3A_809 = tpu.memref_slice %arg6[%dma_wait3A_806, %dma_wait3A_807, %dma_wait3A_808] : memref<3x256x64xf32, #tpu.memory_space<vmem>> -> memref<1x256x64xf32, #tpu.memory_space<vmem>>
    %dma_wait3A_810 = tpu.memref_squeeze %dma_wait3A_809 : memref<1x256x64xf32, #tpu.memory_space<vmem>> -> memref<256x64xf32, #tpu.memory_space<vmem>>
    %dma_wait3A_811 = arith.constant 0 : i32
    %dma_wait3A_812 = arith.constant 0 : i32
    %dma_wait3A_813 = tpu.memref_slice %arg3[%dma_wait3A_811, %dma_wait3A_812] : memref<1000000x64xf32, #tpu.memory_space<hbm>> -> memref<256x64xf32, #tpu.memory_space<hbm>>
    %dma_wait3A_814 = arith.constant 0 : i32
    %dma_wait3A_815 = arith.constant 0 : i32
    %dma_wait3A_816 = tpu.memref_slice %arg6[%dma_wait3A_806, %dma_wait3A_814, %dma_wait3A_815] : memref<3x256x64xf32, #tpu.memory_space<vmem>> -> memref<1x256x64xf32, #tpu.memory_space<vmem>>
    %dma_wait3A_817 = tpu.memref_squeeze %dma_wait3A_816 : memref<1x256x64xf32, #tpu.memory_space<vmem>> -> memref<256x64xf32, #tpu.memory_space<vmem>>
    %dma_wait3A_818 = arith.constant 0 : i32
    %dma_wait3A_819 = arith.constant 0 : i32
    %dma_wait3A_820 = tpu.memref_slice %arg3[%dma_wait3A_818, %dma_wait3A_819] : memref<1000000x64xf32, #tpu.memory_space<hbm>> -> memref<256x64xf32, #tpu.memory_space<hbm>>
    tpu.wait_dma2 semaphore(%arg10 : memref<!tpu.dma_semaphore, #tpu.memory_space<semaphore_mem>>) src(%dma_wait3A_820 : memref<256x64xf32, #tpu.memory_space<hbm>>) dst(%dma_wait3A_817 : memref<256x64xf32, #tpu.memory_space<vmem>>)
    %parallel_loop3A_821 = arith.constant 0 : i32
    %parallel_loop3A_822 = arith.constant 256 : i32
    %parallel_loop3A_823 = arith.constant 1 : i32
    %parallel_loop3A_824 = arith.constant 0 : i32
    %parallel_loop3A_825 = arith.constant 1 : i32
    scf.for %parallel_loop3A_923 = %parallel_loop3A_821 to %parallel_loop3A_822 step %parallel_loop3A_823  : i32 {
      %parallel_loop3A_924 = arith.constant 0 : i32
      %parallel_loop3A_925 = vector.broadcast %parallel_loop3A_924 : i32 to vector<16xi32>
      %parallel_loop3A_926 = arith.constant 128 : i32
      %parallel_loop3A_927 = arith.divsi %parallel_loop3A_923, %parallel_loop3A_926 : i32
      %parallel_loop3A_928 = arith.constant 0 : i32
      %parallel_loop3A_929 = arith.cmpi sgt, %parallel_loop3A_923, %parallel_loop3A_928 : i32
      %parallel_loop3A_930 = arith.extui %parallel_loop3A_929 : i1 to i32
      %parallel_loop3A_931 = arith.constant 0 : i32
      %parallel_loop3A_932 = arith.cmpi slt, %parallel_loop3A_923, %parallel_loop3A_931 : i32
      %parallel_loop3A_933 = arith.extui %parallel_loop3A_932 : i1 to i32
      %parallel_loop3A_934 = arith.subi %parallel_loop3A_930, %parallel_loop3A_933 : i32
      %parallel_loop3A_935 = arith.constant 0 : i32
      %parallel_loop3A_936 = arith.cmpi sgt, %parallel_loop3A_926, %parallel_loop3A_935 : i32
      %parallel_loop3A_937 = arith.extui %parallel_loop3A_936 : i1 to i32
      %parallel_loop3A_938 = arith.constant 0 : i32
      %parallel_loop3A_939 = arith.cmpi slt, %parallel_loop3A_926, %parallel_loop3A_938 : i32
      %parallel_loop3A_940 = arith.extui %parallel_loop3A_939 : i1 to i32
      %parallel_loop3A_941 = arith.subi %parallel_loop3A_937, %parallel_loop3A_940 : i32
      %parallel_loop3A_942 = arith.cmpi ne, %parallel_loop3A_934, %parallel_loop3A_941 : i32
      %parallel_loop3A_943 = arith.remsi %parallel_loop3A_923, %parallel_loop3A_926 : i32
      %parallel_loop3A_944 = arith.constant 0 : i32
      %parallel_loop3A_945 = arith.cmpi ne, %parallel_loop3A_943, %parallel_loop3A_944 : i32
      %parallel_loop3A_946 = arith.andi %parallel_loop3A_942, %parallel_loop3A_945 : i1
      %parallel_loop3A_947 = arith.constant 1 : i32
      %parallel_loop3A_948 = arith.subi %parallel_loop3A_927, %parallel_loop3A_947 : i32
      %parallel_loop3A_949 = arith.select %parallel_loop3A_946, %parallel_loop3A_948, %parallel_loop3A_927 : i32
      %parallel_loop3A_950 = vector.broadcast %parallel_loop3A_949 : i32 to vector<16xi32>
      %parallel_loop3A_951 = arith.addi %parallel_loop3A_925, %parallel_loop3A_950 : vector<16xi32>
      %parallel_loop3A_952 = arith.constant 0 : i32
      %parallel_loop3A_953 = vector.broadcast %parallel_loop3A_952 : i32 to vector<16xi32>
      %parallel_loop3A_954 = arith.constant 128 : i32
      %parallel_loop3A_955 = arith.constant 0 : i32
      %parallel_loop3A_956 = arith.cmpi eq, %parallel_loop3A_954, %parallel_loop3A_955 : i32
      %parallel_loop3A_957 = arith.constant 1 : i32
      %parallel_loop3A_958 = arith.select %parallel_loop3A_956, %parallel_loop3A_957, %parallel_loop3A_954 : i32
      %parallel_loop3A_959 = arith.remsi %parallel_loop3A_923, %parallel_loop3A_958 : i32
      %parallel_loop3A_960 = arith.constant 0 : i32
      %parallel_loop3A_961 = arith.cmpi ne, %parallel_loop3A_959, %parallel_loop3A_960 : i32
      %parallel_loop3A_962 = arith.constant 0 : i32
      %parallel_loop3A_963 = arith.cmpi slt, %parallel_loop3A_959, %parallel_loop3A_962 : i32
      %parallel_loop3A_964 = arith.constant 0 : i32
      %parallel_loop3A_965 = arith.cmpi slt, %parallel_loop3A_958, %parallel_loop3A_964 : i32
      %parallel_loop3A_966 = arith.xori %parallel_loop3A_963, %parallel_loop3A_965 : i1
      %parallel_loop3A_967 = arith.andi %parallel_loop3A_966, %parallel_loop3A_961 : i1
      %parallel_loop3A_968 = arith.addi %parallel_loop3A_959, %parallel_loop3A_958 : i32
      %parallel_loop3A_969 = arith.select %parallel_loop3A_967, %parallel_loop3A_968, %parallel_loop3A_959 : i32
      %parallel_loop3A_970 = vector.broadcast %parallel_loop3A_969 : i32 to vector<16xi32>
      %parallel_loop3A_971 = arith.addi %parallel_loop3A_953, %parallel_loop3A_970 : vector<16xi32>
      %parallel_loop3A_972 = arith.constant 0 : i32
      %parallel_loop3A_973 = arith.constant 0 : i32
      %parallel_loop3A_974 = tpu.memref_slice %arg6[%parallel_loop3A_824, %parallel_loop3A_972, %parallel_loop3A_973] : memref<3x256x64xf32, #tpu.memory_space<vmem>> -> memref<1x256x64xf32, #tpu.memory_space<vmem>>
      %parallel_loop3A_975 = tpu.memref_squeeze %parallel_loop3A_974 : memref<1x256x64xf32, #tpu.memory_space<vmem>> -> memref<256x64xf32, #tpu.memory_space<vmem>>
      %parallel_loop3A_976 = arith.index_cast %parallel_loop3A_923 : i32 to index
      %parallel_loop3A_977 = arith.constant 0 : index
      %parallel_loop3A_978 = tpu.vector_load %parallel_loop3A_975[%parallel_loop3A_976, %parallel_loop3A_977] {strides = array<i32>} : memref<256x64xf32, #tpu.memory_space<vmem>>, vector<16xf32>,
      %parallel_loop3A_979 = arith.constant 0 : i32
      %parallel_loop3A_980 = arith.constant 0 : i32
      %parallel_loop3A_981 = arith.constant 0 : i32
      %parallel_loop3A_982 = arith.constant 0 : i32
      %parallel_loop3A_983 = tpu.memref_slice %arg7[%parallel_loop3A_825, %parallel_loop3A_979, %parallel_loop3A_980, %parallel_loop3A_981, %parallel_loop3A_982] : memref<2x8x2x8x129xf32, #tpu.memory_space<vmem>> -> memref<1x8x2x8x129xf32, #tpu.memory_space<vmem>>
      %parallel_loop3A_984 = tpu.memref_squeeze %parallel_loop3A_983 : memref<1x8x2x8x129xf32, #tpu.memory_space<vmem>> -> memref<8x2x8x129xf32, #tpu.memory_space<vmem>>
      tpu.vector_store_idx %parallel_loop3A_984[%select_n3A, %parallel_loop3A_951, %select_n3A_153, %parallel_loop3A_971], %parallel_loop3A_978 : memref<8x2x8x129xf32, #tpu.memory_space<vmem>>[vector<16xi32>, vector<16xi32>, vector<16xi32>, vector<16xi32>], vector<16xf32>,
      %parallel_loop3A_985 = arith.constant 0 : i32
      %parallel_loop3A_986 = arith.constant 0 : i32
      %parallel_loop3A_987 = tpu.memref_slice %arg6[%parallel_loop3A_824, %parallel_loop3A_985, %parallel_loop3A_986] : memref<3x256x64xf32, #tpu.memory_space<vmem>> -> memref<1x256x64xf32, #tpu.memory_space<vmem>>
      %parallel_loop3A_988 = tpu.memref_squeeze %parallel_loop3A_987 : memref<1x256x64xf32, #tpu.memory_space<vmem>> -> memref<256x64xf32, #tpu.memory_space<vmem>>
      %parallel_loop3A_989 = arith.index_cast %parallel_loop3A_923 : i32 to index
      %parallel_loop3A_990 = arith.constant 16 : index
      %parallel_loop3A_991 = tpu.vector_load %parallel_loop3A_988[%parallel_loop3A_989, %parallel_loop3A_990] {strides = array<i32>} : memref<256x64xf32, #tpu.memory_space<vmem>>, vector<16xf32>,
      %parallel_loop3A_992 = arith.constant 0 : i32
      %parallel_loop3A_993 = arith.constant 0 : i32
      %parallel_loop3A_994 = arith.constant 0 : i32
      %parallel_loop3A_995 = arith.constant 0 : i32
      %parallel_loop3A_996 = tpu.memref_slice %arg7[%parallel_loop3A_825, %parallel_loop3A_992, %parallel_loop3A_993, %parallel_loop3A_994, %parallel_loop3A_995] : memref<2x8x2x8x129xf32, #tpu.memory_space<vmem>> -> memref<1x8x2x8x129xf32, #tpu.memory_space<vmem>>
      %parallel_loop3A_997 = tpu.memref_squeeze %parallel_loop3A_996 : memref<1x8x2x8x129xf32, #tpu.memory_space<vmem>> -> memref<8x2x8x129xf32, #tpu.memory_space<vmem>>
      tpu.vector_store_idx %parallel_loop3A_997[%select_n3A_62, %parallel_loop3A_951, %select_n3A_178, %parallel_loop3A_971], %parallel_loop3A_991 : memref<8x2x8x129xf32, #tpu.memory_space<vmem>>[vector<16xi32>, vector<16xi32>, vector<16xi32>, vector<16xi32>], vector<16xf32>,
      %parallel_loop3A_998 = arith.constant 0 : i32
      %parallel_loop3A_999 = arith.constant 0 : i32
      %parallel_loop3A_1000 = tpu.memref_slice %arg6[%parallel_loop3A_824, %parallel_loop3A_998, %parallel_loop3A_999] : memref<3x256x64xf32, #tpu.memory_space<vmem>> -> memref<1x256x64xf32, #tpu.memory_space<vmem>>
      %parallel_loop3A_1001 = tpu.memref_squeeze %parallel_loop3A_1000 : memref<1x256x64xf32, #tpu.memory_space<vmem>> -> memref<256x64xf32, #tpu.memory_space<vmem>>
      %parallel_loop3A_1002 = arith.index_cast %parallel_loop3A_923 : i32 to index
      %parallel_loop3A_1003 = arith.constant 32 : index
      %parallel_loop3A_1004 = tpu.vector_load %parallel_loop3A_1001[%parallel_loop3A_1002, %parallel_loop3A_1003] {strides = array<i32>} : memref<256x64xf32, #tpu.memory_space<vmem>>, vector<16xf32>,
      %parallel_loop3A_1005 = arith.constant 0 : i32
      %parallel_loop3A_1006 = arith.constant 0 : i32
      %parallel_loop3A_1007 = arith.constant 0 : i32
      %parallel_loop3A_1008 = arith.constant 0 : i32
      %parallel_loop3A_1009 = tpu.memref_slice %arg7[%parallel_loop3A_825, %parallel_loop3A_1005, %parallel_loop3A_1006, %parallel_loop3A_1007, %parallel_loop3A_1008] : memref<2x8x2x8x129xf32, #tpu.memory_space<vmem>> -> memref<1x8x2x8x129xf32, #tpu.memory_space<vmem>>
      %parallel_loop3A_1010 = tpu.memref_squeeze %parallel_loop3A_1009 : memref<1x8x2x8x129xf32, #tpu.memory_space<vmem>> -> memref<8x2x8x129xf32, #tpu.memory_space<vmem>>
      tpu.vector_store_idx %parallel_loop3A_1010[%select_n3A_96, %parallel_loop3A_951, %select_n3A_203, %parallel_loop3A_971], %parallel_loop3A_1004 : memref<8x2x8x129xf32, #tpu.memory_space<vmem>>[vector<16xi32>, vector<16xi32>, vector<16xi32>, vector<16xi32>], vector<16xf32>,
      %parallel_loop3A_1011 = arith.constant 0 : i32
      %parallel_loop3A_1012 = arith.constant 0 : i32
      %parallel_loop3A_1013 = tpu.memref_slice %arg6[%parallel_loop3A_824, %parallel_loop3A_1011, %parallel_loop3A_1012] : memref<3x256x64xf32, #tpu.memory_space<vmem>> -> memref<1x256x64xf32, #tpu.memory_space<vmem>>
      %parallel_loop3A_1014 = tpu.memref_squeeze %parallel_loop3A_1013 : memref<1x256x64xf32, #tpu.memory_space<vmem>> -> memref<256x64xf32, #tpu.memory_space<vmem>>
      %parallel_loop3A_1015 = arith.index_cast %parallel_loop3A_923 : i32 to index
      %parallel_loop3A_1016 = arith.constant 48 : index
      %parallel_loop3A_1017 = tpu.vector_load %parallel_loop3A_1014[%parallel_loop3A_1015, %parallel_loop3A_1016] {strides = array<i32>} : memref<256x64xf32, #tpu.memory_space<vmem>>, vector<16xf32>,
      %parallel_loop3A_1018 = arith.constant 0 : i32
      %parallel_loop3A_1019 = arith.constant 0 : i32
      %parallel_loop3A_1020 = arith.constant 0 : i32
      %parallel_loop3A_1021 = arith.constant 0 : i32
      %parallel_loop3A_1022 = tpu.memref_slice %arg7[%parallel_loop3A_825, %parallel_loop3A_1018, %parallel_loop3A_1019, %parallel_loop3A_1020, %parallel_loop3A_1021] : memref<2x8x2x8x129xf32, #tpu.memory_space<vmem>> -> memref<1x8x2x8x129xf32, #tpu.memory_space<vmem>>
      %parallel_loop3A_1023 = tpu.memref_squeeze %parallel_loop3A_1022 : memref<1x8x2x8x129xf32, #tpu.memory_space<vmem>> -> memref<8x2x8x129xf32, #tpu.memory_space<vmem>>
      tpu.vector_store_idx %parallel_loop3A_1023[%select_n3A_130, %parallel_loop3A_951, %select_n3A_228, %parallel_loop3A_971], %parallel_loop3A_1017 : memref<8x2x8x129xf32, #tpu.memory_space<vmem>>[vector<16xi32>, vector<16xi32>, vector<16xi32>, vector<16xi32>], vector<16xf32>,
    } {sc.loop_unroll_factor = 4 : i64, sc.parallel_access}
    %add3A_826 = arith.constant 399 : i32
    %add3A_827 = arith.addi %mul3A_2, %add3A_826 : i32
    %jit3A_828 = arith.constant 64 : i32
    %div3A_829 = arith.divsi %add3A_827, %jit3A_828 : i32
    %sign3A_830 = arith.constant 0 : i32
    %sign3A_831 = arith.cmpi sgt, %add3A_827, %sign3A_830 : i32
    %sign3A_832 = arith.extui %sign3A_831 : i1 to i32
    %sign3A_833 = arith.constant 0 : i32
    %sign3A_834 = arith.cmpi slt, %add3A_827, %sign3A_833 : i32
    %sign3A_835 = arith.extui %sign3A_834 : i1 to i32
    %sign3A_836 = arith.subi %sign3A_832, %sign3A_835 : i32
    %sign3A_837 = arith.constant 0 : i32
    %sign3A_838 = arith.cmpi sgt, %jit3A_828, %sign3A_837 : i32
    %sign3A_839 = arith.extui %sign3A_838 : i1 to i32
    %sign3A_840 = arith.constant 0 : i32
    %sign3A_841 = arith.cmpi slt, %jit3A_828, %sign3A_840 : i32
    %sign3A_842 = arith.extui %sign3A_841 : i1 to i32
    %sign3A_843 = arith.subi %sign3A_839, %sign3A_842 : i32
    %ne3A_844 = arith.cmpi ne, %sign3A_836, %sign3A_843 : i32
    %rem3A_845 = arith.remsi %add3A_827, %jit3A_828 : i32
    %ne3A_846 = arith.constant 0 : i32
    %ne3A_847 = arith.cmpi ne, %rem3A_845, %ne3A_846 : i32
    %and3A_848 = arith.andi %ne3A_844, %ne3A_847 : i1
    %sub3A_849 = arith.constant 1 : i32
    %sub3A_850 = arith.subi %div3A_829, %sub3A_849 : i32
    %select_n3A_851 = arith.select %and3A_848, %sub3A_850, %div3A_829 : i32
    %jit3A_852 = arith.constant 64 : i32
    %eq3A_853 = arith.constant 0 : i32
    %eq3A_854 = arith.cmpi eq, %jit3A_852, %eq3A_853 : i32
    %jit3A_855 = arith.constant 1 : i32
    %select_n3A_856 = arith.select %eq3A_854, %jit3A_855, %jit3A_852 : i32
    %rem3A_857 = arith.remsi %add3A_827, %select_n3A_856 : i32
    %ne3A_858 = arith.constant 0 : i32
    %ne3A_859 = arith.cmpi ne, %rem3A_857, %ne3A_858 : i32
    %lt3A_860 = arith.constant 0 : i32
    %lt3A_861 = arith.cmpi slt, %rem3A_857, %lt3A_860 : i32
    %lt3A_862 = arith.constant 0 : i32
    %lt3A_863 = arith.cmpi slt, %select_n3A_856, %lt3A_862 : i32
    %ne3A_864 = arith.xori %lt3A_861, %lt3A_863 : i1
    %and3A_865 = arith.andi %ne3A_864, %ne3A_859 : i1
    %add3A_866 = arith.addi %rem3A_857, %select_n3A_856 : i32
    %select_n3A_867 = arith.select %and3A_865, %add3A_866, %rem3A_857 : i32
    %mul3A_868 = arith.constant 2 : i32
    %mul3A_869 = arith.muli %select_n3A_867, %mul3A_868 : i32
    %dma_start3A_870 = arith.constant 1 : i32
    %dma_start3A_871 = arith.constant 0 : i32
    %dma_start3A_872 = arith.constant 0 : i32
    %dma_start3A_873 = arith.constant 0 : i32
    %dma_start3A_874 = arith.constant 0 : i32
    %dma_start3A_875 = tpu.memref_slice %arg7[%dma_start3A_870, %dma_start3A_871, %dma_start3A_872, %dma_start3A_873, %dma_start3A_874] : memref<2x8x2x8x129xf32, #tpu.memory_space<vmem>> -> memref<1x8x2x8x128xf32, #tpu.memory_space<vmem>>
    %dma_start3A_876 = tpu.memref_squeeze %dma_start3A_875 : memref<1x8x2x8x128xf32, #tpu.memory_space<vmem>> -> memref<8x2x8x128xf32, #tpu.memory_space<vmem>>
    %dma_start3A_877 = arith.constant 0 : i32
    %dma_start3A_878 = arith.constant 0 : i32
    %dma_start3A_879 = arith.constant 0 : i32
    %dma_start3A_880 = tpu.memref_slice %arg4[%select_n3A_851, %dma_start3A_877, %mul3A_869, %dma_start3A_878, %dma_start3A_879] : memref<200x8x128x8x128xf32, #tpu.memory_space<hbm>> -> memref<1x8x2x8x128xf32, #tpu.memory_space<hbm>>
    %dma_start3A_881 = tpu.memref_squeeze %dma_start3A_880 : memref<1x8x2x8x128xf32, #tpu.memory_space<hbm>> -> memref<8x2x8x128xf32, #tpu.memory_space<hbm>>
    %dma_start3A_882 = arith.constant 0 : i32
    %dma_start3A_883 = arith.constant 0 : i32
    %dma_start3A_884 = arith.constant 0 : i32
    %dma_start3A_885 = tpu.memref_slice %arg4[%select_n3A_851, %dma_start3A_882, %mul3A_869, %dma_start3A_883, %dma_start3A_884] : memref<200x8x128x8x128xf32, #tpu.memory_space<hbm>> -> memref<1x8x2x8x128xf32, #tpu.memory_space<hbm>>
    %dma_start3A_886 = tpu.memref_squeeze %dma_start3A_885 : memref<1x8x2x8x128xf32, #tpu.memory_space<hbm>> -> memref<8x2x8x128xf32, #tpu.memory_space<hbm>>
    %dma_start3A_887 = arith.constant 0 : i32
    %dma_start3A_888 = arith.constant 0 : i32
    %dma_start3A_889 = arith.constant 0 : i32
    %dma_start3A_890 = arith.constant 0 : i32
    %dma_start3A_891 = tpu.memref_slice %arg7[%dma_start3A_870, %dma_start3A_887, %dma_start3A_888, %dma_start3A_889, %dma_start3A_890] : memref<2x8x2x8x129xf32, #tpu.memory_space<vmem>> -> memref<1x8x2x8x128xf32, #tpu.memory_space<vmem>>
    %dma_start3A_892 = tpu.memref_squeeze %dma_start3A_891 : memref<1x8x2x8x128xf32, #tpu.memory_space<vmem>> -> memref<8x2x8x128xf32, #tpu.memory_space<vmem>>
    tpu.enqueue_dma source(%dma_start3A_892 : memref<8x2x8x128xf32, #tpu.memory_space<vmem>>) target(%dma_start3A_886 : memref<8x2x8x128xf32, #tpu.memory_space<hbm>>) target_semaphore(%arg10 : memref<!tpu.dma_semaphore, #tpu.memory_space<semaphore_mem>>)
    %dma_wait3A_893 = arith.constant 0 : i32
    %dma_wait3A_894 = arith.constant 0 : i32
    %dma_wait3A_895 = arith.constant 0 : i32
    %dma_wait3A_896 = tpu.memref_slice %arg6[%dma_wait3A_893, %dma_wait3A_894, %dma_wait3A_895] : memref<3x256x64xf32, #tpu.memory_space<vmem>> -> memref<1x256x64xf32, #tpu.memory_space<vmem>>
    %dma_wait3A_897 = tpu.memref_squeeze %dma_wait3A_896 : memref<1x256x64xf32, #tpu.memory_space<vmem>> -> memref<256x64xf32, #tpu.memory_space<vmem>>
    %dma_wait3A_898 = arith.constant 0 : i32
    %dma_wait3A_899 = arith.constant 0 : i32
    %dma_wait3A_900 = tpu.memref_slice %arg3[%dma_wait3A_898, %dma_wait3A_899] : memref<1000000x64xf32, #tpu.memory_space<hbm>> -> memref<256x64xf32, #tpu.memory_space<hbm>>
    %dma_wait3A_901 = arith.constant 0 : i32
    %dma_wait3A_902 = arith.constant 0 : i32
    %dma_wait3A_903 = tpu.memref_slice %arg6[%dma_wait3A_893, %dma_wait3A_901, %dma_wait3A_902] : memref<3x256x64xf32, #tpu.memory_space<vmem>> -> memref<1x256x64xf32, #tpu.memory_space<vmem>>
    %dma_wait3A_904 = tpu.memref_squeeze %dma_wait3A_903 : memref<1x256x64xf32, #tpu.memory_space<vmem>> -> memref<256x64xf32, #tpu.memory_space<vmem>>
    %dma_wait3A_905 = arith.constant 0 : i32
    %dma_wait3A_906 = arith.constant 0 : i32
    %dma_wait3A_907 = tpu.memref_slice %arg3[%dma_wait3A_905, %dma_wait3A_906] : memref<1000000x64xf32, #tpu.memory_space<hbm>> -> memref<256x64xf32, #tpu.memory_space<hbm>>
    tpu.wait_dma2 semaphore(%arg10 : memref<!tpu.dma_semaphore, #tpu.memory_space<semaphore_mem>>) src(%dma_wait3A_907 : memref<256x64xf32, #tpu.memory_space<hbm>>) dst(%dma_wait3A_904 : memref<256x64xf32, #tpu.memory_space<vmem>>)
    %dma_wait3A_908 = arith.constant 1 : i32
    %dma_wait3A_909 = arith.constant 0 : i32
    %dma_wait3A_910 = arith.constant 0 : i32
    %dma_wait3A_911 = tpu.memref_slice %arg6[%dma_wait3A_908, %dma_wait3A_909, %dma_wait3A_910] : memref<3x256x64xf32, #tpu.memory_space<vmem>> -> memref<1x256x64xf32, #tpu.memory_space<vmem>>
    %dma_wait3A_912 = tpu.memref_squeeze %dma_wait3A_911 : memref<1x256x64xf32, #tpu.memory_space<vmem>> -> memref<256x64xf32, #tpu.memory_space<vmem>>
    %dma_wait3A_913 = arith.constant 0 : i32
    %dma_wait3A_914 = arith.constant 0 : i32
    %dma_wait3A_915 = tpu.memref_slice %arg3[%dma_wait3A_913, %dma_wait3A_914] : memref<1000000x64xf32, #tpu.memory_space<hbm>> -> memref<256x64xf32, #tpu.memory_space<hbm>>
    %dma_wait3A_916 = arith.constant 0 : i32
    %dma_wait3A_917 = arith.constant 0 : i32
    %dma_wait3A_918 = tpu.memref_slice %arg6[%dma_wait3A_908, %dma_wait3A_916, %dma_wait3A_917] : memref<3x256x64xf32, #tpu.memory_space<vmem>> -> memref<1x256x64xf32, #tpu.memory_space<vmem>>
    %dma_wait3A_919 = tpu.memref_squeeze %dma_wait3A_918 : memref<1x256x64xf32, #tpu.memory_space<vmem>> -> memref<256x64xf32, #tpu.memory_space<vmem>>
    %dma_wait3A_920 = arith.constant 0 : i32
    %dma_wait3A_921 = arith.constant 0 : i32
    %dma_wait3A_922 = tpu.memref_slice %arg3[%dma_wait3A_920, %dma_wait3A_921] : memref<1000000x64xf32, #tpu.memory_space<hbm>> -> memref<256x64xf32, #tpu.memory_space<hbm>>
    tpu.wait_dma2 semaphore(%arg10 : memref<!tpu.dma_semaphore, #tpu.memory_space<semaphore_mem>>) src(%dma_wait3A_922 : memref<256x64xf32, #tpu.memory_space<hbm>>) dst(%dma_wait3A_919 : memref<256x64xf32, #tpu.memory_space<vmem>>)
    return
  }
}

</mosaic_0001>

<sc_bundles>
// kernel: kernel.3.cloned.1.call-start
scs
__scs_entry_jumppad:
0x0: {  	(pc) =	sbr.rel $0x88, $3  }
0x1: {  	(tag) =	ssettag $0x0;
	lr =	simm.s32 $0x1  }
0x2: {  	[smem:$0x3F9F] =	sst lr;
	_ =	strace $0xD0000000  }
0x3: {  	_ = 	snop  }
0x4: {  	_ = 	snop  }
0x5: {  	_ = 	snop  }
0x6: {  	_ = 	snop  }
0x7: {  	_ = 	snop  }
__scs_overlays_trampoline_lowered:
0x8: {  	[smem:$0x3FAE] =	sst s0  }
0x9: {  	[smem:$0x3FAF] =	sst s1  }
0xa: {  	[smem:$0x3FB0] =	sst s2  }
0xb: {  	[smem:$0x3FB1] =	sst s3  }
0xc: {  	[smem:$0x3FB2] =	sst s4  }
0xd: {  	[smem:$0x3FB3] =	sst s5  }
0xe: {  	[smem:$0x3FB4] =	sst s6  }
0xf: {  	[smem:$0x3FB5] =	sst s7  }
0x10: {  	[smem:$0x3FB6] =	sst s8  }
0x11: {  	[smem:$0x3FB7] =	sst s9;
	s0 =	simm.s32 @!p0 $0x0  }
0x12: {  	s1 =	sld [smem:$0x3F9D];
	s0 =	simm.s32 @p0 $0x1  }
0x13: {  	[smem:$0x3FB8] =	sst s0;
	s0 =	simm.s32 @!p1 $0x0  }
0x14: {  	s2 =	sld [smem:$0x3F9C];
	s0 =	simm.s32 @p1 $0x1  }
0x15: {  	[smem:$0x3FB9] =	sst s0;
	s0 =	simm.s32 @!p2 $0x0  }
0x16: {  	s3 =	sld [smem:$0x3FDB];
	s0 =	simm.s32 @p2 $0x1  }
0x17: {  	s4 =	simm.s32 $0x1BF5;
	[smem:$0x3FBB] =	sst s0  }
0x18: {  	s0 =	sld [smem:$0x3F9E];
	_ =	swait.ge [sflag:s4], $0x0  }
0x19: {  	s7 =	sld [smem:$0x3F9F]  }
0x1a: {  	s8 =	sadd.s32 $0xFFFFE003, lr  }
0x1b: {  	s9 =	sadd.s32 $0xFFFFFEF7, lr;
	s5 =	simm.s32 $0xFFFFFFFF;
	p2 =	slt.u32 s8, $0xFFFFF086  }
0x1c: {  	p1 =	slt.u32 s9, $0xF7A;
	s5 =	simm.s32 @!p2 $0x0  }
0x1d: {  	s5 =	simm.s32 @p1 $0x1;
	p0 =	seq.s32 s7, s2  }
0x1e: {  	s7 =	smul.u32 @!p0 $0xF7A, s2;
	p2 =	seq.s32 @!p0 s5, $0x0  }
0x1f: {  	s9 =	smul.u32 $0xF7A, s1;
	s8 =	simm.s32 @!p0 $0x1BF5;
	p2 =	por !p2, p0  }
0x20: {  	[sflag:s8] =	ssyncset.s32 @!p0 $0xFFFFF086;
	s6 =	sadd.s32 @!p0 s3, s7;
	s7 =	simm.s32 @!p0 $0x108  }
0x21: {  	s3 =	sadd.s32 s3, s9;
	s6 =	sadd.s32 @!p0 $0x88, s6;
	s7 =	simm.s32 @p2 $0x1082  }
0x22: {  	[simem:s7], [sflag:s8] =	dma.local @!p0 [hbm:s6], $0xF7A  }
0x23: {  	s9 =	sor.u32 $0xD0000000, s2;
	s6 =	simm.s32 $0x108;
	_ =	swait.ge @!p0 [sflag:s8], $0x0  }
0x24: {  	s3 =	sadd.s32 $0x88, s3;
	s6 =	simm.s32 @!p1 $0x1082;
	[sflag:s4] =	ssyncset.s32 $0xFFFFF086  }
0x25: {  	[simem:s6], [sflag:s4] =	dma.local [hbm:s3], $0xF7A  }
0x26: {  	[smem:$0x3F9F] =	sst s1;
	(tag) =	ssettag s2;
	_ =	strace s9  }
0x27: {  	s1 =	sld [smem:$0x3FAF]  }
0x28: {  	s2 =	sld [smem:$0x3FB0]  }
0x29: {  	s4 =	sld [smem:$0x3FB2]  }
0x2a: {  	p0 =	seq.s32 s5, $0x0;
	s5 =	sld [smem:$0x3FB3]  }
0x2b: {  	s6 =	sld [smem:$0x3FB4]  }
0x2c: {  	s7 =	sld [smem:$0x3FB5]  }
0x2d: {  	s3 =	simm.s32 $0x108;
	s8 =	sld [smem:$0x3FB6]  }
0x2e: {  	s3 =	simm.s32 @!p0 $0x1082;
	s9 =	sld [smem:$0x3FB7]  }
0x2f: {  	lr =	sadd.s32 s0, s3;
	s0 =	sld [smem:$0x3FAE]  }
0x30: {  	s3 =	sld [smem:$0x3FB1]  }
0x31: {  	[smem:$0x3FBA] =	sst s10  }
0x32: {  	s10 =	sld [smem:$0x3FB8];
	_ =	sdelay $0x3  }
0x33: {  	p0 =	seq.s32 s10, $0x1;
	s10 =	sld [smem:$0x3FBA];
	_ =	sdelay $0x3  }
0x34: {  	[smem:$0x3FBA] =	sst s10  }
0x35: {  	s10 =	sld [smem:$0x3FB9];
	_ =	sdelay $0x3  }
0x36: {  	p1 =	seq.s32 s10, $0x1;
	s10 =	sld [smem:$0x3FBA];
	_ =	sdelay $0x3  }
0x37: {  	[smem:$0x3FBA] =	sst s10  }
0x38: {  	s10 =	sld [smem:$0x3FBB]  }
0x39: {  	_ = 	snop;
	(pc) =	sbr.ind lr, $3  }
0x3a: {  	_ = 	snop  }
0x3b: {  	_ = 	snop  }
0x3c: {  	p2 =	seq.s32 s10, $0x1;
	s10 =	sld [smem:$0x3FBA]  }
0x3d: {  	_ =	shalt  }
0x3e: {  	_ =	shalt  }
0x3f: {  	_ =	shalt  }
0x40: {  	_ =	shalt  }
0x41: {  	_ =	shalt  }
0x42: {  	_ =	shalt  }
0x43: {  	_ =	shalt  }
0x44: {  	_ =	shalt  }
0x45: {  	_ =	shalt  }
0x46: {  	_ =	shalt  }
0x47: {  	_ =	shalt  }
0x48: {  	_ =	shalt  }
0x49: {  	_ =	shalt  }
0x4a: {  	_ =	shalt  }
0x4b: {  	_ =	shalt  }
0x4c: {  	_ =	shalt  }
0x4d: {  	_ =	shalt  }
0x4e: {  	_ =	shalt  }
0x4f: {  	_ =	shalt  }
0x50: {  	_ =	shalt  }
0x51: {  	_ =	shalt  }
0x52: {  	_ =	shalt  }
0x53: {  	_ =	shalt  }
0x54: {  	_ =	shalt  }
0x55: {  	_ =	shalt  }
0x56: {  	_ =	shalt  }
0x57: {  	_ =	shalt  }
0x58: {  	_ =	shalt  }
0x59: {  	_ =	shalt  }
0x5a: {  	_ =	shalt  }
0x5b: {  	_ =	shalt  }
0x5c: {  	_ =	shalt  }
0x5d: {  	_ =	shalt  }
0x5e: {  	_ =	shalt  }
0x5f: {  	_ =	shalt  }
0x60: {  	_ =	shalt  }
0x61: {  	_ =	shalt  }
0x62: {  	_ =	shalt  }
0x63: {  	_ =	shalt  }
0x64: {  	_ =	shalt  }
0x65: {  	_ =	shalt  }
0x66: {  	_ =	shalt  }
0x67: {  	_ =	shalt  }
0x68: {  	_ =	shalt  }
0x69: {  	_ =	shalt  }
0x6a: {  	_ =	shalt  }
0x6b: {  	_ =	shalt  }
0x6c: {  	_ =	shalt  }
0x6d: {  	_ =	shalt  }
0x6e: {  	_ =	shalt  }
0x6f: {  	_ =	shalt  }
0x70: {  	_ =	shalt  }
0x71: {  	_ =	shalt  }
0x72: {  	_ =	shalt  }
0x73: {  	_ =	shalt  }
0x74: {  	_ =	shalt  }
0x75: {  	_ =	shalt  }
0x76: {  	_ =	shalt  }
0x77: {  	_ =	shalt  }
0x78: {  	_ =	shalt  }
0x79: {  	_ =	shalt  }
0x7a: {  	_ =	shalt  }
0x7b: {  	_ =	shalt  }
0x7c: {  	_ =	shalt  }
0x7d: {  	_ =	shalt  }
0x7e: {  	_ =	shalt  }
0x7f: {  	_ =	shalt  }
0x80: {  	_ =	shalt  }
0x81: {  	_ =	shalt  }
0x82: {  	_ =	shalt  }
0x83: {  	_ =	shalt  }
0x84: {  	_ =	shalt  }
0x85: {  	_ =	shalt  }
0x86: {  	_ =	shalt  }
0x87: {  	_ =	shalt  }
.Lfunc_end0:
.L_simem_size_0:
called_computation_lowered:
.L_overlay_start_0:
0x88: {  	s2 =	sld [smem:$0x3FD9]  }
0x89: {  	s3 =	sld [smem:$0x3FFE];
	_ =	sdelay $0x1  }
0x8a: {  	s1 =	srdreg.scid  }
0x8b: {  	s0 =	sand.u32 $0x1, s1  }
0x8c: {  	s17 =	sshll.u32 s0, $0xA;
	s2 =	sadd.s32 s3, s2  }
0x8d: {  	s2 =	sadd.s32 s2, s17  }
0x8e: {  	[smem:$0x3FC6] =	sst s2  }
0x8f: {  	_ = 	snop  }
0x90: {  	s2 =	sld [smem:$0x3FD0];
	(tm) =	ssettm $0x1  }
0x91: {  	s18 =	sld [smem:$0x3FFB];
	_ =	sdelay $0x3  }
0x92: {  	_ =	strace s18  }
0x93: {  	s3 =	sld [smem:$0x3FFC];
	_ =	sdelay $0x3  }
0x94: {  	_ =	strace s3  }
0x95: {  	s3 =	sld [smem:$0x3FFD];
	_ =	sdelay $0x3  }
0x96: {  	_ =	strace s3  }
0x97: {  	_ =	strace $0x8FFFFFFF  }
0x98: {  	s19 =	sld [smem:$0x3FDB];
	_ =	sdelay $0x1  }
0x99: {  	s4 =	simm.s32 $_scs_section_size  }
0x9a: {  	s5 =	simm.s32 $_size__tile_overlayer_lowered;
	s6 =	simm.s32 $_tile_overlayer_lowered  }
0x9b: {  	s22 =	simm.s32 $0x1BFF;
	s21 =	sshll.u32 s6, $0x1;
	s3 =	sadd.s32 s4, s19  }
0x9c: {  	s7 =	simm.s32 $0x0;
	s20 =	sshll.u32 s5, $0x1;
	s5 =	sadd.s32 s21, s3  }
0x9d: {  	[timem:s7], [sflag:s22] =	dma.local [hbm:s5], s20  }
0x9e: {  	_ =	swait.ge [sflag:s22], s20  }
0x9f: {  	s4 =	ssub.s32 $0x0, s20;
	[sflag:s22] =	ssyncset.done $0x0  }
0xa0: {  	[sflag:s22] =	ssyncadd.s32 s4;
	_ =	sdelay $0x1  }
0xa1: {  	s23 =	simm.s32 $0x1B8B  }
0xa2: {  	_ =	swait.ge [sflag:s23], $0x1  }
0xa3: {  	[sflag:s23] =	ssyncset.done $0x0  }
0xa4: {  	s25 =	simm.s32 $0x1B8E;
	s24 =	sld [smem:$0x3FFE];
	[sflag:s23] =	ssyncadd.s32 $0xFFFFFFFF  }
0xa5: {  	s26 =	simm.s32 $execute0_lowered;
	[smem:$0x3FD2] =	sst s25  }
0xa6: {  	s5 =	sshll.u32 s26, $0x1;
	_ =	strace $0x80000046;
	[dreg:$0x1] =	wrdreg $0xFFFFFFFF  }
0xa7: {  	s28 =	simm.s32 $_size_execute0_lowered;
	s3 =	sadd.s32 s3, s5;
	[dreg:$0x0] =	wrdreg $0x0  }
0xa8: {  	s5 =	sshll.u32 s28, $0x1;
	[dreg:$0x2] =	wrdreg s3  }
0xa9: {  	[dreg:$0x3] =	wrdreg s5  }
0xaa: {  	[dreg:$0x4] =	wrdreg $0xC0  }
0xab: {  	_ =	task [dreg:s7], $0x5FFFF  }
0xac: {  	[dreg:$0x1] =	wrdreg $0xFFFFFFFF  }
0xad: {  	[dreg:$0x0] =	wrdreg $0x60  }
0xae: {  	[dreg:$0x2] =	wrdreg s24  }
0xaf: {  	[dreg:$0x3] =	wrdreg s2  }
0xb0: {  	[dreg:$0x4] =	wrdreg $0x9  }
0xb1: {  	_ =	task.clear_ibuf [dreg:s7], $0x5FFFF;
	_ =	strace $0x90000046  }
0xb2: {  	s29 =	simm.s32 $0x9;
	_ =	strace $0x80000048  }
0xb3: {  	_ =	swait.ge [sflag:s29], $0x1  }
0xb4: {  	[sflag:s29] =	ssyncadd.s32 $0xFFFFFFFF  }
0xb5: {  	_ =	strace $0x90000048  }
0xb6: {  	_ =	sfence  }
0xb7: {  	s30 =	sld [smem:$0x0];
	_ =	sdelay $0x2  }
0xb8: {  	s31 =	sshll.u32 s1, $0xD;
	s1 =	sshrl.u32 s1, $0x2  }
0xb9: {  	s3 =	sand.u32 $0x4000, s31;
	s1 =	sadd.s32 s1, s30  }
0xba: {  	s0 =	sor.u32 s3, s0;
	s1 =	sshll.u32 s1, $0x11  }
0xbb: {  	s0 =	sor.u32 s1, s0  }
0xbc: {  	s0 =	sadd.s32 $0x8F2B, s0  }
0xbd: {  	[sflag:s0] =	ssyncadd.remote.s32 $0x1  }
0xbe: {  	_ =	sfence.sel $0xFFFF  }
0xbf: {  	[dreg:$0x0] =	wrdreg $0xFFFFFFFF;
	(pc) =	sbr.abs _section_cstart, $3  }
0xc0: {  	[dreg:$0x1] =	wrdreg $0xFFFFFFFF  }
0xc1: {  	_ =	task.clear_ibuf [dreg:s7], $0x2FFFF;
	_ =	strace $0x9FFFFFFF  }
0xc2: {  	(tm) =	ssettm $0x7FFFFFFF  }
0xc3: {  	_ =	shalt  }
tec
execute0_lowered:
.L_overlay_start_1:
0x0: {  	(tag) =	ssettag $0x1  }
0x1: {  	v0 =	vimm.s32 $0xC38  }
0x2: {  	vm14 =	vcmask $0x300;
	vm13 =	vcmask $0x704;
	vm12 =	vcmask $0xB08  }
0x3: {  	vm11 =	vcmask $0xF0C;
	vm10 =	vcmask $0x1310;
	vm9 =	vcmask $0x1714;
	s2 =	rddreg [dreg:$0x0]  }
0x4: {  	vm8 =	vcmask $0x1B18;
	s1 =	rddreg [dreg:$0x1];
	vm7 =	vcmask $0x1F1C;
	vm6 =	vcmask $0x2320  }
0x5: {  	s3 =	simm.s32 $0x0;
	s0 =	srdreg.scid;
	s4 =	stileid.u32;
	vm5 =	vcmask $0x2724;
	vm4 =	vcmask $0x2B28;
	vm2 =	vcmask $0x2F2C  }
0x6: {  	vm1 =	vcmask $0x3330;
	vm0 =	vcmask $0x3734;
	vm3 =	vcmask $0x3B38;
	s18 =	simm.s32 $0x1;
	s0 =	sand.u32 $0x1, s0;
	s4 =	sshll.u32 s4, $0x1  }
0x7: {  	v1 =	vimm.s32 $0x1D38;
	v2 =	vimm.s32 $0x2E38;
	v3 =	vimm.s32 $0x3F38;
	s19 =	simm.s32 $0x100;
	s28 =	simm.s32 $0x3;
	s7 =	sor.u32 s0, s4  }
0x8: {  	s29 =	simm.s32 $0x0;
	v0 =	vsel vm14, $0x0, v0;
	[smem:$0x7FF] =	sst s3;
	v1 =	vsel vm14, $0x1100, v1;
	v2 =	vsel vm14, $0x2200, v2;
	s4 =	smul.u32 $0x190, s7  }
0x9: {  	s8 =	sadd.s32 $0x400, s2;
	v3 =	vsel vm14, $0x3300, v3;
	v0 =	vsel vm13, $0x88, v0;
	s0 =	ssub.s32 $0x2, s0;
	v1 =	vsel vm13, $0x1188, v1;
	s10 =	smul.u32 $0x3200, s7  }
0xa: {  	s5 =	sadd.s32 $0x64400, s2;
	v2 =	vsel vm13, $0x2288, v2;
	v3 =	vsel vm13, $0x3388, v3;
	v0 =	vsel vm12, $0x110, v0;
	s6 =	sshrl.u32 s0, $0x1;
	s12 =	smul.u32 $0x640000, s7  }
0xb: {  	_ =	strace $0x80000047;
	s7 =	sshll.u32 s7, $0xF;
	v1 =	vsel vm12, $0x1210, v1;
	v2 =	vsel vm12, $0x2310, v2;
	v3 =	vsel vm12, $0x3410, v3;
	s0 =	ssub.s32 s0, s6  }
0xc: {  	v0 =	vsel vm11, $0x198, v0;
	v1 =	vsel vm11, $0x1298, v1;
	v2 =	vsel vm11, $0x2398, v2;
	s11 =	sor.u32 $0x1, s4;
	s6 =	sadd.s32 s8, s10;
	s7 =	sor.u32 s7, s12  }
0xd: {  	v3 =	vsel vm11, $0x3498, v3;
	v0 =	vsel vm10, $0x220, v0;
	s23 =	sand.u32 $0xFF00000, s12;
	s25 =	sadd.s32 $0x18D, s4;
	v1 =	vsel vm10, $0x1320, v1;
	s30 =	sadd.s32 $0x18E, s4  }
0xe: {  	v2 =	vsel vm10, $0x2420, v2;
	v3 =	vsel vm10, $0x3520, v3;
	s14 =	sadd.s32 $0x18F, s4;
	v0 =	vsel vm9, $0x2A8, v0;
	s9 =	sshll.u32 s11, $0x5;
	s20 =	sadd.s32 $0x40, s6  }
0xf: {  	s21 =	sand.u32 $0xFF18000, s7;
	s22 =	sshll.u32 s11, $0xB;
	s12 =	sadd.s32 $0x80, s6;
	v1 =	vsel vm9, $0x13A8, v1;
	v2 =	vsel vm9, $0x24A8, v2;
	v3 =	vsel vm9, $0x35A8, v3  }
0x10: {  	s26 =	sshll.u32 s25, $0xB;
	s31 =	sshll.u32 s30, $0xB;
	s15 =	sshll.u32 s14, $0x8;
	v0 =	vsel vm8, $0x330, v0;
	v1 =	vsel vm8, $0x1430, v1;
	v2 =	vsel vm8, $0x2530, v2  }
0x11: {  	s14 =	sshll.u32 s14, $0xB;
	s8 =	sadd.s32 s8, s9;
	[dreg:$0x4] =	wrdreg s20;
	v3 =	vsel vm8, $0x3630, v3;
	v0 =	vsel vm7, $0x3B8, v0;
	v1 =	vsel vm7, $0x14B8, v1  }
0x12: {  	s9 =	sadd.s32 $0x460, s2;
	s2 =	sshrl.u32 s21, $0x3;
	s7 =	sand.u32 $0x18800, s22;
	v2 =	vsel vm7, $0x25B8, v2;
	v3 =	vsel vm7, $0x36B8, v3;
	v0 =	vsel vm6, $0x880, v0  }
0x13: {  	s15 =	sand.u32 $0x3F00, s15;
	s16 =	sand.u32 $0x3FE0000, s14;
	s20 =	simm.s32 $0x300;
	v1 =	vsel vm6, $0x1980, v1;
	v2 =	vsel vm6, $0x2A80, v2;
	v3 =	vsel vm6, $0x3B80, v3  }
0x14: {  	s22 =	simm.s32 $0x200;
	[dreg:$0x3] =	wrdreg s8;
	s10 =	sadd.s32 s10, s9;
	v0 =	vsel vm5, $0x908, v0;
	v1 =	vsel vm5, $0x1A08, v1;
	v2 =	vsel vm5, $0x2B08, v2  }
0x15: {  	s11 =	sadd.s32 s1, s2;
	s24 =	sor.u32 s23, s7;
	s7 =	sshll.u32 s25, $0x8;
	v3 =	vsel vm5, $0x3C08, v3;
	v0 =	vsel vm4, $0x990, v0;
	v1 =	vsel vm4, $0x1A90, v1  }
0x16: {  	s8 =	sshll.u32 s30, $0x8;
	s17 =	sadd.s32 s1, s15;
	s23 =	simm.s32 $0x2;
	v2 =	vsel vm4, $0x2B90, v2;
	v3 =	vsel vm4, $0x3C90, v3;
	v0 =	vsel vm2, $0xA18, v0  }
0x17: {  	s25 =	simm.s32 $0xC300;
	[dreg:$0x5] =	wrdreg s10;
	s2 =	sshrl.u32 s24, $0x3;
	v1 =	vsel vm2, $0x1B18, v1;
	v2 =	vsel vm2, $0x2C18, v2;
	v3 =	vsel vm2, $0x3D18, v3  }
0x18: {  	s7 =	sand.u32 $0x3D00, s7;
	s10 =	sand.u32 $0x3FE0000, s31;
	s8 =	sand.u32 $0x3E00, s8;
	v0 =	vsel vm1, $0xAA0, v0;
	v1 =	vsel vm1, $0x1BA0, v1;
	v2 =	vsel vm1, $0x2CA0, v2  }
0x19: {  	s16 =	sadd.s32 s16, s17;
	s17 =	smax.u32 s0, $0x1;
	s13 =	sadd.s32 s1, s2;
	v3 =	vsel vm1, $0x3DA0, v3;
	v0 =	vsel vm0, $0xB28, v0;
	v1 =	vsel vm0, $0x1C28, v1  }
0x1a: {  	s2 =	sand.u32 $0x3FE0000, s26;
	s7 =	sadd.s32 s1, s7;
	s8 =	sadd.s32 s1, s8;
	v2 =	vsel vm0, $0x2D28, v2;
	v3 =	vsel vm0, $0x3E28, v3;
	v0 =	vsel vm3, $0xBB0, v0  }
0x1b: {  	s26 =	simm.s32 $0x10700;
	s14 =	sadd.s32 s2, s7;
	s15 =	sadd.s32 s10, s8;
	v1 =	vsel vm3, $0x1CB0, v1;
	v2 =	vsel vm3, $0x2DB0, v2;
	v3 =	vsel vm3, $0x3EB0, v3  }
.LBB2_1:
0x1c: {  	[tilespmem:s3], [sflag:$0x1] =	stream.linear.gather [hbm4b:s6+s3], $0x100, $0x38;
	[tilespmem:$0x14B00] =	vst v63  }
0x1d: {  	_ =	swait.ge [sflag:s18], $0x100  }
0x1e: {  	[sflag:s18] =	ssyncset.done $0x0  }
0x1f: {  	[sflag:s18] =	ssyncadd.s32 $0xFFFFFF00  }
0x20: {  	[tilespmem:s20], [sflag:$0x2] =	stream.indirect.gather [hbm4b:s5+s19], $0x40, s3, s19, $0xb8;
	[tilespmem:$0x14B00] =	vst v63  }
0x21: {  	s0 =	rddreg [dreg:$0x3]  }
0x22: {  	[tilespmem:s19], [sflag:$0x1] =	stream.linear.gather [hbm4b:s0+s3], $0x100, $0x38;
	[tilespmem:$0x14B00] =	vst v63  }
0x23: {  	_ =	swait.ge [sflag:s18], $0x100  }
0x24: {  	[sflag:s18] =	ssyncset.done $0x0  }
0x25: {  	s7 =	simm.s32 $0x4300;
	[sflag:s18] =	ssyncadd.s32 $0xFFFFFF00  }
0x26: {  	[tilespmem:s7], [sflag:$0x2] =	stream.indirect.gather [hbm4b:s5+s19], $0x40, s19, s19, $0xb8;
	[tilespmem:$0x14B00] =	vst v63  }
0x27: {  	s8 =	rddreg [dreg:$0x4]  }
0x28: {  	[tilespmem:s22], [sflag:$0x1] =	stream.linear.gather [hbm4b:s8+s3], $0x100, $0x38;
	[tilespmem:$0x14B00] =	vst v63  }
0x29: {  	_ =	swait.ge [sflag:s23], $0x4000  }
0x2a: {  	s10 =	simm.s32 $0x0;
	[sflag:s23] =	ssyncset.done $0x0  }
0x2b: {  	s24 =	simm.s32 $0x3;
	v4 =	vmov s10;
	[sflag:s23] =	ssyncadd.s32 $0xFFFFC000  }
0x2c: {  	v5 =	vmov s24;
	v4 =	vmul.u32 $0x440, v4;
	_ =	swait.ge [sflag:s18], $0x100  }
0x2d: {  	s31 =	simm.s32 $0x1;
	v11 =	vand.u32 $0x78, v5;
	[sflag:s18] =	ssyncset.done $0x0  }
0x2e: {  	s21 =	simm.s32 $0x8300;
	v16 =	vand.u32 $0x7, v5;
	v5 =	vmov s31;
	v7 =	vbroadcast v4, $0x0;
	[sflag:s18] =	ssyncadd.s32 $0xFFFFFF00  }
0x2f: {  	v19 =	vand.u32 $0x5, v5;
	[tilespmem:s21], [sflag:$0x2] =	stream.indirect.gather [hbm4b:s5+s19], $0x40, s22, s19, $0xb8;
	[tilespmem:$0x14B00] =	vst v63  }
0x30: {  	s2 =	simm.s32 $0x380;
	v17 =	vand.u32 $0x78, v5;
	v4 =	vmov s3;
	v6 =	vadd.s32 v0, v7;
	s7 =	simm.s32 $0x2;
	s30 =	rddreg [dreg:$0x5]  }
0x31: {  	v9 =	vand.u32 $0x4, v4;
	v12 =	vand.u32 $0x78, v4;
	v4 =	vadd.s32 v11, v6;
	[tilespmem:s3], [sflag:$0x1] =	stream.linear.gather [hbm4b:s30+s3], $0x100, $0x38;
	[tilespmem:$0x14B00] =	vst v63  }
0x32: {  	v5 =	vadd.s32 v12, v6;
	v4 =	vor.u32 v16, v4;
	v8 =	vmov s7;
	v10 =	vld [tilespmem:s2+$0x40]  }
0x33: {  	v13 =	vadd.s32 v17, v6;
	v15 =	vor.u32 v9, v5;
	v18 =	vand.u32 $0x78, v8;
	v14 =	vld [tilespmem:s2+$0xFFFFFF80]  }
0x34: {  	v22 =	vand.u32 $0x6, v8;
	v8 =	vor.u32 v19, v13;
	v5 =	vadd.s32 v18, v6;
	v6 =	vld [tilespmem:s2+$0xFFFFFFC0]  }
0x35: {  	v21 =	vadd.s32 v1, v7;
	v13 =	vor.u32 v22, v5;
	v20 =	vld [tilespmem:s2+$0x0]  }
0x36: {  	v27 =	vadd.s32 v2, v7;
	v23 =	vadd.s32 v12, v21  }
0x37: {  	v28 =	vadd.s32 v12, v27;
	[tilespmem:v4+s25+$0x0] =	vst.idx.msk $0xffff, v10;
	v4 =	vadd.s32 v11, v21  }
0x38: {  	v29 =	vadd.s32 v17, v27;
	[tilespmem:v15+s25+$0x0] =	vst.idx.msk $0xffff, v14;
	v24 =	vld [tilespmem:s2+$0x50];
	v4 =	vor.u32 v16, v4  }
0x39: {  	s10 =	simm.s32 $0x6;
	v23 =	vor.u32 v9, v23;
	v14 =	vadd.s32 v17, v21;
	[tilespmem:v8+s25+$0x0] =	vst.idx.msk $0xffff, v6;
	v15 =	vld [tilespmem:s2+$0xFFFFFF90]  }
0x3a: {  	v25 =	vmov s10;
	s7 =	simm.s32 $0x4;
	s21 =	simm.s32 $0x0;
	v6 =	vadd.s32 v18, v21;
	[tilespmem:v13+s25+$0x0] =	vst.idx.msk $0xffff, v20;
	v21 =	vld [tilespmem:s2+$0xFFFFFFD0];
	v14 =	vor.u32 v19, v14  }
0x3b: {  	s8 =	simm.s32 $0x5;
	v10 =	vmov s7;
	v13 =	vmov s21;
	v20 =	vor.u32 v22, v6;
	v26 =	vld [tilespmem:s2+$0x10]  }
0x3c: {  	v8 =	vmov s8;
	v5 =	vand.u32 $0x4, v10;
	v13 =	vmul.u32 $0x440, v13  }
0x3d: {  	v10 =	vand.u32 $0x78, v10;
	v6 =	vand.u32 $0x5, v8;
	[tilespmem:v4+s25+$0x0] =	vst.idx.msk $0xffff, v24;
	v24 =	vadd.s32 v11, v27  }
0x3e: {  	v8 =	vand.u32 $0x78, v8;
	v13 =	vbroadcast v13, $0x0;
	[tilespmem:v23+s25+$0x0] =	vst.idx.msk $0xffff, v15;
	v30 =	vld [tilespmem:s2+$0x60];
	v24 =	vor.u32 v16, v24  }
0x3f: {  	s24 =	simm.s32 $0x7;
	v4 =	vand.u32 $0x6, v25;
	v23 =	vor.u32 v9, v28;
	v15 =	vadd.s32 v18, v27;
	[tilespmem:v14+s25+$0x0] =	vst.idx.msk $0xffff, v21  }
0x40: {  	v14 =	vmov s24;
	v21 =	vor.u32 v19, v29;
	[tilespmem:v20+s25+$0x0] =	vst.idx.msk $0xffff, v26;
	v20 =	vadd.s32 v0, v13;
	v27 =	vld [tilespmem:s2+$0xFFFFFFA0]  }
0x41: {  	v29 =	vadd.s32 v3, v7;
	v31 =	vor.u32 v22, v15;
	v28 =	vld [tilespmem:s2+$0xFFFFFFE0];
	v15 =	vand.u32 $0x78, v14  }
0x42: {  	s0 =	simm.s32 $0x480;
	v32 =	vld [tilespmem:s2+$0x20];
	v14 =	vand.u32 $0x7, v14;
	v11 =	vadd.s32 v11, v29;
	v26 =	vadd.s32 v15, v20  }
0x43: {  	v7 =	vand.u32 $0x78, v25;
	v25 =	vld [tilespmem:s0+$0x40];
	v12 =	vadd.s32 v12, v29;
	v26 =	vor.u32 v14, v26;
	[tilespmem:v24+s25+$0x0] =	vst.idx.msk $0xffff, v30  }
0x44: {  	v37 =	vadd.s32 v17, v29;
	v11 =	vor.u32 v16, v11;
	v24 =	vadd.s32 v10, v20;
	v33 =	vld [tilespmem:s2+$0x70]  }
0x45: {  	v34 =	vld [tilespmem:s0+$0xFFFFFF80];
	v30 =	vadd.s32 v8, v20;
	[tilespmem:v23+s25+$0x0] =	vst.idx.msk $0xffff, v27;
	v24 =	vor.u32 v5, v24  }
0x46: {  	v16 =	vadd.s32 v7, v20;
	v20 =	vld [tilespmem:s0+$0xFFFFFFC0];
	[tilespmem:v21+s25+$0x0] =	vst.idx.msk $0xffff, v28;
	v30 =	vor.u32 v6, v30  }
0x47: {  	v36 =	vld [tilespmem:s0+$0x0];
	v38 =	vadd.s32 v18, v29;
	v35 =	vor.u32 v4, v16;
	[tilespmem:v31+s25+$0x0] =	vst.idx.msk $0xffff, v32  }
0x48: {  	s21 =	simm.s32 $0x8;
	v17 =	vadd.s32 v1, v13;
	v40 =	vor.u32 v9, v12;
	v39 =	vld [tilespmem:s2+$0xFFFFFFB0];
	[tilespmem:v26+s25+$0x0] =	vst.idx.msk $0xffff, v25  }
0x49: {  	v12 =	vmov s21;
	v18 =	vadd.s32 v10, v17;
	v21 =	vadd.s32 v15, v17;
	v16 =	vld [tilespmem:s2+$0xFFFFFFF0];
	[tilespmem:v11+s25+$0x0] =	vst.idx.msk $0xffff, v33  }
0x4a: {  	s30 =	simm.s32 $0x9;
	v9 =	vand.u32 $0x4, v12;
	v12 =	vand.u32 $0x78, v12;
	v28 =	vor.u32 v14, v21;
	[tilespmem:v24+s25+$0x0] =	vst.idx.msk $0xffff, v34;
	v24 =	vld [tilespmem:s0+$0x50]  }
0x4b: {  	s8 =	simm.s32 $0x0;
	v29 =	vor.u32 v5, v18;
	v18 =	vmov s30;
	v11 =	vadd.s32 v8, v17;
	[tilespmem:v30+s25+$0x0] =	vst.idx.msk $0xffff, v20;
	v25 =	vld [tilespmem:s0+$0xFFFFFF90]  }
0x4c: {  	v31 =	vmov s8;
	[tilespmem:v35+s25+$0x0] =	vst.idx.msk $0xffff, v36;
	v17 =	vadd.s32 v7, v17;
	v23 =	vld [tilespmem:s0+$0xFFFFFFD0];
	v27 =	vor.u32 v6, v11  }
0x4d: {  	s31 =	simm.s32 $0xA;
	v26 =	vld [tilespmem:s0+$0x10];
	v20 =	vor.u32 v19, v37;
	v19 =	vor.u32 v22, v38;
	v21 =	vor.u32 v4, v17  }
0x4e: {  	s7 =	simm.s32 $0xC;
	v30 =	vadd.s32 v2, v13;
	[tilespmem:v40+s25+$0x0] =	vst.idx.msk $0xffff, v39;
	v22 =	vld [tilespmem:s2+$0x30];
	s2 =	simm.s32 $0x480;
	v17 =	vmov s31;
	v11 =	vand.u32 $0x5, v18  }
.LBB2_2:
0x4f: {  	p0 =	slt.u32 s7, $0xFC;
	v31 =	vmul.u32 $0x440, v31;
	v32 =	vadd.s32 v10, v30;
	[tilespmem:v28+s25+$0x0] =	vst.idx.msk $0xffff, v24;
	v24 =	vadd.s32 v15, v30  }
0x50: {  	v33 =	vand.u32 $0x6, v17;
	[tilespmem:v29+s25+$0x0] =	vst.idx.msk $0xffff, v25;
	v25 =	vadd.s32 v8, v30;
	v28 =	vld [tilespmem:s0+$0x60];
	v24 =	vor.u32 v14, v24  }
0x51: {  	s8 =	sadd.s32 $0x3, s21;
	s21 =	smov.u32 s7;
	v32 =	vor.u32 v5, v32;
	v29 =	vbroadcast v31, $0x0;
	v31 =	vld [tilespmem:s0+$0xFFFFFFA0];
	[tilespmem:v27+s25+$0x0] =	vst.idx.msk $0xffff, v23;
	v23 =	vadd.s32 v7, v30  }
0x52: {  	v27 =	vmov s8;
	v25 =	vor.u32 v6, v25;
	v30 =	vld [tilespmem:s0+$0xFFFFFFE0];
	[tilespmem:v21+s25+$0x0] =	vst.idx.msk $0xffff, v26;
	v34 =	vor.u32 v4, v23  }
0x53: {  	v18 =	vand.u32 $0x78, v18;
	v23 =	vand.u32 $0x78, v27;
	v21 =	vadd.s32 v0, v29;
	v35 =	vld [tilespmem:s0+$0x20];
	[tilespmem:v20+s25+$0x0] =	vst.idx.msk $0xffff, v16  }
0x54: {  	v26 =	vadd.s32 v3, v13;
	v16 =	vand.u32 $0x7, v27;
	s0 =	sadd.s32 $0x100, s0;
	v20 =	vadd.s32 v23, v21;
	[tilespmem:v19+s25+$0x0] =	vst.idx.msk $0xffff, v22  }
0x55: {  	v17 =	vand.u32 $0x78, v17;
	v19 =	vld [tilespmem:s0+$0x40];
	v20 =	vor.u32 v16, v20;
	[tilespmem:v24+s25+$0x0] =	vst.idx.msk $0xffff, v28;
	v28 =	vadd.s32 v15, v26  }
0x56: {  	v13 =	vmovc v29;
	v36 =	vadd.s32 v12, v21;
	v22 =	vadd.s32 v18, v21;
	v24 =	vld [tilespmem:s2+$0x70];
	v27 =	vor.u32 v14, v28  }
0x57: {  	v37 =	vadd.s32 v17, v21;
	v29 =	vor.u32 v9, v36;
	v22 =	vor.u32 v11, v22;
	v15 =	vmovc v23;
	v28 =	vld [tilespmem:s0+$0xFFFFFF80]  }
0x58: {  	v10 =	vadd.s32 v10, v26;
	v36 =	vor.u32 v33, v37;
	v14 =	vmov v16;
	v21 =	vld [tilespmem:s0+$0xFFFFFFC0];
	[tilespmem:v32+s25+$0x0] =	vst.idx.msk $0xffff, v31  }
0x59: {  	v32 =	vadd.s32 v7, v26;
	v31 =	vld [tilespmem:s0+$0x0];
	[tilespmem:v25+s25+$0x0] =	vst.idx.msk $0xffff, v30;
	v30 =	vadd.s32 v8, v26;
	v8 =	vmov v18  }
0x5a: {  	v38 =	vor.u32 v5, v10;
	v7 =	vmov v17;
	v18 =	vadd.s32 v1, v13;
	[tilespmem:v20+s25+$0x0] =	vst.idx.msk $0xffff, v19;
	v37 =	vld [tilespmem:s2+$0xFFFFFFB0]  }
0x5b: {  	v10 =	vmov s7;
	v5 =	vmovc v9;
	v17 =	vadd.s32 v12, v18;
	v19 =	vadd.s32 v15, v18;
	v16 =	vld [tilespmem:s2+$0xFFFFFFF0];
	[tilespmem:v27+s25+$0x0] =	vst.idx.msk $0xffff, v24  }
.Ltmp0:
0x5c: {  	v9 =	vand.u32 $0x4, v10;
	v20 =	vadd.s32 v8, v18;
	[tilespmem:v29+s25+$0x0] =	vst.idx.msk $0xffff, v28;
	v24 =	vld [tilespmem:s0+$0x50];
	v28 =	vor.u32 v14, v19;
	(pc) =	sbr.rel @p0 .LBB2_2-.Ltmp0, $4  }
0x5d: {  	s8 =	sadd.s32 $0x1, s7;
	v39 =	vand.u32 $0x78, v10;
	v29 =	vor.u32 v5, v17;
	v17 =	vadd.s32 v7, v18;
	v25 =	vld [tilespmem:s0+$0xFFFFFF90];
	[tilespmem:v22+s25+$0x0] =	vst.idx.msk $0xffff, v21  }
0x5e: {  	v10 =	vmovc v12;
	v27 =	vor.u32 v11, v20;
	v18 =	vmov s8;
	s8 =	sadd.s32 $0x2, s7;
	v21 =	vor.u32 v33, v17;
	v23 =	vld [tilespmem:s0+$0xFFFFFFD0];
	[tilespmem:v36+s25+$0x0] =	vst.idx.msk $0xffff, v31  }
0x5f: {  	s10 =	sshrl.u32 s7, $0x7;
	v20 =	vor.u32 v6, v30;
	v19 =	vor.u32 v4, v32;
	v4 =	vmovc v33;
	v17 =	vmov s8;
	v26 =	vld [tilespmem:s0+$0x10];
	[tilespmem:v34+s25+$0x0] =	vst.idx.msk $0xffff, v35  }
0x60: {  	v12 =	vmovc v39;
	v30 =	vadd.s32 v2, v13;
	v6 =	vmovc v11;
	s7 =	sadd.s32 $0x4, s7;
	v11 =	vand.u32 $0x5, v18;
	v31 =	vmov s10;
	[tilespmem:v38+s25+$0x0] =	vst.idx.msk $0xffff, v37;
	v22 =	vld [tilespmem:s2+$0x30];
	s2 =	smov.u32 s0  }
0x61: {  	_ =	sdelay $0x2  }
0x62: {  	v31 =	vmul.u32 $0x440, v31  }
0x63: {  	v32 =	vadd.s32 v10, v30;
	v33 =	vadd.s32 v15, v30;
	[tilespmem:v28+s25+$0x0] =	vst.idx.msk $0xffff, v24;
	v24 =	vand.u32 $0x6, v17  }
0x64: {  	v44 =	vadd.s32 v8, v30;
	s7 =	sadd.s32 $0x3, s21;
	v49 =	vadd.s32 v7, v30;
	v31 =	vbroadcast v31, $0x0  }
0x65: {  	v18 =	vand.u32 $0x78, v18;
	[tilespmem:v20+s25+$0x0] =	vst.idx.msk $0xffff, v16;
	v13 =	vadd.s32 v3, v13;
	v47 =	vmov s7  }
0x66: {  	[tilespmem:v29+s25+$0x0] =	vst.idx.msk $0xffff, v25;
	v45 =	vor.u32 v14, v33;
	v48 =	vld [tilespmem:s0+$0x60];
	v30 =	vand.u32 $0x78, v47;
	v50 =	vadd.s32 v0, v31  }
0x67: {  	s8 =	sadd.s32 $0x100, s0;
	v46 =	vor.u32 v5, v32;
	v34 =	vld [tilespmem:s0+$0xFFFFFFA0];
	[tilespmem:v21+s25+$0x0] =	vst.idx.msk $0xffff, v26;
	v21 =	vand.u32 $0x7, v47;
	v51 =	vadd.s32 v30, v50  }
0x68: {  	v28 =	vor.u32 v6, v44;
	v52 =	vld [tilespmem:s8+$0x40];
	v54 =	vadd.s32 v12, v50;
	v53 =	vor.u32 v21, v51  }
0x69: {  	v17 =	vand.u32 $0x78, v17;
	v56 =	vld [tilespmem:s8+$0xFFFFFF80];
	[tilespmem:v27+s25+$0x0] =	vst.idx.msk $0xffff, v23;
	v55 =	vadd.s32 v18, v50;
	v26 =	vor.u32 v9, v54  }
0x6a: {  	v57 =	vld [tilespmem:s8+$0xFFFFFFC0];
	[tilespmem:v19+s25+$0x0] =	vst.idx.msk $0xffff, v22;
	v27 =	vadd.s32 v17, v50;
	v19 =	vor.u32 v11, v55  }
0x6b: {  	v59 =	vld [tilespmem:s8+$0x0];
	v61 =	vadd.s32 v15, v13;
	[tilespmem:v45+s25+$0x0] =	vst.idx.msk $0xffff, v48;
	v58 =	vor.u32 v24, v27  }
0x6c: {  	v41 =	vadd.s32 v10, v13;
	v60 =	vld [tilespmem:s0+$0xFFFFFFE0];
	v62 =	vadd.s32 v1, v31;
	[tilespmem:v46+s25+$0x0] =	vst.idx.msk $0xffff, v34  }
0x6d: {  	v23 =	vor.u32 v4, v49;
	v42 =	vld [tilespmem:s0+$0x20];
	v36 =	vadd.s32 v30, v62;
	[tilespmem:v53+s25+$0x0] =	vst.idx.msk $0xffff, v52  }
0x6e: {  	v37 =	vadd.s32 v12, v62;
	v15 =	vor.u32 v21, v36;
	[tilespmem:v26+s25+$0x0] =	vst.idx.msk $0xffff, v56;
	v20 =	vld [tilespmem:s8+$0x50]  }
0x6f: {  	v38 =	vadd.s32 v18, v62;
	v16 =	vor.u32 v9, v37;
	[tilespmem:v19+s25+$0x0] =	vst.idx.msk $0xffff, v57;
	v26 =	vld [tilespmem:s8+$0xFFFFFF90]  }
0x70: {  	v39 =	vadd.s32 v17, v62;
	v22 =	vor.u32 v11, v38;
	[tilespmem:v58+s25+$0x0] =	vst.idx.msk $0xffff, v59;
	v40 =	vld [tilespmem:s8+$0xFFFFFFD0]  }
0x71: {  	v43 =	vadd.s32 v8, v13;
	[tilespmem:v28+s25+$0x0] =	vst.idx.msk $0xffff, v60;
	v19 =	vor.u32 v24, v39;
	v25 =	vld [tilespmem:s8+$0x10]  }
0x72: {  	v35 =	vor.u32 v14, v61;
	v44 =	vadd.s32 v2, v31;
	v63 =	vld [tilespmem:s2+$0x70];
	[tilespmem:v23+s25+$0x0] =	vst.idx.msk $0xffff, v42  }
0x73: {  	v5 =	vor.u32 v5, v41;
	v46 =	vadd.s32 v30, v44;
	v45 =	vld [tilespmem:s2+$0xFFFFFFB0];
	[tilespmem:v15+s25+$0x0] =	vst.idx.msk $0xffff, v20  }
0x74: {  	v47 =	vadd.s32 v12, v44;
	v10 =	vor.u32 v21, v46;
	[tilespmem:v16+s25+$0x0] =	vst.idx.msk $0xffff, v26;
	v48 =	vld [tilespmem:s8+$0x60]  }
0x75: {  	v49 =	vadd.s32 v18, v44;
	v15 =	vor.u32 v9, v47;
	[tilespmem:v22+s25+$0x0] =	vst.idx.msk $0xffff, v40;
	v26 =	vld [tilespmem:s8+$0xFFFFFFA0]  }
0x76: {  	v14 =	vadd.s32 v17, v44;
	v20 =	vor.u32 v11, v49;
	[tilespmem:v19+s25+$0x0] =	vst.idx.msk $0xffff, v25;
	v22 =	vld [tilespmem:s8+$0xFFFFFFE0]  }
0x77: {  	v50 =	vadd.s32 v7, v13;
	v51 =	vor.u32 v24, v14;
	[tilespmem:v35+s25+$0x0] =	vst.idx.msk $0xffff, v63;
	v52 =	vld [tilespmem:s8+$0x20]  }
0x78: {  	v4 =	vor.u32 v4, v50;
	v55 =	vld [tilespmem:s2+$0x30];
	[tilespmem:v5+s25+$0x0] =	vst.idx.msk $0xffff, v45;
	v5 =	vadd.s32 v3, v31  }
0x79: {  	v54 =	vor.u32 v6, v43;
	v53 =	vld [tilespmem:s2+$0xFFFFFFF0];
	v56 =	vadd.s32 v30, v5;
	[tilespmem:v10+s25+$0x0] =	vst.idx.msk $0xffff, v48  }
0x7a: {  	v57 =	vadd.s32 v12, v5;
	v8 =	vor.u32 v21, v56;
	[tilespmem:v15+s25+$0x0] =	vst.idx.msk $0xffff, v26;
	v10 =	vld [tilespmem:s8+$0x70]  }
0x7b: {  	v58 =	vadd.s32 v18, v5;
	v60 =	vor.u32 v9, v57;
	[tilespmem:v20+s25+$0x0] =	vst.idx.msk $0xffff, v22;
	v59 =	vld [tilespmem:s8+$0xFFFFFFB0]  }
0x7c: {  	v5 =	vadd.s32 v17, v5;
	v62 =	vor.u32 v11, v58;
	[tilespmem:v51+s25+$0x0] =	vst.idx.msk $0xffff, v52;
	v61 =	vld [tilespmem:s8+$0xFFFFFFF0]  }
0x7d: {  	v5 =	vor.u32 v24, v5;
	[tilespmem:v4+s25+$0x0] =	vst.idx.msk $0xffff, v55;
	v63 =	vld [tilespmem:s8+$0x30]  }
0x7e: {  	[tilespmem:v54+s25+$0x0] =	vst.idx.msk $0xffff, v53  }
0x7f: {  	[tilespmem:v8+s25+$0x0] =	vst.idx.msk $0xffff, v10  }
0x80: {  	[tilespmem:v60+s25+$0x0] =	vst.idx.msk $0xffff, v59  }
0x81: {  	[tilespmem:v62+s25+$0x0] =	vst.idx.msk $0xffff, v61  }
0x82: {  	s10 =	simm.s32 $0xC300;
	[tilespmem:v5+s25+$0x0] =	vst.idx.msk $0xffff, v63  }
0x83: {  	[hbm4b:s11+s3] =	stream.linear.scatter [tilespmem:s10], [sflag:$0x3], $0x80, $0x38;
	[tilespmem:$0x14B00] =	vst v63  }
0x84: {  	s21 =	simm.s32 $0xC388;
	s24 =	sadd.s32 $0x10, s11  }
0x85: {  	[hbm4b:s24+s3] =	stream.linear.scatter [tilespmem:s21], [sflag:$0x3], $0x80, $0x38;
	[tilespmem:$0x14B00] =	vst v63  }
0x86: {  	s30 =	simm.s32 $0xC410;
	s31 =	sadd.s32 $0x20, s11  }
0x87: {  	[hbm4b:s31+s3] =	stream.linear.scatter [tilespmem:s30], [sflag:$0x3], $0x80, $0x38;
	[tilespmem:$0x14B00] =	vst v63  }
0x88: {  	s7 =	sadd.s32 $0x30, s11;
	s2 =	simm.s32 $0xC498  }
0x89: {  	[hbm4b:s7+s3] =	stream.linear.scatter [tilespmem:s2], [sflag:$0x3], $0x80, $0x38;
	[tilespmem:$0x14B00] =	vst v63  }
0x8a: {  	s8 =	simm.s32 $0xC520;
	s10 =	sadd.s32 $0x40, s11  }
0x8b: {  	[hbm4b:s10+s3] =	stream.linear.scatter [tilespmem:s8], [sflag:$0x3], $0x80, $0x38;
	[tilespmem:$0x14B00] =	vst v63  }
0x8c: {  	s21 =	simm.s32 $0xC5A8;
	s24 =	sadd.s32 $0x50, s11  }
0x8d: {  	[hbm4b:s24+s3] =	stream.linear.scatter [tilespmem:s21], [sflag:$0x3], $0x80, $0x38;
	[tilespmem:$0x14B00] =	vst v63  }
0x8e: {  	s30 =	simm.s32 $0xC630;
	s31 =	sadd.s32 $0x60, s11  }
0x8f: {  	[hbm4b:s31+s3] =	stream.linear.scatter [tilespmem:s30], [sflag:$0x3], $0x80, $0x38;
	[tilespmem:$0x14B00] =	vst v63  }
0x90: {  	s2 =	simm.s32 $0xC6B8;
	s7 =	sadd.s32 $0x70, s11  }
0x91: {  	[hbm4b:s7+s3] =	stream.linear.scatter [tilespmem:s2], [sflag:$0x3], $0x80, $0x38;
	[tilespmem:$0x14B00] =	vst v63  }
0x92: {  	s8 =	simm.s32 $0xC740;
	s10 =	sadd.s32 $0x80, s11  }
0x93: {  	[hbm4b:s10+s3] =	stream.linear.scatter [tilespmem:s8], [sflag:$0x3], $0x80, $0x38;
	[tilespmem:$0x14B00] =	vst v63  }
0x94: {  	s21 =	simm.s32 $0xC7C8;
	s24 =	sadd.s32 $0x90, s11  }
0x95: {  	[hbm4b:s24+s3] =	stream.linear.scatter [tilespmem:s21], [sflag:$0x3], $0x80, $0x38;
	[tilespmem:$0x14B00] =	vst v63  }
0x96: {  	s0 =	simm.s32 $0x880;
	s30 =	simm.s32 $0xC850;
	s31 =	sadd.s32 $0xA0, s11  }
0x97: {  	[hbm4b:s31+s3] =	stream.linear.scatter [tilespmem:s30], [sflag:$0x3], $0x80, $0x38;
	[tilespmem:$0x14B00] =	vst v63  }
0x98: {  	s2 =	simm.s32 $0xC8D8;
	s7 =	sadd.s32 $0xB0, s11;
	s8 =	simm.s32 $0xC960  }
0x99: {  	[hbm4b:s7+s3] =	stream.linear.scatter [tilespmem:s2], [sflag:$0x3], $0x80, $0x38;
	[tilespmem:$0x14B00] =	vst v63  }
0x9a: {  	s10 =	sadd.s32 $0xC0, s11;
	s21 =	simm.s32 $0xC9E8;
	s24 =	sadd.s32 $0xD0, s11  }
0x9b: {  	[hbm4b:s10+s3] =	stream.linear.scatter [tilespmem:s8], [sflag:$0x3], $0x80, $0x38;
	[tilespmem:$0x14B00] =	vst v63  }
0x9c: {  	s30 =	simm.s32 $0xCA70;
	s31 =	sadd.s32 $0xE0, s11;
	s7 =	simm.s32 $0xCAF8  }
0x9d: {  	[hbm4b:s24+s3] =	stream.linear.scatter [tilespmem:s21], [sflag:$0x3], $0x80, $0x38;
	[tilespmem:$0x14B00] =	vst v63  }
0x9e: {  	s2 =	sadd.s32 $0x4000, s11;
	s10 =	simm.s32 $0x4400;
	s21 =	sadd.s32 $0xF0, s11  }
0x9f: {  	[hbm4b:s31+s3] =	stream.linear.scatter [tilespmem:s30], [sflag:$0x3], $0x80, $0x38;
	[tilespmem:$0x14B00] =	vst v63  }
.LBB2_4:
0xa0: {  	[hbm4b:s21+s3] =	stream.linear.scatter [tilespmem:s7], [sflag:$0x3], $0x80, $0x38;
	[tilespmem:$0x14B00] =	vst v63  }
0xa1: {  	s7 =	smov.u32 s0;
	s0 =	smov.u32 s10  }
0xa2: {  	s8 =	sadd.s32 $0x2200, s10;
	s0 =	sshra.s32 s0, $0x2;
	s21 =	sadd.s32 $0xC300, s7  }
0xa3: {  	[hbm4b:s2+s3] =	stream.linear.scatter [tilespmem:s21], [sflag:$0x3], $0x80, $0x38;
	[tilespmem:$0x14B00] =	vst v63  }
0xa4: {  	p0 =	sne.s32 s10, $0xEE00;
	s10 =	sadd.s32 $0xC388, s7;
	s21 =	sadd.s32 $0x10, s2  }
0xa5: {  	[hbm4b:s21+s3] =	stream.linear.scatter [tilespmem:s10], [sflag:$0x3], $0x80, $0x38;
	[tilespmem:$0x14B00] =	vst v63  }
0xa6: {  	s10 =	sadd.s32 $0xC410, s7;
	s21 =	sadd.s32 $0x20, s2  }
0xa7: {  	[hbm4b:s21+s3] =	stream.linear.scatter [tilespmem:s10], [sflag:$0x3], $0x80, $0x38;
	[tilespmem:$0x14B00] =	vst v63  }
0xa8: {  	s10 =	sadd.s32 $0xC498, s7;
	s21 =	sadd.s32 $0x30, s2  }
0xa9: {  	[hbm4b:s21+s3] =	stream.linear.scatter [tilespmem:s10], [sflag:$0x3], $0x80, $0x38;
	[tilespmem:$0x14B00] =	vst v63  }
0xaa: {  	s10 =	sadd.s32 $0xC520, s7;
	s21 =	sadd.s32 $0x40, s2  }
0xab: {  	[hbm4b:s21+s3] =	stream.linear.scatter [tilespmem:s10], [sflag:$0x3], $0x80, $0x38;
	[tilespmem:$0x14B00] =	vst v63  }
0xac: {  	s10 =	sadd.s32 $0xC5A8, s7;
	s21 =	sadd.s32 $0x50, s2  }
0xad: {  	[hbm4b:s21+s3] =	stream.linear.scatter [tilespmem:s10], [sflag:$0x3], $0x80, $0x38;
	[tilespmem:$0x14B00] =	vst v63  }
0xae: {  	s10 =	sadd.s32 $0xC630, s7;
	s21 =	sadd.s32 $0x60, s2  }
0xaf: {  	[hbm4b:s21+s3] =	stream.linear.scatter [tilespmem:s10], [sflag:$0x3], $0x80, $0x38;
	[tilespmem:$0x14B00] =	vst v63  }
0xb0: {  	s10 =	sadd.s32 $0xC6B8, s7;
	s21 =	sadd.s32 $0x70, s2  }
0xb1: {  	[hbm4b:s21+s3] =	stream.linear.scatter [tilespmem:s10], [sflag:$0x3], $0x80, $0x38;
	[tilespmem:$0x14B00] =	vst v63  }
0xb2: {  	s10 =	sadd.s32 $0xC740, s7;
	s21 =	sadd.s32 $0x80, s2  }
0xb3: {  	[hbm4b:s21+s3] =	stream.linear.scatter [tilespmem:s10], [sflag:$0x3], $0x80, $0x38;
	[tilespmem:$0x14B00] =	vst v63  }
0xb4: {  	s10 =	sadd.s32 $0xC7C8, s7;
	s21 =	sadd.s32 $0x90, s2  }
0xb5: {  	[hbm4b:s21+s3] =	stream.linear.scatter [tilespmem:s10], [sflag:$0x3], $0x80, $0x38;
	[tilespmem:$0x14B00] =	vst v63  }
0xb6: {  	s10 =	sadd.s32 $0xC850, s7;
	s21 =	sadd.s32 $0xA0, s2  }
0xb7: {  	[hbm4b:s21+s3] =	stream.linear.scatter [tilespmem:s10], [sflag:$0x3], $0x80, $0x38;
	[tilespmem:$0x14B00] =	vst v63  }
0xb8: {  	s10 =	sadd.s32 $0xC8D8, s7;
	s21 =	sadd.s32 $0xB0, s2  }
0xb9: {  	[hbm4b:s21+s3] =	stream.linear.scatter [tilespmem:s10], [sflag:$0x3], $0x80, $0x38;
	[tilespmem:$0x14B00] =	vst v63  }
0xba: {  	s10 =	sadd.s32 $0xC960, s7;
	s21 =	sadd.s32 $0xC0, s2  }
0xbb: {  	[hbm4b:s21+s3] =	stream.linear.scatter [tilespmem:s10], [sflag:$0x3], $0x80, $0x38;
	[tilespmem:$0x14B00] =	vst v63  }
.Ltmp1:
0xbc: {  	s10 =	sadd.s32 $0xC9E8, s7;
	s21 =	sadd.s32 $0xD0, s2;
	(pc) =	sbr.rel @p0 .LBB2_4-.Ltmp1, $4  }
0xbd: {  	[hbm4b:s21+s3] =	stream.linear.scatter [tilespmem:s10], [sflag:$0x3], $0x80, $0x38;
	[tilespmem:$0x14B00] =	vst v63  }
0xbe: {  	s10 =	sadd.s32 $0xCA70, s7;
	s21 =	sadd.s32 $0xE0, s2;
	s7 =	sadd.s32 $0xCAF8, s7  }
0xbf: {  	[hbm4b:s21+s3] =	stream.linear.scatter [tilespmem:s10], [sflag:$0x3], $0x80, $0x38;
	[tilespmem:$0x14B00] =	vst v63  }
0xc0: {  	s21 =	sadd.s32 $0xF0, s2;
	s2 =	sadd.s32 $0x4000, s2;
	s10 =	smov.u32 s8  }
0xc1: {  	[hbm4b:s21+s3] =	stream.linear.scatter [tilespmem:s7], [sflag:$0x3], $0x80, $0x38;
	[tilespmem:$0x14B00] =	vst v63  }
0xc2: {  	s8 =	sadd.s32 $0xC300, s0  }
0xc3: {  	[hbm4b:s2+s3] =	stream.linear.scatter [tilespmem:s8], [sflag:$0x3], $0x80, $0x38;
	[tilespmem:$0x14B00] =	vst v63  }
0xc4: {  	s10 =	sadd.s32 $0xC388, s0;
	s8 =	sadd.s32 $0x10, s2  }
0xc5: {  	[hbm4b:s8+s3] =	stream.linear.scatter [tilespmem:s10], [sflag:$0x3], $0x80, $0x38;
	[tilespmem:$0x14B00] =	vst v63  }
0xc6: {  	s21 =	sadd.s32 $0xC410, s0;
	s24 =	sadd.s32 $0x20, s2  }
0xc7: {  	[hbm4b:s24+s3] =	stream.linear.scatter [tilespmem:s21], [sflag:$0x3], $0x80, $0x38;
	[tilespmem:$0x14B00] =	vst v63  }
0xc8: {  	s30 =	sadd.s32 $0xC498, s0;
	s31 =	sadd.s32 $0x30, s2  }
0xc9: {  	[hbm4b:s31+s3] =	stream.linear.scatter [tilespmem:s30], [sflag:$0x3], $0x80, $0x38;
	[tilespmem:$0x14B00] =	vst v63  }
0xca: {  	s8 =	sadd.s32 $0xC520, s0;
	s10 =	sadd.s32 $0x40, s2  }
0xcb: {  	[hbm4b:s10+s3] =	stream.linear.scatter [tilespmem:s8], [sflag:$0x3], $0x80, $0x38;
	[tilespmem:$0x14B00] =	vst v63  }
0xcc: {  	s21 =	sadd.s32 $0xC5A8, s0;
	s24 =	sadd.s32 $0x50, s2  }
0xcd: {  	[hbm4b:s24+s3] =	stream.linear.scatter [tilespmem:s21], [sflag:$0x3], $0x80, $0x38;
	[tilespmem:$0x14B00] =	vst v63  }
0xce: {  	s30 =	sadd.s32 $0xC630, s0;
	s31 =	sadd.s32 $0x60, s2  }
0xcf: {  	[hbm4b:s31+s3] =	stream.linear.scatter [tilespmem:s30], [sflag:$0x3], $0x80, $0x38;
	[tilespmem:$0x14B00] =	vst v63  }
0xd0: {  	s8 =	sadd.s32 $0xC6B8, s0;
	s10 =	sadd.s32 $0x70, s2  }
0xd1: {  	[hbm4b:s10+s3] =	stream.linear.scatter [tilespmem:s8], [sflag:$0x3], $0x80, $0x38;
	[tilespmem:$0x14B00] =	vst v63  }
0xd2: {  	s21 =	sadd.s32 $0xC740, s0;
	s24 =	sadd.s32 $0x80, s2  }
0xd3: {  	[hbm4b:s24+s3] =	stream.linear.scatter [tilespmem:s21], [sflag:$0x3], $0x80, $0x38;
	[tilespmem:$0x14B00] =	vst v63  }
0xd4: {  	s30 =	sadd.s32 $0xC7C8, s0;
	s31 =	sadd.s32 $0x90, s2  }
0xd5: {  	[hbm4b:s31+s3] =	stream.linear.scatter [tilespmem:s30], [sflag:$0x3], $0x80, $0x38;
	[tilespmem:$0x14B00] =	vst v63  }
0xd6: {  	s8 =	sadd.s32 $0xC850, s0;
	s10 =	sadd.s32 $0xA0, s2  }
0xd7: {  	[hbm4b:s10+s3] =	stream.linear.scatter [tilespmem:s8], [sflag:$0x3], $0x80, $0x38;
	[tilespmem:$0x14B00] =	vst v63  }
0xd8: {  	s21 =	sadd.s32 $0xC8D8, s0;
	s24 =	sadd.s32 $0xB0, s2  }
0xd9: {  	[hbm4b:s24+s3] =	stream.linear.scatter [tilespmem:s21], [sflag:$0x3], $0x80, $0x38;
	[tilespmem:$0x14B00] =	vst v63  }
0xda: {  	s30 =	sadd.s32 $0xC960, s0;
	s31 =	sadd.s32 $0xC0, s2  }
0xdb: {  	[hbm4b:s31+s3] =	stream.linear.scatter [tilespmem:s30], [sflag:$0x3], $0x80, $0x38;
	[tilespmem:$0x14B00] =	vst v63  }
0xdc: {  	s10 =	sadd.s32 $0xC9E8, s0;
	s21 =	sadd.s32 $0xD0, s2  }
0xdd: {  	[hbm4b:s21+s3] =	stream.linear.scatter [tilespmem:s10], [sflag:$0x3], $0x80, $0x38;
	[tilespmem:$0x14B00] =	vst v63  }
0xde: {  	s24 =	sadd.s32 $0xCA70, s0;
	s30 =	sadd.s32 $0xE0, s2  }
0xdf: {  	[hbm4b:s30+s3] =	stream.linear.scatter [tilespmem:s24], [sflag:$0x3], $0x80, $0x38;
	[tilespmem:$0x14B00] =	vst v63  }
0xe0: {  	s7 =	sadd.s32 $0xF0, s2;
	s31 =	sadd.s32 $0xCAF8, s0  }
0xe1: {  	[hbm4b:s7+s3] =	stream.linear.scatter [tilespmem:s31], [sflag:$0x3], $0x80, $0x38;
	[tilespmem:$0x14B00] =	vst v63  }
0xe2: {  	s8 =	simm.s32 $0x0;
	_ =	swait.ge [sflag:s23], $0x4000  }
0xe3: {  	v4 =	vmov s8;
	[sflag:s23] =	ssyncset.done $0x0  }
0xe4: {  	v4 =	vmul.u32 $0x440, v4;
	[sflag:s23] =	ssyncadd.s32 $0xFFFFC000  }
0xe5: {  	_ =	swait.ge [sflag:s18], $0x100  }
0xe6: {  	v7 =	vbroadcast v4, $0x0;
	s10 =	simm.s32 $0x0;
	s21 =	simm.s32 $0x3;
	[sflag:s18] =	ssyncset.done $0x0  }
0xe7: {  	v4 =	vmov s10;
	v5 =	vmov s21;
	[sflag:s18] =	ssyncadd.s32 $0xFFFFFF00  }
0xe8: {  	v6 =	vadd.s32 v0, v7;
	v9 =	vand.u32 $0x4, v4;
	v11 =	vand.u32 $0x78, v5;
	[tilespmem:s20], [sflag:$0x2] =	stream.indirect.gather [hbm4b:s5+s19], $0x40, s10, s19, $0xb8;
	[tilespmem:$0x14B00] =	vst v63  }
0xe9: {  	s2 =	simm.s32 $0x43F0;
	v12 =	vand.u32 $0x78, v4;
	s24 =	simm.s32 $0x1;
	s30 =	simm.s32 $0x2;
	v16 =	vand.u32 $0x7, v5;
	v4 =	vadd.s32 v11, v6  }
0xea: {  	v5 =	vmov s24;
	v8 =	vmov s30;
	v4 =	vor.u32 v16, v4;
	[tilespmem:s19], [sflag:$0x1] =	stream.linear.gather [hbm4b:s12+s10], $0x100, $0x38;
	[tilespmem:$0x14B00] =	vst v63  }
0xeb: {  	v19 =	vand.u32 $0x5, v5;
	v17 =	vand.u32 $0x78, v5;
	v5 =	vadd.s32 v12, v6;
	v10 =	vld [tilespmem:s2+$0xFFFFFFD0]  }
0xec: {  	v18 =	vand.u32 $0x78, v8;
	v13 =	vadd.s32 v17, v6;
	v15 =	vor.u32 v9, v5;
	v14 =	vld [tilespmem:s2+$0xFFFFFF10]  }
0xed: {  	v22 =	vand.u32 $0x6, v8;
	v5 =	vadd.s32 v18, v6;
	v8 =	vor.u32 v19, v13;
	v6 =	vld [tilespmem:s2+$0xFFFFFF50]  }
0xee: {  	v21 =	vadd.s32 v1, v7;
	v13 =	vor.u32 v22, v5;
	v20 =	vld [tilespmem:s2+$0xFFFFFF90]  }
0xef: {  	v27 =	vadd.s32 v2, v7;
	v23 =	vadd.s32 v12, v21  }
0xf0: {  	v28 =	vadd.s32 v12, v27;
	[tilespmem:v4+s26+$0x0] =	vst.idx.msk $0xffff, v10;
	v4 =	vadd.s32 v11, v21  }
0xf1: {  	v23 =	vor.u32 v9, v23;
	[tilespmem:v15+s26+$0x0] =	vst.idx.msk $0xffff, v14;
	v24 =	vld [tilespmem:s2+$0xFFFFFFE0];
	v4 =	vor.u32 v16, v4  }
0xf2: {  	s8 =	simm.s32 $0x6;
	v29 =	vadd.s32 v17, v27;
	v14 =	vadd.s32 v17, v21;
	[tilespmem:v8+s26+$0x0] =	vst.idx.msk $0xffff, v6;
	v15 =	vld [tilespmem:s2+$0xFFFFFF20]  }
0xf3: {  	v25 =	vmov s8;
	s31 =	simm.s32 $0x4;
	s10 =	simm.s32 $0x0;
	v6 =	vadd.s32 v18, v21;
	[tilespmem:v13+s26+$0x0] =	vst.idx.msk $0xffff, v20;
	v21 =	vld [tilespmem:s2+$0xFFFFFF60];
	v14 =	vor.u32 v19, v14  }
0xf4: {  	s7 =	simm.s32 $0x5;
	v10 =	vmov s31;
	v13 =	vmov s10;
	v20 =	vor.u32 v22, v6;
	v26 =	vld [tilespmem:s2+$0xFFFFFFA0]  }
0xf5: {  	v8 =	vmov s7;
	v5 =	vand.u32 $0x4, v10;
	v13 =	vmul.u32 $0x440, v13  }
0xf6: {  	v10 =	vand.u32 $0x78, v10;
	v6 =	vand.u32 $0x5, v8;
	[tilespmem:v4+s26+$0x0] =	vst.idx.msk $0xffff, v24;
	v24 =	vadd.s32 v11, v27  }
0xf7: {  	v8 =	vand.u32 $0x78, v8;
	v13 =	vbroadcast v13, $0x0;
	[tilespmem:v23+s26+$0x0] =	vst.idx.msk $0xffff, v15;
	v30 =	vld [tilespmem:s2+$0xFFFFFFF0];
	v24 =	vor.u32 v16, v24  }
0xf8: {  	s21 =	simm.s32 $0x7;
	v4 =	vand.u32 $0x6, v25;
	v23 =	vor.u32 v9, v28;
	v15 =	vadd.s32 v18, v27;
	[tilespmem:v14+s26+$0x0] =	vst.idx.msk $0xffff, v21  }
0xf9: {  	v14 =	vmov s21;
	v21 =	vor.u32 v19, v29;
	[tilespmem:v20+s26+$0x0] =	vst.idx.msk $0xffff, v26;
	v20 =	vadd.s32 v0, v13;
	v27 =	vld [tilespmem:s2+$0xFFFFFF30]  }
0xfa: {  	v29 =	vadd.s32 v3, v7;
	v31 =	vor.u32 v22, v15;
	v28 =	vld [tilespmem:s2+$0xFFFFFF70];
	v15 =	vand.u32 $0x78, v14  }
0xfb: {  	s0 =	simm.s32 $0x44F0;
	v32 =	vld [tilespmem:s2+$0xFFFFFFB0];
	v14 =	vand.u32 $0x7, v14;
	v11 =	vadd.s32 v11, v29;
	v26 =	vadd.s32 v15, v20  }
0xfc: {  	v7 =	vand.u32 $0x78, v25;
	v25 =	vld [tilespmem:s0+$0xFFFFFFD0];
	v12 =	vadd.s32 v12, v29;
	v26 =	vor.u32 v14, v26;
	[tilespmem:v24+s26+$0x0] =	vst.idx.msk $0xffff, v30  }
0xfd: {  	v37 =	vadd.s32 v17, v29;
	v11 =	vor.u32 v16, v11;
	v24 =	vadd.s32 v10, v20;
	v33 =	vld [tilespmem:s2+$0x0]  }
0xfe: {  	v34 =	vld [tilespmem:s0+$0xFFFFFF10];
	v30 =	vadd.s32 v8, v20;
	[tilespmem:v23+s26+$0x0] =	vst.idx.msk $0xffff, v27;
	v24 =	vor.u32 v5, v24  }
0xff: {  	v16 =	vadd.s32 v7, v20;
	v20 =	vld [tilespmem:s0+$0xFFFFFF50];
	[tilespmem:v21+s26+$0x0] =	vst.idx.msk $0xffff, v28;
	v30 =	vor.u32 v6, v30  }
0x100: {  	v36 =	vld [tilespmem:s0+$0xFFFFFF90];
	v38 =	vadd.s32 v18, v29;
	v35 =	vor.u32 v4, v16;
	[tilespmem:v31+s26+$0x0] =	vst.idx.msk $0xffff, v32  }
0x101: {  	s21 =	simm.s32 $0x8;
	v17 =	vadd.s32 v1, v13;
	v40 =	vor.u32 v9, v12;
	v39 =	vld [tilespmem:s2+$0xFFFFFF40];
	[tilespmem:v26+s26+$0x0] =	vst.idx.msk $0xffff, v25  }
0x102: {  	v12 =	vmov s21;
	v18 =	vadd.s32 v10, v17;
	v21 =	vadd.s32 v15, v17;
	v16 =	vld [tilespmem:s2+$0xFFFFFF80];
	[tilespmem:v11+s26+$0x0] =	vst.idx.msk $0xffff, v33  }
0x103: {  	s24 =	simm.s32 $0x9;
	v9 =	vand.u32 $0x4, v12;
	v12 =	vand.u32 $0x78, v12;
	v28 =	vor.u32 v14, v21;
	[tilespmem:v24+s26+$0x0] =	vst.idx.msk $0xffff, v34;
	v24 =	vld [tilespmem:s0+$0xFFFFFFE0]  }
0x104: {  	s31 =	simm.s32 $0x0;
	v29 =	vor.u32 v5, v18;
	v18 =	vmov s24;
	v11 =	vadd.s32 v8, v17;
	[tilespmem:v30+s26+$0x0] =	vst.idx.msk $0xffff, v20;
	v25 =	vld [tilespmem:s0+$0xFFFFFF20]  }
0x105: {  	v31 =	vmov s31;
	[tilespmem:v35+s26+$0x0] =	vst.idx.msk $0xffff, v36;
	v17 =	vadd.s32 v7, v17;
	v23 =	vld [tilespmem:s0+$0xFFFFFF60];
	v27 =	vor.u32 v6, v11  }
0x106: {  	s30 =	simm.s32 $0xA;
	v26 =	vld [tilespmem:s0+$0xFFFFFFA0];
	v20 =	vor.u32 v19, v37;
	v19 =	vor.u32 v22, v38;
	v21 =	vor.u32 v4, v17  }
0x107: {  	s7 =	simm.s32 $0xC;
	v30 =	vadd.s32 v2, v13;
	[tilespmem:v40+s26+$0x0] =	vst.idx.msk $0xffff, v39;
	v22 =	vld [tilespmem:s2+$0xFFFFFFC0];
	s2 =	simm.s32 $0x44F0;
	v17 =	vmov s30;
	v11 =	vand.u32 $0x5, v18  }
.LBB2_6:
0x108: {  	p0 =	slt.u32 s7, $0xFC;
	v31 =	vmul.u32 $0x440, v31;
	v32 =	vadd.s32 v10, v30;
	[tilespmem:v28+s26+$0x0] =	vst.idx.msk $0xffff, v24;
	v24 =	vadd.s32 v15, v30  }
0x109: {  	v33 =	vand.u32 $0x6, v17;
	[tilespmem:v29+s26+$0x0] =	vst.idx.msk $0xffff, v25;
	v25 =	vadd.s32 v8, v30;
	v28 =	vld [tilespmem:s0+$0xFFFFFFF0];
	v24 =	vor.u32 v14, v24  }
0x10a: {  	s8 =	sadd.s32 $0x3, s21;
	s21 =	smov.u32 s7;
	v32 =	vor.u32 v5, v32;
	v29 =	vbroadcast v31, $0x0;
	v31 =	vld [tilespmem:s0+$0xFFFFFF30];
	[tilespmem:v27+s26+$0x0] =	vst.idx.msk $0xffff, v23;
	v23 =	vadd.s32 v7, v30  }
0x10b: {  	v27 =	vmov s8;
	v25 =	vor.u32 v6, v25;
	v30 =	vld [tilespmem:s0+$0xFFFFFF70];
	[tilespmem:v21+s26+$0x0] =	vst.idx.msk $0xffff, v26;
	v34 =	vor.u32 v4, v23  }
0x10c: {  	v18 =	vand.u32 $0x78, v18;
	v23 =	vand.u32 $0x78, v27;
	v21 =	vadd.s32 v0, v29;
	v35 =	vld [tilespmem:s0+$0xFFFFFFB0];
	[tilespmem:v20+s26+$0x0] =	vst.idx.msk $0xffff, v16  }
0x10d: {  	v26 =	vadd.s32 v3, v13;
	v16 =	vand.u32 $0x7, v27;
	s0 =	sadd.s32 $0x100, s0;
	v20 =	vadd.s32 v23, v21;
	[tilespmem:v19+s26+$0x0] =	vst.idx.msk $0xffff, v22  }
0x10e: {  	v17 =	vand.u32 $0x78, v17;
	v19 =	vld [tilespmem:s0+$0xFFFFFFD0];
	v20 =	vor.u32 v16, v20;
	[tilespmem:v24+s26+$0x0] =	vst.idx.msk $0xffff, v28;
	v28 =	vadd.s32 v15, v26  }
0x10f: {  	v13 =	vmovc v29;
	v36 =	vadd.s32 v12, v21;
	v22 =	vadd.s32 v18, v21;
	v24 =	vld [tilespmem:s2+$0x0];
	v27 =	vor.u32 v14, v28  }
0x110: {  	v37 =	vadd.s32 v17, v21;
	v29 =	vor.u32 v9, v36;
	v22 =	vor.u32 v11, v22;
	v15 =	vmovc v23;
	v28 =	vld [tilespmem:s0+$0xFFFFFF10]  }
0x111: {  	v10 =	vadd.s32 v10, v26;
	v36 =	vor.u32 v33, v37;
	v14 =	vmov v16;
	v21 =	vld [tilespmem:s0+$0xFFFFFF50];
	[tilespmem:v32+s26+$0x0] =	vst.idx.msk $0xffff, v31  }
0x112: {  	v32 =	vadd.s32 v7, v26;
	v31 =	vld [tilespmem:s0+$0xFFFFFF90];
	[tilespmem:v25+s26+$0x0] =	vst.idx.msk $0xffff, v30;
	v30 =	vadd.s32 v8, v26;
	v8 =	vmov v18  }
0x113: {  	v38 =	vor.u32 v5, v10;
	v7 =	vmov v17;
	v18 =	vadd.s32 v1, v13;
	[tilespmem:v20+s26+$0x0] =	vst.idx.msk $0xffff, v19;
	v37 =	vld [tilespmem:s2+$0xFFFFFF40]  }
0x114: {  	v10 =	vmov s7;
	v5 =	vmovc v9;
	v17 =	vadd.s32 v12, v18;
	v19 =	vadd.s32 v15, v18;
	v16 =	vld [tilespmem:s2+$0xFFFFFF80];
	[tilespmem:v27+s26+$0x0] =	vst.idx.msk $0xffff, v24  }
.Ltmp2:
0x115: {  	v9 =	vand.u32 $0x4, v10;
	v20 =	vadd.s32 v8, v18;
	[tilespmem:v29+s26+$0x0] =	vst.idx.msk $0xffff, v28;
	v24 =	vld [tilespmem:s0+$0xFFFFFFE0];
	v28 =	vor.u32 v14, v19;
	(pc) =	sbr.rel @p0 .LBB2_6-.Ltmp2, $4  }
0x116: {  	s8 =	sadd.s32 $0x1, s7;
	v39 =	vand.u32 $0x78, v10;
	v29 =	vor.u32 v5, v17;
	v17 =	vadd.s32 v7, v18;
	v25 =	vld [tilespmem:s0+$0xFFFFFF20];
	[tilespmem:v22+s26+$0x0] =	vst.idx.msk $0xffff, v21  }
0x117: {  	v10 =	vmovc v12;
	v27 =	vor.u32 v11, v20;
	v18 =	vmov s8;
	s8 =	sadd.s32 $0x2, s7;
	v21 =	vor.u32 v33, v17;
	v23 =	vld [tilespmem:s0+$0xFFFFFF60];
	[tilespmem:v36+s26+$0x0] =	vst.idx.msk $0xffff, v31  }
0x118: {  	s10 =	sshrl.u32 s7, $0x7;
	v20 =	vor.u32 v6, v30;
	v19 =	vor.u32 v4, v32;
	v4 =	vmovc v33;
	v17 =	vmov s8;
	v26 =	vld [tilespmem:s0+$0xFFFFFFA0];
	[tilespmem:v34+s26+$0x0] =	vst.idx.msk $0xffff, v35  }
0x119: {  	v12 =	vmovc v39;
	v30 =	vadd.s32 v2, v13;
	v6 =	vmovc v11;
	s7 =	sadd.s32 $0x4, s7;
	v11 =	vand.u32 $0x5, v18;
	v31 =	vmov s10;
	[tilespmem:v38+s26+$0x0] =	vst.idx.msk $0xffff, v37;
	v22 =	vld [tilespmem:s2+$0xFFFFFFC0];
	s2 =	smov.u32 s0  }
0x11a: {  	_ =	sdelay $0x2  }
0x11b: {  	v31 =	vmul.u32 $0x440, v31  }
0x11c: {  	v32 =	vadd.s32 v10, v30;
	v33 =	vadd.s32 v15, v30;
	[tilespmem:v28+s26+$0x0] =	vst.idx.msk $0xffff, v24;
	v24 =	vand.u32 $0x6, v17  }
0x11d: {  	v44 =	vadd.s32 v8, v30;
	s7 =	sadd.s32 $0x3, s21;
	v49 =	vadd.s32 v7, v30;
	v31 =	vbroadcast v31, $0x0  }
0x11e: {  	v18 =	vand.u32 $0x78, v18;
	[tilespmem:v20+s26+$0x0] =	vst.idx.msk $0xffff, v16;
	v13 =	vadd.s32 v3, v13;
	v47 =	vmov s7  }
0x11f: {  	[tilespmem:v29+s26+$0x0] =	vst.idx.msk $0xffff, v25;
	v45 =	vor.u32 v14, v33;
	v48 =	vld [tilespmem:s0+$0xFFFFFFF0];
	v30 =	vand.u32 $0x78, v47;
	v50 =	vadd.s32 v0, v31  }
0x120: {  	s8 =	sadd.s32 $0x100, s0;
	v46 =	vor.u32 v5, v32;
	v34 =	vld [tilespmem:s0+$0xFFFFFF30];
	[tilespmem:v21+s26+$0x0] =	vst.idx.msk $0xffff, v26;
	v21 =	vand.u32 $0x7, v47;
	v51 =	vadd.s32 v30, v50  }
0x121: {  	v28 =	vor.u32 v6, v44;
	v52 =	vld [tilespmem:s8+$0xFFFFFFD0];
	v54 =	vadd.s32 v12, v50;
	v53 =	vor.u32 v21, v51  }
0x122: {  	v17 =	vand.u32 $0x78, v17;
	v56 =	vld [tilespmem:s8+$0xFFFFFF10];
	[tilespmem:v27+s26+$0x0] =	vst.idx.msk $0xffff, v23;
	v55 =	vadd.s32 v18, v50;
	v26 =	vor.u32 v9, v54  }
0x123: {  	v57 =	vld [tilespmem:s8+$0xFFFFFF50];
	[tilespmem:v19+s26+$0x0] =	vst.idx.msk $0xffff, v22;
	v27 =	vadd.s32 v17, v50;
	v19 =	vor.u32 v11, v55  }
0x124: {  	v59 =	vld [tilespmem:s8+$0xFFFFFF90];
	v61 =	vadd.s32 v15, v13;
	[tilespmem:v45+s26+$0x0] =	vst.idx.msk $0xffff, v48;
	v58 =	vor.u32 v24, v27  }
0x125: {  	v41 =	vadd.s32 v10, v13;
	v60 =	vld [tilespmem:s0+$0xFFFFFF70];
	v62 =	vadd.s32 v1, v31;
	[tilespmem:v46+s26+$0x0] =	vst.idx.msk $0xffff, v34  }
0x126: {  	v23 =	vor.u32 v4, v49;
	v42 =	vld [tilespmem:s0+$0xFFFFFFB0];
	v36 =	vadd.s32 v30, v62;
	[tilespmem:v53+s26+$0x0] =	vst.idx.msk $0xffff, v52  }
0x127: {  	v37 =	vadd.s32 v12, v62;
	v15 =	vor.u32 v21, v36;
	[tilespmem:v26+s26+$0x0] =	vst.idx.msk $0xffff, v56;
	v20 =	vld [tilespmem:s8+$0xFFFFFFE0]  }
0x128: {  	v38 =	vadd.s32 v18, v62;
	v16 =	vor.u32 v9, v37;
	[tilespmem:v19+s26+$0x0] =	vst.idx.msk $0xffff, v57;
	v26 =	vld [tilespmem:s8+$0xFFFFFF20]  }
0x129: {  	v39 =	vadd.s32 v17, v62;
	v22 =	vor.u32 v11, v38;
	[tilespmem:v58+s26+$0x0] =	vst.idx.msk $0xffff, v59;
	v40 =	vld [tilespmem:s8+$0xFFFFFF60]  }
0x12a: {  	v43 =	vadd.s32 v8, v13;
	[tilespmem:v28+s26+$0x0] =	vst.idx.msk $0xffff, v60;
	v19 =	vor.u32 v24, v39;
	v25 =	vld [tilespmem:s8+$0xFFFFFFA0]  }
0x12b: {  	v35 =	vor.u32 v14, v61;
	v44 =	vadd.s32 v2, v31;
	v63 =	vld [tilespmem:s2+$0x0];
	[tilespmem:v23+s26+$0x0] =	vst.idx.msk $0xffff, v42  }
0x12c: {  	v5 =	vor.u32 v5, v41;
	v46 =	vadd.s32 v30, v44;
	v45 =	vld [tilespmem:s2+$0xFFFFFF40];
	[tilespmem:v15+s26+$0x0] =	vst.idx.msk $0xffff, v20  }
0x12d: {  	v47 =	vadd.s32 v12, v44;
	v10 =	vor.u32 v21, v46;
	[tilespmem:v16+s26+$0x0] =	vst.idx.msk $0xffff, v26;
	v48 =	vld [tilespmem:s8+$0xFFFFFFF0]  }
0x12e: {  	v49 =	vadd.s32 v18, v44;
	v15 =	vor.u32 v9, v47;
	[tilespmem:v22+s26+$0x0] =	vst.idx.msk $0xffff, v40;
	v26 =	vld [tilespmem:s8+$0xFFFFFF30]  }
0x12f: {  	v14 =	vadd.s32 v17, v44;
	v20 =	vor.u32 v11, v49;
	[tilespmem:v19+s26+$0x0] =	vst.idx.msk $0xffff, v25;
	v22 =	vld [tilespmem:s8+$0xFFFFFF70]  }
0x130: {  	v50 =	vadd.s32 v7, v13;
	v51 =	vor.u32 v24, v14;
	[tilespmem:v35+s26+$0x0] =	vst.idx.msk $0xffff, v63;
	v52 =	vld [tilespmem:s8+$0xFFFFFFB0]  }
0x131: {  	v4 =	vor.u32 v4, v50;
	v55 =	vld [tilespmem:s2+$0xFFFFFFC0];
	[tilespmem:v5+s26+$0x0] =	vst.idx.msk $0xffff, v45;
	v5 =	vadd.s32 v3, v31  }
0x132: {  	v54 =	vor.u32 v6, v43;
	v53 =	vld [tilespmem:s2+$0xFFFFFF80];
	v56 =	vadd.s32 v30, v5;
	[tilespmem:v10+s26+$0x0] =	vst.idx.msk $0xffff, v48  }
0x133: {  	v57 =	vadd.s32 v12, v5;
	v8 =	vor.u32 v21, v56;
	[tilespmem:v15+s26+$0x0] =	vst.idx.msk $0xffff, v26;
	v10 =	vld [tilespmem:s8+$0x0]  }
0x134: {  	v58 =	vadd.s32 v18, v5;
	v60 =	vor.u32 v9, v57;
	[tilespmem:v20+s26+$0x0] =	vst.idx.msk $0xffff, v22;
	v59 =	vld [tilespmem:s8+$0xFFFFFF40]  }
0x135: {  	v5 =	vadd.s32 v17, v5;
	v62 =	vor.u32 v11, v58;
	[tilespmem:v51+s26+$0x0] =	vst.idx.msk $0xffff, v52;
	v61 =	vld [tilespmem:s8+$0xFFFFFF80]  }
0x136: {  	v5 =	vor.u32 v24, v5;
	[tilespmem:v4+s26+$0x0] =	vst.idx.msk $0xffff, v55;
	v63 =	vld [tilespmem:s8+$0xFFFFFFC0]  }
0x137: {  	[tilespmem:v54+s26+$0x0] =	vst.idx.msk $0xffff, v53  }
0x138: {  	[tilespmem:v8+s26+$0x0] =	vst.idx.msk $0xffff, v10  }
0x139: {  	[tilespmem:v60+s26+$0x0] =	vst.idx.msk $0xffff, v59  }
0x13a: {  	[tilespmem:v62+s26+$0x0] =	vst.idx.msk $0xffff, v61  }
0x13b: {  	s10 =	simm.s32 $0x10700;
	[tilespmem:v5+s26+$0x0] =	vst.idx.msk $0xffff, v63  }
0x13c: {  	[hbm4b:s13+s3] =	stream.linear.scatter [tilespmem:s10], [sflag:$0x3], $0x80, $0x38;
	[tilespmem:$0x14B00] =	vst v63  }
0x13d: {  	s21 =	simm.s32 $0x10788;
	s24 =	sadd.s32 $0x10, s13  }
0x13e: {  	[hbm4b:s24+s3] =	stream.linear.scatter [tilespmem:s21], [sflag:$0x3], $0x80, $0x38;
	[tilespmem:$0x14B00] =	vst v63  }
0x13f: {  	s30 =	simm.s32 $0x10810;
	s31 =	sadd.s32 $0x20, s13  }
0x140: {  	[hbm4b:s31+s3] =	stream.linear.scatter [tilespmem:s30], [sflag:$0x3], $0x80, $0x38;
	[tilespmem:$0x14B00] =	vst v63  }
0x141: {  	s7 =	sadd.s32 $0x30, s13;
	s2 =	simm.s32 $0x10898  }
0x142: {  	[hbm4b:s7+s3] =	stream.linear.scatter [tilespmem:s2], [sflag:$0x3], $0x80, $0x38;
	[tilespmem:$0x14B00] =	vst v63  }
0x143: {  	s8 =	simm.s32 $0x10920;
	s10 =	sadd.s32 $0x40, s13  }
0x144: {  	[hbm4b:s10+s3] =	stream.linear.scatter [tilespmem:s8], [sflag:$0x3], $0x80, $0x38;
	[tilespmem:$0x14B00] =	vst v63  }
0x145: {  	s21 =	simm.s32 $0x109A8;
	s24 =	sadd.s32 $0x50, s13  }
0x146: {  	[hbm4b:s24+s3] =	stream.linear.scatter [tilespmem:s21], [sflag:$0x3], $0x80, $0x38;
	[tilespmem:$0x14B00] =	vst v63  }
0x147: {  	s30 =	simm.s32 $0x10A30;
	s31 =	sadd.s32 $0x60, s13  }
0x148: {  	[hbm4b:s31+s3] =	stream.linear.scatter [tilespmem:s30], [sflag:$0x3], $0x80, $0x38;
	[tilespmem:$0x14B00] =	vst v63  }
0x149: {  	s2 =	simm.s32 $0x10AB8;
	s7 =	sadd.s32 $0x70, s13  }
0x14a: {  	[hbm4b:s7+s3] =	stream.linear.scatter [tilespmem:s2], [sflag:$0x3], $0x80, $0x38;
	[tilespmem:$0x14B00] =	vst v63  }
0x14b: {  	s8 =	simm.s32 $0x10B40;
	s10 =	sadd.s32 $0x80, s13  }
0x14c: {  	[hbm4b:s10+s3] =	stream.linear.scatter [tilespmem:s8], [sflag:$0x3], $0x80, $0x38;
	[tilespmem:$0x14B00] =	vst v63  }
0x14d: {  	s21 =	simm.s32 $0x10BC8;
	s24 =	sadd.s32 $0x90, s13  }
0x14e: {  	[hbm4b:s24+s3] =	stream.linear.scatter [tilespmem:s21], [sflag:$0x3], $0x80, $0x38;
	[tilespmem:$0x14B00] =	vst v63  }
0x14f: {  	s0 =	simm.s32 $0x880;
	s30 =	simm.s32 $0x10C50;
	s31 =	sadd.s32 $0xA0, s13  }
0x150: {  	[hbm4b:s31+s3] =	stream.linear.scatter [tilespmem:s30], [sflag:$0x3], $0x80, $0x38;
	[tilespmem:$0x14B00] =	vst v63  }
0x151: {  	s2 =	simm.s32 $0x10CD8;
	s7 =	sadd.s32 $0xB0, s13;
	s8 =	simm.s32 $0x10D60  }
0x152: {  	[hbm4b:s7+s3] =	stream.linear.scatter [tilespmem:s2], [sflag:$0x3], $0x80, $0x38;
	[tilespmem:$0x14B00] =	vst v63  }
0x153: {  	s10 =	sadd.s32 $0xC0, s13;
	s21 =	simm.s32 $0x10DE8;
	s24 =	sadd.s32 $0xD0, s13  }
0x154: {  	[hbm4b:s10+s3] =	stream.linear.scatter [tilespmem:s8], [sflag:$0x3], $0x80, $0x38;
	[tilespmem:$0x14B00] =	vst v63  }
0x155: {  	s30 =	simm.s32 $0x10E70;
	s31 =	sadd.s32 $0xE0, s13;
	s7 =	simm.s32 $0x10EF8  }
0x156: {  	[hbm4b:s24+s3] =	stream.linear.scatter [tilespmem:s21], [sflag:$0x3], $0x80, $0x38;
	[tilespmem:$0x14B00] =	vst v63  }
0x157: {  	s2 =	sadd.s32 $0x4000, s13;
	s10 =	simm.s32 $0x4400;
	s21 =	sadd.s32 $0xF0, s13  }
0x158: {  	[hbm4b:s31+s3] =	stream.linear.scatter [tilespmem:s30], [sflag:$0x3], $0x80, $0x38;
	[tilespmem:$0x14B00] =	vst v63  }
.LBB2_8:
0x159: {  	[hbm4b:s21+s3] =	stream.linear.scatter [tilespmem:s7], [sflag:$0x3], $0x80, $0x38;
	[tilespmem:$0x14B00] =	vst v63  }
0x15a: {  	s7 =	smov.u32 s0;
	s0 =	smov.u32 s10  }
0x15b: {  	s8 =	sadd.s32 $0x2200, s10;
	s0 =	sshra.s32 s0, $0x2;
	s21 =	sadd.s32 $0x10700, s7  }
0x15c: {  	[hbm4b:s2+s3] =	stream.linear.scatter [tilespmem:s21], [sflag:$0x3], $0x80, $0x38;
	[tilespmem:$0x14B00] =	vst v63  }
0x15d: {  	p0 =	sne.s32 s10, $0xEE00;
	s10 =	sadd.s32 $0x10788, s7;
	s21 =	sadd.s32 $0x10, s2  }
0x15e: {  	[hbm4b:s21+s3] =	stream.linear.scatter [tilespmem:s10], [sflag:$0x3], $0x80, $0x38;
	[tilespmem:$0x14B00] =	vst v63  }
0x15f: {  	s10 =	sadd.s32 $0x10810, s7;
	s21 =	sadd.s32 $0x20, s2  }
0x160: {  	[hbm4b:s21+s3] =	stream.linear.scatter [tilespmem:s10], [sflag:$0x3], $0x80, $0x38;
	[tilespmem:$0x14B00] =	vst v63  }
0x161: {  	s10 =	sadd.s32 $0x10898, s7;
	s21 =	sadd.s32 $0x30, s2  }
0x162: {  	[hbm4b:s21+s3] =	stream.linear.scatter [tilespmem:s10], [sflag:$0x3], $0x80, $0x38;
	[tilespmem:$0x14B00] =	vst v63  }
0x163: {  	s10 =	sadd.s32 $0x10920, s7;
	s21 =	sadd.s32 $0x40, s2  }
0x164: {  	[hbm4b:s21+s3] =	stream.linear.scatter [tilespmem:s10], [sflag:$0x3], $0x80, $0x38;
	[tilespmem:$0x14B00] =	vst v63  }
0x165: {  	s10 =	sadd.s32 $0x109A8, s7;
	s21 =	sadd.s32 $0x50, s2  }
0x166: {  	[hbm4b:s21+s3] =	stream.linear.scatter [tilespmem:s10], [sflag:$0x3], $0x80, $0x38;
	[tilespmem:$0x14B00] =	vst v63  }
0x167: {  	s10 =	sadd.s32 $0x10A30, s7;
	s21 =	sadd.s32 $0x60, s2  }
0x168: {  	[hbm4b:s21+s3] =	stream.linear.scatter [tilespmem:s10], [sflag:$0x3], $0x80, $0x38;
	[tilespmem:$0x14B00] =	vst v63  }
0x169: {  	s10 =	sadd.s32 $0x10AB8, s7;
	s21 =	sadd.s32 $0x70, s2  }
0x16a: {  	[hbm4b:s21+s3] =	stream.linear.scatter [tilespmem:s10], [sflag:$0x3], $0x80, $0x38;
	[tilespmem:$0x14B00] =	vst v63  }
0x16b: {  	s10 =	sadd.s32 $0x10B40, s7;
	s21 =	sadd.s32 $0x80, s2  }
0x16c: {  	[hbm4b:s21+s3] =	stream.linear.scatter [tilespmem:s10], [sflag:$0x3], $0x80, $0x38;
	[tilespmem:$0x14B00] =	vst v63  }
0x16d: {  	s10 =	sadd.s32 $0x10BC8, s7;
	s21 =	sadd.s32 $0x90, s2  }
0x16e: {  	[hbm4b:s21+s3] =	stream.linear.scatter [tilespmem:s10], [sflag:$0x3], $0x80, $0x38;
	[tilespmem:$0x14B00] =	vst v63  }
0x16f: {  	s10 =	sadd.s32 $0x10C50, s7;
	s21 =	sadd.s32 $0xA0, s2  }
0x170: {  	[hbm4b:s21+s3] =	stream.linear.scatter [tilespmem:s10], [sflag:$0x3], $0x80, $0x38;
	[tilespmem:$0x14B00] =	vst v63  }
0x171: {  	s10 =	sadd.s32 $0x10CD8, s7;
	s21 =	sadd.s32 $0xB0, s2  }
0x172: {  	[hbm4b:s21+s3] =	stream.linear.scatter [tilespmem:s10], [sflag:$0x3], $0x80, $0x38;
	[tilespmem:$0x14B00] =	vst v63  }
0x173: {  	s10 =	sadd.s32 $0x10D60, s7;
	s21 =	sadd.s32 $0xC0, s2  }
0x174: {  	[hbm4b:s21+s3] =	stream.linear.scatter [tilespmem:s10], [sflag:$0x3], $0x80, $0x38;
	[tilespmem:$0x14B00] =	vst v63  }
.Ltmp3:
0x175: {  	s10 =	sadd.s32 $0x10DE8, s7;
	s21 =	sadd.s32 $0xD0, s2;
	(pc) =	sbr.rel @p0 .LBB2_8-.Ltmp3, $4  }
0x176: {  	[hbm4b:s21+s3] =	stream.linear.scatter [tilespmem:s10], [sflag:$0x3], $0x80, $0x38;
	[tilespmem:$0x14B00] =	vst v63  }
0x177: {  	s10 =	sadd.s32 $0x10E70, s7;
	s21 =	sadd.s32 $0xE0, s2;
	s7 =	sadd.s32 $0x10EF8, s7  }
0x178: {  	[hbm4b:s21+s3] =	stream.linear.scatter [tilespmem:s10], [sflag:$0x3], $0x80, $0x38;
	[tilespmem:$0x14B00] =	vst v63  }
0x179: {  	s21 =	sadd.s32 $0xF0, s2;
	s2 =	sadd.s32 $0x4000, s2;
	s10 =	smov.u32 s8  }
0x17a: {  	[hbm4b:s21+s3] =	stream.linear.scatter [tilespmem:s7], [sflag:$0x3], $0x80, $0x38;
	[tilespmem:$0x14B00] =	vst v63  }
0x17b: {  	s21 =	sadd.s32 $0x10700, s0  }
0x17c: {  	[hbm4b:s2+s3] =	stream.linear.scatter [tilespmem:s21], [sflag:$0x3], $0x80, $0x38;
	[tilespmem:$0x14B00] =	vst v63  }
0x17d: {  	s24 =	sadd.s32 $0x10788, s0;
	s8 =	sadd.s32 $0x10, s2  }
0x17e: {  	[hbm4b:s8+s3] =	stream.linear.scatter [tilespmem:s24], [sflag:$0x3], $0x80, $0x38;
	[tilespmem:$0x14B00] =	vst v63  }
0x17f: {  	s10 =	sadd.s32 $0x20, s2;
	s8 =	sadd.s32 $0x10810, s0  }
0x180: {  	[hbm4b:s10+s3] =	stream.linear.scatter [tilespmem:s8], [sflag:$0x3], $0x80, $0x38;
	[tilespmem:$0x14B00] =	vst v63  }
0x181: {  	s21 =	sadd.s32 $0x10898, s0;
	s24 =	sadd.s32 $0x30, s2  }
0x182: {  	[hbm4b:s24+s3] =	stream.linear.scatter [tilespmem:s21], [sflag:$0x3], $0x80, $0x38;
	[tilespmem:$0x14B00] =	vst v63  }
0x183: {  	s8 =	sadd.s32 $0x10920, s0;
	s10 =	sadd.s32 $0x40, s2  }
0x184: {  	[hbm4b:s10+s3] =	stream.linear.scatter [tilespmem:s8], [sflag:$0x3], $0x80, $0x38;
	[tilespmem:$0x14B00] =	vst v63  }
0x185: {  	s21 =	sadd.s32 $0x109A8, s0;
	s24 =	sadd.s32 $0x50, s2  }
0x186: {  	[hbm4b:s24+s3] =	stream.linear.scatter [tilespmem:s21], [sflag:$0x3], $0x80, $0x38;
	[tilespmem:$0x14B00] =	vst v63  }
0x187: {  	s8 =	sadd.s32 $0x10A30, s0;
	s10 =	sadd.s32 $0x60, s2  }
0x188: {  	[hbm4b:s10+s3] =	stream.linear.scatter [tilespmem:s8], [sflag:$0x3], $0x80, $0x38;
	[tilespmem:$0x14B00] =	vst v63  }
0x189: {  	s21 =	sadd.s32 $0x10AB8, s0;
	s24 =	sadd.s32 $0x70, s2  }
0x18a: {  	[hbm4b:s24+s3] =	stream.linear.scatter [tilespmem:s21], [sflag:$0x3], $0x80, $0x38;
	[tilespmem:$0x14B00] =	vst v63  }
0x18b: {  	s8 =	sadd.s32 $0x10B40, s0;
	s10 =	sadd.s32 $0x80, s2  }
0x18c: {  	[hbm4b:s10+s3] =	stream.linear.scatter [tilespmem:s8], [sflag:$0x3], $0x80, $0x38;
	[tilespmem:$0x14B00] =	vst v63  }
0x18d: {  	s21 =	sadd.s32 $0x10BC8, s0;
	s24 =	sadd.s32 $0x90, s2  }
0x18e: {  	[hbm4b:s24+s3] =	stream.linear.scatter [tilespmem:s21], [sflag:$0x3], $0x80, $0x38;
	[tilespmem:$0x14B00] =	vst v63  }
0x18f: {  	s8 =	sadd.s32 $0x10C50, s0;
	s10 =	sadd.s32 $0xA0, s2  }
0x190: {  	[hbm4b:s10+s3] =	stream.linear.scatter [tilespmem:s8], [sflag:$0x3], $0x80, $0x38;
	[tilespmem:$0x14B00] =	vst v63  }
0x191: {  	s21 =	sadd.s32 $0x10CD8, s0;
	s24 =	sadd.s32 $0xB0, s2  }
0x192: {  	[hbm4b:s24+s3] =	stream.linear.scatter [tilespmem:s21], [sflag:$0x3], $0x80, $0x38;
	[tilespmem:$0x14B00] =	vst v63  }
0x193: {  	s8 =	sadd.s32 $0x10D60, s0;
	s10 =	sadd.s32 $0xC0, s2  }
0x194: {  	[hbm4b:s10+s3] =	stream.linear.scatter [tilespmem:s8], [sflag:$0x3], $0x80, $0x38;
	[tilespmem:$0x14B00] =	vst v63  }
0x195: {  	s21 =	sadd.s32 $0x10DE8, s0;
	s24 =	sadd.s32 $0xD0, s2  }
0x196: {  	[hbm4b:s24+s3] =	stream.linear.scatter [tilespmem:s21], [sflag:$0x3], $0x80, $0x38;
	[tilespmem:$0x14B00] =	vst v63  }
0x197: {  	s30 =	simm.s32 $0x2;
	s8 =	sadd.s32 $0x10E70, s0;
	s10 =	sadd.s32 $0xE0, s2  }
0x198: {  	[hbm4b:s10+s3] =	stream.linear.scatter [tilespmem:s8], [sflag:$0x3], $0x80, $0x38;
	[tilespmem:$0x14B00] =	vst v63  }
0x199: {  	s31 =	simm.s32 $0x300;
	s21 =	sadd.s32 $0x10EF8, s0;
	s24 =	sadd.s32 $0xF0, s2  }
0x19a: {  	[hbm4b:s24+s3] =	stream.linear.scatter [tilespmem:s21], [sflag:$0x3], $0x80, $0x38;
	[tilespmem:$0x14B00] =	vst v63  }
.LBB2_10:
0x19b: {  	s0 =	sadd.s32 $0x2, s30  }
0x19c: {  	s2 =	sand.u32 $0xFFFF, s0  }
0x19d: {  	s2 =	smul.u32 $0xAAAB, s2  }
0x19e: {  	s7 =	smulhi.u32 $0xAAAAAAAB, s30  }
0x19f: {  	s8 =	smul.u32 $0xAAAB, s30;
	s2 =	sshrl.u32 s2, $0x11  }
0x1a0: {  	_ =	swait.ge [sflag:s23], $0x4000;
	s2 =	smul.u32 $0x3, s2  }
0x1a1: {  	s24 =	simm.s32 $0x0;
	[sflag:s23] =	ssyncset.done $0x0;
	s7 =	sshrl.u32 s7, $0x1  }
0x1a2: {  	s8 =	sshrl.u32 s8, $0x11;
	[sflag:s23] =	ssyncadd.s32 $0xFFFFC000;
	s0 =	ssub.s32 s0, s2  }
0x1a3: {  	s8 =	smul.u32 $0x3, s8;
	_ =	swait.ge [sflag:s18], $0x100;
	s0 =	sand.u32 $0xFFFF, s0  }
0x1a4: {  	s7 =	smul.u32 $0xFFFD0000, s7;
	[sflag:s18] =	ssyncset.done $0x0;
	s10 =	sshll.u32 s0, $0xE  }
0x1a5: {  	[sflag:s18] =	ssyncadd.s32 $0xFFFFFF00;
	s0 =	sshll.u32 s0, $0x8;
	s2 =	sor.u32 $0x300, s10  }
0x1a6: {  	v4 =	vmov s24;
	[tilespmem:s2], [sflag:$0x2] =	stream.indirect.gather [hbm4b:s5+s19], $0x40, s0, s19, $0xb8;
	[tilespmem:$0x14B00] =	vst v63  }
0x1a7: {  	s24 =	simm.s32 $0x3;
	v5 =	vmul.u32 $0x440, v4;
	s8 =	ssub.s32 s30, s8;
	s2 =	sadd.s32 s4, s30  }
0x1a8: {  	s7 =	sshra.s32 s7, $0x2;
	s21 =	sand.u32 $0xFFFF, s8;
	s10 =	sshll.u32 s2, $0x5  }
0x1a9: {  	v9 =	vbroadcast v5, $0x0;
	v4 =	vmov s7;
	s0 =	sshll.u32 s21, $0x8;
	s21 =	simm.s32 $0x0;
	s10 =	sadd.s32 s10, s9  }
0x1aa: {  	v6 =	vmov s24;
	[tilespmem:s0], [sflag:$0x1] =	stream.linear.gather [hbm4b:s10+s21], $0x100, $0x38;
	[tilespmem:$0x14B00] =	vst v63  }
0x1ab: {  	v15 =	vand.u32 $0x78, v6;
	v17 =	vand.u32 $0x7, v6;
	v7 =	vadd.s32 v0, v9;
	s7 =	simm.s32 $0x1;
	s8 =	simm.s32 $0x2;
	_ =	swait.ge [sflag:s28], $0x4000  }
0x1ac: {  	v6 =	vmov s7;
	v11 =	vmov s8;
	v5 =	vmov s21;
	[sflag:s28] =	ssyncset.done $0x0  }
0x1ad: {  	v14 =	vand.u32 $0x4, v5;
	v16 =	vand.u32 $0x78, v5;
	v5 =	vadd.s32 v15, v7;
	[sflag:s28] =	ssyncadd.s32 $0xFFFFC000  }
0x1ae: {  	v18 =	vand.u32 $0x78, v6;
	v10 =	vadd.s32 v16, v7;
	v5 =	vor.u32 v17, v5;
	v8 =	vld.idx.msk [tilespmem:v4+s31+$0x80C0 ss:$0x1], $0xffff  }
0x1af: {  	v19 =	vand.u32 $0x5, v6;
	v6 =	vadd.s32 v18, v7;
	v10 =	vor.u32 v14, v10;
	v12 =	vld.idx.msk [tilespmem:v4+s31+$0x8000 ss:$0x1], $0xffff  }
0x1b0: {  	v20 =	vand.u32 $0x78, v11;
	v27 =	vand.u32 $0x6, v11;
	v6 =	vor.u32 v19, v6;
	s10 =	sand.u32 $0x1, s30;
	v11 =	vld.idx.msk [tilespmem:v4+s31+$0x8040 ss:$0x1], $0xffff  }
0x1b1: {  	s0 =	simm.s32 $0x10700;
	p0 =	seq.s32 s10, $0x1  }
0x1b2: {  	s0 =	simm.s32 @!p0 $0xC300  }
0x1b3: {  	v21 =	vadd.s32 v1, v9;
	v7 =	vadd.s32 v20, v7;
	[tilespmem:v5+s0+$0x0] =	vst.idx.msk $0xffff, v8  }
0x1b4: {  	s8 =	simm.s32 $0x0;
	v7 =	vor.u32 v27, v7;
	v13 =	vld.idx.msk [tilespmem:v4+s31+$0x8080 ss:$0x1], $0xffff;
	v8 =	vadd.s32 v15, v21;
	[tilespmem:v10+s0+$0x0] =	vst.idx.msk $0xffff, v12  }
0x1b5: {  	v5 =	vadd.s32 v16, v21;
	[tilespmem:v6+s0+$0x0] =	vst.idx.msk $0xffff, v11;
	v11 =	vmov s8;
	v22 =	vld.idx.msk [tilespmem:v4+s31+$0x80D0 ss:$0x1], $0xffff;
	v12 =	vor.u32 v17, v8  }
0x1b6: {  	v10 =	vadd.s32 v18, v21;
	v23 =	vld.idx.msk [tilespmem:v4+s31+$0x8010 ss:$0x1], $0xffff;
	v24 =	vor.u32 v14, v5;
	v11 =	vmul.u32 $0x440, v11  }
0x1b7: {  	s21 =	simm.s32 $0x4;
	v6 =	vadd.s32 v2, v9;
	v5 =	vadd.s32 v20, v21;
	v10 =	vor.u32 v19, v10;
	v26 =	vld.idx.msk [tilespmem:v4+s31+$0x8050 ss:$0x1], $0xffff  }
0x1b8: {  	v21 =	vmov s21;
	v28 =	vadd.s32 v16, v6;
	v11 =	vbroadcast v11, $0x0  }
0x1b9: {  	s10 =	simm.s32 $0x6;
	[tilespmem:v7+s0+$0x0] =	vst.idx.msk $0xffff, v13;
	v25 =	vor.u32 v27, v5;
	v8 =	vand.u32 $0x4, v21;
	v7 =	vand.u32 $0x78, v21  }
0x1ba: {  	s24 =	simm.s32 $0x5;
	v31 =	vmov s10;
	v21 =	vld.idx.msk [tilespmem:v4+s31+$0x8090 ss:$0x1], $0xffff;
	v28 =	vor.u32 v14, v28;
	v33 =	vadd.s32 v0, v11;
	[tilespmem:v12+s0+$0x0] =	vst.idx.msk $0xffff, v22  }
0x1bb: {  	v13 =	vmov s24;
	v12 =	vadd.s32 v15, v6;
	v22 =	vadd.s32 v18, v6;
	[tilespmem:v24+s0+$0x0] =	vst.idx.msk $0xffff, v23  }
0x1bc: {  	s21 =	simm.s32 $0x7;
	v5 =	vand.u32 $0x5, v13;
	[tilespmem:v10+s0+$0x0] =	vst.idx.msk $0xffff, v26;
	v10 =	vand.u32 $0x78, v13;
	v29 =	vld.idx.msk [tilespmem:v4+s31+$0x80E0 ss:$0x1], $0xffff;
	v30 =	vor.u32 v17, v12  }
0x1bd: {  	v24 =	vmov s21;
	v12 =	vadd.s32 v20, v6;
	v6 =	vand.u32 $0x6, v31;
	v23 =	vld.idx.msk [tilespmem:v4+s31+$0x8020 ss:$0x1], $0xffff  }
0x1be: {  	v22 =	vor.u32 v19, v22;
	v26 =	vld.idx.msk [tilespmem:v4+s31+$0x8060 ss:$0x1], $0xffff;
	v13 =	vand.u32 $0x78, v24;
	v32 =	vor.u32 v27, v12  }
0x1bf: {  	s21 =	sadd.s32 $0x100, s31;
	[tilespmem:v25+s0+$0x0] =	vst.idx.msk $0xffff, v21;
	v12 =	vand.u32 $0x7, v24;
	v21 =	vadd.s32 v13, v33;
	v24 =	vadd.s32 v3, v9  }
0x1c0: {  	v25 =	vld.idx.msk [tilespmem:v4+s21+$0x80C0 ss:$0x1], $0xffff;
	v9 =	vand.u32 $0x78, v31;
	v31 =	vadd.s32 v10, v33;
	v21 =	vor.u32 v12, v21  }
0x1c1: {  	v34 =	vld.idx.msk [tilespmem:v4+s21+$0x8040 ss:$0x1], $0xffff;
	v15 =	vadd.s32 v15, v24;
	v31 =	vor.u32 v5, v31;
	[tilespmem:v30+s0+$0x0] =	vst.idx.msk $0xffff, v29  }
0x1c2: {  	v15 =	vor.u32 v17, v15;
	v29 =	vadd.s32 v7, v33;
	v30 =	vld.idx.msk [tilespmem:v4+s31+$0x80F0 ss:$0x1], $0xffff  }
0x1c3: {  	v17 =	vld.idx.msk [tilespmem:v4+s21+$0x8000 ss:$0x1], $0xffff;
	[tilespmem:v28+s0+$0x0] =	vst.idx.msk $0xffff, v23;
	v29 =	vor.u32 v8, v29  }
0x1c4: {  	v16 =	vadd.s32 v16, v24;
	v33 =	vadd.s32 v9, v33;
	[tilespmem:v22+s0+$0x0] =	vst.idx.msk $0xffff, v26;
	v28 =	vld.idx.msk [tilespmem:v4+s31+$0x80A0 ss:$0x1], $0xffff  }
0x1c5: {  	v18 =	vadd.s32 v18, v24;
	v23 =	vld.idx.msk [tilespmem:v4+s21+$0x8080 ss:$0x1], $0xffff;
	v33 =	vor.u32 v6, v33;
	[tilespmem:v21+s0+$0x0] =	vst.idx.msk $0xffff, v25  }
0x1c6: {  	v16 =	vor.u32 v14, v16;
	v14 =	vadd.s32 v1, v11;
	[tilespmem:v31+s0+$0x0] =	vst.idx.msk $0xffff, v34  }
0x1c7: {  	v36 =	vadd.s32 v20, v24;
	v35 =	vld.idx.msk [tilespmem:v4+s31+$0x8030 ss:$0x1], $0xffff;
	v21 =	vadd.s32 v13, v14;
	[tilespmem:v15+s0+$0x0] =	vst.idx.msk $0xffff, v30  }
0x1c8: {  	v20 =	vor.u32 v19, v18;
	v30 =	vld.idx.msk [tilespmem:v4+s21+$0x80D0 ss:$0x1], $0xffff;
	[tilespmem:v29+s0+$0x0] =	vst.idx.msk $0xffff, v17;
	v29 =	vor.u32 v12, v21  }
0x1c9: {  	v22 =	vld.idx.msk [tilespmem:v4+s21+$0x8050 ss:$0x1], $0xffff;
	[tilespmem:v32+s0+$0x0] =	vst.idx.msk $0xffff, v28;
	v28 =	vadd.s32 v2, v11;
	v15 =	vadd.s32 v7, v14  }
0x1ca: {  	v21 =	vld.idx.msk [tilespmem:v4+s31+$0x8070 ss:$0x1], $0xffff;
	v17 =	vadd.s32 v10, v14;
	v14 =	vadd.s32 v9, v14;
	[tilespmem:v33+s0+$0x0] =	vst.idx.msk $0xffff, v23  }
0x1cb: {  	s7 =	simm.s32 $0x8;
	s24 =	simm.s32 $0x9;
	v24 =	vld.idx.msk [tilespmem:v4+s21+$0x8010 ss:$0x1], $0xffff;
	v26 =	vor.u32 v8, v15;
	v25 =	vor.u32 v5, v17;
	v18 =	vor.u32 v6, v14  }
0x1cc: {  	[tilespmem:v16+s0+$0x0] =	vst.idx.msk $0xffff, v35;
	v19 =	vld.idx.msk [tilespmem:v4+s31+$0x80B0 ss:$0x1], $0xffff;
	v15 =	vmov s7;
	v17 =	vor.u32 v27, v36;
	v27 =	vmov s24  }
0x1cd: {  	s10 =	simm.s32 $0x0;
	s8 =	simm.s32 $0xC;
	v23 =	vld.idx.msk [tilespmem:v4+s21+$0x8090 ss:$0x1], $0xffff;
	s24 =	smov.u32 s21;
	v14 =	vand.u32 $0x4, v15;
	v16 =	vand.u32 $0x78, v15;
	v15 =	vand.u32 $0x5, v27;
	[tilespmem:v29+s0+$0x0] =	vst.idx.msk $0xffff, v30  }
.LBB2_11:
0x1ce: {  	v29 =	vmov s10;
	v30 =	vadd.s32 v7, v28;
	v31 =	vld.idx.msk [tilespmem:v4+s21+$0x80E0 ss:$0x1], $0xffff;
	v32 =	vadd.s32 v13, v28  }
0x1cf: {  	p0 =	slt.u32 s8, $0xFC;
	[tilespmem:v20+s0+$0x0] =	vst.idx.msk $0xffff, v21;
	v33 =	vmovc v14;
	v14 =	vmovc v7;
	v7 =	vmov v16;
	v16 =	vmov v5;
	v5 =	vmov v15  }
0x1d0: {  	s10 =	sadd.s32 $0x2, s7;
	v20 =	vadd.s32 v10, v28;
	v15 =	vmul.u32 $0x440, v29;
	[tilespmem:v26+s0+$0x0] =	vst.idx.msk $0xffff, v24;
	v21 =	vor.u32 v12, v32  }
0x1d1: {  	v24 =	vmov s10;
	v29 =	vor.u32 v8, v30;
	v26 =	vld.idx.msk [tilespmem:v4+s21+$0x8020 ss:$0x1], $0xffff;
	[tilespmem:v25+s0+$0x0] =	vst.idx.msk $0xffff, v22;
	v22 =	vadd.s32 v9, v28  }
0x1d2: {  	s10 =	sadd.s32 $0x3, s7;
	v20 =	vor.u32 v16, v20;
	s7 =	smov.u32 s8;
	v28 =	vand.u32 $0x6, v24;
	v15 =	vbroadcast v15, $0x0;
	v25 =	vld.idx.msk [tilespmem:v4+s21+$0x8060 ss:$0x1], $0xffff;
	[tilespmem:v18+s0+$0x0] =	vst.idx.msk $0xffff, v23  }
0x1d3: {  	v27 =	vand.u32 $0x78, v27;
	v18 =	vmov s10;
	v32 =	vor.u32 v6, v22;
	s21 =	sadd.s32 $0x100, s21;
	v30 =	vld.idx.msk [tilespmem:v4+s24+$0x80A0 ss:$0x1], $0xffff;
	[tilespmem:v17+s0+$0x0] =	vst.idx.msk $0xffff, v19  }
0x1d4: {  	v34 =	vand.u32 $0x78, v24;
	v35 =	vand.u32 $0x78, v18;
	v17 =	vadd.s32 v0, v15;
	v19 =	vld.idx.msk [tilespmem:v4+s21+$0x80C0 ss:$0x1], $0xffff  }
0x1d5: {  	v11 =	vadd.s32 v3, v11;
	v36 =	vand.u32 $0x7, v18;
	v18 =	vadd.s32 v35, v17;
	[tilespmem:v21+s0+$0x0] =	vst.idx.msk $0xffff, v31  }
0x1d6: {  	v13 =	vadd.s32 v13, v11;
	v21 =	vadd.s32 v7, v17;
	v18 =	vor.u32 v36, v18;
	v22 =	vld.idx.msk [tilespmem:v4+s24+$0x80F0 ss:$0x1], $0xffff  }
0x1d7: {  	v12 =	vor.u32 v12, v13;
	v24 =	vadd.s32 v27, v17;
	v17 =	vadd.s32 v34, v17;
	v23 =	vld.idx.msk [tilespmem:v4+s21+$0x8000 ss:$0x1], $0xffff  }
0x1d8: {  	v13 =	vor.u32 v33, v21;
	v37 =	vor.u32 v5, v24;
	v17 =	vor.u32 v28, v17;
	v31 =	vld.idx.msk [tilespmem:v4+s21+$0x8040 ss:$0x1], $0xffff  }
0x1d9: {  	v14 =	vadd.s32 v14, v11;
	v10 =	vadd.s32 v10, v11;
	v38 =	vld.idx.msk [tilespmem:v4+s21+$0x8080 ss:$0x1], $0xffff;
	[tilespmem:v29+s0+$0x0] =	vst.idx.msk $0xffff, v26  }
0x1da: {  	v8 =	vor.u32 v8, v14;
	v9 =	vadd.s32 v9, v11;
	v29 =	vld.idx.msk [tilespmem:v4+s24+$0x8030 ss:$0x1], $0xffff;
	[tilespmem:v20+s0+$0x0] =	vst.idx.msk $0xffff, v25  }
0x1db: {  	v14 =	vadd.s32 v1, v15;
	v20 =	vor.u32 v16, v10;
	[tilespmem:v18+s0+$0x0] =	vst.idx.msk $0xffff, v19;
	v21 =	vld.idx.msk [tilespmem:v4+s24+$0x8070 ss:$0x1], $0xffff  }
0x1dc: {  	v10 =	vadd.s32 v7, v14;
	v16 =	vadd.s32 v35, v14;
	v39 =	vld.idx.msk [tilespmem:v4+s21+$0x80D0 ss:$0x1], $0xffff;
	[tilespmem:v12+s0+$0x0] =	vst.idx.msk $0xffff, v22  }
0x1dd: {  	v11 =	vmov v15;
	v40 =	vor.u32 v36, v16;
	v12 =	vadd.s32 v27, v14;
	[tilespmem:v13+s0+$0x0] =	vst.idx.msk $0xffff, v23  }
.Ltmp4:
0x1de: {  	v26 =	vor.u32 v33, v10;
	v13 =	vadd.s32 v34, v14;
	v24 =	vld.idx.msk [tilespmem:v4+s21+$0x8010 ss:$0x1], $0xffff;
	[tilespmem:v37+s0+$0x0] =	vst.idx.msk $0xffff, v31;
	(pc) =	sbr.rel @p0 .LBB2_11-.Ltmp4, $4  }
0x1df: {  	v25 =	vor.u32 v5, v12;
	v18 =	vor.u32 v28, v13;
	v22 =	vld.idx.msk [tilespmem:v4+s21+$0x8050 ss:$0x1], $0xffff;
	[tilespmem:v17+s0+$0x0] =	vst.idx.msk $0xffff, v38  }
0x1e0: {  	s10 =	sadd.s32 $0x1, s8;
	v15 =	vmov s8;
	v10 =	vmovc v27;
	v17 =	vor.u32 v6, v9;
	v6 =	vmov v28;
	v23 =	vld.idx.msk [tilespmem:v4+s21+$0x8090 ss:$0x1], $0xffff;
	[tilespmem:v32+s0+$0x0] =	vst.idx.msk $0xffff, v30  }
0x1e1: {  	v14 =	vand.u32 $0x4, v15;
	v27 =	vmov s10;
	v9 =	vmovc v34;
	v12 =	vmovc v36;
	v13 =	vmov v35;
	[tilespmem:v8+s0+$0x0] =	vst.idx.msk $0xffff, v29;
	v19 =	vld.idx.msk [tilespmem:v4+s24+$0x80B0 ss:$0x1], $0xffff;
	s24 =	smov.u32 s21  }
0x1e2: {  	s8 =	sadd.s32 $0x4, s8;
	v16 =	vand.u32 $0x78, v15;
	s10 =	sshrl.u32 s7, $0x7;
	v15 =	vand.u32 $0x5, v27;
	v28 =	vadd.s32 v2, v11;
	v8 =	vmovc v33;
	[tilespmem:v40+s0+$0x0] =	vst.idx.msk $0xffff, v39  }
0x1e3: {  	_ =	sdelay $0x1  }
0x1e4: {  	v29 =	vmov s10  }
0x1e5: {  	v30 =	vadd.s32 v13, v28;
	v31 =	vadd.s32 v7, v28;
	v29 =	vmul.u32 $0x440, v29  }
0x1e6: {  	s8 =	sadd.s32 $0x2, s7;
	v32 =	vadd.s32 v10, v28;
	[tilespmem:v20+s0+$0x0] =	vst.idx.msk $0xffff, v21;
	v46 =	vadd.s32 v9, v28  }
0x1e7: {  	[tilespmem:v26+s0+$0x0] =	vst.idx.msk $0xffff, v24;
	v11 =	vadd.s32 v3, v11;
	v43 =	vmov s8;
	s8 =	sadd.s32 $0x3, s7;
	v29 =	vbroadcast v29, $0x0  }
0x1e8: {  	v45 =	vld.idx.msk [tilespmem:v4+s21+$0x80E0 ss:$0x1], $0xffff;
	v30 =	vor.u32 v12, v30;
	v44 =	vor.u32 v8, v31;
	[tilespmem:v25+s0+$0x0] =	vst.idx.msk $0xffff, v22;
	v47 =	vmov s8  }
0x1e9: {  	s10 =	sadd.s32 $0x100, s21;
	v48 =	vor.u32 v5, v32;
	v33 =	vld.idx.msk [tilespmem:v4+s21+$0x8020 ss:$0x1], $0xffff;
	v32 =	vand.u32 $0x78, v47;
	v49 =	vadd.s32 v0, v29  }
0x1ea: {  	v51 =	vld.idx.msk [tilespmem:v4+s10+$0x80C0 ss:$0x1], $0xffff;
	[tilespmem:v18+s0+$0x0] =	vst.idx.msk $0xffff, v23;
	v23 =	vand.u32 $0x7, v47;
	v50 =	vadd.s32 v32, v49  }
0x1eb: {  	v35 =	vld.idx.msk [tilespmem:v4+s10+$0x8000 ss:$0x1], $0xffff;
	v18 =	vand.u32 $0x78, v27;
	v34 =	vadd.s32 v16, v49;
	v27 =	vor.u32 v23, v50  }
0x1ec: {  	v53 =	vld.idx.msk [tilespmem:v4+s10+$0x8040 ss:$0x1], $0xffff;
	v20 =	vand.u32 $0x78, v43;
	v36 =	vadd.s32 v18, v49;
	v34 =	vor.u32 v14, v34  }
0x1ed: {  	v26 =	vand.u32 $0x6, v43;
	[tilespmem:v17+s0+$0x0] =	vst.idx.msk $0xffff, v19;
	v52 =	vadd.s32 v20, v49;
	v54 =	vor.u32 v15, v36  }
0x1ee: {  	v24 =	vor.u32 v6, v46;
	v55 =	vld.idx.msk [tilespmem:v4+s10+$0x8080 ss:$0x1], $0xffff;
	[tilespmem:v30+s0+$0x0] =	vst.idx.msk $0xffff, v45;
	v17 =	vor.u32 v26, v52  }
0x1ef: {  	v57 =	vadd.s32 v13, v11;
	v56 =	vld.idx.msk [tilespmem:v4+s21+$0x8060 ss:$0x1], $0xffff;
	v58 =	vadd.s32 v1, v29;
	[tilespmem:v44+s0+$0x0] =	vst.idx.msk $0xffff, v33  }
0x1f0: {  	v39 =	vadd.s32 v7, v11;
	v42 =	vld.idx.msk [tilespmem:v4+s24+$0x80A0 ss:$0x1], $0xffff;
	v61 =	vadd.s32 v32, v58;
	[tilespmem:v27+s0+$0x0] =	vst.idx.msk $0xffff, v51  }
0x1f1: {  	v62 =	vadd.s32 v16, v58;
	v13 =	vor.u32 v23, v61;
	[tilespmem:v34+s0+$0x0] =	vst.idx.msk $0xffff, v35;
	v28 =	vld.idx.msk [tilespmem:v4+s10+$0x80D0 ss:$0x1], $0xffff  }
0x1f2: {  	v63 =	vadd.s32 v18, v58;
	v27 =	vor.u32 v14, v62;
	[tilespmem:v54+s0+$0x0] =	vst.idx.msk $0xffff, v53;
	v35 =	vld.idx.msk [tilespmem:v4+s10+$0x8010 ss:$0x1], $0xffff  }
0x1f3: {  	v36 =	vadd.s32 v20, v58;
	v38 =	vor.u32 v15, v63;
	[tilespmem:v17+s0+$0x0] =	vst.idx.msk $0xffff, v55;
	v37 =	vld.idx.msk [tilespmem:v4+s10+$0x8050 ss:$0x1], $0xffff  }
0x1f4: {  	v60 =	vor.u32 v12, v57;
	[tilespmem:v48+s0+$0x0] =	vst.idx.msk $0xffff, v56;
	v40 =	vor.u32 v26, v36;
	v41 =	vld.idx.msk [tilespmem:v4+s10+$0x8090 ss:$0x1], $0xffff  }
0x1f5: {  	v43 =	vadd.s32 v10, v11;
	v44 =	vadd.s32 v2, v29;
	v59 =	vld.idx.msk [tilespmem:v4+s24+$0x80F0 ss:$0x1], $0xffff;
	[tilespmem:v24+s0+$0x0] =	vst.idx.msk $0xffff, v42  }
0x1f6: {  	v7 =	vor.u32 v8, v39;
	v45 =	vld.idx.msk [tilespmem:v4+s24+$0x8030 ss:$0x1], $0xffff;
	v46 =	vadd.s32 v32, v44;
	[tilespmem:v13+s0+$0x0] =	vst.idx.msk $0xffff, v28  }
0x1f7: {  	v47 =	vadd.s32 v16, v44;
	v8 =	vor.u32 v23, v46;
	[tilespmem:v27+s0+$0x0] =	vst.idx.msk $0xffff, v35;
	v28 =	vld.idx.msk [tilespmem:v4+s10+$0x80E0 ss:$0x1], $0xffff  }
0x1f8: {  	v48 =	vadd.s32 v18, v44;
	v13 =	vor.u32 v14, v47;
	[tilespmem:v38+s0+$0x0] =	vst.idx.msk $0xffff, v37;
	v49 =	vld.idx.msk [tilespmem:v4+s10+$0x8020 ss:$0x1], $0xffff  }
0x1f9: {  	v12 =	vadd.s32 v20, v44;
	v50 =	vor.u32 v15, v48;
	[tilespmem:v40+s0+$0x0] =	vst.idx.msk $0xffff, v41;
	v21 =	vld.idx.msk [tilespmem:v4+s10+$0x8060 ss:$0x1], $0xffff  }
0x1fa: {  	v5 =	vor.u32 v5, v43;
	v12 =	vor.u32 v26, v12;
	[tilespmem:v60+s0+$0x0] =	vst.idx.msk $0xffff, v59;
	v52 =	vld.idx.msk [tilespmem:v4+s10+$0x80A0 ss:$0x1], $0xffff  }
0x1fb: {  	v51 =	vadd.s32 v9, v11;
	v53 =	vld.idx.msk [tilespmem:v4+s24+$0x8070 ss:$0x1], $0xffff;
	[tilespmem:v7+s0+$0x0] =	vst.idx.msk $0xffff, v45;
	v54 =	vadd.s32 v3, v29  }
0x1fc: {  	v56 =	vld.idx.msk [tilespmem:v4+s24+$0x80B0 ss:$0x1], $0xffff;
	v55 =	vor.u32 v6, v51;
	v57 =	vadd.s32 v32, v54;
	[tilespmem:v8+s0+$0x0] =	vst.idx.msk $0xffff, v28  }
0x1fd: {  	v59 =	vadd.s32 v16, v54;
	v8 =	vor.u32 v23, v57;
	[tilespmem:v13+s0+$0x0] =	vst.idx.msk $0xffff, v49;
	v58 =	vld.idx.msk [tilespmem:v4+s10+$0x80F0 ss:$0x1], $0xffff  }
0x1fe: {  	v60 =	vadd.s32 v18, v54;
	v13 =	vor.u32 v14, v59;
	[tilespmem:v50+s0+$0x0] =	vst.idx.msk $0xffff, v21;
	v61 =	vld.idx.msk [tilespmem:v4+s10+$0x8030 ss:$0x1], $0xffff  }
0x1ff: {  	v7 =	vadd.s32 v20, v54;
	v63 =	vor.u32 v15, v60;
	[tilespmem:v12+s0+$0x0] =	vst.idx.msk $0xffff, v52;
	v62 =	vld.idx.msk [tilespmem:v4+s10+$0x8070 ss:$0x1], $0xffff  }
0x200: {  	[tilespmem:v5+s0+$0x0] =	vst.idx.msk $0xffff, v53;
	v5 =	vor.u32 v26, v7;
	v4 =	vld.idx.msk [tilespmem:v4+s10+$0x80B0 ss:$0x1], $0xffff  }
0x201: {  	[tilespmem:v55+s0+$0x0] =	vst.idx.msk $0xffff, v56  }
0x202: {  	s8 =	sshll.u32 s2, $0x8;
	[tilespmem:v8+s0+$0x0] =	vst.idx.msk $0xffff, v58  }
0x203: {  	s7 =	sand.u32 $0x3F00, s8;
	s10 =	sshll.u32 s2, $0xB;
	[tilespmem:v13+s0+$0x0] =	vst.idx.msk $0xffff, v61  }
0x204: {  	s7 =	sadd.s32 s1, s7;
	s2 =	sand.u32 $0xFFE0000, s10;
	[tilespmem:v63+s0+$0x0] =	vst.idx.msk $0xffff, v62  }
0x205: {  	s8 =	sadd.s32 $0x0, s0;
	s2 =	sadd.s32 s2, s7;
	[tilespmem:v5+s0+$0x0] =	vst.idx.msk $0xffff, v4  }
0x206: {  	[hbm4b:s2+s3] =	stream.linear.scatter [tilespmem:s8], [sflag:$0x3], $0x80, $0x38;
	[tilespmem:$0x14B00] =	vst v63  }
0x207: {  	s21 =	sadd.s32 $0x88, s8;
	s24 =	sadd.s32 $0x10, s2  }
0x208: {  	[hbm4b:s24+s3] =	stream.linear.scatter [tilespmem:s21], [sflag:$0x3], $0x80, $0x38;
	[tilespmem:$0x14B00] =	vst v63  }
0x209: {  	s21 =	sadd.s32 $0x110, s8;
	s24 =	sadd.s32 $0x20, s2  }
0x20a: {  	[hbm4b:s24+s3] =	stream.linear.scatter [tilespmem:s21], [sflag:$0x3], $0x80, $0x38;
	[tilespmem:$0x14B00] =	vst v63  }
0x20b: {  	s21 =	sadd.s32 $0x198, s8;
	s24 =	sadd.s32 $0x30, s2  }
0x20c: {  	[hbm4b:s24+s3] =	stream.linear.scatter [tilespmem:s21], [sflag:$0x3], $0x80, $0x38;
	[tilespmem:$0x14B00] =	vst v63  }
0x20d: {  	s21 =	sadd.s32 $0x220, s8;
	s24 =	sadd.s32 $0x40, s2  }
0x20e: {  	[hbm4b:s24+s3] =	stream.linear.scatter [tilespmem:s21], [sflag:$0x3], $0x80, $0x38;
	[tilespmem:$0x14B00] =	vst v63  }
0x20f: {  	s21 =	sadd.s32 $0x2A8, s8;
	s24 =	sadd.s32 $0x50, s2  }
0x210: {  	[hbm4b:s24+s3] =	stream.linear.scatter [tilespmem:s21], [sflag:$0x3], $0x80, $0x38;
	[tilespmem:$0x14B00] =	vst v63  }
0x211: {  	s21 =	sadd.s32 $0x330, s8;
	s24 =	sadd.s32 $0x60, s2  }
0x212: {  	[hbm4b:s24+s3] =	stream.linear.scatter [tilespmem:s21], [sflag:$0x3], $0x80, $0x38;
	[tilespmem:$0x14B00] =	vst v63  }
0x213: {  	s21 =	sadd.s32 $0x3B8, s8;
	s24 =	sadd.s32 $0x70, s2  }
0x214: {  	[hbm4b:s24+s3] =	stream.linear.scatter [tilespmem:s21], [sflag:$0x3], $0x80, $0x38;
	[tilespmem:$0x14B00] =	vst v63  }
0x215: {  	s21 =	sadd.s32 $0x440, s8;
	s24 =	sadd.s32 $0x80, s2  }
0x216: {  	[hbm4b:s24+s3] =	stream.linear.scatter [tilespmem:s21], [sflag:$0x3], $0x80, $0x38;
	[tilespmem:$0x14B00] =	vst v63  }
0x217: {  	s21 =	sadd.s32 $0x4C8, s8;
	s24 =	sadd.s32 $0x90, s2  }
0x218: {  	[hbm4b:s24+s3] =	stream.linear.scatter [tilespmem:s21], [sflag:$0x3], $0x80, $0x38;
	[tilespmem:$0x14B00] =	vst v63  }
0x219: {  	s21 =	sadd.s32 $0x550, s8;
	s24 =	sadd.s32 $0xA0, s2  }
0x21a: {  	[hbm4b:s24+s3] =	stream.linear.scatter [tilespmem:s21], [sflag:$0x3], $0x80, $0x38;
	[tilespmem:$0x14B00] =	vst v63  }
0x21b: {  	s21 =	sadd.s32 $0x5D8, s8;
	s24 =	sadd.s32 $0xB0, s2  }
0x21c: {  	[hbm4b:s24+s3] =	stream.linear.scatter [tilespmem:s21], [sflag:$0x3], $0x80, $0x38;
	[tilespmem:$0x14B00] =	vst v63  }
0x21d: {  	s21 =	sadd.s32 $0x660, s8;
	s24 =	sadd.s32 $0xC0, s2  }
0x21e: {  	[hbm4b:s24+s3] =	stream.linear.scatter [tilespmem:s21], [sflag:$0x3], $0x80, $0x38;
	[tilespmem:$0x14B00] =	vst v63  }
0x21f: {  	s10 =	simm.s32 $0x4400;
	s21 =	sadd.s32 $0x6E8, s8;
	s24 =	sadd.s32 $0xD0, s2  }
0x220: {  	[hbm4b:s24+s3] =	stream.linear.scatter [tilespmem:s21], [sflag:$0x3], $0x80, $0x38;
	[tilespmem:$0x14B00] =	vst v63  }
0x221: {  	s7 =	simm.s32 $0x880;
	s21 =	sadd.s32 $0x770, s8;
	s24 =	sadd.s32 $0xE0, s2  }
0x222: {  	[hbm4b:s24+s3] =	stream.linear.scatter [tilespmem:s21], [sflag:$0x3], $0x80, $0x38;
	[tilespmem:$0x14B00] =	vst v63  }
0x223: {  	s21 =	sadd.s32 $0x7F8, s8;
	s24 =	sadd.s32 $0xF0, s2;
	s2 =	sadd.s32 $0x4000, s2  }
.LBB2_13:
0x224: {  	[hbm4b:s24+s3] =	stream.linear.scatter [tilespmem:s21], [sflag:$0x3], $0x80, $0x38;
	[tilespmem:$0x14B00] =	vst v63  }
0x225: {  	s24 =	smov.u32 s10  }
0x226: {  	s8 =	sadd.s32 $0x2200, s10;
	s21 =	sadd.s32 s7, s0;
	s7 =	sshra.s32 s24, $0x2  }
0x227: {  	[hbm4b:s2+s3] =	stream.linear.scatter [tilespmem:s21], [sflag:$0x3], $0x80, $0x38;
	[tilespmem:$0x14B00] =	vst v63  }
0x228: {  	p0 =	sne.s32 s10, $0xEE00;
	s10 =	sadd.s32 $0x88, s21;
	s24 =	sadd.s32 $0x10, s2  }
0x229: {  	[hbm4b:s24+s3] =	stream.linear.scatter [tilespmem:s10], [sflag:$0x3], $0x80, $0x38;
	[tilespmem:$0x14B00] =	vst v63  }
0x22a: {  	s10 =	sadd.s32 $0x110, s21;
	s24 =	sadd.s32 $0x20, s2  }
0x22b: {  	[hbm4b:s24+s3] =	stream.linear.scatter [tilespmem:s10], [sflag:$0x3], $0x80, $0x38;
	[tilespmem:$0x14B00] =	vst v63  }
0x22c: {  	s10 =	sadd.s32 $0x198, s21;
	s24 =	sadd.s32 $0x30, s2  }
0x22d: {  	[hbm4b:s24+s3] =	stream.linear.scatter [tilespmem:s10], [sflag:$0x3], $0x80, $0x38;
	[tilespmem:$0x14B00] =	vst v63  }
0x22e: {  	s10 =	sadd.s32 $0x220, s21;
	s24 =	sadd.s32 $0x40, s2  }
0x22f: {  	[hbm4b:s24+s3] =	stream.linear.scatter [tilespmem:s10], [sflag:$0x3], $0x80, $0x38;
	[tilespmem:$0x14B00] =	vst v63  }
0x230: {  	s10 =	sadd.s32 $0x2A8, s21;
	s24 =	sadd.s32 $0x50, s2  }
0x231: {  	[hbm4b:s24+s3] =	stream.linear.scatter [tilespmem:s10], [sflag:$0x3], $0x80, $0x38;
	[tilespmem:$0x14B00] =	vst v63  }
0x232: {  	s10 =	sadd.s32 $0x330, s21;
	s24 =	sadd.s32 $0x60, s2  }
0x233: {  	[hbm4b:s24+s3] =	stream.linear.scatter [tilespmem:s10], [sflag:$0x3], $0x80, $0x38;
	[tilespmem:$0x14B00] =	vst v63  }
0x234: {  	s10 =	sadd.s32 $0x3B8, s21;
	s24 =	sadd.s32 $0x70, s2  }
0x235: {  	[hbm4b:s24+s3] =	stream.linear.scatter [tilespmem:s10], [sflag:$0x3], $0x80, $0x38;
	[tilespmem:$0x14B00] =	vst v63  }
0x236: {  	s10 =	sadd.s32 $0x440, s21;
	s24 =	sadd.s32 $0x80, s2  }
0x237: {  	[hbm4b:s24+s3] =	stream.linear.scatter [tilespmem:s10], [sflag:$0x3], $0x80, $0x38;
	[tilespmem:$0x14B00] =	vst v63  }
0x238: {  	s10 =	sadd.s32 $0x4C8, s21;
	s24 =	sadd.s32 $0x90, s2  }
0x239: {  	[hbm4b:s24+s3] =	stream.linear.scatter [tilespmem:s10], [sflag:$0x3], $0x80, $0x38;
	[tilespmem:$0x14B00] =	vst v63  }
0x23a: {  	s10 =	sadd.s32 $0x550, s21;
	s24 =	sadd.s32 $0xA0, s2  }
0x23b: {  	[hbm4b:s24+s3] =	stream.linear.scatter [tilespmem:s10], [sflag:$0x3], $0x80, $0x38;
	[tilespmem:$0x14B00] =	vst v63  }
0x23c: {  	s10 =	sadd.s32 $0x5D8, s21;
	s24 =	sadd.s32 $0xB0, s2  }
0x23d: {  	[hbm4b:s24+s3] =	stream.linear.scatter [tilespmem:s10], [sflag:$0x3], $0x80, $0x38;
	[tilespmem:$0x14B00] =	vst v63  }
0x23e: {  	s10 =	sadd.s32 $0x660, s21;
	s24 =	sadd.s32 $0xC0, s2  }
0x23f: {  	[hbm4b:s24+s3] =	stream.linear.scatter [tilespmem:s10], [sflag:$0x3], $0x80, $0x38;
	[tilespmem:$0x14B00] =	vst v63  }
.Ltmp5:
0x240: {  	s10 =	sadd.s32 $0x6E8, s21;
	s24 =	sadd.s32 $0xD0, s2;
	(pc) =	sbr.rel @p0 .LBB2_13-.Ltmp5, $4  }
0x241: {  	[hbm4b:s24+s3] =	stream.linear.scatter [tilespmem:s10], [sflag:$0x3], $0x80, $0x38;
	[tilespmem:$0x14B00] =	vst v63  }
0x242: {  	s10 =	sadd.s32 $0x770, s21;
	s24 =	sadd.s32 $0xE0, s2;
	s21 =	sadd.s32 $0x7F8, s21  }
0x243: {  	[hbm4b:s24+s3] =	stream.linear.scatter [tilespmem:s10], [sflag:$0x3], $0x80, $0x38;
	[tilespmem:$0x14B00] =	vst v63  }
0x244: {  	s24 =	sadd.s32 $0xF0, s2;
	s2 =	sadd.s32 $0x4000, s2;
	s10 =	smov.u32 s8  }
0x245: {  	[hbm4b:s24+s3] =	stream.linear.scatter [tilespmem:s21], [sflag:$0x3], $0x80, $0x38;
	[tilespmem:$0x14B00] =	vst v63  }
0x246: {  	s0 =	sadd.s32 s7, s0  }
0x247: {  	[hbm4b:s2+s3] =	stream.linear.scatter [tilespmem:s0], [sflag:$0x3], $0x80, $0x38;
	[tilespmem:$0x14B00] =	vst v63  }
0x248: {  	s8 =	sadd.s32 $0x10, s2;
	s7 =	sadd.s32 $0x88, s0  }
0x249: {  	[hbm4b:s8+s3] =	stream.linear.scatter [tilespmem:s7], [sflag:$0x3], $0x80, $0x38;
	[tilespmem:$0x14B00] =	vst v63  }
0x24a: {  	s10 =	sadd.s32 $0x20, s2;
	s8 =	sadd.s32 $0x110, s0  }
0x24b: {  	[hbm4b:s10+s3] =	stream.linear.scatter [tilespmem:s8], [sflag:$0x3], $0x80, $0x38;
	[tilespmem:$0x14B00] =	vst v63  }
0x24c: {  	s24 =	sadd.s32 $0x30, s2;
	s21 =	sadd.s32 $0x198, s0  }
0x24d: {  	[hbm4b:s24+s3] =	stream.linear.scatter [tilespmem:s21], [sflag:$0x3], $0x80, $0x38;
	[tilespmem:$0x14B00] =	vst v63  }
0x24e: {  	s8 =	sadd.s32 $0x220, s0;
	s10 =	sadd.s32 $0x40, s2  }
0x24f: {  	[hbm4b:s10+s3] =	stream.linear.scatter [tilespmem:s8], [sflag:$0x3], $0x80, $0x38;
	[tilespmem:$0x14B00] =	vst v63  }
0x250: {  	s21 =	sadd.s32 $0x2A8, s0;
	s24 =	sadd.s32 $0x50, s2  }
0x251: {  	[hbm4b:s24+s3] =	stream.linear.scatter [tilespmem:s21], [sflag:$0x3], $0x80, $0x38;
	[tilespmem:$0x14B00] =	vst v63  }
0x252: {  	s8 =	sadd.s32 $0x330, s0;
	s10 =	sadd.s32 $0x60, s2  }
0x253: {  	[hbm4b:s10+s3] =	stream.linear.scatter [tilespmem:s8], [sflag:$0x3], $0x80, $0x38;
	[tilespmem:$0x14B00] =	vst v63  }
0x254: {  	s21 =	sadd.s32 $0x3B8, s0;
	s24 =	sadd.s32 $0x70, s2  }
0x255: {  	[hbm4b:s24+s3] =	stream.linear.scatter [tilespmem:s21], [sflag:$0x3], $0x80, $0x38;
	[tilespmem:$0x14B00] =	vst v63  }
0x256: {  	s8 =	sadd.s32 $0x440, s0;
	s10 =	sadd.s32 $0x80, s2  }
0x257: {  	[hbm4b:s10+s3] =	stream.linear.scatter [tilespmem:s8], [sflag:$0x3], $0x80, $0x38;
	[tilespmem:$0x14B00] =	vst v63  }
0x258: {  	s21 =	sadd.s32 $0x4C8, s0;
	s24 =	sadd.s32 $0x90, s2  }
0x259: {  	[hbm4b:s24+s3] =	stream.linear.scatter [tilespmem:s21], [sflag:$0x3], $0x80, $0x38;
	[tilespmem:$0x14B00] =	vst v63  }
0x25a: {  	s8 =	sadd.s32 $0x550, s0;
	s10 =	sadd.s32 $0xA0, s2  }
0x25b: {  	[hbm4b:s10+s3] =	stream.linear.scatter [tilespmem:s8], [sflag:$0x3], $0x80, $0x38;
	[tilespmem:$0x14B00] =	vst v63  }
0x25c: {  	s21 =	sadd.s32 $0x5D8, s0;
	s24 =	sadd.s32 $0xB0, s2  }
0x25d: {  	[hbm4b:s24+s3] =	stream.linear.scatter [tilespmem:s21], [sflag:$0x3], $0x80, $0x38;
	[tilespmem:$0x14B00] =	vst v63  }
0x25e: {  	s30 =	sadd.s32 $0x1, s30;
	s8 =	sadd.s32 $0x660, s0;
	s10 =	sadd.s32 $0xC0, s2  }
0x25f: {  	[hbm4b:s10+s3] =	stream.linear.scatter [tilespmem:s8], [sflag:$0x3], $0x80, $0x38;
	[tilespmem:$0x14B00] =	vst v63  }
0x260: {  	p0 =	sne.s32 s30, $0x18D;
	s21 =	sadd.s32 $0x6E8, s0;
	s24 =	sadd.s32 $0xD0, s2  }
0x261: {  	[hbm4b:s24+s3] =	stream.linear.scatter [tilespmem:s21], [sflag:$0x3], $0x80, $0x38;
	[tilespmem:$0x14B00] =	vst v63  }
.Ltmp6:
0x262: {  	_ = 	snop;
	(pc) =	sbr.rel @p0 .LBB2_10-.Ltmp6, $4  }
0x263: {  	s10 =	sadd.s32 $0x770, s0;
	s21 =	sadd.s32 $0xE0, s2  }
0x264: {  	[hbm4b:s21+s3] =	stream.linear.scatter [tilespmem:s10], [sflag:$0x3], $0x80, $0x38;
	[tilespmem:$0x14B00] =	vst v63  }
0x265: {  	s31 =	sadd.s32 $0x4000, s31;
	s0 =	sadd.s32 $0x7F8, s0;
	s24 =	sadd.s32 $0xF0, s2  }
0x266: {  	[hbm4b:s24+s3] =	stream.linear.scatter [tilespmem:s0], [sflag:$0x3], $0x80, $0x38;
	[tilespmem:$0x14B00] =	vst v63  }
0x267: {  	_ =	swait.ge [sflag:s23], $0x4000  }
0x268: {  	[sflag:s23] =	ssyncset.done $0x0  }
0x269: {  	s0 =	simm.s32 $0x0;
	[sflag:s23] =	ssyncadd.s32 $0xFFFFC000  }
0x26a: {  	v4 =	vmov s0;
	_ =	swait.ge [sflag:s18], $0x100  }
0x26b: {  	s30 =	simm.s32 $0x0;
	s2 =	simm.s32 $0x3;
	v4 =	vmul.u32 $0x440, v4;
	[sflag:s18] =	ssyncset.done $0x0  }
0x26c: {  	s31 =	simm.s32 $0x1;
	s7 =	simm.s32 $0x2;
	[sflag:s18] =	ssyncadd.s32 $0xFFFFFF00  }
0x26d: {  	v5 =	vmov s2;
	v8 =	vmov s7;
	v7 =	vbroadcast v4, $0x0;
	[tilespmem:s20], [sflag:$0x2] =	stream.indirect.gather [hbm4b:s5+s19], $0x40, s30, s19, $0xb8;
	[tilespmem:$0x14B00] =	vst v63  }
0x26e: {  	v11 =	vand.u32 $0x78, v5;
	v16 =	vand.u32 $0x7, v5;
	v5 =	vmov s31;
	_ =	swait.ge [sflag:s28], $0x4000  }
0x26f: {  	v19 =	vand.u32 $0x5, v5;
	v4 =	vmov s30;
	v6 =	vadd.s32 v0, v7;
	[sflag:s28] =	ssyncset.done $0x0  }
0x270: {  	s2 =	simm.s32 $0x43F0;
	v9 =	vand.u32 $0x4, v4;
	v12 =	vand.u32 $0x78, v4;
	v4 =	vadd.s32 v11, v6;
	[sflag:s28] =	ssyncadd.s32 $0xFFFFC000  }
0x271: {  	v17 =	vand.u32 $0x78, v5;
	v5 =	vadd.s32 v12, v6;
	v4 =	vor.u32 v16, v4;
	v10 =	vld [tilespmem:s2+$0xFFFFFFD0]  }
0x272: {  	v18 =	vand.u32 $0x78, v8;
	v13 =	vadd.s32 v17, v6;
	v15 =	vor.u32 v9, v5;
	v14 =	vld [tilespmem:s2+$0xFFFFFF10]  }
0x273: {  	v22 =	vand.u32 $0x6, v8;
	v8 =	vor.u32 v19, v13;
	v5 =	vadd.s32 v18, v6;
	v6 =	vld [tilespmem:s2+$0xFFFFFF50]  }
0x274: {  	v21 =	vadd.s32 v1, v7;
	v13 =	vor.u32 v22, v5;
	v20 =	vld [tilespmem:s2+$0xFFFFFF90]  }
0x275: {  	v27 =	vadd.s32 v2, v7;
	v23 =	vadd.s32 v12, v21  }
0x276: {  	v28 =	vadd.s32 v12, v27;
	[tilespmem:v4+s26+$0x0] =	vst.idx.msk $0xffff, v10;
	v4 =	vadd.s32 v11, v21  }
0x277: {  	v29 =	vadd.s32 v17, v27;
	[tilespmem:v15+s26+$0x0] =	vst.idx.msk $0xffff, v14;
	v24 =	vld [tilespmem:s2+$0xFFFFFFE0];
	v4 =	vor.u32 v16, v4  }
0x278: {  	s10 =	simm.s32 $0x6;
	v23 =	vor.u32 v9, v23;
	v14 =	vadd.s32 v17, v21;
	[tilespmem:v8+s26+$0x0] =	vst.idx.msk $0xffff, v6;
	v15 =	vld [tilespmem:s2+$0xFFFFFF20]  }
0x279: {  	s21 =	simm.s32 $0x0;
	s7 =	simm.s32 $0x4;
	v25 =	vmov s10;
	v6 =	vadd.s32 v18, v21;
	[tilespmem:v13+s26+$0x0] =	vst.idx.msk $0xffff, v20;
	v21 =	vld [tilespmem:s2+$0xFFFFFF60];
	v14 =	vor.u32 v19, v14  }
0x27a: {  	s8 =	simm.s32 $0x5;
	v10 =	vmov s7;
	v13 =	vmov s21;
	v20 =	vor.u32 v22, v6;
	v26 =	vld [tilespmem:s2+$0xFFFFFFA0]  }
0x27b: {  	v8 =	vmov s8;
	v5 =	vand.u32 $0x4, v10;
	v13 =	vmul.u32 $0x440, v13  }
0x27c: {  	v10 =	vand.u32 $0x78, v10;
	v6 =	vand.u32 $0x5, v8;
	[tilespmem:v4+s26+$0x0] =	vst.idx.msk $0xffff, v24;
	v24 =	vadd.s32 v11, v27  }
0x27d: {  	v8 =	vand.u32 $0x78, v8;
	v13 =	vbroadcast v13, $0x0;
	[tilespmem:v23+s26+$0x0] =	vst.idx.msk $0xffff, v15;
	v30 =	vld [tilespmem:s2+$0xFFFFFFF0];
	v24 =	vor.u32 v16, v24  }
0x27e: {  	s24 =	simm.s32 $0x7;
	v4 =	vand.u32 $0x6, v25;
	v23 =	vor.u32 v9, v28;
	v15 =	vadd.s32 v18, v27;
	[tilespmem:v14+s26+$0x0] =	vst.idx.msk $0xffff, v21  }
0x27f: {  	v14 =	vmov s24;
	v21 =	vor.u32 v19, v29;
	[tilespmem:v20+s26+$0x0] =	vst.idx.msk $0xffff, v26;
	v20 =	vadd.s32 v0, v13;
	v27 =	vld [tilespmem:s2+$0xFFFFFF30]  }
0x280: {  	v29 =	vadd.s32 v3, v7;
	v31 =	vor.u32 v22, v15;
	v28 =	vld [tilespmem:s2+$0xFFFFFF70];
	v15 =	vand.u32 $0x78, v14  }
0x281: {  	s0 =	simm.s32 $0x44F0;
	v32 =	vld [tilespmem:s2+$0xFFFFFFB0];
	v14 =	vand.u32 $0x7, v14;
	v11 =	vadd.s32 v11, v29;
	v26 =	vadd.s32 v15, v20  }
0x282: {  	v7 =	vand.u32 $0x78, v25;
	v25 =	vld [tilespmem:s0+$0xFFFFFFD0];
	v12 =	vadd.s32 v12, v29;
	v26 =	vor.u32 v14, v26;
	[tilespmem:v24+s26+$0x0] =	vst.idx.msk $0xffff, v30  }
0x283: {  	v37 =	vadd.s32 v17, v29;
	v11 =	vor.u32 v16, v11;
	v24 =	vadd.s32 v10, v20;
	v33 =	vld [tilespmem:s2+$0x0]  }
0x284: {  	v34 =	vld [tilespmem:s0+$0xFFFFFF10];
	v30 =	vadd.s32 v8, v20;
	[tilespmem:v23+s26+$0x0] =	vst.idx.msk $0xffff, v27;
	v24 =	vor.u32 v5, v24  }
0x285: {  	v16 =	vadd.s32 v7, v20;
	v20 =	vld [tilespmem:s0+$0xFFFFFF50];
	[tilespmem:v21+s26+$0x0] =	vst.idx.msk $0xffff, v28;
	v30 =	vor.u32 v6, v30  }
0x286: {  	v36 =	vld [tilespmem:s0+$0xFFFFFF90];
	v38 =	vadd.s32 v18, v29;
	v35 =	vor.u32 v4, v16;
	[tilespmem:v31+s26+$0x0] =	vst.idx.msk $0xffff, v32  }
0x287: {  	s21 =	simm.s32 $0x8;
	v17 =	vadd.s32 v1, v13;
	v40 =	vor.u32 v9, v12;
	v39 =	vld [tilespmem:s2+$0xFFFFFF40];
	[tilespmem:v26+s26+$0x0] =	vst.idx.msk $0xffff, v25  }
0x288: {  	v12 =	vmov s21;
	v18 =	vadd.s32 v10, v17;
	v21 =	vadd.s32 v15, v17;
	v16 =	vld [tilespmem:s2+$0xFFFFFF80];
	[tilespmem:v11+s26+$0x0] =	vst.idx.msk $0xffff, v33  }
0x289: {  	s30 =	simm.s32 $0x9;
	v9 =	vand.u32 $0x4, v12;
	v12 =	vand.u32 $0x78, v12;
	v28 =	vor.u32 v14, v21;
	[tilespmem:v24+s26+$0x0] =	vst.idx.msk $0xffff, v34;
	v24 =	vld [tilespmem:s0+$0xFFFFFFE0]  }
0x28a: {  	s8 =	simm.s32 $0x0;
	v29 =	vor.u32 v5, v18;
	v18 =	vmov s30;
	v11 =	vadd.s32 v8, v17;
	[tilespmem:v30+s26+$0x0] =	vst.idx.msk $0xffff, v20;
	v25 =	vld [tilespmem:s0+$0xFFFFFF20]  }
0x28b: {  	v31 =	vmov s8;
	[tilespmem:v35+s26+$0x0] =	vst.idx.msk $0xffff, v36;
	v17 =	vadd.s32 v7, v17;
	v23 =	vld [tilespmem:s0+$0xFFFFFF60];
	v27 =	vor.u32 v6, v11  }
0x28c: {  	s31 =	simm.s32 $0xA;
	v26 =	vld [tilespmem:s0+$0xFFFFFFA0];
	v20 =	vor.u32 v19, v37;
	v19 =	vor.u32 v22, v38;
	v21 =	vor.u32 v4, v17  }
0x28d: {  	s7 =	simm.s32 $0xC;
	v30 =	vadd.s32 v2, v13;
	[tilespmem:v40+s26+$0x0] =	vst.idx.msk $0xffff, v39;
	v22 =	vld [tilespmem:s2+$0xFFFFFFC0];
	s2 =	simm.s32 $0x44F0;
	v17 =	vmov s31;
	v11 =	vand.u32 $0x5, v18  }
.LBB2_16:
0x28e: {  	p0 =	slt.u32 s7, $0xFC;
	v31 =	vmul.u32 $0x440, v31;
	v32 =	vadd.s32 v10, v30;
	[tilespmem:v28+s26+$0x0] =	vst.idx.msk $0xffff, v24;
	v24 =	vadd.s32 v15, v30  }
0x28f: {  	v33 =	vand.u32 $0x6, v17;
	[tilespmem:v29+s26+$0x0] =	vst.idx.msk $0xffff, v25;
	v25 =	vadd.s32 v8, v30;
	v28 =	vld [tilespmem:s0+$0xFFFFFFF0];
	v24 =	vor.u32 v14, v24  }
0x290: {  	s8 =	sadd.s32 $0x3, s21;
	s21 =	smov.u32 s7;
	v32 =	vor.u32 v5, v32;
	v29 =	vbroadcast v31, $0x0;
	v31 =	vld [tilespmem:s0+$0xFFFFFF30];
	[tilespmem:v27+s26+$0x0] =	vst.idx.msk $0xffff, v23;
	v23 =	vadd.s32 v7, v30  }
0x291: {  	v27 =	vmov s8;
	v25 =	vor.u32 v6, v25;
	v30 =	vld [tilespmem:s0+$0xFFFFFF70];
	[tilespmem:v21+s26+$0x0] =	vst.idx.msk $0xffff, v26;
	v34 =	vor.u32 v4, v23  }
0x292: {  	v18 =	vand.u32 $0x78, v18;
	v23 =	vand.u32 $0x78, v27;
	v21 =	vadd.s32 v0, v29;
	v35 =	vld [tilespmem:s0+$0xFFFFFFB0];
	[tilespmem:v20+s26+$0x0] =	vst.idx.msk $0xffff, v16  }
0x293: {  	v26 =	vadd.s32 v3, v13;
	v16 =	vand.u32 $0x7, v27;
	s0 =	sadd.s32 $0x100, s0;
	v20 =	vadd.s32 v23, v21;
	[tilespmem:v19+s26+$0x0] =	vst.idx.msk $0xffff, v22  }
0x294: {  	v17 =	vand.u32 $0x78, v17;
	v19 =	vld [tilespmem:s0+$0xFFFFFFD0];
	v20 =	vor.u32 v16, v20;
	[tilespmem:v24+s26+$0x0] =	vst.idx.msk $0xffff, v28;
	v28 =	vadd.s32 v15, v26  }
0x295: {  	v13 =	vmovc v29;
	v36 =	vadd.s32 v12, v21;
	v22 =	vadd.s32 v18, v21;
	v24 =	vld [tilespmem:s2+$0x0];
	v27 =	vor.u32 v14, v28  }
0x296: {  	v37 =	vadd.s32 v17, v21;
	v29 =	vor.u32 v9, v36;
	v22 =	vor.u32 v11, v22;
	v15 =	vmovc v23;
	v28 =	vld [tilespmem:s0+$0xFFFFFF10]  }
0x297: {  	v10 =	vadd.s32 v10, v26;
	v36 =	vor.u32 v33, v37;
	v14 =	vmov v16;
	v21 =	vld [tilespmem:s0+$0xFFFFFF50];
	[tilespmem:v32+s26+$0x0] =	vst.idx.msk $0xffff, v31  }
0x298: {  	v32 =	vadd.s32 v7, v26;
	v31 =	vld [tilespmem:s0+$0xFFFFFF90];
	[tilespmem:v25+s26+$0x0] =	vst.idx.msk $0xffff, v30;
	v30 =	vadd.s32 v8, v26;
	v8 =	vmov v18  }
0x299: {  	v38 =	vor.u32 v5, v10;
	v7 =	vmov v17;
	v18 =	vadd.s32 v1, v13;
	[tilespmem:v20+s26+$0x0] =	vst.idx.msk $0xffff, v19;
	v37 =	vld [tilespmem:s2+$0xFFFFFF40]  }
0x29a: {  	v10 =	vmov s7;
	v5 =	vmovc v9;
	v17 =	vadd.s32 v12, v18;
	v19 =	vadd.s32 v15, v18;
	v16 =	vld [tilespmem:s2+$0xFFFFFF80];
	[tilespmem:v27+s26+$0x0] =	vst.idx.msk $0xffff, v24  }
.Ltmp7:
0x29b: {  	v9 =	vand.u32 $0x4, v10;
	v20 =	vadd.s32 v8, v18;
	[tilespmem:v29+s26+$0x0] =	vst.idx.msk $0xffff, v28;
	v24 =	vld [tilespmem:s0+$0xFFFFFFE0];
	v28 =	vor.u32 v14, v19;
	(pc) =	sbr.rel @p0 .LBB2_16-.Ltmp7, $4  }
0x29c: {  	s8 =	sadd.s32 $0x1, s7;
	v39 =	vand.u32 $0x78, v10;
	v29 =	vor.u32 v5, v17;
	v17 =	vadd.s32 v7, v18;
	v25 =	vld [tilespmem:s0+$0xFFFFFF20];
	[tilespmem:v22+s26+$0x0] =	vst.idx.msk $0xffff, v21  }
0x29d: {  	v10 =	vmovc v12;
	v27 =	vor.u32 v11, v20;
	v18 =	vmov s8;
	s8 =	sadd.s32 $0x2, s7;
	v21 =	vor.u32 v33, v17;
	v23 =	vld [tilespmem:s0+$0xFFFFFF60];
	[tilespmem:v36+s26+$0x0] =	vst.idx.msk $0xffff, v31  }
0x29e: {  	s10 =	sshrl.u32 s7, $0x7;
	v20 =	vor.u32 v6, v30;
	v19 =	vor.u32 v4, v32;
	v4 =	vmovc v33;
	v17 =	vmov s8;
	v26 =	vld [tilespmem:s0+$0xFFFFFFA0];
	[tilespmem:v34+s26+$0x0] =	vst.idx.msk $0xffff, v35  }
0x29f: {  	v12 =	vmovc v39;
	v30 =	vadd.s32 v2, v13;
	v6 =	vmovc v11;
	s7 =	sadd.s32 $0x4, s7;
	v11 =	vand.u32 $0x5, v18;
	v31 =	vmov s10;
	[tilespmem:v38+s26+$0x0] =	vst.idx.msk $0xffff, v37;
	v22 =	vld [tilespmem:s2+$0xFFFFFFC0];
	s2 =	smov.u32 s0  }
0x2a0: {  	_ =	sdelay $0x2  }
0x2a1: {  	v31 =	vmul.u32 $0x440, v31  }
0x2a2: {  	v32 =	vadd.s32 v10, v30;
	v33 =	vadd.s32 v15, v30;
	[tilespmem:v28+s26+$0x0] =	vst.idx.msk $0xffff, v24;
	v24 =	vand.u32 $0x6, v17  }
0x2a3: {  	v44 =	vadd.s32 v8, v30;
	s7 =	sadd.s32 $0x3, s21;
	v49 =	vadd.s32 v7, v30;
	v31 =	vbroadcast v31, $0x0  }
0x2a4: {  	v18 =	vand.u32 $0x78, v18;
	[tilespmem:v20+s26+$0x0] =	vst.idx.msk $0xffff, v16;
	v13 =	vadd.s32 v3, v13;
	v47 =	vmov s7  }
0x2a5: {  	[tilespmem:v29+s26+$0x0] =	vst.idx.msk $0xffff, v25;
	v45 =	vor.u32 v14, v33;
	v48 =	vld [tilespmem:s0+$0xFFFFFFF0];
	v30 =	vand.u32 $0x78, v47;
	v50 =	vadd.s32 v0, v31  }
0x2a6: {  	s8 =	sadd.s32 $0x100, s0;
	v46 =	vor.u32 v5, v32;
	v34 =	vld [tilespmem:s0+$0xFFFFFF30];
	[tilespmem:v21+s26+$0x0] =	vst.idx.msk $0xffff, v26;
	v21 =	vand.u32 $0x7, v47;
	v51 =	vadd.s32 v30, v50  }
0x2a7: {  	v28 =	vor.u32 v6, v44;
	v52 =	vld [tilespmem:s8+$0xFFFFFFD0];
	v54 =	vadd.s32 v12, v50;
	v53 =	vor.u32 v21, v51  }
0x2a8: {  	v17 =	vand.u32 $0x78, v17;
	v56 =	vld [tilespmem:s8+$0xFFFFFF10];
	[tilespmem:v27+s26+$0x0] =	vst.idx.msk $0xffff, v23;
	v55 =	vadd.s32 v18, v50;
	v26 =	vor.u32 v9, v54  }
0x2a9: {  	v57 =	vld [tilespmem:s8+$0xFFFFFF50];
	[tilespmem:v19+s26+$0x0] =	vst.idx.msk $0xffff, v22;
	v27 =	vadd.s32 v17, v50;
	v19 =	vor.u32 v11, v55  }
0x2aa: {  	v59 =	vld [tilespmem:s8+$0xFFFFFF90];
	v61 =	vadd.s32 v15, v13;
	[tilespmem:v45+s26+$0x0] =	vst.idx.msk $0xffff, v48;
	v58 =	vor.u32 v24, v27  }
0x2ab: {  	v41 =	vadd.s32 v10, v13;
	v60 =	vld [tilespmem:s0+$0xFFFFFF70];
	v62 =	vadd.s32 v1, v31;
	[tilespmem:v46+s26+$0x0] =	vst.idx.msk $0xffff, v34  }
0x2ac: {  	v23 =	vor.u32 v4, v49;
	v42 =	vld [tilespmem:s0+$0xFFFFFFB0];
	v36 =	vadd.s32 v30, v62;
	[tilespmem:v53+s26+$0x0] =	vst.idx.msk $0xffff, v52  }
0x2ad: {  	v37 =	vadd.s32 v12, v62;
	v15 =	vor.u32 v21, v36;
	[tilespmem:v26+s26+$0x0] =	vst.idx.msk $0xffff, v56;
	v20 =	vld [tilespmem:s8+$0xFFFFFFE0]  }
0x2ae: {  	v38 =	vadd.s32 v18, v62;
	v16 =	vor.u32 v9, v37;
	[tilespmem:v19+s26+$0x0] =	vst.idx.msk $0xffff, v57;
	v26 =	vld [tilespmem:s8+$0xFFFFFF20]  }
0x2af: {  	v39 =	vadd.s32 v17, v62;
	v22 =	vor.u32 v11, v38;
	[tilespmem:v58+s26+$0x0] =	vst.idx.msk $0xffff, v59;
	v40 =	vld [tilespmem:s8+$0xFFFFFF60]  }
0x2b0: {  	v43 =	vadd.s32 v8, v13;
	[tilespmem:v28+s26+$0x0] =	vst.idx.msk $0xffff, v60;
	v19 =	vor.u32 v24, v39;
	v25 =	vld [tilespmem:s8+$0xFFFFFFA0]  }
0x2b1: {  	v35 =	vor.u32 v14, v61;
	v44 =	vadd.s32 v2, v31;
	v63 =	vld [tilespmem:s2+$0x0];
	[tilespmem:v23+s26+$0x0] =	vst.idx.msk $0xffff, v42  }
0x2b2: {  	v5 =	vor.u32 v5, v41;
	v46 =	vadd.s32 v30, v44;
	v45 =	vld [tilespmem:s2+$0xFFFFFF40];
	[tilespmem:v15+s26+$0x0] =	vst.idx.msk $0xffff, v20  }
0x2b3: {  	v47 =	vadd.s32 v12, v44;
	v10 =	vor.u32 v21, v46;
	[tilespmem:v16+s26+$0x0] =	vst.idx.msk $0xffff, v26;
	v48 =	vld [tilespmem:s8+$0xFFFFFFF0]  }
0x2b4: {  	v49 =	vadd.s32 v18, v44;
	v15 =	vor.u32 v9, v47;
	[tilespmem:v22+s26+$0x0] =	vst.idx.msk $0xffff, v40;
	v26 =	vld [tilespmem:s8+$0xFFFFFF30]  }
0x2b5: {  	v14 =	vadd.s32 v17, v44;
	v20 =	vor.u32 v11, v49;
	[tilespmem:v19+s26+$0x0] =	vst.idx.msk $0xffff, v25;
	v22 =	vld [tilespmem:s8+$0xFFFFFF70]  }
0x2b6: {  	v50 =	vadd.s32 v7, v13;
	v51 =	vor.u32 v24, v14;
	[tilespmem:v35+s26+$0x0] =	vst.idx.msk $0xffff, v63;
	v52 =	vld [tilespmem:s8+$0xFFFFFFB0]  }
0x2b7: {  	v4 =	vor.u32 v4, v50;
	v55 =	vld [tilespmem:s2+$0xFFFFFFC0];
	[tilespmem:v5+s26+$0x0] =	vst.idx.msk $0xffff, v45;
	v5 =	vadd.s32 v3, v31  }
0x2b8: {  	v54 =	vor.u32 v6, v43;
	v53 =	vld [tilespmem:s2+$0xFFFFFF80];
	v56 =	vadd.s32 v30, v5;
	[tilespmem:v10+s26+$0x0] =	vst.idx.msk $0xffff, v48  }
0x2b9: {  	v57 =	vadd.s32 v12, v5;
	v8 =	vor.u32 v21, v56;
	[tilespmem:v15+s26+$0x0] =	vst.idx.msk $0xffff, v26;
	v10 =	vld [tilespmem:s8+$0x0]  }
0x2ba: {  	v58 =	vadd.s32 v18, v5;
	v60 =	vor.u32 v9, v57;
	[tilespmem:v20+s26+$0x0] =	vst.idx.msk $0xffff, v22;
	v59 =	vld [tilespmem:s8+$0xFFFFFF40]  }
0x2bb: {  	v5 =	vadd.s32 v17, v5;
	v62 =	vor.u32 v11, v58;
	[tilespmem:v51+s26+$0x0] =	vst.idx.msk $0xffff, v52;
	v61 =	vld [tilespmem:s8+$0xFFFFFF80]  }
0x2bc: {  	v5 =	vor.u32 v24, v5;
	[tilespmem:v4+s26+$0x0] =	vst.idx.msk $0xffff, v55;
	v63 =	vld [tilespmem:s8+$0xFFFFFFC0]  }
0x2bd: {  	[tilespmem:v54+s26+$0x0] =	vst.idx.msk $0xffff, v53  }
0x2be: {  	[tilespmem:v8+s26+$0x0] =	vst.idx.msk $0xffff, v10  }
0x2bf: {  	[tilespmem:v60+s26+$0x0] =	vst.idx.msk $0xffff, v59  }
0x2c0: {  	[tilespmem:v62+s26+$0x0] =	vst.idx.msk $0xffff, v61  }
0x2c1: {  	s10 =	simm.s32 $0x10700;
	[tilespmem:v5+s26+$0x0] =	vst.idx.msk $0xffff, v63  }
0x2c2: {  	[hbm4b:s14+s3] =	stream.linear.scatter [tilespmem:s10], [sflag:$0x3], $0x80, $0x38;
	[tilespmem:$0x14B00] =	vst v63  }
0x2c3: {  	s21 =	simm.s32 $0x10788;
	s24 =	sadd.s32 $0x10, s14  }
0x2c4: {  	[hbm4b:s24+s3] =	stream.linear.scatter [tilespmem:s21], [sflag:$0x3], $0x80, $0x38;
	[tilespmem:$0x14B00] =	vst v63  }
0x2c5: {  	s30 =	simm.s32 $0x10810;
	s31 =	sadd.s32 $0x20, s14  }
0x2c6: {  	[hbm4b:s31+s3] =	stream.linear.scatter [tilespmem:s30], [sflag:$0x3], $0x80, $0x38;
	[tilespmem:$0x14B00] =	vst v63  }
0x2c7: {  	s7 =	sadd.s32 $0x30, s14;
	s2 =	simm.s32 $0x10898  }
0x2c8: {  	[hbm4b:s7+s3] =	stream.linear.scatter [tilespmem:s2], [sflag:$0x3], $0x80, $0x38;
	[tilespmem:$0x14B00] =	vst v63  }
0x2c9: {  	s8 =	simm.s32 $0x10920;
	s10 =	sadd.s32 $0x40, s14  }
0x2ca: {  	[hbm4b:s10+s3] =	stream.linear.scatter [tilespmem:s8], [sflag:$0x3], $0x80, $0x38;
	[tilespmem:$0x14B00] =	vst v63  }
0x2cb: {  	s21 =	simm.s32 $0x109A8;
	s24 =	sadd.s32 $0x50, s14  }
0x2cc: {  	[hbm4b:s24+s3] =	stream.linear.scatter [tilespmem:s21], [sflag:$0x3], $0x80, $0x38;
	[tilespmem:$0x14B00] =	vst v63  }
0x2cd: {  	s30 =	simm.s32 $0x10A30;
	s31 =	sadd.s32 $0x60, s14  }
0x2ce: {  	[hbm4b:s31+s3] =	stream.linear.scatter [tilespmem:s30], [sflag:$0x3], $0x80, $0x38;
	[tilespmem:$0x14B00] =	vst v63  }
0x2cf: {  	s2 =	simm.s32 $0x10AB8;
	s7 =	sadd.s32 $0x70, s14  }
0x2d0: {  	[hbm4b:s7+s3] =	stream.linear.scatter [tilespmem:s2], [sflag:$0x3], $0x80, $0x38;
	[tilespmem:$0x14B00] =	vst v63  }
0x2d1: {  	s8 =	simm.s32 $0x10B40;
	s10 =	sadd.s32 $0x80, s14  }
0x2d2: {  	[hbm4b:s10+s3] =	stream.linear.scatter [tilespmem:s8], [sflag:$0x3], $0x80, $0x38;
	[tilespmem:$0x14B00] =	vst v63  }
0x2d3: {  	s21 =	simm.s32 $0x10BC8;
	s24 =	sadd.s32 $0x90, s14  }
0x2d4: {  	[hbm4b:s24+s3] =	stream.linear.scatter [tilespmem:s21], [sflag:$0x3], $0x80, $0x38;
	[tilespmem:$0x14B00] =	vst v63  }
0x2d5: {  	s0 =	simm.s32 $0x880;
	s30 =	simm.s32 $0x10C50;
	s31 =	sadd.s32 $0xA0, s14  }
0x2d6: {  	[hbm4b:s31+s3] =	stream.linear.scatter [tilespmem:s30], [sflag:$0x3], $0x80, $0x38;
	[tilespmem:$0x14B00] =	vst v63  }
0x2d7: {  	s2 =	simm.s32 $0x10CD8;
	s7 =	sadd.s32 $0xB0, s14;
	s8 =	simm.s32 $0x10D60  }
0x2d8: {  	[hbm4b:s7+s3] =	stream.linear.scatter [tilespmem:s2], [sflag:$0x3], $0x80, $0x38;
	[tilespmem:$0x14B00] =	vst v63  }
0x2d9: {  	s10 =	sadd.s32 $0xC0, s14;
	s21 =	simm.s32 $0x10DE8;
	s24 =	sadd.s32 $0xD0, s14  }
0x2da: {  	[hbm4b:s10+s3] =	stream.linear.scatter [tilespmem:s8], [sflag:$0x3], $0x80, $0x38;
	[tilespmem:$0x14B00] =	vst v63  }
0x2db: {  	s30 =	simm.s32 $0x10E70;
	s31 =	sadd.s32 $0xE0, s14;
	s7 =	simm.s32 $0x10EF8  }
0x2dc: {  	[hbm4b:s24+s3] =	stream.linear.scatter [tilespmem:s21], [sflag:$0x3], $0x80, $0x38;
	[tilespmem:$0x14B00] =	vst v63  }
0x2dd: {  	s2 =	sadd.s32 $0x4000, s14;
	s10 =	simm.s32 $0x4400;
	s21 =	sadd.s32 $0xF0, s14  }
0x2de: {  	[hbm4b:s31+s3] =	stream.linear.scatter [tilespmem:s30], [sflag:$0x3], $0x80, $0x38;
	[tilespmem:$0x14B00] =	vst v63  }
.LBB2_18:
0x2df: {  	[hbm4b:s21+s3] =	stream.linear.scatter [tilespmem:s7], [sflag:$0x3], $0x80, $0x38;
	[tilespmem:$0x14B00] =	vst v63  }
0x2e0: {  	s7 =	smov.u32 s0;
	s0 =	smov.u32 s10  }
0x2e1: {  	s8 =	sadd.s32 $0x2200, s10;
	s0 =	sshra.s32 s0, $0x2;
	s21 =	sadd.s32 $0x10700, s7  }
0x2e2: {  	[hbm4b:s2+s3] =	stream.linear.scatter [tilespmem:s21], [sflag:$0x3], $0x80, $0x38;
	[tilespmem:$0x14B00] =	vst v63  }
0x2e3: {  	p0 =	sne.s32 s10, $0xEE00;
	s10 =	sadd.s32 $0x10788, s7;
	s21 =	sadd.s32 $0x10, s2  }
0x2e4: {  	[hbm4b:s21+s3] =	stream.linear.scatter [tilespmem:s10], [sflag:$0x3], $0x80, $0x38;
	[tilespmem:$0x14B00] =	vst v63  }
0x2e5: {  	s10 =	sadd.s32 $0x10810, s7;
	s21 =	sadd.s32 $0x20, s2  }
0x2e6: {  	[hbm4b:s21+s3] =	stream.linear.scatter [tilespmem:s10], [sflag:$0x3], $0x80, $0x38;
	[tilespmem:$0x14B00] =	vst v63  }
0x2e7: {  	s10 =	sadd.s32 $0x10898, s7;
	s21 =	sadd.s32 $0x30, s2  }
0x2e8: {  	[hbm4b:s21+s3] =	stream.linear.scatter [tilespmem:s10], [sflag:$0x3], $0x80, $0x38;
	[tilespmem:$0x14B00] =	vst v63  }
0x2e9: {  	s10 =	sadd.s32 $0x10920, s7;
	s21 =	sadd.s32 $0x40, s2  }
0x2ea: {  	[hbm4b:s21+s3] =	stream.linear.scatter [tilespmem:s10], [sflag:$0x3], $0x80, $0x38;
	[tilespmem:$0x14B00] =	vst v63  }
0x2eb: {  	s10 =	sadd.s32 $0x109A8, s7;
	s21 =	sadd.s32 $0x50, s2  }
0x2ec: {  	[hbm4b:s21+s3] =	stream.linear.scatter [tilespmem:s10], [sflag:$0x3], $0x80, $0x38;
	[tilespmem:$0x14B00] =	vst v63  }
0x2ed: {  	s10 =	sadd.s32 $0x10A30, s7;
	s21 =	sadd.s32 $0x60, s2  }
0x2ee: {  	[hbm4b:s21+s3] =	stream.linear.scatter [tilespmem:s10], [sflag:$0x3], $0x80, $0x38;
	[tilespmem:$0x14B00] =	vst v63  }
0x2ef: {  	s10 =	sadd.s32 $0x10AB8, s7;
	s21 =	sadd.s32 $0x70, s2  }
0x2f0: {  	[hbm4b:s21+s3] =	stream.linear.scatter [tilespmem:s10], [sflag:$0x3], $0x80, $0x38;
	[tilespmem:$0x14B00] =	vst v63  }
0x2f1: {  	s10 =	sadd.s32 $0x10B40, s7;
	s21 =	sadd.s32 $0x80, s2  }
0x2f2: {  	[hbm4b:s21+s3] =	stream.linear.scatter [tilespmem:s10], [sflag:$0x3], $0x80, $0x38;
	[tilespmem:$0x14B00] =	vst v63  }
0x2f3: {  	s10 =	sadd.s32 $0x10BC8, s7;
	s21 =	sadd.s32 $0x90, s2  }
0x2f4: {  	[hbm4b:s21+s3] =	stream.linear.scatter [tilespmem:s10], [sflag:$0x3], $0x80, $0x38;
	[tilespmem:$0x14B00] =	vst v63  }
0x2f5: {  	s10 =	sadd.s32 $0x10C50, s7;
	s21 =	sadd.s32 $0xA0, s2  }
0x2f6: {  	[hbm4b:s21+s3] =	stream.linear.scatter [tilespmem:s10], [sflag:$0x3], $0x80, $0x38;
	[tilespmem:$0x14B00] =	vst v63  }
0x2f7: {  	s10 =	sadd.s32 $0x10CD8, s7;
	s21 =	sadd.s32 $0xB0, s2  }
0x2f8: {  	[hbm4b:s21+s3] =	stream.linear.scatter [tilespmem:s10], [sflag:$0x3], $0x80, $0x38;
	[tilespmem:$0x14B00] =	vst v63  }
0x2f9: {  	s10 =	sadd.s32 $0x10D60, s7;
	s21 =	sadd.s32 $0xC0, s2  }
0x2fa: {  	[hbm4b:s21+s3] =	stream.linear.scatter [tilespmem:s10], [sflag:$0x3], $0x80, $0x38;
	[tilespmem:$0x14B00] =	vst v63  }
.Ltmp8:
0x2fb: {  	s10 =	sadd.s32 $0x10DE8, s7;
	s21 =	sadd.s32 $0xD0, s2;
	(pc) =	sbr.rel @p0 .LBB2_18-.Ltmp8, $4  }
0x2fc: {  	[hbm4b:s21+s3] =	stream.linear.scatter [tilespmem:s10], [sflag:$0x3], $0x80, $0x38;
	[tilespmem:$0x14B00] =	vst v63  }
0x2fd: {  	s10 =	sadd.s32 $0x10E70, s7;
	s21 =	sadd.s32 $0xE0, s2;
	s7 =	sadd.s32 $0x10EF8, s7  }
0x2fe: {  	[hbm4b:s21+s3] =	stream.linear.scatter [tilespmem:s10], [sflag:$0x3], $0x80, $0x38;
	[tilespmem:$0x14B00] =	vst v63  }
0x2ff: {  	s21 =	sadd.s32 $0xF0, s2;
	s2 =	sadd.s32 $0x4000, s2;
	s10 =	smov.u32 s8  }
0x300: {  	[hbm4b:s21+s3] =	stream.linear.scatter [tilespmem:s7], [sflag:$0x3], $0x80, $0x38;
	[tilespmem:$0x14B00] =	vst v63  }
0x301: {  	s8 =	sadd.s32 $0x10700, s0  }
0x302: {  	[hbm4b:s2+s3] =	stream.linear.scatter [tilespmem:s8], [sflag:$0x3], $0x80, $0x38;
	[tilespmem:$0x14B00] =	vst v63  }
0x303: {  	s10 =	sadd.s32 $0x10788, s0;
	s8 =	sadd.s32 $0x10, s2  }
0x304: {  	[hbm4b:s8+s3] =	stream.linear.scatter [tilespmem:s10], [sflag:$0x3], $0x80, $0x38;
	[tilespmem:$0x14B00] =	vst v63  }
0x305: {  	s21 =	sadd.s32 $0x10810, s0;
	s24 =	sadd.s32 $0x20, s2  }
0x306: {  	[hbm4b:s24+s3] =	stream.linear.scatter [tilespmem:s21], [sflag:$0x3], $0x80, $0x38;
	[tilespmem:$0x14B00] =	vst v63  }
0x307: {  	s30 =	sadd.s32 $0x10898, s0;
	s31 =	sadd.s32 $0x30, s2  }
0x308: {  	[hbm4b:s31+s3] =	stream.linear.scatter [tilespmem:s30], [sflag:$0x3], $0x80, $0x38;
	[tilespmem:$0x14B00] =	vst v63  }
0x309: {  	s8 =	sadd.s32 $0x10920, s0;
	s10 =	sadd.s32 $0x40, s2  }
0x30a: {  	[hbm4b:s10+s3] =	stream.linear.scatter [tilespmem:s8], [sflag:$0x3], $0x80, $0x38;
	[tilespmem:$0x14B00] =	vst v63  }
0x30b: {  	s21 =	sadd.s32 $0x109A8, s0;
	s24 =	sadd.s32 $0x50, s2  }
0x30c: {  	[hbm4b:s24+s3] =	stream.linear.scatter [tilespmem:s21], [sflag:$0x3], $0x80, $0x38;
	[tilespmem:$0x14B00] =	vst v63  }
0x30d: {  	s30 =	sadd.s32 $0x10A30, s0;
	s31 =	sadd.s32 $0x60, s2  }
0x30e: {  	[hbm4b:s31+s3] =	stream.linear.scatter [tilespmem:s30], [sflag:$0x3], $0x80, $0x38;
	[tilespmem:$0x14B00] =	vst v63  }
0x30f: {  	s8 =	sadd.s32 $0x10AB8, s0;
	s10 =	sadd.s32 $0x70, s2  }
0x310: {  	[hbm4b:s10+s3] =	stream.linear.scatter [tilespmem:s8], [sflag:$0x3], $0x80, $0x38;
	[tilespmem:$0x14B00] =	vst v63  }
0x311: {  	s21 =	sadd.s32 $0x10B40, s0;
	s24 =	sadd.s32 $0x80, s2  }
0x312: {  	[hbm4b:s24+s3] =	stream.linear.scatter [tilespmem:s21], [sflag:$0x3], $0x80, $0x38;
	[tilespmem:$0x14B00] =	vst v63  }
0x313: {  	s30 =	sadd.s32 $0x10BC8, s0;
	s31 =	sadd.s32 $0x90, s2  }
0x314: {  	[hbm4b:s31+s3] =	stream.linear.scatter [tilespmem:s30], [sflag:$0x3], $0x80, $0x38;
	[tilespmem:$0x14B00] =	vst v63  }
0x315: {  	s8 =	sadd.s32 $0x10C50, s0;
	s10 =	sadd.s32 $0xA0, s2  }
0x316: {  	[hbm4b:s10+s3] =	stream.linear.scatter [tilespmem:s8], [sflag:$0x3], $0x80, $0x38;
	[tilespmem:$0x14B00] =	vst v63  }
0x317: {  	s21 =	sadd.s32 $0x10CD8, s0;
	s24 =	sadd.s32 $0xB0, s2  }
0x318: {  	[hbm4b:s24+s3] =	stream.linear.scatter [tilespmem:s21], [sflag:$0x3], $0x80, $0x38;
	[tilespmem:$0x14B00] =	vst v63  }
0x319: {  	s30 =	sadd.s32 $0x10D60, s0;
	s31 =	sadd.s32 $0xC0, s2  }
0x31a: {  	[hbm4b:s31+s3] =	stream.linear.scatter [tilespmem:s30], [sflag:$0x3], $0x80, $0x38;
	[tilespmem:$0x14B00] =	vst v63  }
0x31b: {  	s10 =	sadd.s32 $0x10DE8, s0;
	s21 =	sadd.s32 $0xD0, s2  }
0x31c: {  	[hbm4b:s21+s3] =	stream.linear.scatter [tilespmem:s10], [sflag:$0x3], $0x80, $0x38;
	[tilespmem:$0x14B00] =	vst v63  }
0x31d: {  	s8 =	simm.s32 $0x0;
	s24 =	sadd.s32 $0x10E70, s0;
	s30 =	sadd.s32 $0xE0, s2  }
0x31e: {  	[hbm4b:s30+s3] =	stream.linear.scatter [tilespmem:s24], [sflag:$0x3], $0x80, $0x38;
	[tilespmem:$0x14B00] =	vst v63  }
0x31f: {  	s7 =	sadd.s32 $0xF0, s2;
	v4 =	vmov s8;
	s31 =	sadd.s32 $0x10EF8, s0  }
0x320: {  	v4 =	vmul.u32 $0x440, v4;
	[hbm4b:s7+s3] =	stream.linear.scatter [tilespmem:s31], [sflag:$0x3], $0x80, $0x38;
	[tilespmem:$0x14B00] =	vst v63  }
0x321: {  	_ =	swait.ge [sflag:s23], $0x4000  }
0x322: {  	v7 =	vbroadcast v4, $0x0;
	s10 =	simm.s32 $0x0;
	s21 =	simm.s32 $0x3;
	[sflag:s23] =	ssyncset.done $0x0  }
0x323: {  	v4 =	vmov s10;
	v5 =	vmov s21;
	[sflag:s23] =	ssyncadd.s32 $0xFFFFC000  }
0x324: {  	v6 =	vadd.s32 v0, v7;
	v9 =	vand.u32 $0x4, v4;
	v11 =	vand.u32 $0x78, v5;
	_ =	swait.ge [sflag:s28], $0x4000  }
0x325: {  	v12 =	vand.u32 $0x78, v4;
	s24 =	simm.s32 $0x1;
	s30 =	simm.s32 $0x2;
	v16 =	vand.u32 $0x7, v5;
	v4 =	vadd.s32 v11, v6;
	[sflag:s28] =	ssyncset.done $0x0  }
0x326: {  	s2 =	simm.s32 $0x83F0;
	v5 =	vmov s24;
	v8 =	vmov s30;
	v4 =	vor.u32 v16, v4;
	[sflag:s28] =	ssyncadd.s32 $0xFFFFC000  }
0x327: {  	v19 =	vand.u32 $0x5, v5;
	v17 =	vand.u32 $0x78, v5;
	v5 =	vadd.s32 v12, v6;
	v10 =	vld [tilespmem:s2+$0xFFFFFFD0]  }
0x328: {  	v18 =	vand.u32 $0x78, v8;
	v13 =	vadd.s32 v17, v6;
	v15 =	vor.u32 v9, v5;
	v14 =	vld [tilespmem:s2+$0xFFFFFF10]  }
0x329: {  	v22 =	vand.u32 $0x6, v8;
	v5 =	vadd.s32 v18, v6;
	v8 =	vor.u32 v19, v13;
	v6 =	vld [tilespmem:s2+$0xFFFFFF50]  }
0x32a: {  	v21 =	vadd.s32 v1, v7;
	v13 =	vor.u32 v22, v5;
	v20 =	vld [tilespmem:s2+$0xFFFFFF90]  }
0x32b: {  	v27 =	vadd.s32 v2, v7;
	v23 =	vadd.s32 v12, v21  }
0x32c: {  	v28 =	vadd.s32 v12, v27;
	[tilespmem:v4+s25+$0x0] =	vst.idx.msk $0xffff, v10;
	v4 =	vadd.s32 v11, v21  }
0x32d: {  	v23 =	vor.u32 v9, v23;
	[tilespmem:v15+s25+$0x0] =	vst.idx.msk $0xffff, v14;
	v24 =	vld [tilespmem:s2+$0xFFFFFFE0];
	v4 =	vor.u32 v16, v4  }
0x32e: {  	s8 =	simm.s32 $0x6;
	v29 =	vadd.s32 v17, v27;
	v14 =	vadd.s32 v17, v21;
	[tilespmem:v8+s25+$0x0] =	vst.idx.msk $0xffff, v6;
	v15 =	vld [tilespmem:s2+$0xFFFFFF20]  }
0x32f: {  	v25 =	vmov s8;
	s10 =	simm.s32 $0x0;
	s31 =	simm.s32 $0x4;
	v6 =	vadd.s32 v18, v21;
	[tilespmem:v13+s25+$0x0] =	vst.idx.msk $0xffff, v20;
	v21 =	vld [tilespmem:s2+$0xFFFFFF60];
	v14 =	vor.u32 v19, v14  }
0x330: {  	s7 =	simm.s32 $0x5;
	v10 =	vmov s31;
	v13 =	vmov s10;
	v20 =	vor.u32 v22, v6;
	v26 =	vld [tilespmem:s2+$0xFFFFFFA0]  }
0x331: {  	v8 =	vmov s7;
	v5 =	vand.u32 $0x4, v10;
	v13 =	vmul.u32 $0x440, v13  }
0x332: {  	v10 =	vand.u32 $0x78, v10;
	v6 =	vand.u32 $0x5, v8;
	[tilespmem:v4+s25+$0x0] =	vst.idx.msk $0xffff, v24;
	v24 =	vadd.s32 v11, v27  }
0x333: {  	v8 =	vand.u32 $0x78, v8;
	v13 =	vbroadcast v13, $0x0;
	[tilespmem:v23+s25+$0x0] =	vst.idx.msk $0xffff, v15;
	v30 =	vld [tilespmem:s2+$0xFFFFFFF0];
	v24 =	vor.u32 v16, v24  }
0x334: {  	s21 =	simm.s32 $0x7;
	v4 =	vand.u32 $0x6, v25;
	v23 =	vor.u32 v9, v28;
	v15 =	vadd.s32 v18, v27;
	[tilespmem:v14+s25+$0x0] =	vst.idx.msk $0xffff, v21  }
0x335: {  	v14 =	vmov s21;
	v21 =	vor.u32 v19, v29;
	[tilespmem:v20+s25+$0x0] =	vst.idx.msk $0xffff, v26;
	v20 =	vadd.s32 v0, v13;
	v27 =	vld [tilespmem:s2+$0xFFFFFF30]  }
0x336: {  	v29 =	vadd.s32 v3, v7;
	v31 =	vor.u32 v22, v15;
	v28 =	vld [tilespmem:s2+$0xFFFFFF70];
	v15 =	vand.u32 $0x78, v14  }
0x337: {  	s0 =	simm.s32 $0x84F0;
	v32 =	vld [tilespmem:s2+$0xFFFFFFB0];
	v14 =	vand.u32 $0x7, v14;
	v11 =	vadd.s32 v11, v29;
	v26 =	vadd.s32 v15, v20  }
0x338: {  	v7 =	vand.u32 $0x78, v25;
	v25 =	vld [tilespmem:s0+$0xFFFFFFD0];
	v12 =	vadd.s32 v12, v29;
	v26 =	vor.u32 v14, v26;
	[tilespmem:v24+s25+$0x0] =	vst.idx.msk $0xffff, v30  }
0x339: {  	v37 =	vadd.s32 v17, v29;
	v11 =	vor.u32 v16, v11;
	v24 =	vadd.s32 v10, v20;
	v33 =	vld [tilespmem:s2+$0x0]  }
0x33a: {  	v34 =	vld [tilespmem:s0+$0xFFFFFF10];
	v30 =	vadd.s32 v8, v20;
	[tilespmem:v23+s25+$0x0] =	vst.idx.msk $0xffff, v27;
	v24 =	vor.u32 v5, v24  }
0x33b: {  	v16 =	vadd.s32 v7, v20;
	v20 =	vld [tilespmem:s0+$0xFFFFFF50];
	[tilespmem:v21+s25+$0x0] =	vst.idx.msk $0xffff, v28;
	v30 =	vor.u32 v6, v30  }
0x33c: {  	v36 =	vld [tilespmem:s0+$0xFFFFFF90];
	v38 =	vadd.s32 v18, v29;
	v35 =	vor.u32 v4, v16;
	[tilespmem:v31+s25+$0x0] =	vst.idx.msk $0xffff, v32  }
0x33d: {  	s21 =	simm.s32 $0x8;
	v17 =	vadd.s32 v1, v13;
	v40 =	vor.u32 v9, v12;
	v39 =	vld [tilespmem:s2+$0xFFFFFF40];
	[tilespmem:v26+s25+$0x0] =	vst.idx.msk $0xffff, v25  }
0x33e: {  	v12 =	vmov s21;
	v18 =	vadd.s32 v10, v17;
	v21 =	vadd.s32 v15, v17;
	v16 =	vld [tilespmem:s2+$0xFFFFFF80];
	[tilespmem:v11+s25+$0x0] =	vst.idx.msk $0xffff, v33  }
0x33f: {  	s24 =	simm.s32 $0x9;
	v9 =	vand.u32 $0x4, v12;
	v12 =	vand.u32 $0x78, v12;
	v28 =	vor.u32 v14, v21;
	[tilespmem:v24+s25+$0x0] =	vst.idx.msk $0xffff, v34;
	v24 =	vld [tilespmem:s0+$0xFFFFFFE0]  }
0x340: {  	s31 =	simm.s32 $0x0;
	v29 =	vor.u32 v5, v18;
	v18 =	vmov s24;
	v11 =	vadd.s32 v8, v17;
	[tilespmem:v30+s25+$0x0] =	vst.idx.msk $0xffff, v20;
	v25 =	vld [tilespmem:s0+$0xFFFFFF20]  }
0x341: {  	v31 =	vmov s31;
	[tilespmem:v35+s25+$0x0] =	vst.idx.msk $0xffff, v36;
	v17 =	vadd.s32 v7, v17;
	v23 =	vld [tilespmem:s0+$0xFFFFFF60];
	v27 =	vor.u32 v6, v11  }
0x342: {  	s30 =	simm.s32 $0xA;
	v26 =	vld [tilespmem:s0+$0xFFFFFFA0];
	v20 =	vor.u32 v19, v37;
	v19 =	vor.u32 v22, v38;
	v21 =	vor.u32 v4, v17  }
0x343: {  	s7 =	simm.s32 $0xC;
	v30 =	vadd.s32 v2, v13;
	[tilespmem:v40+s25+$0x0] =	vst.idx.msk $0xffff, v39;
	v22 =	vld [tilespmem:s2+$0xFFFFFFC0];
	s2 =	simm.s32 $0x84F0;
	v17 =	vmov s30;
	v11 =	vand.u32 $0x5, v18  }
.LBB2_20:
0x344: {  	p0 =	slt.u32 s7, $0xFC;
	v31 =	vmul.u32 $0x440, v31;
	v32 =	vadd.s32 v10, v30;
	[tilespmem:v28+s25+$0x0] =	vst.idx.msk $0xffff, v24;
	v24 =	vadd.s32 v15, v30  }
0x345: {  	v33 =	vand.u32 $0x6, v17;
	[tilespmem:v29+s25+$0x0] =	vst.idx.msk $0xffff, v25;
	v25 =	vadd.s32 v8, v30;
	v28 =	vld [tilespmem:s0+$0xFFFFFFF0];
	v24 =	vor.u32 v14, v24  }
0x346: {  	s8 =	sadd.s32 $0x3, s21;
	s21 =	smov.u32 s7;
	v32 =	vor.u32 v5, v32;
	v29 =	vbroadcast v31, $0x0;
	v31 =	vld [tilespmem:s0+$0xFFFFFF30];
	[tilespmem:v27+s25+$0x0] =	vst.idx.msk $0xffff, v23;
	v23 =	vadd.s32 v7, v30  }
0x347: {  	v27 =	vmov s8;
	v25 =	vor.u32 v6, v25;
	v30 =	vld [tilespmem:s0+$0xFFFFFF70];
	[tilespmem:v21+s25+$0x0] =	vst.idx.msk $0xffff, v26;
	v34 =	vor.u32 v4, v23  }
0x348: {  	v18 =	vand.u32 $0x78, v18;
	v23 =	vand.u32 $0x78, v27;
	v21 =	vadd.s32 v0, v29;
	v35 =	vld [tilespmem:s0+$0xFFFFFFB0];
	[tilespmem:v20+s25+$0x0] =	vst.idx.msk $0xffff, v16  }
0x349: {  	v26 =	vadd.s32 v3, v13;
	v16 =	vand.u32 $0x7, v27;
	s0 =	sadd.s32 $0x100, s0;
	v20 =	vadd.s32 v23, v21;
	[tilespmem:v19+s25+$0x0] =	vst.idx.msk $0xffff, v22  }
0x34a: {  	v17 =	vand.u32 $0x78, v17;
	v19 =	vld [tilespmem:s0+$0xFFFFFFD0];
	v20 =	vor.u32 v16, v20;
	[tilespmem:v24+s25+$0x0] =	vst.idx.msk $0xffff, v28;
	v28 =	vadd.s32 v15, v26  }
0x34b: {  	v13 =	vmovc v29;
	v36 =	vadd.s32 v12, v21;
	v22 =	vadd.s32 v18, v21;
	v24 =	vld [tilespmem:s2+$0x0];
	v27 =	vor.u32 v14, v28  }
0x34c: {  	v37 =	vadd.s32 v17, v21;
	v29 =	vor.u32 v9, v36;
	v22 =	vor.u32 v11, v22;
	v15 =	vmovc v23;
	v28 =	vld [tilespmem:s0+$0xFFFFFF10]  }
0x34d: {  	v10 =	vadd.s32 v10, v26;
	v36 =	vor.u32 v33, v37;
	v14 =	vmov v16;
	v21 =	vld [tilespmem:s0+$0xFFFFFF50];
	[tilespmem:v32+s25+$0x0] =	vst.idx.msk $0xffff, v31  }
0x34e: {  	v32 =	vadd.s32 v7, v26;
	v31 =	vld [tilespmem:s0+$0xFFFFFF90];
	[tilespmem:v25+s25+$0x0] =	vst.idx.msk $0xffff, v30;
	v30 =	vadd.s32 v8, v26;
	v8 =	vmov v18  }
0x34f: {  	v38 =	vor.u32 v5, v10;
	v7 =	vmov v17;
	v18 =	vadd.s32 v1, v13;
	[tilespmem:v20+s25+$0x0] =	vst.idx.msk $0xffff, v19;
	v37 =	vld [tilespmem:s2+$0xFFFFFF40]  }
0x350: {  	v10 =	vmov s7;
	v5 =	vmovc v9;
	v17 =	vadd.s32 v12, v18;
	v19 =	vadd.s32 v15, v18;
	v16 =	vld [tilespmem:s2+$0xFFFFFF80];
	[tilespmem:v27+s25+$0x0] =	vst.idx.msk $0xffff, v24  }
.Ltmp9:
0x351: {  	v9 =	vand.u32 $0x4, v10;
	v20 =	vadd.s32 v8, v18;
	[tilespmem:v29+s25+$0x0] =	vst.idx.msk $0xffff, v28;
	v24 =	vld [tilespmem:s0+$0xFFFFFFE0];
	v28 =	vor.u32 v14, v19;
	(pc) =	sbr.rel @p0 .LBB2_20-.Ltmp9, $4  }
0x352: {  	s8 =	sadd.s32 $0x1, s7;
	v39 =	vand.u32 $0x78, v10;
	v29 =	vor.u32 v5, v17;
	v17 =	vadd.s32 v7, v18;
	v25 =	vld [tilespmem:s0+$0xFFFFFF20];
	[tilespmem:v22+s25+$0x0] =	vst.idx.msk $0xffff, v21  }
0x353: {  	v10 =	vmovc v12;
	v27 =	vor.u32 v11, v20;
	v18 =	vmov s8;
	s8 =	sadd.s32 $0x2, s7;
	v21 =	vor.u32 v33, v17;
	v23 =	vld [tilespmem:s0+$0xFFFFFF60];
	[tilespmem:v36+s25+$0x0] =	vst.idx.msk $0xffff, v31  }
0x354: {  	s10 =	sshrl.u32 s7, $0x7;
	v20 =	vor.u32 v6, v30;
	v19 =	vor.u32 v4, v32;
	v4 =	vmovc v33;
	v17 =	vmov s8;
	v26 =	vld [tilespmem:s0+$0xFFFFFFA0];
	[tilespmem:v34+s25+$0x0] =	vst.idx.msk $0xffff, v35  }
0x355: {  	v12 =	vmovc v39;
	v30 =	vadd.s32 v2, v13;
	v6 =	vmovc v11;
	s7 =	sadd.s32 $0x4, s7;
	v11 =	vand.u32 $0x5, v18;
	v31 =	vmov s10;
	[tilespmem:v38+s25+$0x0] =	vst.idx.msk $0xffff, v37;
	v22 =	vld [tilespmem:s2+$0xFFFFFFC0];
	s2 =	smov.u32 s0  }
0x356: {  	_ =	sdelay $0x2  }
0x357: {  	v31 =	vmul.u32 $0x440, v31  }
0x358: {  	v32 =	vadd.s32 v10, v30;
	v33 =	vadd.s32 v15, v30;
	[tilespmem:v28+s25+$0x0] =	vst.idx.msk $0xffff, v24;
	v24 =	vand.u32 $0x6, v17  }
0x359: {  	v44 =	vadd.s32 v8, v30;
	s7 =	sadd.s32 $0x3, s21;
	v49 =	vadd.s32 v7, v30;
	v31 =	vbroadcast v31, $0x0  }
0x35a: {  	v18 =	vand.u32 $0x78, v18;
	[tilespmem:v20+s25+$0x0] =	vst.idx.msk $0xffff, v16;
	v13 =	vadd.s32 v3, v13;
	v47 =	vmov s7  }
0x35b: {  	[tilespmem:v29+s25+$0x0] =	vst.idx.msk $0xffff, v25;
	v45 =	vor.u32 v14, v33;
	v48 =	vld [tilespmem:s0+$0xFFFFFFF0];
	v30 =	vand.u32 $0x78, v47;
	v50 =	vadd.s32 v0, v31  }
0x35c: {  	s8 =	sadd.s32 $0x100, s0;
	v46 =	vor.u32 v5, v32;
	v34 =	vld [tilespmem:s0+$0xFFFFFF30];
	[tilespmem:v21+s25+$0x0] =	vst.idx.msk $0xffff, v26;
	v21 =	vand.u32 $0x7, v47;
	v51 =	vadd.s32 v30, v50  }
0x35d: {  	v28 =	vor.u32 v6, v44;
	v52 =	vld [tilespmem:s8+$0xFFFFFFD0];
	v54 =	vadd.s32 v12, v50;
	v53 =	vor.u32 v21, v51  }
0x35e: {  	v17 =	vand.u32 $0x78, v17;
	v56 =	vld [tilespmem:s8+$0xFFFFFF10];
	[tilespmem:v27+s25+$0x0] =	vst.idx.msk $0xffff, v23;
	v55 =	vadd.s32 v18, v50;
	v26 =	vor.u32 v9, v54  }
0x35f: {  	v57 =	vld [tilespmem:s8+$0xFFFFFF50];
	[tilespmem:v19+s25+$0x0] =	vst.idx.msk $0xffff, v22;
	v27 =	vadd.s32 v17, v50;
	v19 =	vor.u32 v11, v55  }
0x360: {  	v59 =	vld [tilespmem:s8+$0xFFFFFF90];
	v61 =	vadd.s32 v15, v13;
	[tilespmem:v45+s25+$0x0] =	vst.idx.msk $0xffff, v48;
	v58 =	vor.u32 v24, v27  }
0x361: {  	v41 =	vadd.s32 v10, v13;
	v60 =	vld [tilespmem:s0+$0xFFFFFF70];
	v62 =	vadd.s32 v1, v31;
	[tilespmem:v46+s25+$0x0] =	vst.idx.msk $0xffff, v34  }
0x362: {  	v23 =	vor.u32 v4, v49;
	v42 =	vld [tilespmem:s0+$0xFFFFFFB0];
	v36 =	vadd.s32 v30, v62;
	[tilespmem:v53+s25+$0x0] =	vst.idx.msk $0xffff, v52  }
0x363: {  	v37 =	vadd.s32 v12, v62;
	v15 =	vor.u32 v21, v36;
	[tilespmem:v26+s25+$0x0] =	vst.idx.msk $0xffff, v56;
	v20 =	vld [tilespmem:s8+$0xFFFFFFE0]  }
0x364: {  	v38 =	vadd.s32 v18, v62;
	v16 =	vor.u32 v9, v37;
	[tilespmem:v19+s25+$0x0] =	vst.idx.msk $0xffff, v57;
	v26 =	vld [tilespmem:s8+$0xFFFFFF20]  }
0x365: {  	v39 =	vadd.s32 v17, v62;
	v22 =	vor.u32 v11, v38;
	[tilespmem:v58+s25+$0x0] =	vst.idx.msk $0xffff, v59;
	v40 =	vld [tilespmem:s8+$0xFFFFFF60]  }
0x366: {  	v43 =	vadd.s32 v8, v13;
	[tilespmem:v28+s25+$0x0] =	vst.idx.msk $0xffff, v60;
	v19 =	vor.u32 v24, v39;
	v25 =	vld [tilespmem:s8+$0xFFFFFFA0]  }
0x367: {  	v35 =	vor.u32 v14, v61;
	v44 =	vadd.s32 v2, v31;
	v63 =	vld [tilespmem:s2+$0x0];
	[tilespmem:v23+s25+$0x0] =	vst.idx.msk $0xffff, v42  }
0x368: {  	v5 =	vor.u32 v5, v41;
	v46 =	vadd.s32 v30, v44;
	v45 =	vld [tilespmem:s2+$0xFFFFFF40];
	[tilespmem:v15+s25+$0x0] =	vst.idx.msk $0xffff, v20  }
0x369: {  	v47 =	vadd.s32 v12, v44;
	v10 =	vor.u32 v21, v46;
	[tilespmem:v16+s25+$0x0] =	vst.idx.msk $0xffff, v26;
	v48 =	vld [tilespmem:s8+$0xFFFFFFF0]  }
0x36a: {  	v49 =	vadd.s32 v18, v44;
	v15 =	vor.u32 v9, v47;
	[tilespmem:v22+s25+$0x0] =	vst.idx.msk $0xffff, v40;
	v26 =	vld [tilespmem:s8+$0xFFFFFF30]  }
0x36b: {  	v14 =	vadd.s32 v17, v44;
	v20 =	vor.u32 v11, v49;
	[tilespmem:v19+s25+$0x0] =	vst.idx.msk $0xffff, v25;
	v22 =	vld [tilespmem:s8+$0xFFFFFF70]  }
0x36c: {  	v50 =	vadd.s32 v7, v13;
	v51 =	vor.u32 v24, v14;
	[tilespmem:v35+s25+$0x0] =	vst.idx.msk $0xffff, v63;
	v52 =	vld [tilespmem:s8+$0xFFFFFFB0]  }
0x36d: {  	v4 =	vor.u32 v4, v50;
	v55 =	vld [tilespmem:s2+$0xFFFFFFC0];
	[tilespmem:v5+s25+$0x0] =	vst.idx.msk $0xffff, v45;
	v5 =	vadd.s32 v3, v31  }
0x36e: {  	v54 =	vor.u32 v6, v43;
	v53 =	vld [tilespmem:s2+$0xFFFFFF80];
	v56 =	vadd.s32 v30, v5;
	[tilespmem:v10+s25+$0x0] =	vst.idx.msk $0xffff, v48  }
0x36f: {  	v57 =	vadd.s32 v12, v5;
	v8 =	vor.u32 v21, v56;
	[tilespmem:v15+s25+$0x0] =	vst.idx.msk $0xffff, v26;
	v10 =	vld [tilespmem:s8+$0x0]  }
0x370: {  	v58 =	vadd.s32 v18, v5;
	v60 =	vor.u32 v9, v57;
	[tilespmem:v20+s25+$0x0] =	vst.idx.msk $0xffff, v22;
	v59 =	vld [tilespmem:s8+$0xFFFFFF40]  }
0x371: {  	v5 =	vadd.s32 v17, v5;
	v62 =	vor.u32 v11, v58;
	[tilespmem:v51+s25+$0x0] =	vst.idx.msk $0xffff, v52;
	v61 =	vld [tilespmem:s8+$0xFFFFFF80]  }
0x372: {  	v5 =	vor.u32 v24, v5;
	[tilespmem:v4+s25+$0x0] =	vst.idx.msk $0xffff, v55;
	v63 =	vld [tilespmem:s8+$0xFFFFFFC0]  }
0x373: {  	[tilespmem:v54+s25+$0x0] =	vst.idx.msk $0xffff, v53  }
0x374: {  	[tilespmem:v8+s25+$0x0] =	vst.idx.msk $0xffff, v10  }
0x375: {  	[tilespmem:v60+s25+$0x0] =	vst.idx.msk $0xffff, v59  }
0x376: {  	[tilespmem:v62+s25+$0x0] =	vst.idx.msk $0xffff, v61  }
0x377: {  	s10 =	simm.s32 $0xC300;
	[tilespmem:v5+s25+$0x0] =	vst.idx.msk $0xffff, v63  }
0x378: {  	[hbm4b:s15+s3] =	stream.linear.scatter [tilespmem:s10], [sflag:$0x3], $0x80, $0x38;
	[tilespmem:$0x14B00] =	vst v63  }
0x379: {  	s21 =	simm.s32 $0xC388;
	s24 =	sadd.s32 $0x10, s15  }
0x37a: {  	[hbm4b:s24+s3] =	stream.linear.scatter [tilespmem:s21], [sflag:$0x3], $0x80, $0x38;
	[tilespmem:$0x14B00] =	vst v63  }
0x37b: {  	s30 =	simm.s32 $0xC410;
	s31 =	sadd.s32 $0x20, s15  }
0x37c: {  	[hbm4b:s31+s3] =	stream.linear.scatter [tilespmem:s30], [sflag:$0x3], $0x80, $0x38;
	[tilespmem:$0x14B00] =	vst v63  }
0x37d: {  	s7 =	sadd.s32 $0x30, s15;
	s2 =	simm.s32 $0xC498  }
0x37e: {  	[hbm4b:s7+s3] =	stream.linear.scatter [tilespmem:s2], [sflag:$0x3], $0x80, $0x38;
	[tilespmem:$0x14B00] =	vst v63  }
0x37f: {  	s8 =	simm.s32 $0xC520;
	s10 =	sadd.s32 $0x40, s15  }
0x380: {  	[hbm4b:s10+s3] =	stream.linear.scatter [tilespmem:s8], [sflag:$0x3], $0x80, $0x38;
	[tilespmem:$0x14B00] =	vst v63  }
0x381: {  	s21 =	simm.s32 $0xC5A8;
	s24 =	sadd.s32 $0x50, s15  }
0x382: {  	[hbm4b:s24+s3] =	stream.linear.scatter [tilespmem:s21], [sflag:$0x3], $0x80, $0x38;
	[tilespmem:$0x14B00] =	vst v63  }
0x383: {  	s30 =	simm.s32 $0xC630;
	s31 =	sadd.s32 $0x60, s15  }
0x384: {  	[hbm4b:s31+s3] =	stream.linear.scatter [tilespmem:s30], [sflag:$0x3], $0x80, $0x38;
	[tilespmem:$0x14B00] =	vst v63  }
0x385: {  	s2 =	simm.s32 $0xC6B8;
	s7 =	sadd.s32 $0x70, s15  }
0x386: {  	[hbm4b:s7+s3] =	stream.linear.scatter [tilespmem:s2], [sflag:$0x3], $0x80, $0x38;
	[tilespmem:$0x14B00] =	vst v63  }
0x387: {  	s8 =	simm.s32 $0xC740;
	s10 =	sadd.s32 $0x80, s15  }
0x388: {  	[hbm4b:s10+s3] =	stream.linear.scatter [tilespmem:s8], [sflag:$0x3], $0x80, $0x38;
	[tilespmem:$0x14B00] =	vst v63  }
0x389: {  	s21 =	simm.s32 $0xC7C8;
	s24 =	sadd.s32 $0x90, s15  }
0x38a: {  	[hbm4b:s24+s3] =	stream.linear.scatter [tilespmem:s21], [sflag:$0x3], $0x80, $0x38;
	[tilespmem:$0x14B00] =	vst v63  }
0x38b: {  	s0 =	simm.s32 $0x880;
	s30 =	simm.s32 $0xC850;
	s31 =	sadd.s32 $0xA0, s15  }
0x38c: {  	[hbm4b:s31+s3] =	stream.linear.scatter [tilespmem:s30], [sflag:$0x3], $0x80, $0x38;
	[tilespmem:$0x14B00] =	vst v63  }
0x38d: {  	s2 =	simm.s32 $0xC8D8;
	s7 =	sadd.s32 $0xB0, s15;
	s8 =	simm.s32 $0xC960  }
0x38e: {  	[hbm4b:s7+s3] =	stream.linear.scatter [tilespmem:s2], [sflag:$0x3], $0x80, $0x38;
	[tilespmem:$0x14B00] =	vst v63  }
0x38f: {  	s10 =	sadd.s32 $0xC0, s15;
	s21 =	simm.s32 $0xC9E8;
	s24 =	sadd.s32 $0xD0, s15  }
0x390: {  	[hbm4b:s10+s3] =	stream.linear.scatter [tilespmem:s8], [sflag:$0x3], $0x80, $0x38;
	[tilespmem:$0x14B00] =	vst v63  }
0x391: {  	s30 =	simm.s32 $0xCA70;
	s31 =	sadd.s32 $0xE0, s15;
	s7 =	simm.s32 $0xCAF8  }
0x392: {  	[hbm4b:s24+s3] =	stream.linear.scatter [tilespmem:s21], [sflag:$0x3], $0x80, $0x38;
	[tilespmem:$0x14B00] =	vst v63  }
0x393: {  	s2 =	sadd.s32 $0x4000, s15;
	s10 =	simm.s32 $0x4400;
	s21 =	sadd.s32 $0xF0, s15  }
0x394: {  	[hbm4b:s31+s3] =	stream.linear.scatter [tilespmem:s30], [sflag:$0x3], $0x80, $0x38;
	[tilespmem:$0x14B00] =	vst v63  }
.LBB2_22:
0x395: {  	[hbm4b:s21+s3] =	stream.linear.scatter [tilespmem:s7], [sflag:$0x3], $0x80, $0x38;
	[tilespmem:$0x14B00] =	vst v63  }
0x396: {  	s7 =	smov.u32 s0;
	s0 =	smov.u32 s10  }
0x397: {  	s8 =	sadd.s32 $0x2200, s10;
	s0 =	sshra.s32 s0, $0x2;
	s21 =	sadd.s32 $0xC300, s7  }
0x398: {  	[hbm4b:s2+s3] =	stream.linear.scatter [tilespmem:s21], [sflag:$0x3], $0x80, $0x38;
	[tilespmem:$0x14B00] =	vst v63  }
0x399: {  	p0 =	sne.s32 s10, $0xEE00;
	s10 =	sadd.s32 $0xC388, s7;
	s21 =	sadd.s32 $0x10, s2  }
0x39a: {  	[hbm4b:s21+s3] =	stream.linear.scatter [tilespmem:s10], [sflag:$0x3], $0x80, $0x38;
	[tilespmem:$0x14B00] =	vst v63  }
0x39b: {  	s10 =	sadd.s32 $0xC410, s7;
	s21 =	sadd.s32 $0x20, s2  }
0x39c: {  	[hbm4b:s21+s3] =	stream.linear.scatter [tilespmem:s10], [sflag:$0x3], $0x80, $0x38;
	[tilespmem:$0x14B00] =	vst v63  }
0x39d: {  	s10 =	sadd.s32 $0xC498, s7;
	s21 =	sadd.s32 $0x30, s2  }
0x39e: {  	[hbm4b:s21+s3] =	stream.linear.scatter [tilespmem:s10], [sflag:$0x3], $0x80, $0x38;
	[tilespmem:$0x14B00] =	vst v63  }
0x39f: {  	s10 =	sadd.s32 $0xC520, s7;
	s21 =	sadd.s32 $0x40, s2  }
0x3a0: {  	[hbm4b:s21+s3] =	stream.linear.scatter [tilespmem:s10], [sflag:$0x3], $0x80, $0x38;
	[tilespmem:$0x14B00] =	vst v63  }
0x3a1: {  	s10 =	sadd.s32 $0xC5A8, s7;
	s21 =	sadd.s32 $0x50, s2  }
0x3a2: {  	[hbm4b:s21+s3] =	stream.linear.scatter [tilespmem:s10], [sflag:$0x3], $0x80, $0x38;
	[tilespmem:$0x14B00] =	vst v63  }
0x3a3: {  	s10 =	sadd.s32 $0xC630, s7;
	s21 =	sadd.s32 $0x60, s2  }
0x3a4: {  	[hbm4b:s21+s3] =	stream.linear.scatter [tilespmem:s10], [sflag:$0x3], $0x80, $0x38;
	[tilespmem:$0x14B00] =	vst v63  }
0x3a5: {  	s10 =	sadd.s32 $0xC6B8, s7;
	s21 =	sadd.s32 $0x70, s2  }
0x3a6: {  	[hbm4b:s21+s3] =	stream.linear.scatter [tilespmem:s10], [sflag:$0x3], $0x80, $0x38;
	[tilespmem:$0x14B00] =	vst v63  }
0x3a7: {  	s10 =	sadd.s32 $0xC740, s7;
	s21 =	sadd.s32 $0x80, s2  }
0x3a8: {  	[hbm4b:s21+s3] =	stream.linear.scatter [tilespmem:s10], [sflag:$0x3], $0x80, $0x38;
	[tilespmem:$0x14B00] =	vst v63  }
0x3a9: {  	s10 =	sadd.s32 $0xC7C8, s7;
	s21 =	sadd.s32 $0x90, s2  }
0x3aa: {  	[hbm4b:s21+s3] =	stream.linear.scatter [tilespmem:s10], [sflag:$0x3], $0x80, $0x38;
	[tilespmem:$0x14B00] =	vst v63  }
0x3ab: {  	s10 =	sadd.s32 $0xC850, s7;
	s21 =	sadd.s32 $0xA0, s2  }
0x3ac: {  	[hbm4b:s21+s3] =	stream.linear.scatter [tilespmem:s10], [sflag:$0x3], $0x80, $0x38;
	[tilespmem:$0x14B00] =	vst v63  }
0x3ad: {  	s10 =	sadd.s32 $0xC8D8, s7;
	s21 =	sadd.s32 $0xB0, s2  }
0x3ae: {  	[hbm4b:s21+s3] =	stream.linear.scatter [tilespmem:s10], [sflag:$0x3], $0x80, $0x38;
	[tilespmem:$0x14B00] =	vst v63  }
0x3af: {  	s10 =	sadd.s32 $0xC960, s7;
	s21 =	sadd.s32 $0xC0, s2  }
0x3b0: {  	[hbm4b:s21+s3] =	stream.linear.scatter [tilespmem:s10], [sflag:$0x3], $0x80, $0x38;
	[tilespmem:$0x14B00] =	vst v63  }
.Ltmp10:
0x3b1: {  	s10 =	sadd.s32 $0xC9E8, s7;
	s21 =	sadd.s32 $0xD0, s2;
	(pc) =	sbr.rel @p0 .LBB2_22-.Ltmp10, $4  }
0x3b2: {  	[hbm4b:s21+s3] =	stream.linear.scatter [tilespmem:s10], [sflag:$0x3], $0x80, $0x38;
	[tilespmem:$0x14B00] =	vst v63  }
0x3b3: {  	s10 =	sadd.s32 $0xCA70, s7;
	s21 =	sadd.s32 $0xE0, s2;
	s7 =	sadd.s32 $0xCAF8, s7  }
0x3b4: {  	[hbm4b:s21+s3] =	stream.linear.scatter [tilespmem:s10], [sflag:$0x3], $0x80, $0x38;
	[tilespmem:$0x14B00] =	vst v63  }
0x3b5: {  	s21 =	sadd.s32 $0xF0, s2;
	s2 =	sadd.s32 $0x4000, s2;
	s10 =	smov.u32 s8  }
0x3b6: {  	[hbm4b:s21+s3] =	stream.linear.scatter [tilespmem:s7], [sflag:$0x3], $0x80, $0x38;
	[tilespmem:$0x14B00] =	vst v63  }
0x3b7: {  	s8 =	sadd.s32 $0xC300, s0  }
0x3b8: {  	[hbm4b:s2+s3] =	stream.linear.scatter [tilespmem:s8], [sflag:$0x3], $0x80, $0x38;
	[tilespmem:$0x14B00] =	vst v63  }
0x3b9: {  	s10 =	sadd.s32 $0xC388, s0;
	s8 =	sadd.s32 $0x10, s2  }
0x3ba: {  	[hbm4b:s8+s3] =	stream.linear.scatter [tilespmem:s10], [sflag:$0x3], $0x80, $0x38;
	[tilespmem:$0x14B00] =	vst v63  }
0x3bb: {  	s21 =	sadd.s32 $0xC410, s0;
	s24 =	sadd.s32 $0x20, s2  }
0x3bc: {  	[hbm4b:s24+s3] =	stream.linear.scatter [tilespmem:s21], [sflag:$0x3], $0x80, $0x38;
	[tilespmem:$0x14B00] =	vst v63  }
0x3bd: {  	s30 =	sadd.s32 $0xC498, s0;
	s31 =	sadd.s32 $0x30, s2  }
0x3be: {  	[hbm4b:s31+s3] =	stream.linear.scatter [tilespmem:s30], [sflag:$0x3], $0x80, $0x38;
	[tilespmem:$0x14B00] =	vst v63  }
0x3bf: {  	s8 =	sadd.s32 $0xC520, s0;
	s10 =	sadd.s32 $0x40, s2  }
0x3c0: {  	[hbm4b:s10+s3] =	stream.linear.scatter [tilespmem:s8], [sflag:$0x3], $0x80, $0x38;
	[tilespmem:$0x14B00] =	vst v63  }
0x3c1: {  	s21 =	sadd.s32 $0xC5A8, s0;
	s24 =	sadd.s32 $0x50, s2  }
0x3c2: {  	[hbm4b:s24+s3] =	stream.linear.scatter [tilespmem:s21], [sflag:$0x3], $0x80, $0x38;
	[tilespmem:$0x14B00] =	vst v63  }
0x3c3: {  	s30 =	sadd.s32 $0xC630, s0;
	s31 =	sadd.s32 $0x60, s2  }
0x3c4: {  	[hbm4b:s31+s3] =	stream.linear.scatter [tilespmem:s30], [sflag:$0x3], $0x80, $0x38;
	[tilespmem:$0x14B00] =	vst v63  }
0x3c5: {  	s8 =	sadd.s32 $0xC6B8, s0;
	s10 =	sadd.s32 $0x70, s2  }
0x3c6: {  	[hbm4b:s10+s3] =	stream.linear.scatter [tilespmem:s8], [sflag:$0x3], $0x80, $0x38;
	[tilespmem:$0x14B00] =	vst v63  }
0x3c7: {  	s21 =	sadd.s32 $0xC740, s0;
	s24 =	sadd.s32 $0x80, s2  }
0x3c8: {  	[hbm4b:s24+s3] =	stream.linear.scatter [tilespmem:s21], [sflag:$0x3], $0x80, $0x38;
	[tilespmem:$0x14B00] =	vst v63  }
0x3c9: {  	s30 =	sadd.s32 $0xC7C8, s0;
	s31 =	sadd.s32 $0x90, s2  }
0x3ca: {  	[hbm4b:s31+s3] =	stream.linear.scatter [tilespmem:s30], [sflag:$0x3], $0x80, $0x38;
	[tilespmem:$0x14B00] =	vst v63  }
0x3cb: {  	s8 =	sadd.s32 $0xC850, s0;
	s10 =	sadd.s32 $0xA0, s2  }
0x3cc: {  	[hbm4b:s10+s3] =	stream.linear.scatter [tilespmem:s8], [sflag:$0x3], $0x80, $0x38;
	[tilespmem:$0x14B00] =	vst v63  }
0x3cd: {  	s21 =	sadd.s32 $0xC8D8, s0;
	s24 =	sadd.s32 $0xB0, s2  }
0x3ce: {  	[hbm4b:s24+s3] =	stream.linear.scatter [tilespmem:s21], [sflag:$0x3], $0x80, $0x38;
	[tilespmem:$0x14B00] =	vst v63  }
0x3cf: {  	s30 =	sadd.s32 $0xC960, s0;
	s31 =	sadd.s32 $0xC0, s2  }
0x3d0: {  	[hbm4b:s31+s3] =	stream.linear.scatter [tilespmem:s30], [sflag:$0x3], $0x80, $0x38;
	[tilespmem:$0x14B00] =	vst v63  }
0x3d1: {  	s10 =	sadd.s32 $0xC9E8, s0;
	s21 =	sadd.s32 $0xD0, s2  }
0x3d2: {  	[hbm4b:s21+s3] =	stream.linear.scatter [tilespmem:s10], [sflag:$0x3], $0x80, $0x38;
	[tilespmem:$0x14B00] =	vst v63  }
0x3d3: {  	s8 =	simm.s32 $0x0;
	s24 =	sadd.s32 $0xCA70, s0;
	s30 =	sadd.s32 $0xE0, s2  }
0x3d4: {  	[hbm4b:s30+s3] =	stream.linear.scatter [tilespmem:s24], [sflag:$0x3], $0x80, $0x38;
	[tilespmem:$0x14B00] =	vst v63  }
0x3d5: {  	s7 =	sadd.s32 $0xF0, s2;
	v4 =	vmov s8;
	s31 =	sadd.s32 $0xCAF8, s0  }
0x3d6: {  	v4 =	vmul.u32 $0x440, v4;
	[hbm4b:s7+s3] =	stream.linear.scatter [tilespmem:s31], [sflag:$0x3], $0x80, $0x38;
	[tilespmem:$0x14B00] =	vst v63  }
0x3d7: {  	_ =	swait.ge [sflag:s23], $0x4000  }
0x3d8: {  	v7 =	vbroadcast v4, $0x0;
	s10 =	simm.s32 $0x0;
	s21 =	simm.s32 $0x3;
	[sflag:s23] =	ssyncset.done $0x0  }
0x3d9: {  	v4 =	vmov s10;
	v5 =	vmov s21;
	[sflag:s23] =	ssyncadd.s32 $0xFFFFC000  }
0x3da: {  	v6 =	vadd.s32 v0, v7;
	v9 =	vand.u32 $0x4, v4;
	v11 =	vand.u32 $0x78, v5;
	_ =	swait.ge [sflag:s28], $0x4000  }
0x3db: {  	v12 =	vand.u32 $0x78, v4;
	s24 =	simm.s32 $0x1;
	s30 =	simm.s32 $0x2;
	v16 =	vand.u32 $0x7, v5;
	v4 =	vadd.s32 v11, v6;
	[sflag:s28] =	ssyncset.done $0x0  }
0x3dc: {  	s2 =	simm.s32 $0x380;
	v5 =	vmov s24;
	v8 =	vmov s30;
	v4 =	vor.u32 v16, v4;
	[sflag:s28] =	ssyncadd.s32 $0xFFFFC000  }
0x3dd: {  	v19 =	vand.u32 $0x5, v5;
	v17 =	vand.u32 $0x78, v5;
	v5 =	vadd.s32 v12, v6;
	v10 =	vld [tilespmem:s2+$0x40]  }
0x3de: {  	v18 =	vand.u32 $0x78, v8;
	v13 =	vadd.s32 v17, v6;
	v15 =	vor.u32 v9, v5;
	v14 =	vld [tilespmem:s2+$0xFFFFFF80]  }
0x3df: {  	v22 =	vand.u32 $0x6, v8;
	v5 =	vadd.s32 v18, v6;
	v8 =	vor.u32 v19, v13;
	v6 =	vld [tilespmem:s2+$0xFFFFFFC0]  }
0x3e0: {  	v21 =	vadd.s32 v1, v7;
	v13 =	vor.u32 v22, v5;
	v20 =	vld [tilespmem:s2+$0x0]  }
0x3e1: {  	v27 =	vadd.s32 v2, v7;
	v23 =	vadd.s32 v12, v21  }
0x3e2: {  	v28 =	vadd.s32 v12, v27;
	[tilespmem:v4+s26+$0x0] =	vst.idx.msk $0xffff, v10;
	v4 =	vadd.s32 v11, v21  }
0x3e3: {  	v23 =	vor.u32 v9, v23;
	[tilespmem:v15+s26+$0x0] =	vst.idx.msk $0xffff, v14;
	v24 =	vld [tilespmem:s2+$0x50];
	v4 =	vor.u32 v16, v4  }
0x3e4: {  	s8 =	simm.s32 $0x6;
	v29 =	vadd.s32 v17, v27;
	v14 =	vadd.s32 v17, v21;
	[tilespmem:v8+s26+$0x0] =	vst.idx.msk $0xffff, v6;
	v15 =	vld [tilespmem:s2+$0xFFFFFF90]  }
0x3e5: {  	v25 =	vmov s8;
	s10 =	simm.s32 $0x0;
	s31 =	simm.s32 $0x4;
	v6 =	vadd.s32 v18, v21;
	[tilespmem:v13+s26+$0x0] =	vst.idx.msk $0xffff, v20;
	v21 =	vld [tilespmem:s2+$0xFFFFFFD0];
	v14 =	vor.u32 v19, v14  }
0x3e6: {  	s7 =	simm.s32 $0x5;
	v10 =	vmov s31;
	v13 =	vmov s10;
	v20 =	vor.u32 v22, v6;
	v26 =	vld [tilespmem:s2+$0x10]  }
0x3e7: {  	v8 =	vmov s7;
	v5 =	vand.u32 $0x4, v10;
	v13 =	vmul.u32 $0x440, v13  }
0x3e8: {  	v10 =	vand.u32 $0x78, v10;
	v6 =	vand.u32 $0x5, v8;
	[tilespmem:v4+s26+$0x0] =	vst.idx.msk $0xffff, v24;
	v24 =	vadd.s32 v11, v27  }
0x3e9: {  	v8 =	vand.u32 $0x78, v8;
	v13 =	vbroadcast v13, $0x0;
	[tilespmem:v23+s26+$0x0] =	vst.idx.msk $0xffff, v15;
	v30 =	vld [tilespmem:s2+$0x60];
	v24 =	vor.u32 v16, v24  }
0x3ea: {  	s21 =	simm.s32 $0x7;
	v4 =	vand.u32 $0x6, v25;
	v23 =	vor.u32 v9, v28;
	v15 =	vadd.s32 v18, v27;
	[tilespmem:v14+s26+$0x0] =	vst.idx.msk $0xffff, v21  }
0x3eb: {  	v14 =	vmov s21;
	v21 =	vor.u32 v19, v29;
	[tilespmem:v20+s26+$0x0] =	vst.idx.msk $0xffff, v26;
	v20 =	vadd.s32 v0, v13;
	v27 =	vld [tilespmem:s2+$0xFFFFFFA0]  }
0x3ec: {  	v29 =	vadd.s32 v3, v7;
	v31 =	vor.u32 v22, v15;
	v28 =	vld [tilespmem:s2+$0xFFFFFFE0];
	v15 =	vand.u32 $0x78, v14  }
0x3ed: {  	s0 =	simm.s32 $0x480;
	v32 =	vld [tilespmem:s2+$0x20];
	v14 =	vand.u32 $0x7, v14;
	v11 =	vadd.s32 v11, v29;
	v26 =	vadd.s32 v15, v20  }
0x3ee: {  	v7 =	vand.u32 $0x78, v25;
	v25 =	vld [tilespmem:s0+$0x40];
	v12 =	vadd.s32 v12, v29;
	v26 =	vor.u32 v14, v26;
	[tilespmem:v24+s26+$0x0] =	vst.idx.msk $0xffff, v30  }
0x3ef: {  	v37 =	vadd.s32 v17, v29;
	v11 =	vor.u32 v16, v11;
	v24 =	vadd.s32 v10, v20;
	v33 =	vld [tilespmem:s2+$0x70]  }
0x3f0: {  	v34 =	vld [tilespmem:s0+$0xFFFFFF80];
	v30 =	vadd.s32 v8, v20;
	[tilespmem:v23+s26+$0x0] =	vst.idx.msk $0xffff, v27;
	v24 =	vor.u32 v5, v24  }
0x3f1: {  	v16 =	vadd.s32 v7, v20;
	v20 =	vld [tilespmem:s0+$0xFFFFFFC0];
	[tilespmem:v21+s26+$0x0] =	vst.idx.msk $0xffff, v28;
	v30 =	vor.u32 v6, v30  }
0x3f2: {  	v36 =	vld [tilespmem:s0+$0x0];
	v38 =	vadd.s32 v18, v29;
	v35 =	vor.u32 v4, v16;
	[tilespmem:v31+s26+$0x0] =	vst.idx.msk $0xffff, v32  }
0x3f3: {  	s21 =	simm.s32 $0x8;
	v17 =	vadd.s32 v1, v13;
	v40 =	vor.u32 v9, v12;
	v39 =	vld [tilespmem:s2+$0xFFFFFFB0];
	[tilespmem:v26+s26+$0x0] =	vst.idx.msk $0xffff, v25  }
0x3f4: {  	v12 =	vmov s21;
	v18 =	vadd.s32 v10, v17;
	v21 =	vadd.s32 v15, v17;
	v16 =	vld [tilespmem:s2+$0xFFFFFFF0];
	[tilespmem:v11+s26+$0x0] =	vst.idx.msk $0xffff, v33  }
0x3f5: {  	s24 =	simm.s32 $0x9;
	v9 =	vand.u32 $0x4, v12;
	v12 =	vand.u32 $0x78, v12;
	v28 =	vor.u32 v14, v21;
	[tilespmem:v24+s26+$0x0] =	vst.idx.msk $0xffff, v34;
	v24 =	vld [tilespmem:s0+$0x50]  }
0x3f6: {  	s31 =	simm.s32 $0x0;
	v29 =	vor.u32 v5, v18;
	v18 =	vmov s24;
	v11 =	vadd.s32 v8, v17;
	[tilespmem:v30+s26+$0x0] =	vst.idx.msk $0xffff, v20;
	v25 =	vld [tilespmem:s0+$0xFFFFFF90]  }
0x3f7: {  	v31 =	vmov s31;
	[tilespmem:v35+s26+$0x0] =	vst.idx.msk $0xffff, v36;
	v17 =	vadd.s32 v7, v17;
	v23 =	vld [tilespmem:s0+$0xFFFFFFD0];
	v27 =	vor.u32 v6, v11  }
0x3f8: {  	s30 =	simm.s32 $0xA;
	v26 =	vld [tilespmem:s0+$0x10];
	v20 =	vor.u32 v19, v37;
	v19 =	vor.u32 v22, v38;
	v21 =	vor.u32 v4, v17  }
0x3f9: {  	s7 =	simm.s32 $0xC;
	v30 =	vadd.s32 v2, v13;
	[tilespmem:v40+s26+$0x0] =	vst.idx.msk $0xffff, v39;
	v22 =	vld [tilespmem:s2+$0x30];
	s2 =	simm.s32 $0x480;
	v17 =	vmov s30;
	v11 =	vand.u32 $0x5, v18  }
.LBB2_24:
0x3fa: {  	p0 =	slt.u32 s7, $0xFC;
	v31 =	vmul.u32 $0x440, v31;
	v32 =	vadd.s32 v10, v30;
	[tilespmem:v28+s26+$0x0] =	vst.idx.msk $0xffff, v24;
	v24 =	vadd.s32 v15, v30  }
0x3fb: {  	v33 =	vand.u32 $0x6, v17;
	[tilespmem:v29+s26+$0x0] =	vst.idx.msk $0xffff, v25;
	v25 =	vadd.s32 v8, v30;
	v28 =	vld [tilespmem:s0+$0x60];
	v24 =	vor.u32 v14, v24  }
0x3fc: {  	s8 =	sadd.s32 $0x3, s21;
	s21 =	smov.u32 s7;
	v32 =	vor.u32 v5, v32;
	v29 =	vbroadcast v31, $0x0;
	v31 =	vld [tilespmem:s0+$0xFFFFFFA0];
	[tilespmem:v27+s26+$0x0] =	vst.idx.msk $0xffff, v23;
	v23 =	vadd.s32 v7, v30  }
0x3fd: {  	v27 =	vmov s8;
	v25 =	vor.u32 v6, v25;
	v30 =	vld [tilespmem:s0+$0xFFFFFFE0];
	[tilespmem:v21+s26+$0x0] =	vst.idx.msk $0xffff, v26;
	v34 =	vor.u32 v4, v23  }
0x3fe: {  	v18 =	vand.u32 $0x78, v18;
	v23 =	vand.u32 $0x78, v27;
	v21 =	vadd.s32 v0, v29;
	v35 =	vld [tilespmem:s0+$0x20];
	[tilespmem:v20+s26+$0x0] =	vst.idx.msk $0xffff, v16  }
0x3ff: {  	v26 =	vadd.s32 v3, v13;
	v16 =	vand.u32 $0x7, v27;
	s0 =	sadd.s32 $0x100, s0;
	v20 =	vadd.s32 v23, v21;
	[tilespmem:v19+s26+$0x0] =	vst.idx.msk $0xffff, v22  }
0x400: {  	v17 =	vand.u32 $0x78, v17;
	v19 =	vld [tilespmem:s0+$0x40];
	v20 =	vor.u32 v16, v20;
	[tilespmem:v24+s26+$0x0] =	vst.idx.msk $0xffff, v28;
	v28 =	vadd.s32 v15, v26  }
0x401: {  	v13 =	vmovc v29;
	v36 =	vadd.s32 v12, v21;
	v22 =	vadd.s32 v18, v21;
	v24 =	vld [tilespmem:s2+$0x70];
	v27 =	vor.u32 v14, v28  }
0x402: {  	v37 =	vadd.s32 v17, v21;
	v29 =	vor.u32 v9, v36;
	v22 =	vor.u32 v11, v22;
	v15 =	vmovc v23;
	v28 =	vld [tilespmem:s0+$0xFFFFFF80]  }
0x403: {  	v10 =	vadd.s32 v10, v26;
	v36 =	vor.u32 v33, v37;
	v14 =	vmov v16;
	v21 =	vld [tilespmem:s0+$0xFFFFFFC0];
	[tilespmem:v32+s26+$0x0] =	vst.idx.msk $0xffff, v31  }
0x404: {  	v32 =	vadd.s32 v7, v26;
	v31 =	vld [tilespmem:s0+$0x0];
	[tilespmem:v25+s26+$0x0] =	vst.idx.msk $0xffff, v30;
	v30 =	vadd.s32 v8, v26;
	v8 =	vmov v18  }
0x405: {  	v38 =	vor.u32 v5, v10;
	v7 =	vmov v17;
	v18 =	vadd.s32 v1, v13;
	[tilespmem:v20+s26+$0x0] =	vst.idx.msk $0xffff, v19;
	v37 =	vld [tilespmem:s2+$0xFFFFFFB0]  }
0x406: {  	v10 =	vmov s7;
	v5 =	vmovc v9;
	v17 =	vadd.s32 v12, v18;
	v19 =	vadd.s32 v15, v18;
	v16 =	vld [tilespmem:s2+$0xFFFFFFF0];
	[tilespmem:v27+s26+$0x0] =	vst.idx.msk $0xffff, v24  }
.Ltmp11:
0x407: {  	v9 =	vand.u32 $0x4, v10;
	v20 =	vadd.s32 v8, v18;
	[tilespmem:v29+s26+$0x0] =	vst.idx.msk $0xffff, v28;
	v24 =	vld [tilespmem:s0+$0x50];
	v28 =	vor.u32 v14, v19;
	(pc) =	sbr.rel @p0 .LBB2_24-.Ltmp11, $4  }
0x408: {  	s8 =	sadd.s32 $0x1, s7;
	v39 =	vand.u32 $0x78, v10;
	v29 =	vor.u32 v5, v17;
	v17 =	vadd.s32 v7, v18;
	v25 =	vld [tilespmem:s0+$0xFFFFFF90];
	[tilespmem:v22+s26+$0x0] =	vst.idx.msk $0xffff, v21  }
0x409: {  	v10 =	vmovc v12;
	v27 =	vor.u32 v11, v20;
	v18 =	vmov s8;
	s8 =	sadd.s32 $0x2, s7;
	v21 =	vor.u32 v33, v17;
	v23 =	vld [tilespmem:s0+$0xFFFFFFD0];
	[tilespmem:v36+s26+$0x0] =	vst.idx.msk $0xffff, v31  }
0x40a: {  	s10 =	sshrl.u32 s7, $0x7;
	v20 =	vor.u32 v6, v30;
	v19 =	vor.u32 v4, v32;
	v4 =	vmovc v33;
	v17 =	vmov s8;
	v26 =	vld [tilespmem:s0+$0x10];
	[tilespmem:v34+s26+$0x0] =	vst.idx.msk $0xffff, v35  }
0x40b: {  	v12 =	vmovc v39;
	v30 =	vadd.s32 v2, v13;
	v6 =	vmovc v11;
	s7 =	sadd.s32 $0x4, s7;
	v11 =	vand.u32 $0x5, v18;
	v31 =	vmov s10;
	[tilespmem:v38+s26+$0x0] =	vst.idx.msk $0xffff, v37;
	v22 =	vld [tilespmem:s2+$0x30];
	s2 =	smov.u32 s0  }
0x40c: {  	_ =	sdelay $0x2  }
0x40d: {  	v31 =	vmul.u32 $0x440, v31  }
0x40e: {  	v32 =	vadd.s32 v10, v30;
	v33 =	vadd.s32 v15, v30;
	[tilespmem:v28+s26+$0x0] =	vst.idx.msk $0xffff, v24;
	v24 =	vand.u32 $0x6, v17  }
0x40f: {  	v44 =	vadd.s32 v8, v30;
	s7 =	sadd.s32 $0x3, s21;
	v49 =	vadd.s32 v7, v30;
	v31 =	vbroadcast v31, $0x0  }
0x410: {  	v18 =	vand.u32 $0x78, v18;
	[tilespmem:v20+s26+$0x0] =	vst.idx.msk $0xffff, v16;
	v13 =	vadd.s32 v3, v13;
	v47 =	vmov s7  }
0x411: {  	[tilespmem:v29+s26+$0x0] =	vst.idx.msk $0xffff, v25;
	v45 =	vor.u32 v14, v33;
	v48 =	vld [tilespmem:s0+$0x60];
	v30 =	vand.u32 $0x78, v47;
	v50 =	vadd.s32 v0, v31  }
0x412: {  	s8 =	sadd.s32 $0x100, s0;
	v46 =	vor.u32 v5, v32;
	v34 =	vld [tilespmem:s0+$0xFFFFFFA0];
	[tilespmem:v21+s26+$0x0] =	vst.idx.msk $0xffff, v26;
	v21 =	vand.u32 $0x7, v47;
	v51 =	vadd.s32 v30, v50  }
0x413: {  	v28 =	vor.u32 v6, v44;
	v52 =	vld [tilespmem:s8+$0x40];
	v54 =	vadd.s32 v12, v50;
	v53 =	vor.u32 v21, v51  }
0x414: {  	v17 =	vand.u32 $0x78, v17;
	v56 =	vld [tilespmem:s8+$0xFFFFFF80];
	[tilespmem:v27+s26+$0x0] =	vst.idx.msk $0xffff, v23;
	v55 =	vadd.s32 v18, v50;
	v26 =	vor.u32 v9, v54  }
0x415: {  	v57 =	vld [tilespmem:s8+$0xFFFFFFC0];
	[tilespmem:v19+s26+$0x0] =	vst.idx.msk $0xffff, v22;
	v27 =	vadd.s32 v17, v50;
	v19 =	vor.u32 v11, v55  }
0x416: {  	v59 =	vld [tilespmem:s8+$0x0];
	v61 =	vadd.s32 v15, v13;
	[tilespmem:v45+s26+$0x0] =	vst.idx.msk $0xffff, v48;
	v58 =	vor.u32 v24, v27  }
0x417: {  	v41 =	vadd.s32 v10, v13;
	v60 =	vld [tilespmem:s0+$0xFFFFFFE0];
	v62 =	vadd.s32 v1, v31;
	[tilespmem:v46+s26+$0x0] =	vst.idx.msk $0xffff, v34  }
0x418: {  	v23 =	vor.u32 v4, v49;
	v42 =	vld [tilespmem:s0+$0x20];
	v36 =	vadd.s32 v30, v62;
	[tilespmem:v53+s26+$0x0] =	vst.idx.msk $0xffff, v52  }
0x419: {  	v37 =	vadd.s32 v12, v62;
	v15 =	vor.u32 v21, v36;
	[tilespmem:v26+s26+$0x0] =	vst.idx.msk $0xffff, v56;
	v20 =	vld [tilespmem:s8+$0x50]  }
0x41a: {  	v38 =	vadd.s32 v18, v62;
	v16 =	vor.u32 v9, v37;
	[tilespmem:v19+s26+$0x0] =	vst.idx.msk $0xffff, v57;
	v26 =	vld [tilespmem:s8+$0xFFFFFF90]  }
0x41b: {  	v39 =	vadd.s32 v17, v62;
	v22 =	vor.u32 v11, v38;
	[tilespmem:v58+s26+$0x0] =	vst.idx.msk $0xffff, v59;
	v40 =	vld [tilespmem:s8+$0xFFFFFFD0]  }
0x41c: {  	v43 =	vadd.s32 v8, v13;
	[tilespmem:v28+s26+$0x0] =	vst.idx.msk $0xffff, v60;
	v19 =	vor.u32 v24, v39;
	v25 =	vld [tilespmem:s8+$0x10]  }
0x41d: {  	v35 =	vor.u32 v14, v61;
	v44 =	vadd.s32 v2, v31;
	v63 =	vld [tilespmem:s2+$0x70];
	[tilespmem:v23+s26+$0x0] =	vst.idx.msk $0xffff, v42  }
0x41e: {  	v5 =	vor.u32 v5, v41;
	v46 =	vadd.s32 v30, v44;
	v45 =	vld [tilespmem:s2+$0xFFFFFFB0];
	[tilespmem:v15+s26+$0x0] =	vst.idx.msk $0xffff, v20  }
0x41f: {  	v47 =	vadd.s32 v12, v44;
	v10 =	vor.u32 v21, v46;
	[tilespmem:v16+s26+$0x0] =	vst.idx.msk $0xffff, v26;
	v48 =	vld [tilespmem:s8+$0x60]  }
0x420: {  	v49 =	vadd.s32 v18, v44;
	v15 =	vor.u32 v9, v47;
	[tilespmem:v22+s26+$0x0] =	vst.idx.msk $0xffff, v40;
	v26 =	vld [tilespmem:s8+$0xFFFFFFA0]  }
0x421: {  	v14 =	vadd.s32 v17, v44;
	v20 =	vor.u32 v11, v49;
	[tilespmem:v19+s26+$0x0] =	vst.idx.msk $0xffff, v25;
	v22 =	vld [tilespmem:s8+$0xFFFFFFE0]  }
0x422: {  	v50 =	vadd.s32 v7, v13;
	v51 =	vor.u32 v24, v14;
	[tilespmem:v35+s26+$0x0] =	vst.idx.msk $0xffff, v63;
	v52 =	vld [tilespmem:s8+$0x20]  }
0x423: {  	v4 =	vor.u32 v4, v50;
	v55 =	vld [tilespmem:s2+$0x30];
	[tilespmem:v5+s26+$0x0] =	vst.idx.msk $0xffff, v45;
	v5 =	vadd.s32 v3, v31  }
0x424: {  	v54 =	vor.u32 v6, v43;
	v53 =	vld [tilespmem:s2+$0xFFFFFFF0];
	v56 =	vadd.s32 v30, v5;
	[tilespmem:v10+s26+$0x0] =	vst.idx.msk $0xffff, v48  }
0x425: {  	v57 =	vadd.s32 v12, v5;
	v8 =	vor.u32 v21, v56;
	[tilespmem:v15+s26+$0x0] =	vst.idx.msk $0xffff, v26;
	v10 =	vld [tilespmem:s8+$0x70]  }
0x426: {  	v58 =	vadd.s32 v18, v5;
	v60 =	vor.u32 v9, v57;
	[tilespmem:v20+s26+$0x0] =	vst.idx.msk $0xffff, v22;
	v59 =	vld [tilespmem:s8+$0xFFFFFFB0]  }
0x427: {  	v5 =	vadd.s32 v17, v5;
	v62 =	vor.u32 v11, v58;
	[tilespmem:v51+s26+$0x0] =	vst.idx.msk $0xffff, v52;
	v61 =	vld [tilespmem:s8+$0xFFFFFFF0]  }
0x428: {  	v5 =	vor.u32 v24, v5;
	[tilespmem:v4+s26+$0x0] =	vst.idx.msk $0xffff, v55;
	v63 =	vld [tilespmem:s8+$0x30]  }
0x429: {  	[tilespmem:v54+s26+$0x0] =	vst.idx.msk $0xffff, v53  }
0x42a: {  	[tilespmem:v8+s26+$0x0] =	vst.idx.msk $0xffff, v10  }
0x42b: {  	[tilespmem:v60+s26+$0x0] =	vst.idx.msk $0xffff, v59  }
0x42c: {  	[tilespmem:v62+s26+$0x0] =	vst.idx.msk $0xffff, v61  }
0x42d: {  	s10 =	simm.s32 $0x10700;
	[tilespmem:v5+s26+$0x0] =	vst.idx.msk $0xffff, v63  }
0x42e: {  	[hbm4b:s16+s3] =	stream.linear.scatter [tilespmem:s10], [sflag:$0x3], $0x80, $0x38;
	[tilespmem:$0x14B00] =	vst v63  }
0x42f: {  	s21 =	simm.s32 $0x10788;
	s24 =	sadd.s32 $0x10, s16  }
0x430: {  	[hbm4b:s24+s3] =	stream.linear.scatter [tilespmem:s21], [sflag:$0x3], $0x80, $0x38;
	[tilespmem:$0x14B00] =	vst v63  }
0x431: {  	s30 =	simm.s32 $0x10810;
	s31 =	sadd.s32 $0x20, s16  }
0x432: {  	[hbm4b:s31+s3] =	stream.linear.scatter [tilespmem:s30], [sflag:$0x3], $0x80, $0x38;
	[tilespmem:$0x14B00] =	vst v63  }
0x433: {  	s7 =	sadd.s32 $0x30, s16;
	s2 =	simm.s32 $0x10898  }
0x434: {  	[hbm4b:s7+s3] =	stream.linear.scatter [tilespmem:s2], [sflag:$0x3], $0x80, $0x38;
	[tilespmem:$0x14B00] =	vst v63  }
0x435: {  	s8 =	simm.s32 $0x10920;
	s10 =	sadd.s32 $0x40, s16  }
0x436: {  	[hbm4b:s10+s3] =	stream.linear.scatter [tilespmem:s8], [sflag:$0x3], $0x80, $0x38;
	[tilespmem:$0x14B00] =	vst v63  }
0x437: {  	s21 =	simm.s32 $0x109A8;
	s24 =	sadd.s32 $0x50, s16  }
0x438: {  	[hbm4b:s24+s3] =	stream.linear.scatter [tilespmem:s21], [sflag:$0x3], $0x80, $0x38;
	[tilespmem:$0x14B00] =	vst v63  }
0x439: {  	s30 =	simm.s32 $0x10A30;
	s31 =	sadd.s32 $0x60, s16  }
0x43a: {  	[hbm4b:s31+s3] =	stream.linear.scatter [tilespmem:s30], [sflag:$0x3], $0x80, $0x38;
	[tilespmem:$0x14B00] =	vst v63  }
0x43b: {  	s2 =	simm.s32 $0x10AB8;
	s7 =	sadd.s32 $0x70, s16  }
0x43c: {  	[hbm4b:s7+s3] =	stream.linear.scatter [tilespmem:s2], [sflag:$0x3], $0x80, $0x38;
	[tilespmem:$0x14B00] =	vst v63  }
0x43d: {  	s8 =	simm.s32 $0x10B40;
	s10 =	sadd.s32 $0x80, s16  }
0x43e: {  	[hbm4b:s10+s3] =	stream.linear.scatter [tilespmem:s8], [sflag:$0x3], $0x80, $0x38;
	[tilespmem:$0x14B00] =	vst v63  }
0x43f: {  	s21 =	simm.s32 $0x10BC8;
	s24 =	sadd.s32 $0x90, s16  }
0x440: {  	[hbm4b:s24+s3] =	stream.linear.scatter [tilespmem:s21], [sflag:$0x3], $0x80, $0x38;
	[tilespmem:$0x14B00] =	vst v63  }
0x441: {  	s0 =	simm.s32 $0x880;
	s30 =	simm.s32 $0x10C50;
	s31 =	sadd.s32 $0xA0, s16  }
0x442: {  	[hbm4b:s31+s3] =	stream.linear.scatter [tilespmem:s30], [sflag:$0x3], $0x80, $0x38;
	[tilespmem:$0x14B00] =	vst v63  }
0x443: {  	s2 =	simm.s32 $0x10CD8;
	s7 =	sadd.s32 $0xB0, s16;
	s8 =	simm.s32 $0x10D60  }
0x444: {  	[hbm4b:s7+s3] =	stream.linear.scatter [tilespmem:s2], [sflag:$0x3], $0x80, $0x38;
	[tilespmem:$0x14B00] =	vst v63  }
0x445: {  	s10 =	sadd.s32 $0xC0, s16;
	s21 =	simm.s32 $0x10DE8;
	s24 =	sadd.s32 $0xD0, s16  }
0x446: {  	[hbm4b:s10+s3] =	stream.linear.scatter [tilespmem:s8], [sflag:$0x3], $0x80, $0x38;
	[tilespmem:$0x14B00] =	vst v63  }
0x447: {  	s30 =	simm.s32 $0x10E70;
	s31 =	sadd.s32 $0xE0, s16;
	s7 =	simm.s32 $0x10EF8  }
0x448: {  	[hbm4b:s24+s3] =	stream.linear.scatter [tilespmem:s21], [sflag:$0x3], $0x80, $0x38;
	[tilespmem:$0x14B00] =	vst v63  }
0x449: {  	s2 =	sadd.s32 $0x4000, s16;
	s10 =	simm.s32 $0x4400;
	s21 =	sadd.s32 $0xF0, s16  }
0x44a: {  	[hbm4b:s31+s3] =	stream.linear.scatter [tilespmem:s30], [sflag:$0x3], $0x80, $0x38;
	[tilespmem:$0x14B00] =	vst v63  }
.LBB2_26:
0x44b: {  	[hbm4b:s21+s3] =	stream.linear.scatter [tilespmem:s7], [sflag:$0x3], $0x80, $0x38;
	[tilespmem:$0x14B00] =	vst v63  }
0x44c: {  	s7 =	smov.u32 s0;
	s0 =	smov.u32 s10  }
0x44d: {  	s8 =	sadd.s32 $0x2200, s10;
	s0 =	sshra.s32 s0, $0x2;
	s21 =	sadd.s32 $0x10700, s7  }
0x44e: {  	[hbm4b:s2+s3] =	stream.linear.scatter [tilespmem:s21], [sflag:$0x3], $0x80, $0x38;
	[tilespmem:$0x14B00] =	vst v63  }
0x44f: {  	p0 =	sne.s32 s10, $0xEE00;
	s10 =	sadd.s32 $0x10788, s7;
	s21 =	sadd.s32 $0x10, s2  }
0x450: {  	[hbm4b:s21+s3] =	stream.linear.scatter [tilespmem:s10], [sflag:$0x3], $0x80, $0x38;
	[tilespmem:$0x14B00] =	vst v63  }
0x451: {  	s10 =	sadd.s32 $0x10810, s7;
	s21 =	sadd.s32 $0x20, s2  }
0x452: {  	[hbm4b:s21+s3] =	stream.linear.scatter [tilespmem:s10], [sflag:$0x3], $0x80, $0x38;
	[tilespmem:$0x14B00] =	vst v63  }
0x453: {  	s10 =	sadd.s32 $0x10898, s7;
	s21 =	sadd.s32 $0x30, s2  }
0x454: {  	[hbm4b:s21+s3] =	stream.linear.scatter [tilespmem:s10], [sflag:$0x3], $0x80, $0x38;
	[tilespmem:$0x14B00] =	vst v63  }
0x455: {  	s10 =	sadd.s32 $0x10920, s7;
	s21 =	sadd.s32 $0x40, s2  }
0x456: {  	[hbm4b:s21+s3] =	stream.linear.scatter [tilespmem:s10], [sflag:$0x3], $0x80, $0x38;
	[tilespmem:$0x14B00] =	vst v63  }
0x457: {  	s10 =	sadd.s32 $0x109A8, s7;
	s21 =	sadd.s32 $0x50, s2  }
0x458: {  	[hbm4b:s21+s3] =	stream.linear.scatter [tilespmem:s10], [sflag:$0x3], $0x80, $0x38;
	[tilespmem:$0x14B00] =	vst v63  }
0x459: {  	s10 =	sadd.s32 $0x10A30, s7;
	s21 =	sadd.s32 $0x60, s2  }
0x45a: {  	[hbm4b:s21+s3] =	stream.linear.scatter [tilespmem:s10], [sflag:$0x3], $0x80, $0x38;
	[tilespmem:$0x14B00] =	vst v63  }
0x45b: {  	s10 =	sadd.s32 $0x10AB8, s7;
	s21 =	sadd.s32 $0x70, s2  }
0x45c: {  	[hbm4b:s21+s3] =	stream.linear.scatter [tilespmem:s10], [sflag:$0x3], $0x80, $0x38;
	[tilespmem:$0x14B00] =	vst v63  }
0x45d: {  	s10 =	sadd.s32 $0x10B40, s7;
	s21 =	sadd.s32 $0x80, s2  }
0x45e: {  	[hbm4b:s21+s3] =	stream.linear.scatter [tilespmem:s10], [sflag:$0x3], $0x80, $0x38;
	[tilespmem:$0x14B00] =	vst v63  }
0x45f: {  	s10 =	sadd.s32 $0x10BC8, s7;
	s21 =	sadd.s32 $0x90, s2  }
0x460: {  	[hbm4b:s21+s3] =	stream.linear.scatter [tilespmem:s10], [sflag:$0x3], $0x80, $0x38;
	[tilespmem:$0x14B00] =	vst v63  }
0x461: {  	s10 =	sadd.s32 $0x10C50, s7;
	s21 =	sadd.s32 $0xA0, s2  }
0x462: {  	[hbm4b:s21+s3] =	stream.linear.scatter [tilespmem:s10], [sflag:$0x3], $0x80, $0x38;
	[tilespmem:$0x14B00] =	vst v63  }
0x463: {  	s10 =	sadd.s32 $0x10CD8, s7;
	s21 =	sadd.s32 $0xB0, s2  }
0x464: {  	[hbm4b:s21+s3] =	stream.linear.scatter [tilespmem:s10], [sflag:$0x3], $0x80, $0x38;
	[tilespmem:$0x14B00] =	vst v63  }
0x465: {  	s10 =	sadd.s32 $0x10D60, s7;
	s21 =	sadd.s32 $0xC0, s2  }
0x466: {  	[hbm4b:s21+s3] =	stream.linear.scatter [tilespmem:s10], [sflag:$0x3], $0x80, $0x38;
	[tilespmem:$0x14B00] =	vst v63  }
.Ltmp12:
0x467: {  	s10 =	sadd.s32 $0x10DE8, s7;
	s21 =	sadd.s32 $0xD0, s2;
	(pc) =	sbr.rel @p0 .LBB2_26-.Ltmp12, $4  }
0x468: {  	[hbm4b:s21+s3] =	stream.linear.scatter [tilespmem:s10], [sflag:$0x3], $0x80, $0x38;
	[tilespmem:$0x14B00] =	vst v63  }
0x469: {  	s10 =	sadd.s32 $0x10E70, s7;
	s21 =	sadd.s32 $0xE0, s2;
	s7 =	sadd.s32 $0x10EF8, s7  }
0x46a: {  	[hbm4b:s21+s3] =	stream.linear.scatter [tilespmem:s10], [sflag:$0x3], $0x80, $0x38;
	[tilespmem:$0x14B00] =	vst v63  }
0x46b: {  	s21 =	sadd.s32 $0xF0, s2;
	s2 =	sadd.s32 $0x4000, s2;
	s10 =	smov.u32 s8  }
0x46c: {  	[hbm4b:s21+s3] =	stream.linear.scatter [tilespmem:s7], [sflag:$0x3], $0x80, $0x38;
	[tilespmem:$0x14B00] =	vst v63  }
0x46d: {  	s8 =	sadd.s32 $0x10700, s0  }
0x46e: {  	[hbm4b:s2+s3] =	stream.linear.scatter [tilespmem:s8], [sflag:$0x3], $0x80, $0x38;
	[tilespmem:$0x14B00] =	vst v63  }
0x46f: {  	s10 =	sadd.s32 $0x10788, s0;
	s8 =	sadd.s32 $0x10, s2  }
0x470: {  	[hbm4b:s8+s3] =	stream.linear.scatter [tilespmem:s10], [sflag:$0x3], $0x80, $0x38;
	[tilespmem:$0x14B00] =	vst v63  }
0x471: {  	s21 =	sadd.s32 $0x10810, s0;
	s24 =	sadd.s32 $0x20, s2  }
0x472: {  	[hbm4b:s24+s3] =	stream.linear.scatter [tilespmem:s21], [sflag:$0x3], $0x80, $0x38;
	[tilespmem:$0x14B00] =	vst v63  }
0x473: {  	s30 =	sadd.s32 $0x10898, s0;
	s31 =	sadd.s32 $0x30, s2  }
0x474: {  	[hbm4b:s31+s3] =	stream.linear.scatter [tilespmem:s30], [sflag:$0x3], $0x80, $0x38;
	[tilespmem:$0x14B00] =	vst v63  }
0x475: {  	s8 =	sadd.s32 $0x10920, s0;
	s10 =	sadd.s32 $0x40, s2  }
0x476: {  	[hbm4b:s10+s3] =	stream.linear.scatter [tilespmem:s8], [sflag:$0x3], $0x80, $0x38;
	[tilespmem:$0x14B00] =	vst v63  }
0x477: {  	s21 =	sadd.s32 $0x109A8, s0;
	s24 =	sadd.s32 $0x50, s2  }
0x478: {  	[hbm4b:s24+s3] =	stream.linear.scatter [tilespmem:s21], [sflag:$0x3], $0x80, $0x38;
	[tilespmem:$0x14B00] =	vst v63  }
0x479: {  	s30 =	sadd.s32 $0x10A30, s0;
	s31 =	sadd.s32 $0x60, s2  }
0x47a: {  	[hbm4b:s31+s3] =	stream.linear.scatter [tilespmem:s30], [sflag:$0x3], $0x80, $0x38;
	[tilespmem:$0x14B00] =	vst v63  }
0x47b: {  	s8 =	sadd.s32 $0x10AB8, s0;
	s10 =	sadd.s32 $0x70, s2  }
0x47c: {  	[hbm4b:s10+s3] =	stream.linear.scatter [tilespmem:s8], [sflag:$0x3], $0x80, $0x38;
	[tilespmem:$0x14B00] =	vst v63  }
0x47d: {  	s21 =	sadd.s32 $0x10B40, s0;
	s24 =	sadd.s32 $0x80, s2  }
0x47e: {  	[hbm4b:s24+s3] =	stream.linear.scatter [tilespmem:s21], [sflag:$0x3], $0x80, $0x38;
	[tilespmem:$0x14B00] =	vst v63  }
0x47f: {  	s30 =	sadd.s32 $0x10BC8, s0;
	s31 =	sadd.s32 $0x90, s2  }
0x480: {  	[hbm4b:s31+s3] =	stream.linear.scatter [tilespmem:s30], [sflag:$0x3], $0x80, $0x38;
	[tilespmem:$0x14B00] =	vst v63  }
0x481: {  	s8 =	sadd.s32 $0x10C50, s0;
	s10 =	sadd.s32 $0xA0, s2  }
0x482: {  	[hbm4b:s10+s3] =	stream.linear.scatter [tilespmem:s8], [sflag:$0x3], $0x80, $0x38;
	[tilespmem:$0x14B00] =	vst v63  }
0x483: {  	s21 =	sadd.s32 $0x10CD8, s0;
	s24 =	sadd.s32 $0xB0, s2  }
0x484: {  	[hbm4b:s24+s3] =	stream.linear.scatter [tilespmem:s21], [sflag:$0x3], $0x80, $0x38;
	[tilespmem:$0x14B00] =	vst v63  }
0x485: {  	s30 =	sadd.s32 $0x10D60, s0;
	s31 =	sadd.s32 $0xC0, s2  }
0x486: {  	[hbm4b:s31+s3] =	stream.linear.scatter [tilespmem:s30], [sflag:$0x3], $0x80, $0x38;
	[tilespmem:$0x14B00] =	vst v63  }
0x487: {  	s8 =	sadd.s32 $0x10DE8, s0;
	s10 =	sadd.s32 $0xD0, s2  }
0x488: {  	[hbm4b:s10+s3] =	stream.linear.scatter [tilespmem:s8], [sflag:$0x3], $0x80, $0x38;
	[tilespmem:$0x14B00] =	vst v63  }
0x489: {  	s21 =	sadd.s32 $0x10E70, s0;
	s24 =	sadd.s32 $0xE0, s2  }
0x48a: {  	[hbm4b:s24+s3] =	stream.linear.scatter [tilespmem:s21], [sflag:$0x3], $0x80, $0x38;
	[tilespmem:$0x14B00] =	vst v63  }
0x48b: {  	s29 =	sadd.s32 $0x1, s29;
	s30 =	sadd.s32 $0x10EF8, s0;
	s31 =	sadd.s32 $0xF0, s2  }
0x48c: {  	[hbm4b:s31+s3] =	stream.linear.scatter [tilespmem:s30], [sflag:$0x3], $0x80, $0x38;
	[tilespmem:$0x14B00] =	vst v63  }
0x48d: {  	p0 =	sne.s32 s29, s17;
	_ =	swait.ge [sflag:s28], $0x4000  }
.Ltmp13:
0x48e: {  	[sflag:s28] =	ssyncset.done $0x0;
	(pc) =	sbr.rel @p0 .LBB2_1-.Ltmp13, $4  }
0x48f: {  	[sflag:s28] =	ssyncadd.s32 $0xFFFFC000  }
0x490: {  	_ =	swait.ge [sflag:s28], $0x4000  }
0x491: {  	[sflag:s28] =	ssyncset.done $0x0  }
0x492: {  	[sflag:s28] =	ssyncadd.s32 $0xFFFFC000  }
0x493: {  	_ =	sfence.sel $0x180000  }
0x494: {  	[bflag:$0x0] =	sbarrier.arrive $0xFFFF  }
0x495: {  	_ =	strace $0x90000047  }
0x496: {  	s0 =	stileid.u32;
	[bflag:$0x2] =	sbarrier.arrive $0xFFFF  }
0x497: {  	p0 =	sne.s32 s0, $0x0;
	s0 =	rddreg [dreg:$0x2]  }
0x498: {  	s0 =	sadd.s32 @!p0 $0x100000, s0  }
0x499: {  	[sflag:s0] =	ssyncadd.tile.s32 @!p0 $0x1;
	_ =	shalt  }
.Lfunc_end2:
_tile_overlayer_lowered:
.L_overlay_start_2:
0x49a: {  	(tag) =	ssettag $0x2  }
0x49b: {  	s0 =	rddreg [dreg:$0x0];
	s2 =	stileid.u32  }
0x49c: {  	s1 =	rddreg [dreg:$0x1];
	p0 =	sne.s32 s2, $0x0  }
0x49d: {  	s3 =	rddreg [dreg:$0x2];
	[bflag:$0x3] =	sbarrier.arrive $0xFFFF;
	s2 =	simm.s32 @!p0 $0x1C04  }
0x49e: {  	[timem:s3], [sflag:s2] =	dma.local @!p0 [hbm:s0], s1  }
0x49f: {  	s0 =	simm.s32 @!p0 $0x4  }
0x4a0: {  	_ =	swait.ge @!p0 [sflag:s0], s1  }
0x4a1: {  	s1 =	ssub.s32 @!p0 $0x0, s1;
	[sflag:s0] =	ssyncset.done @!p0 $0x0  }
0x4a2: {  	[sflag:s0] =	ssyncadd.s32 @!p0 s1  }
0x4a3: {  	[bflag:$0x3] =	sbarrier.arrive $0xFFFF  }
0x4a4: {  	_ =	shalt  }

</sc_bundles>
